<compile_context>
chip_gen: v7x
topology: tpu7x:2x2x1
jax: 0.10.2.dev20260603
libtpu: 0.0.44.dev20260713+nightly
codegen_flags: <defaults>
</compile_context>

<pallas_src>
import functools

import jax
import jax.numpy as jnp
from jax import lax
from jax.experimental import pallas as pl
from jax.experimental.pallas import tpu as pltpu
from jax.experimental.pallas import tpu_sc as plsc

N = 10000
E = 320000
D_IN = 128

NC = 2
NS = 16
EPT = E // NS
CHUNK = 80
NCHUNK = EPT // CHUNK
RPT = N // NS
HP = 8

F32 = jnp.float32
I32 = jnp.int32


def _mm(a, b):
    return lax.dot_general(a, b, (((1,), (0,)), ((), ())),
                           preferred_element_type=F32,
                           precision=lax.Precision.HIGHEST)


def _make_sc_edge(H, C):
    F = H * C
    Fh = F // 2
    W = -(-(Fh + H) // 8) * 8
    NJ = Fh // 16
    mesh = plsc.VectorSubcoreMesh(core_axis_name="c", subcore_axis_name="s",
                                  num_cores=NC, num_subcores=NS)

    @functools.partial(
        pl.kernel,
        out_type=jax.ShapeDtypeStruct((NC, N, W), F32),
        mesh=mesh,
        compiler_params=pltpu.CompilerParams(use_tc_tiling_on_sc=False,
                                             needs_layout_passes=False),
        scratch_types=[
            pltpu.VMEM_SHARED((N, HP), F32),
            pltpu.VMEM_SHARED((N, HP), F32),
            pltpu.VMEM_SHARED((N, W), F32),
            pltpu.VMEM((H, 16), F32),
            pltpu.VMEM((CHUNK,), I32),
            pltpu.VMEM((CHUNK,), I32),
            pltpu.VMEM((CHUNK,), I32),
            pltpu.VMEM((CHUNK,), F32),
            pltpu.VMEM((CHUNK, HP), F32),
            pltpu.VMEM((CHUNK, HP), F32),
            pltpu.VMEM((CHUNK, Fh), F32),
            pltpu.VMEM((CHUNK, W), F32),
            pltpu.SemaphoreType.DMA,
            pltpu.SemaphoreType.DMA,
        ],
    )
    def sc_edge(xs2_hbm, als_hbm, ald_hbm, src_hbm, dst_hbm,
                ew_hbm, ce_hbm, zeros_hbm, acc_hbm,
                als_sp, ald_sp, acc_sp, ce_t, src_b, idx2_b, dst_b, ew_b,
                vals_s, vals_d, rows_g, rows_o, sem, sem2):
        c = lax.axis_index("c")
        s = lax.axis_index("s")
        ebase = s * EPT

        pltpu.sync_copy(ce_hbm, ce_t)
        pltpu.sync_copy(zeros_hbm.at[pl.ds(0, RPT)],
                        acc_sp.at[pl.ds(s * RPT, RPT)])
        pltpu.sync_copy(zeros_hbm.at[pl.ds(0, CHUNK)], rows_o)

        @pl.when(s == 0)
        def _stage():
            pltpu.sync_copy(als_hbm, als_sp)
            pltpu.sync_copy(ald_hbm, ald_sp)
        plsc.subcore_barrier()

        lanes = lax.iota(I32, 16)

        def chunk_body(k, carry):
            off = ebase + k * CHUNK
            cps = pltpu.async_copy(src_hbm.at[pl.ds(off, CHUNK)], src_b, sem2)
            cpd = pltpu.async_copy(dst_hbm.at[pl.ds(off, CHUNK)], dst_b, sem2)
            cpw = pltpu.async_copy(ew_hbm.at[pl.ds(off, CHUNK)], ew_b, sem2)
            cps.wait()
            cpd.wait()
            cpw.wait()

            for g in range(CHUNK // 16):
                sl = pl.ds(g * 16, 16)
                idx2_b[sl] = src_b[sl] + c * N
            cp = pltpu.async_copy(xs2_hbm.at[idx2_b], rows_g, sem)

            cv1 = pltpu.async_copy(als_sp.at[src_b], vals_s, sem2)
            cv2 = pltpu.async_copy(ald_sp.at[dst_b], vals_d, sem2)
            cv1.wait()
            cv2.wait()

            for g in range(CHUNK // 16):
                ew16 = ew_b[pl.ds(g * 16, 16)]
                rowi = g * 16 + lanes
                for h in range(H):
                    hv = jnp.full((16,), h, I32)
                    a_s = plsc.load_gather(vals_s, [rowi, hv])
                    a_d = plsc.load_gather(vals_d, [rowi, hv])
                    al = a_s + a_d + ew16 * ce_t[h, :]
                    al = jnp.maximum(al, 0.2 * al)
                    ea = jnp.exp(al)
                    plsc.store_scatter(
                        rows_o, [rowi, jnp.full((16,), Fh + h, I32)], ea)

            cp.wait()

            def edge_body(e2, carry2):
                for u in range(4):
                    e = e2 * 4 + u
                    ef = jnp.full((16,), e, I32)
                    for j in range(NJ):
                        hj = (c * Fh + j * 16) // C
                        m = plsc.load_gather(
                            rows_o, [ef, jnp.full((16,), Fh + hj, I32)])
                        v = rows_g[e, pl.ds(j * 16, 16)]
                        rows_o[e, pl.ds(j * 16, 16)] = v * m
                return carry2
            lax.fori_loop(0, CHUNK // 4, edge_body, 0)

            pltpu.sync_copy(rows_o, acc_sp.at[dst_b], add=True)
            return carry
        lax.fori_loop(0, NCHUNK, chunk_body, 0)

        plsc.subcore_barrier()
        r0 = s * RPT
        pltpu.sync_copy(acc_sp.at[pl.ds(r0, RPT)],
                        acc_hbm.at[c, pl.ds(r0, RPT)])

    return sc_edge


_R = 1000


def _xs_outs(F):
    return (
        [
            pl.BlockSpec((_R, F // 2), lambda i: (i, 0)),
            pl.BlockSpec((_R, F // 2), lambda i: (i, 0)),
            pl.BlockSpec((_R, HP), lambda i: (i, 0)),
            pl.BlockSpec((_R, HP), lambda i: (i, 0)),
        ],
        [
            jax.ShapeDtypeStruct((N, F // 2), F32),
            jax.ShapeDtypeStruct((N, F // 2), F32),
            jax.ShapeDtypeStruct((N, HP), F32),
            jax.ShapeDtypeStruct((N, HP), F32),
        ],
    )


def _make_tc_first(D, H, C):
    F = H * C
    grid = (N // _R,)
    out_specs, out_shape = _xs_outs(F)

    def body(x_ref, ws_ref, wd_ref, as_ref, ad_ref,
             lo_ref, hi_ref, als_ref, ald_ref):
        xv = x_ref[...]
        xs = _mm(xv, ws_ref[...])
        lo_ref[...] = xs[:, :F // 2]
        hi_ref[...] = xs[:, F // 2:]
        als_ref[...] = _mm(xs, as_ref[...])
        ald_ref[...] = _mm(_mm(xv, wd_ref[...]), ad_ref[...])

    return pl.pallas_call(
        body,
        grid=grid,
        in_specs=[
            pl.BlockSpec((_R, D), lambda i: (i, 0)),
            pl.BlockSpec((D, F), lambda i: (0, 0)),
            pl.BlockSpec((D, F), lambda i: (0, 0)),
            pl.BlockSpec((F, HP), lambda i: (0, 0)),
            pl.BlockSpec((F, HP), lambda i: (0, 0)),
        ],
        out_specs=out_specs,
        out_shape=out_shape,
    )


def _combine(acc, b, Hp, Cp, R):
    Fp = Hp * Cp
    Fh = Fp // 2
    num = jnp.concatenate([acc[0][:, :Fh], acc[1][:, :Fh]], axis=1)
    reps = []
    for h in range(Hp):
        dh = acc[0][:, Fh + h:Fh + h + 1]
        reps.append(jnp.broadcast_to(dh, (R, Cp)))
    den = jnp.concatenate(reps, axis=1)
    return num / (den + 1e-16) + b


def _make_tc_next(Hp, Cp, H, C):
    Fp = Hp * Cp
    Wp = -(-(Fp // 2 + Hp) // 8) * 8
    F = H * C
    grid = (N // _R,)
    out_specs, out_shape = _xs_outs(F)

    def body(acc_ref, b_ref, ws_ref, wd_ref, as_ref, ad_ref,
             lo_ref, hi_ref, als_ref, ald_ref):
        xv = jnp.maximum(_combine(acc_ref[...], b_ref[...], Hp, Cp, _R), 0.0)
        xs = _mm(xv, ws_ref[...])
        lo_ref[...] = xs[:, :F // 2]
        hi_ref[...] = xs[:, F // 2:]
        als_ref[...] = _mm(xs, as_ref[...])
        ald_ref[...] = _mm(_mm(xv, wd_ref[...]), ad_ref[...])

    return pl.pallas_call(
        body,
        grid=grid,
        in_specs=[
            pl.BlockSpec((NC, _R, Wp), lambda i: (0, i, 0)),
            pl.BlockSpec((1, Fp), lambda i: (0, 0)),
            pl.BlockSpec((Fp, F), lambda i: (0, 0)),
            pl.BlockSpec((Fp, F), lambda i: (0, 0)),
            pl.BlockSpec((F, HP), lambda i: (0, 0)),
            pl.BlockSpec((F, HP), lambda i: (0, 0)),
        ],
        out_specs=out_specs,
        out_shape=out_shape,
    )


def _make_tc_final(Hp, Cp):
    Fp = Hp * Cp
    Wp = -(-(Fp // 2 + Hp) // 8) * 8
    grid = (N // _R,)

    def body(acc_ref, b_ref, out_ref):
        out_ref[...] = _combine(acc_ref[...], b_ref[...], Hp, Cp, _R)

    return pl.pallas_call(
        body,
        grid=grid,
        in_specs=[
            pl.BlockSpec((NC, _R, Wp), lambda i: (0, i, 0)),
            pl.BlockSpec((1, Fp), lambda i: (0, 0)),
        ],
        out_specs=pl.BlockSpec((_R, Fp), lambda i: (i, 0)),
        out_shape=jax.ShapeDtypeStruct((N, Fp), F32),
    )


_sc3 = _make_sc_edge(3, 64)
_sc1 = _make_sc_edge(1, 128)
_tc1 = _make_tc_first(D_IN, 3, 64)
_tc2 = _make_tc_next(3, 64, 3, 64)
_tc3 = _make_tc_next(3, 64, 1, 128)
_tcf = _make_tc_final(1, 128)


def _blockdiag(a):
    H, C = a.shape
    eye = jnp.eye(H, HP, dtype=F32)
    return (a[:, :, None] * eye[:, None, :]).reshape(H * C, HP)


def _cevec(We, ae):
    cv = (We.reshape(ae.shape) * ae).sum(-1)
    return jnp.broadcast_to(cv[:, None], (ae.shape[0], 16)).astype(F32)


def _zeros_for(H, C):
    W = -(-(H * C // 2 + H) // 8) * 8
    return jnp.zeros((RPT, W), F32)


def kernel(x, edge_index, edge_weight,
           Ws1, Wd1, We1, as1, ad1, ae1, b1,
           Ws2, Wd2, We2, as2, ad2, ae2, b2,
           Ws3, Wd3, We3, as3, ad3, ae3, b3):
    src = edge_index[0]
    dst = edge_index[1]
    ew = edge_weight[:, 0]

    z3 = _zeros_for(3, 64)
    z1 = _zeros_for(1, 128)

    lo1, hi1, als1, ald1 = _tc1(x, Ws1, Wd1, _blockdiag(as1), _blockdiag(ad1))
    acc1 = _sc3(jnp.concatenate([lo1, hi1], axis=0), als1, ald1,
                src, dst, ew, _cevec(We1, ae1), z3)
    lo2, hi2, als2, ald2 = _tc2(acc1, b1.reshape(1, -1), Ws2, Wd2,
                                _blockdiag(as2), _blockdiag(ad2))
    acc2 = _sc3(jnp.concatenate([lo2, hi2], axis=0), als2, ald2,
                src, dst, ew, _cevec(We2, ae2), z3)
    lo3, hi3, als3, ald3 = _tc3(acc2, b2.reshape(1, -1), Ws3, Wd3,
                                _blockdiag(as3), _blockdiag(ad3))
    acc3 = _sc1(jnp.concatenate([lo3, hi3], axis=0), als3, ald3,
                src, dst, ew, _cevec(We3, ae3), z1)
    return _tcf(acc3, b3.reshape(1, -1))

# --- scband reference (transcript-rebuilt; emitter-appended) ---
"""Pipeline reference for scband-encoder-17231408791765 (READ-ONLY COPY).

The authoritative reference and input builder live on the scoring server;
editing this copy changes nothing except your own understanding.
"""

import jax, jax.numpy as jnp
import numpy as np

N = 10000
E = 320000
D_IN = 128
HID = 64
OUT = 128


def _gat_layer(x, src, dst, ew, Ws, Wd, We, a_s, a_d, a_e, b, H, C):
    # PyG GATConv with bipartite (-1,-1) style separate src/dst linear maps,
    # edge_dim=1, add_self_loops=False, concat=True, negative_slope=0.2, eval mode.
    n = x.shape[0]
    xs = (x @ Ws).reshape(n, H, C)
    xd = (x @ Wd).reshape(n, H, C)
    ef = (ew @ We).reshape(-1, H, C)
    al_s = (xs * a_s).sum(-1)          # [n, H]
    al_d = (xd * a_d).sum(-1)          # [n, H]
    al_e = (ef * a_e).sum(-1)          # [E, H]
    alpha = al_s[src] + al_d[dst] + al_e
    alpha = jax.nn.leaky_relu(alpha, negative_slope=0.2)
    amax = jax.ops.segment_max(alpha, dst, num_segments=n)
    amax = jnp.where(jnp.isfinite(amax), amax, 0.0)
    ea = jnp.exp(alpha - amax[dst])
    den = jax.ops.segment_sum(ea, dst, num_segments=n)
    att = ea / (den[dst] + 1e-16)      # softmax over incoming edges per dst
    msg = xs[src] * att[:, :, None]    # [E, H, C]
    out = jax.ops.segment_sum(msg, dst, num_segments=n)
    return out.reshape(n, H * C) + b


def setup_inputs(seed: int = 0) -> dict:
    key = jax.random.key(seed)
    ks = jax.random.split(key, 32)
    inp = {}
    inp['x'] = jax.random.normal(ks[0], (N, D_IN), dtype=jnp.float32)
    inp['edge_index'] = jax.random.randint(ks[1], (2, E), 0, N, dtype=jnp.int32)
    inp['edge_weight'] = jax.random.uniform(ks[2], (E, 1), dtype=jnp.float32)
    s = 0.1
    # layer 1: in=128, heads=3, C=64
    inp['Ws1'] = jax.random.normal(ks[3], (D_IN, 3 * HID), dtype=jnp.float32) * s
    inp['Wd1'] = jax.random.normal(ks[4], (D_IN, 3 * HID), dtype=jnp.float32) * s
    inp['We1'] = jax.random.normal(ks[5], (1, 3 * HID), dtype=jnp.float32) * s
    inp['as1'] = jax.random.normal(ks[6], (3, HID), dtype=jnp.float32) * s
    inp['ad1'] = jax.random.normal(ks[7], (3, HID), dtype=jnp.float32) * s
    inp['ae1'] = jax.random.normal(ks[8], (3, HID), dtype=jnp.float32) * s
    inp['b1'] = jnp.zeros((3 * HID,), dtype=jnp.float32)
    # layer 2: in=192, heads=3, C=64
    inp['Ws2'] = jax.random.normal(ks[9], (3 * HID, 3 * HID), dtype=jnp.float32) * s
    inp['Wd2'] = jax.random.normal(ks[10], (3 * HID, 3 * HID), dtype=jnp.float32) * s
    inp['We2'] = jax.random.normal(ks[11], (1, 3 * HID), dtype=jnp.float32) * s
    inp['as2'] = jax.random.normal(ks[12], (3, HID), dtype=jnp.float32) * s
    inp['ad2'] = jax.random.normal(ks[13], (3, HID), dtype=jnp.float32) * s
    inp['ae2'] = jax.random.normal(ks[14], (3, HID), dtype=jnp.float32) * s
    inp['b2'] = jnp.zeros((3 * HID,), dtype=jnp.float32)
    # layer 3: in=192, heads=1, C=128
    inp['Ws3'] = jax.random.normal(ks[15], (3 * HID, OUT), dtype=jnp.float32) * s
    inp['Wd3'] = jax.random.normal(ks[16], (3 * HID, OUT), dtype=jnp.float32) * s
    inp['We3'] = jax.random.normal(ks[17], (1, OUT), dtype=jnp.float32) * s
    inp['as3'] = jax.random.normal(ks[18], (1, OUT), dtype=jnp.float32) * s
    inp['ad3'] = jax.random.normal(ks[19], (1, OUT), dtype=jnp.float32) * s
    inp['ae3'] = jax.random.normal(ks[20], (1, OUT), dtype=jnp.float32) * s
    inp['b3'] = jnp.zeros((OUT,), dtype=jnp.float32)
    return inp


def reference(x, edge_index, edge_weight,
              Ws1, Wd1, We1, as1, ad1, ae1, b1,
              Ws2, Wd2, We2, as2, ad2, ae2, b2,
              Ws3, Wd3, We3, as3, ad3, ae3, b3):
    src = edge_index[0]
    dst = edge_index[1]
    h = _gat_layer(x, src, dst, edge_weight, Ws1, Wd1, We1, as1, ad1, ae1, b1, 3, HID)
    h = jax.nn.relu(h)
    # dropout = identity in eval mode
    h = _gat_layer(h, src, dst, edge_weight, Ws2, Wd2, We2, as2, ad2, ae2, b2, 3, HID)
    h = jax.nn.relu(h)
    out = _gat_layer(h, src, dst, edge_weight, Ws3, Wd3, We3, as3, ad3, ae3, b3, 1, OUT)
    return out

if __name__ == "__main__":
    import jax
    _d = setup_inputs()
    print(jax.jit(kernel)(*tuple(_d.values())))

</pallas_src>

<mosaic_0001>
#map = affine_map<(d0, d1) -> (0, 0)>
#map1 = affine_map<(d0, d1) -> (0)>
#map2 = affine_map<(d0, d1) -> (0, 0, 0)>
module attributes {stable_mosaic.version = 14 : i64} {
  func.func @sc_edge(%arg0: i32, %arg1: i32, %arg2: memref<20000x96xf32, #tpu.memory_space<hbm>>, %arg3: memref<10000x8xf32, #tpu.memory_space<hbm>>, %arg4: memref<10000x8xf32, #tpu.memory_space<hbm>>, %arg5: memref<320000xi32, #tpu.memory_space<hbm>>, %arg6: memref<320000xi32, #tpu.memory_space<hbm>>, %arg7: memref<320000xf32, #tpu.memory_space<hbm>>, %arg8: memref<3x16xf32, #tpu.memory_space<hbm>>, %arg9: memref<625x104xf32, #tpu.memory_space<hbm>>, %arg10: memref<2x10000x104xf32, #tpu.memory_space<hbm>>, %arg11: memref<10000x8xf32, #tpu.memory_space<vmem_shared>>, %arg12: memref<10000x8xf32, #tpu.memory_space<vmem_shared>>, %arg13: memref<10000x104xf32, #tpu.memory_space<vmem_shared>>, %arg14: memref<3x16xf32, #tpu.memory_space<vmem>>, %arg15: memref<80xi32, #tpu.memory_space<vmem>>, %arg16: memref<80xi32, #tpu.memory_space<vmem>>, %arg17: memref<80xi32, #tpu.memory_space<vmem>>, %arg18: memref<80xf32, #tpu.memory_space<vmem>>, %arg19: memref<80x8xf32, #tpu.memory_space<vmem>>, %arg20: memref<80x8xf32, #tpu.memory_space<vmem>>, %arg21: memref<80x96xf32, #tpu.memory_space<vmem>>, %arg22: memref<80x104xf32, #tpu.memory_space<vmem>>, %arg23: memref<!tpu.dma_semaphore, #tpu.memory_space<semaphore_mem>>, %arg24: memref<!tpu.dma_semaphore, #tpu.memory_space<semaphore_mem>>) attributes {dimension_semantics = [#tpu.dimension_semantics<core_parallel>, #tpu.dimension_semantics<subcore_parallel>], iteration_bounds = array<i64: 2, 16>, scalar_prefetch = 0 : i64, scratch_operands = 14 : i64, tpu.core_type = #tpu.core_type<sc_vector_subcore>, window_params = [{transform_indices = #map}, {transform_indices = #map}, {transform_indices = #map}, {transform_indices = #map1}, {transform_indices = #map1}, {transform_indices = #map1}, {transform_indices = #map}, {transform_indices = #map}, {transform_indices = #map2}]} {
    %mul3A = arith.constant 20000 : i32
    %mul3A_0 = arith.muli %arg1, %mul3A : i32
    "tpu.region"() ({
      %run_scoped3A = tpu.sem_alloc : memref<!tpu.dma_semaphore, #tpu.memory_space<semaphore_mem>>
      tpu.enqueue_dma source(%arg8 : memref<3x16xf32, #tpu.memory_space<hbm>>) target(%arg14 : memref<3x16xf32, #tpu.memory_space<vmem>>) target_semaphore(%run_scoped3A : memref<!tpu.dma_semaphore, #tpu.memory_space<semaphore_mem>>)
      tpu.wait_dma2 semaphore(%run_scoped3A : memref<!tpu.dma_semaphore, #tpu.memory_space<semaphore_mem>>) src(%arg8 : memref<3x16xf32, #tpu.memory_space<hbm>>) dst(%arg14 : memref<3x16xf32, #tpu.memory_space<vmem>>)
      tpu.yield
    }) : () -> ()
    %mul3A_1 = arith.constant 625 : i32
    %mul3A_2 = arith.muli %arg1, %mul3A_1 : i32
    "tpu.region"() ({
      %run_scoped3A = tpu.sem_alloc : memref<!tpu.dma_semaphore, #tpu.memory_space<semaphore_mem>>
      %dma_start3A = arith.constant 0 : i32
      %dma_start3A_13 = tpu.memref_slice %arg13[%mul3A_2, %dma_start3A] : memref<10000x104xf32, #tpu.memory_space<vmem_shared>> -> memref<625x104xf32, #tpu.memory_space<vmem_shared>>
      %dma_start3A_14 = arith.constant 0 : i32
      %dma_start3A_15 = arith.constant 0 : i32
      %dma_start3A_16 = tpu.memref_slice %arg9[%dma_start3A_14, %dma_start3A_15] : memref<625x104xf32, #tpu.memory_space<hbm>> -> memref<625x104xf32, #tpu.memory_space<hbm>>
      tpu.enqueue_dma source(%dma_start3A_16 : memref<625x104xf32, #tpu.memory_space<hbm>>) target(%dma_start3A_13 : memref<625x104xf32, #tpu.memory_space<vmem_shared>>) target_semaphore(%run_scoped3A : memref<!tpu.dma_semaphore, #tpu.memory_space<semaphore_mem>>)
      %dma_wait3A = arith.constant 0 : i32
      %dma_wait3A_17 = tpu.memref_slice %arg13[%mul3A_2, %dma_wait3A] : memref<10000x104xf32, #tpu.memory_space<vmem_shared>> -> memref<625x104xf32, #tpu.memory_space<vmem_shared>>
      %dma_wait3A_18 = arith.constant 0 : i32
      %dma_wait3A_19 = arith.constant 0 : i32
      %dma_wait3A_20 = tpu.memref_slice %arg9[%dma_wait3A_18, %dma_wait3A_19] : memref<625x104xf32, #tpu.memory_space<hbm>> -> memref<625x104xf32, #tpu.memory_space<hbm>>
      tpu.wait_dma2 semaphore(%run_scoped3A : memref<!tpu.dma_semaphore, #tpu.memory_space<semaphore_mem>>) src(%dma_wait3A_20 : memref<625x104xf32, #tpu.memory_space<hbm>>) dst(%dma_wait3A_17 : memref<625x104xf32, #tpu.memory_space<vmem_shared>>)
      tpu.yield
    }) : () -> ()
    "tpu.region"() ({
      %run_scoped3A = tpu.sem_alloc : memref<!tpu.dma_semaphore, #tpu.memory_space<semaphore_mem>>
      %dma_start3A = arith.constant 0 : i32
      %dma_start3A_13 = arith.constant 0 : i32
      %dma_start3A_14 = tpu.memref_slice %arg9[%dma_start3A, %dma_start3A_13] : memref<625x104xf32, #tpu.memory_space<hbm>> -> memref<80x104xf32, #tpu.memory_space<hbm>>
      %dma_start3A_15 = arith.constant 0 : i32
      %dma_start3A_16 = arith.constant 0 : i32
      %dma_start3A_17 = tpu.memref_slice %arg9[%dma_start3A_15, %dma_start3A_16] : memref<625x104xf32, #tpu.memory_space<hbm>> -> memref<80x104xf32, #tpu.memory_space<hbm>>
      tpu.enqueue_dma source(%dma_start3A_17 : memref<80x104xf32, #tpu.memory_space<hbm>>) target(%arg22 : memref<80x104xf32, #tpu.memory_space<vmem>>) target_semaphore(%run_scoped3A : memref<!tpu.dma_semaphore, #tpu.memory_space<semaphore_mem>>)
      %dma_wait3A = arith.constant 0 : i32
      %dma_wait3A_18 = arith.constant 0 : i32
      %dma_wait3A_19 = tpu.memref_slice %arg9[%dma_wait3A, %dma_wait3A_18] : memref<625x104xf32, #tpu.memory_space<hbm>> -> memref<80x104xf32, #tpu.memory_space<hbm>>
      %dma_wait3A_20 = arith.constant 0 : i32
      %dma_wait3A_21 = arith.constant 0 : i32
      %dma_wait3A_22 = tpu.memref_slice %arg9[%dma_wait3A_20, %dma_wait3A_21] : memref<625x104xf32, #tpu.memory_space<hbm>> -> memref<80x104xf32, #tpu.memory_space<hbm>>
      tpu.wait_dma2 semaphore(%run_scoped3A : memref<!tpu.dma_semaphore, #tpu.memory_space<semaphore_mem>>) src(%dma_wait3A_22 : memref<80x104xf32, #tpu.memory_space<hbm>>) dst(%arg22 : memref<80x104xf32, #tpu.memory_space<vmem>>)
      tpu.yield
    }) : () -> ()
    %eq3A = arith.constant 0 : i32
    %eq3A_3 = arith.cmpi eq, %arg1, %eq3A : i32
    %convert_element_type3A = arith.extui %eq3A_3 : i1 to i32
    %cond3A = arith.constant 0 : i32
    %cond3A_4 = arith.cmpi ne, %convert_element_type3A, %cond3A : i32
    scf.if %cond3A_4 {
      "tpu.region"() ({
        %run_scoped3A = tpu.sem_alloc : memref<!tpu.dma_semaphore, #tpu.memory_space<semaphore_mem>>
        tpu.enqueue_dma source(%arg3 : memref<10000x8xf32, #tpu.memory_space<hbm>>) target(%arg11 : memref<10000x8xf32, #tpu.memory_space<vmem_shared>>) target_semaphore(%run_scoped3A : memref<!tpu.dma_semaphore, #tpu.memory_space<semaphore_mem>>)
        tpu.wait_dma2 semaphore(%run_scoped3A : memref<!tpu.dma_semaphore, #tpu.memory_space<semaphore_mem>>) src(%arg3 : memref<10000x8xf32, #tpu.memory_space<hbm>>) dst(%arg11 : memref<10000x8xf32, #tpu.memory_space<vmem_shared>>)
        tpu.yield
      }) : () -> ()
      "tpu.region"() ({
        %run_scoped3A = tpu.sem_alloc : memref<!tpu.dma_semaphore, #tpu.memory_space<semaphore_mem>>
        tpu.enqueue_dma source(%arg4 : memref<10000x8xf32, #tpu.memory_space<hbm>>) target(%arg12 : memref<10000x8xf32, #tpu.memory_space<vmem_shared>>) target_semaphore(%run_scoped3A : memref<!tpu.dma_semaphore, #tpu.memory_space<semaphore_mem>>)
        tpu.wait_dma2 semaphore(%run_scoped3A : memref<!tpu.dma_semaphore, #tpu.memory_space<semaphore_mem>>) src(%arg4 : memref<10000x8xf32, #tpu.memory_space<hbm>>) dst(%arg12 : memref<10000x8xf32, #tpu.memory_space<vmem_shared>>)
        tpu.yield
      }) : () -> ()
    } else {
    }
    %barrier3A = arith.constant 0 : index
    tpu.barrier barrier_id(%barrier3A)
    %iota3A = tpu.iota {dimensions = array<i32: 0>} : vector<16xi32>
    %scan3A = arith.constant 0 : i32
    %scan3A_5 = arith.constant 0 : i32
    %scan3A_6 = arith.constant 250 : i32
    %scan3A_7 = arith.addi %scan3A_5, %scan3A_6 : i32
    %scan3A_8 = arith.constant 1 : i32
    scf.for %scan3A_13 = %scan3A_5 to %scan3A_7 step %scan3A_8  : i32 {
      %mul3A_14 = arith.constant 80 : i32
      %mul3A_15 = arith.muli %scan3A_13, %mul3A_14 : i32
      %add3A = arith.addi %mul3A_0, %mul3A_15 : i32
      %dma_start3A = tpu.memref_slice %arg5[%add3A] : memref<320000xi32, #tpu.memory_space<hbm>> -> memref<80xi32, #tpu.memory_space<hbm>>
      %dma_start3A_16 = tpu.memref_slice %arg5[%add3A] : memref<320000xi32, #tpu.memory_space<hbm>> -> memref<80xi32, #tpu.memory_space<hbm>>
      tpu.enqueue_dma source(%dma_start3A_16 : memref<80xi32, #tpu.memory_space<hbm>>) target(%arg15 : memref<80xi32, #tpu.memory_space<vmem>>) target_semaphore(%arg24 : memref<!tpu.dma_semaphore, #tpu.memory_space<semaphore_mem>>)
      %dma_start3A_17 = tpu.memref_slice %arg6[%add3A] : memref<320000xi32, #tpu.memory_space<hbm>> -> memref<80xi32, #tpu.memory_space<hbm>>
      %dma_start3A_18 = tpu.memref_slice %arg6[%add3A] : memref<320000xi32, #tpu.memory_space<hbm>> -> memref<80xi32, #tpu.memory_space<hbm>>
      tpu.enqueue_dma source(%dma_start3A_18 : memref<80xi32, #tpu.memory_space<hbm>>) target(%arg17 : memref<80xi32, #tpu.memory_space<vmem>>) target_semaphore(%arg24 : memref<!tpu.dma_semaphore, #tpu.memory_space<semaphore_mem>>)
      %dma_start3A_19 = tpu.memref_slice %arg7[%add3A] : memref<320000xf32, #tpu.memory_space<hbm>> -> memref<80xf32, #tpu.memory_space<hbm>>
      %dma_start3A_20 = tpu.memref_slice %arg7[%add3A] : memref<320000xf32, #tpu.memory_space<hbm>> -> memref<80xf32, #tpu.memory_space<hbm>>
      tpu.enqueue_dma source(%dma_start3A_20 : memref<80xf32, #tpu.memory_space<hbm>>) target(%arg18 : memref<80xf32, #tpu.memory_space<vmem>>) target_semaphore(%arg24 : memref<!tpu.dma_semaphore, #tpu.memory_space<semaphore_mem>>)
      %dma_wait3A = tpu.memref_slice %arg5[%add3A] : memref<320000xi32, #tpu.memory_space<hbm>> -> memref<80xi32, #tpu.memory_space<hbm>>
      %dma_wait3A_21 = tpu.memref_slice %arg5[%add3A] : memref<320000xi32, #tpu.memory_space<hbm>> -> memref<80xi32, #tpu.memory_space<hbm>>
      tpu.wait_dma2 semaphore(%arg24 : memref<!tpu.dma_semaphore, #tpu.memory_space<semaphore_mem>>) src(%dma_wait3A_21 : memref<80xi32, #tpu.memory_space<hbm>>) dst(%arg15 : memref<80xi32, #tpu.memory_space<vmem>>)
      %dma_wait3A_22 = tpu.memref_slice %arg6[%add3A] : memref<320000xi32, #tpu.memory_space<hbm>> -> memref<80xi32, #tpu.memory_space<hbm>>
      %dma_wait3A_23 = tpu.memref_slice %arg6[%add3A] : memref<320000xi32, #tpu.memory_space<hbm>> -> memref<80xi32, #tpu.memory_space<hbm>>
      tpu.wait_dma2 semaphore(%arg24 : memref<!tpu.dma_semaphore, #tpu.memory_space<semaphore_mem>>) src(%dma_wait3A_23 : memref<80xi32, #tpu.memory_space<hbm>>) dst(%arg17 : memref<80xi32, #tpu.memory_space<vmem>>)
      %dma_wait3A_24 = tpu.memref_slice %arg7[%add3A] : memref<320000xf32, #tpu.memory_space<hbm>> -> memref<80xf32, #tpu.memory_space<hbm>>
      %dma_wait3A_25 = tpu.memref_slice %arg7[%add3A] : memref<320000xf32, #tpu.memory_space<hbm>> -> memref<80xf32, #tpu.memory_space<hbm>>
      tpu.wait_dma2 semaphore(%arg24 : memref<!tpu.dma_semaphore, #tpu.memory_space<semaphore_mem>>) src(%dma_wait3A_25 : memref<80xf32, #tpu.memory_space<hbm>>) dst(%arg18 : memref<80xf32, #tpu.memory_space<vmem>>)
      %get3A = arith.constant 0 : index
      %get3A_26 = tpu.vector_load %arg15[%get3A] {strides = array<i32>} : memref<80xi32, #tpu.memory_space<vmem>>, vector<16xi32>,
      %mul3A_27 = arith.constant 10000 : i32
      %mul3A_28 = arith.muli %arg0, %mul3A_27 : i32
      %add3A_29 = vector.broadcast %mul3A_28 : i32 to vector<16xi32>
      %add3A_30 = arith.addi %get3A_26, %add3A_29 : vector<16xi32>
      %swap3A = arith.constant 0 : index
      %swap3A_31 = tpu.vector_load %arg16[%swap3A] {strides = array<i32>} : memref<80xi32, #tpu.memory_space<vmem>>, vector<16xi32>,
      tpu.vector_store %arg16[%swap3A], %add3A_30 {strides = array<i32>} : memref<80xi32, #tpu.memory_space<vmem>>, vector<16xi32>,
      %get3A_32 = arith.constant 16 : index
      %get3A_33 = tpu.vector_load %arg15[%get3A_32] {strides = array<i32>} : memref<80xi32, #tpu.memory_space<vmem>>, vector<16xi32>,
      %mul3A_34 = arith.constant 10000 : i32
      %mul3A_35 = arith.muli %arg0, %mul3A_34 : i32
      %add3A_36 = vector.broadcast %mul3A_35 : i32 to vector<16xi32>
      %add3A_37 = arith.addi %get3A_33, %add3A_36 : vector<16xi32>
      %swap3A_38 = arith.constant 16 : index
      %swap3A_39 = tpu.vector_load %arg16[%swap3A_38] {strides = array<i32>} : memref<80xi32, #tpu.memory_space<vmem>>, vector<16xi32>,
      tpu.vector_store %arg16[%swap3A_38], %add3A_37 {strides = array<i32>} : memref<80xi32, #tpu.memory_space<vmem>>, vector<16xi32>,
      %get3A_40 = arith.constant 32 : index
      %get3A_41 = tpu.vector_load %arg15[%get3A_40] {strides = array<i32>} : memref<80xi32, #tpu.memory_space<vmem>>, vector<16xi32>,
      %mul3A_42 = arith.constant 10000 : i32
      %mul3A_43 = arith.muli %arg0, %mul3A_42 : i32
      %add3A_44 = vector.broadcast %mul3A_43 : i32 to vector<16xi32>
      %add3A_45 = arith.addi %get3A_41, %add3A_44 : vector<16xi32>
      %swap3A_46 = arith.constant 32 : index
      %swap3A_47 = tpu.vector_load %arg16[%swap3A_46] {strides = array<i32>} : memref<80xi32, #tpu.memory_space<vmem>>, vector<16xi32>,
      tpu.vector_store %arg16[%swap3A_46], %add3A_45 {strides = array<i32>} : memref<80xi32, #tpu.memory_space<vmem>>, vector<16xi32>,
      %get3A_48 = arith.constant 48 : index
      %get3A_49 = tpu.vector_load %arg15[%get3A_48] {strides = array<i32>} : memref<80xi32, #tpu.memory_space<vmem>>, vector<16xi32>,
      %mul3A_50 = arith.constant 10000 : i32
      %mul3A_51 = arith.muli %arg0, %mul3A_50 : i32
      %add3A_52 = vector.broadcast %mul3A_51 : i32 to vector<16xi32>
      %add3A_53 = arith.addi %get3A_49, %add3A_52 : vector<16xi32>
      %swap3A_54 = arith.constant 48 : index
      %swap3A_55 = tpu.vector_load %arg16[%swap3A_54] {strides = array<i32>} : memref<80xi32, #tpu.memory_space<vmem>>, vector<16xi32>,
      tpu.vector_store %arg16[%swap3A_54], %add3A_53 {strides = array<i32>} : memref<80xi32, #tpu.memory_space<vmem>>, vector<16xi32>,
      %get3A_56 = arith.constant 64 : index
      %get3A_57 = tpu.vector_load %arg15[%get3A_56] {strides = array<i32>} : memref<80xi32, #tpu.memory_space<vmem>>, vector<16xi32>,
      %mul3A_58 = arith.constant 10000 : i32
      %mul3A_59 = arith.muli %arg0, %mul3A_58 : i32
      %add3A_60 = vector.broadcast %mul3A_59 : i32 to vector<16xi32>
      %add3A_61 = arith.addi %get3A_57, %add3A_60 : vector<16xi32>
      %swap3A_62 = arith.constant 64 : index
      %swap3A_63 = tpu.vector_load %arg16[%swap3A_62] {strides = array<i32>} : memref<80xi32, #tpu.memory_space<vmem>>, vector<16xi32>,
      tpu.vector_store %arg16[%swap3A_62], %add3A_61 {strides = array<i32>} : memref<80xi32, #tpu.memory_space<vmem>>, vector<16xi32>,
      %dma_start3A_64 = arith.constant 0 : i32
      %dma_start3A_65 = arith.constant 0 : i32
      %dma_start3A_66 = tpu.memref_slice %arg2[%dma_start3A_64, %dma_start3A_65] : memref<20000x96xf32, #tpu.memory_space<hbm>> -> memref<20000x96xf32, #tpu.memory_space<hbm>>
      tpu.enqueue_indirect_dma source(%dma_start3A_66 : memref<20000x96xf32, #tpu.memory_space<hbm>>) target(%arg21 : memref<80x96xf32, #tpu.memory_space<vmem>>) offsets(%arg16 : memref<80xi32, #tpu.memory_space<vmem>>) semaphore(%arg23 : memref<!tpu.dma_semaphore, #tpu.memory_space<semaphore_mem>>)
      %dma_start3A_67 = arith.constant 0 : i32
      %dma_start3A_68 = arith.constant 0 : i32
      %dma_start3A_69 = tpu.memref_slice %arg11[%dma_start3A_67, %dma_start3A_68] : memref<10000x8xf32, #tpu.memory_space<vmem_shared>> -> memref<10000x8xf32, #tpu.memory_space<vmem_shared>>
      tpu.enqueue_indirect_dma source(%dma_start3A_69 : memref<10000x8xf32, #tpu.memory_space<vmem_shared>>) target(%arg19 : memref<80x8xf32, #tpu.memory_space<vmem>>) offsets(%arg15 : memref<80xi32, #tpu.memory_space<vmem>>) semaphore(%arg24 : memref<!tpu.dma_semaphore, #tpu.memory_space<semaphore_mem>>)
      %dma_start3A_70 = arith.constant 0 : i32
      %dma_start3A_71 = arith.constant 0 : i32
      %dma_start3A_72 = tpu.memref_slice %arg12[%dma_start3A_70, %dma_start3A_71] : memref<10000x8xf32, #tpu.memory_space<vmem_shared>> -> memref<10000x8xf32, #tpu.memory_space<vmem_shared>>
      tpu.enqueue_indirect_dma source(%dma_start3A_72 : memref<10000x8xf32, #tpu.memory_space<vmem_shared>>) target(%arg20 : memref<80x8xf32, #tpu.memory_space<vmem>>) offsets(%arg17 : memref<80xi32, #tpu.memory_space<vmem>>) semaphore(%arg24 : memref<!tpu.dma_semaphore, #tpu.memory_space<semaphore_mem>>)
      %dma_wait3A_73 = arith.constant 0 : i32
      %dma_wait3A_74 = arith.constant 0 : i32
      %dma_wait3A_75 = tpu.memref_slice %arg11[%dma_wait3A_73, %dma_wait3A_74] : memref<10000x8xf32, #tpu.memory_space<vmem_shared>> -> memref<10000x8xf32, #tpu.memory_space<vmem_shared>>
      tpu.wait_indirect_dma semaphore(%arg24 : memref<!tpu.dma_semaphore, #tpu.memory_space<semaphore_mem>>) src(%dma_wait3A_75 : memref<10000x8xf32, #tpu.memory_space<vmem_shared>>) dst(%arg19 : memref<80x8xf32, #tpu.memory_space<vmem>>)
      %dma_wait3A_76 = arith.constant 0 : i32
      %dma_wait3A_77 = arith.constant 0 : i32
      %dma_wait3A_78 = tpu.memref_slice %arg12[%dma_wait3A_76, %dma_wait3A_77] : memref<10000x8xf32, #tpu.memory_space<vmem_shared>> -> memref<10000x8xf32, #tpu.memory_space<vmem_shared>>
      tpu.wait_indirect_dma semaphore(%arg24 : memref<!tpu.dma_semaphore, #tpu.memory_space<semaphore_mem>>) src(%dma_wait3A_78 : memref<10000x8xf32, #tpu.memory_space<vmem_shared>>) dst(%arg20 : memref<80x8xf32, #tpu.memory_space<vmem>>)
      %get3A_79 = arith.constant 0 : index
      %get3A_80 = tpu.vector_load %arg18[%get3A_79] {strides = array<i32>} : memref<80xf32, #tpu.memory_space<vmem>>, vector<16xf32>,
      %add3A_81 = arith.constant 0 : i32
      %add3A_82 = vector.broadcast %add3A_81 : i32 to vector<16xi32>
      %add3A_83 = arith.addi %add3A_82, %iota3A : vector<16xi32>
      %broadcast_in_dim3A = arith.constant 0 : i32
      %broadcast_in_dim3A_84 = vector.broadcast %broadcast_in_dim3A : i32 to vector<16xi32>
      %gather3A = tpu.vector_load_idx %arg19[%add3A_83, %broadcast_in_dim3A_84] : memref<80x8xf32, #tpu.memory_space<vmem>>[vector<16xi32>, vector<16xi32>], vector<16xf32>,
      %gather3A_85 = tpu.vector_load_idx %arg20[%add3A_83, %broadcast_in_dim3A_84] : memref<80x8xf32, #tpu.memory_space<vmem>>[vector<16xi32>, vector<16xi32>], vector<16xf32>,
      %add3A_86 = arith.addf %gather3A, %gather3A_85 : vector<16xf32>
      %get3A_87 = arith.constant 0 : i32
      %get3A_88 = arith.index_cast %get3A_87 : i32 to index
      %get3A_89 = arith.constant 0 : index
      %get3A_90 = tpu.vector_load %arg14[%get3A_88, %get3A_89] {strides = array<i32>} : memref<3x16xf32, #tpu.memory_space<vmem>>, vector<16xf32>,
      %mul3A_91 = arith.mulf %get3A_80, %get3A_90 : vector<16xf32>
      %add3A_92 = arith.addf %add3A_86, %mul3A_91 : vector<16xf32>
      %mul3A_93 = arith.constant 2.000000e-01 : f32
      %mul3A_94 = vector.broadcast %mul3A_93 : f32 to vector<16xf32>
      %mul3A_95 = arith.mulf %mul3A_94, %add3A_92 : vector<16xf32>
      %max3A = arith.maximumf %add3A_92, %mul3A_95 : vector<16xf32>
      %exp3A = math.exp %max3A : vector<16xf32>
      %broadcast_in_dim3A_96 = arith.constant 96 : i32
      %broadcast_in_dim3A_97 = vector.broadcast %broadcast_in_dim3A_96 : i32 to vector<16xi32>
      tpu.vector_store_idx %arg22[%add3A_83, %broadcast_in_dim3A_97], %exp3A : memref<80x104xf32, #tpu.memory_space<vmem>>[vector<16xi32>, vector<16xi32>], vector<16xf32>,
      %broadcast_in_dim3A_98 = arith.constant 1 : i32
      %broadcast_in_dim3A_99 = vector.broadcast %broadcast_in_dim3A_98 : i32 to vector<16xi32>
      %gather3A_100 = tpu.vector_load_idx %arg19[%add3A_83, %broadcast_in_dim3A_99] : memref<80x8xf32, #tpu.memory_space<vmem>>[vector<16xi32>, vector<16xi32>], vector<16xf32>,
      %gather3A_101 = tpu.vector_load_idx %arg20[%add3A_83, %broadcast_in_dim3A_99] : memref<80x8xf32, #tpu.memory_space<vmem>>[vector<16xi32>, vector<16xi32>], vector<16xf32>,
      %add3A_102 = arith.addf %gather3A_100, %gather3A_101 : vector<16xf32>
      %get3A_103 = arith.constant 1 : i32
      %get3A_104 = arith.index_cast %get3A_103 : i32 to index
      %get3A_105 = arith.constant 0 : index
      %get3A_106 = tpu.vector_load %arg14[%get3A_104, %get3A_105] {strides = array<i32>} : memref<3x16xf32, #tpu.memory_space<vmem>>, vector<16xf32>,
      %mul3A_107 = arith.mulf %get3A_80, %get3A_106 : vector<16xf32>
      %add3A_108 = arith.addf %add3A_102, %mul3A_107 : vector<16xf32>
      %mul3A_109 = arith.constant 2.000000e-01 : f32
      %mul3A_110 = vector.broadcast %mul3A_109 : f32 to vector<16xf32>
      %mul3A_111 = arith.mulf %mul3A_110, %add3A_108 : vector<16xf32>
      %max3A_112 = arith.maximumf %add3A_108, %mul3A_111 : vector<16xf32>
      %exp3A_113 = math.exp %max3A_112 : vector<16xf32>
      %broadcast_in_dim3A_114 = arith.constant 97 : i32
      %broadcast_in_dim3A_115 = vector.broadcast %broadcast_in_dim3A_114 : i32 to vector<16xi32>
      tpu.vector_store_idx %arg22[%add3A_83, %broadcast_in_dim3A_115], %exp3A_113 : memref<80x104xf32, #tpu.memory_space<vmem>>[vector<16xi32>, vector<16xi32>], vector<16xf32>,
      %broadcast_in_dim3A_116 = arith.constant 2 : i32
      %broadcast_in_dim3A_117 = vector.broadcast %broadcast_in_dim3A_116 : i32 to vector<16xi32>
      %gather3A_118 = tpu.vector_load_idx %arg19[%add3A_83, %broadcast_in_dim3A_117] : memref<80x8xf32, #tpu.memory_space<vmem>>[vector<16xi32>, vector<16xi32>], vector<16xf32>,
      %gather3A_119 = tpu.vector_load_idx %arg20[%add3A_83, %broadcast_in_dim3A_117] : memref<80x8xf32, #tpu.memory_space<vmem>>[vector<16xi32>, vector<16xi32>], vector<16xf32>,
      %add3A_120 = arith.addf %gather3A_118, %gather3A_119 : vector<16xf32>
      %get3A_121 = arith.constant 2 : i32
      %get3A_122 = arith.index_cast %get3A_121 : i32 to index
      %get3A_123 = arith.constant 0 : index
      %get3A_124 = tpu.vector_load %arg14[%get3A_122, %get3A_123] {strides = array<i32>} : memref<3x16xf32, #tpu.memory_space<vmem>>, vector<16xf32>,
      %mul3A_125 = arith.mulf %get3A_80, %get3A_124 : vector<16xf32>
      %add3A_126 = arith.addf %add3A_120, %mul3A_125 : vector<16xf32>
      %mul3A_127 = arith.constant 2.000000e-01 : f32
      %mul3A_128 = vector.broadcast %mul3A_127 : f32 to vector<16xf32>
      %mul3A_129 = arith.mulf %mul3A_128, %add3A_126 : vector<16xf32>
      %max3A_130 = arith.maximumf %add3A_126, %mul3A_129 : vector<16xf32>
      %exp3A_131 = math.exp %max3A_130 : vector<16xf32>
      %broadcast_in_dim3A_132 = arith.constant 98 : i32
      %broadcast_in_dim3A_133 = vector.broadcast %broadcast_in_dim3A_132 : i32 to vector<16xi32>
      tpu.vector_store_idx %arg22[%add3A_83, %broadcast_in_dim3A_133], %exp3A_131 : memref<80x104xf32, #tpu.memory_space<vmem>>[vector<16xi32>, vector<16xi32>], vector<16xf32>,
      %get3A_134 = arith.constant 16 : index
      %get3A_135 = tpu.vector_load %arg18[%get3A_134] {strides = array<i32>} : memref<80xf32, #tpu.memory_space<vmem>>, vector<16xf32>,
      %add3A_136 = arith.constant 16 : i32
      %add3A_137 = vector.broadcast %add3A_136 : i32 to vector<16xi32>
      %add3A_138 = arith.addi %add3A_137, %iota3A : vector<16xi32>
      %broadcast_in_dim3A_139 = arith.constant 0 : i32
      %broadcast_in_dim3A_140 = vector.broadcast %broadcast_in_dim3A_139 : i32 to vector<16xi32>
      %gather3A_141 = tpu.vector_load_idx %arg19[%add3A_138, %broadcast_in_dim3A_140] : memref<80x8xf32, #tpu.memory_space<vmem>>[vector<16xi32>, vector<16xi32>], vector<16xf32>,
      %gather3A_142 = tpu.vector_load_idx %arg20[%add3A_138, %broadcast_in_dim3A_140] : memref<80x8xf32, #tpu.memory_space<vmem>>[vector<16xi32>, vector<16xi32>], vector<16xf32>,
      %add3A_143 = arith.addf %gather3A_141, %gather3A_142 : vector<16xf32>
      %get3A_144 = arith.constant 0 : i32
      %get3A_145 = arith.index_cast %get3A_144 : i32 to index
      %get3A_146 = arith.constant 0 : index
      %get3A_147 = tpu.vector_load %arg14[%get3A_145, %get3A_146] {strides = array<i32>} : memref<3x16xf32, #tpu.memory_space<vmem>>, vector<16xf32>,
      %mul3A_148 = arith.mulf %get3A_135, %get3A_147 : vector<16xf32>
      %add3A_149 = arith.addf %add3A_143, %mul3A_148 : vector<16xf32>
      %mul3A_150 = arith.constant 2.000000e-01 : f32
      %mul3A_151 = vector.broadcast %mul3A_150 : f32 to vector<16xf32>
      %mul3A_152 = arith.mulf %mul3A_151, %add3A_149 : vector<16xf32>
      %max3A_153 = arith.maximumf %add3A_149, %mul3A_152 : vector<16xf32>
      %exp3A_154 = math.exp %max3A_153 : vector<16xf32>
      %broadcast_in_dim3A_155 = arith.constant 96 : i32
      %broadcast_in_dim3A_156 = vector.broadcast %broadcast_in_dim3A_155 : i32 to vector<16xi32>
      tpu.vector_store_idx %arg22[%add3A_138, %broadcast_in_dim3A_156], %exp3A_154 : memref<80x104xf32, #tpu.memory_space<vmem>>[vector<16xi32>, vector<16xi32>], vector<16xf32>,
      %broadcast_in_dim3A_157 = arith.constant 1 : i32
      %broadcast_in_dim3A_158 = vector.broadcast %broadcast_in_dim3A_157 : i32 to vector<16xi32>
      %gather3A_159 = tpu.vector_load_idx %arg19[%add3A_138, %broadcast_in_dim3A_158] : memref<80x8xf32, #tpu.memory_space<vmem>>[vector<16xi32>, vector<16xi32>], vector<16xf32>,
      %gather3A_160 = tpu.vector_load_idx %arg20[%add3A_138, %broadcast_in_dim3A_158] : memref<80x8xf32, #tpu.memory_space<vmem>>[vector<16xi32>, vector<16xi32>], vector<16xf32>,
      %add3A_161 = arith.addf %gather3A_159, %gather3A_160 : vector<16xf32>
      %get3A_162 = arith.constant 1 : i32
      %get3A_163 = arith.index_cast %get3A_162 : i32 to index
      %get3A_164 = arith.constant 0 : index
      %get3A_165 = tpu.vector_load %arg14[%get3A_163, %get3A_164] {strides = array<i32>} : memref<3x16xf32, #tpu.memory_space<vmem>>, vector<16xf32>,
      %mul3A_166 = arith.mulf %get3A_135, %get3A_165 : vector<16xf32>
      %add3A_167 = arith.addf %add3A_161, %mul3A_166 : vector<16xf32>
      %mul3A_168 = arith.constant 2.000000e-01 : f32
      %mul3A_169 = vector.broadcast %mul3A_168 : f32 to vector<16xf32>
      %mul3A_170 = arith.mulf %mul3A_169, %add3A_167 : vector<16xf32>
      %max3A_171 = arith.maximumf %add3A_167, %mul3A_170 : vector<16xf32>
      %exp3A_172 = math.exp %max3A_171 : vector<16xf32>
      %broadcast_in_dim3A_173 = arith.constant 97 : i32
      %broadcast_in_dim3A_174 = vector.broadcast %broadcast_in_dim3A_173 : i32 to vector<16xi32>
      tpu.vector_store_idx %arg22[%add3A_138, %broadcast_in_dim3A_174], %exp3A_172 : memref<80x104xf32, #tpu.memory_space<vmem>>[vector<16xi32>, vector<16xi32>], vector<16xf32>,
      %broadcast_in_dim3A_175 = arith.constant 2 : i32
      %broadcast_in_dim3A_176 = vector.broadcast %broadcast_in_dim3A_175 : i32 to vector<16xi32>
      %gather3A_177 = tpu.vector_load_idx %arg19[%add3A_138, %broadcast_in_dim3A_176] : memref<80x8xf32, #tpu.memory_space<vmem>>[vector<16xi32>, vector<16xi32>], vector<16xf32>,
      %gather3A_178 = tpu.vector_load_idx %arg20[%add3A_138, %broadcast_in_dim3A_176] : memref<80x8xf32, #tpu.memory_space<vmem>>[vector<16xi32>, vector<16xi32>], vector<16xf32>,
      %add3A_179 = arith.addf %gather3A_177, %gather3A_178 : vector<16xf32>
      %get3A_180 = arith.constant 2 : i32
      %get3A_181 = arith.index_cast %get3A_180 : i32 to index
      %get3A_182 = arith.constant 0 : index
      %get3A_183 = tpu.vector_load %arg14[%get3A_181, %get3A_182] {strides = array<i32>} : memref<3x16xf32, #tpu.memory_space<vmem>>, vector<16xf32>,
      %mul3A_184 = arith.mulf %get3A_135, %get3A_183 : vector<16xf32>
      %add3A_185 = arith.addf %add3A_179, %mul3A_184 : vector<16xf32>
      %mul3A_186 = arith.constant 2.000000e-01 : f32
      %mul3A_187 = vector.broadcast %mul3A_186 : f32 to vector<16xf32>
      %mul3A_188 = arith.mulf %mul3A_187, %add3A_185 : vector<16xf32>
      %max3A_189 = arith.maximumf %add3A_185, %mul3A_188 : vector<16xf32>
      %exp3A_190 = math.exp %max3A_189 : vector<16xf32>
      %broadcast_in_dim3A_191 = arith.constant 98 : i32
      %broadcast_in_dim3A_192 = vector.broadcast %broadcast_in_dim3A_191 : i32 to vector<16xi32>
      tpu.vector_store_idx %arg22[%add3A_138, %broadcast_in_dim3A_192], %exp3A_190 : memref<80x104xf32, #tpu.memory_space<vmem>>[vector<16xi32>, vector<16xi32>], vector<16xf32>,
      %get3A_193 = arith.constant 32 : index
      %get3A_194 = tpu.vector_load %arg18[%get3A_193] {strides = array<i32>} : memref<80xf32, #tpu.memory_space<vmem>>, vector<16xf32>,
      %add3A_195 = arith.constant 32 : i32
      %add3A_196 = vector.broadcast %add3A_195 : i32 to vector<16xi32>
      %add3A_197 = arith.addi %add3A_196, %iota3A : vector<16xi32>
      %broadcast_in_dim3A_198 = arith.constant 0 : i32
      %broadcast_in_dim3A_199 = vector.broadcast %broadcast_in_dim3A_198 : i32 to vector<16xi32>
      %gather3A_200 = tpu.vector_load_idx %arg19[%add3A_197, %broadcast_in_dim3A_199] : memref<80x8xf32, #tpu.memory_space<vmem>>[vector<16xi32>, vector<16xi32>], vector<16xf32>,
      %gather3A_201 = tpu.vector_load_idx %arg20[%add3A_197, %broadcast_in_dim3A_199] : memref<80x8xf32, #tpu.memory_space<vmem>>[vector<16xi32>, vector<16xi32>], vector<16xf32>,
      %add3A_202 = arith.addf %gather3A_200, %gather3A_201 : vector<16xf32>
      %get3A_203 = arith.constant 0 : i32
      %get3A_204 = arith.index_cast %get3A_203 : i32 to index
      %get3A_205 = arith.constant 0 : index
      %get3A_206 = tpu.vector_load %arg14[%get3A_204, %get3A_205] {strides = array<i32>} : memref<3x16xf32, #tpu.memory_space<vmem>>, vector<16xf32>,
      %mul3A_207 = arith.mulf %get3A_194, %get3A_206 : vector<16xf32>
      %add3A_208 = arith.addf %add3A_202, %mul3A_207 : vector<16xf32>
      %mul3A_209 = arith.constant 2.000000e-01 : f32
      %mul3A_210 = vector.broadcast %mul3A_209 : f32 to vector<16xf32>
      %mul3A_211 = arith.mulf %mul3A_210, %add3A_208 : vector<16xf32>
      %max3A_212 = arith.maximumf %add3A_208, %mul3A_211 : vector<16xf32>
      %exp3A_213 = math.exp %max3A_212 : vector<16xf32>
      %broadcast_in_dim3A_214 = arith.constant 96 : i32
      %broadcast_in_dim3A_215 = vector.broadcast %broadcast_in_dim3A_214 : i32 to vector<16xi32>
      tpu.vector_store_idx %arg22[%add3A_197, %broadcast_in_dim3A_215], %exp3A_213 : memref<80x104xf32, #tpu.memory_space<vmem>>[vector<16xi32>, vector<16xi32>], vector<16xf32>,
      %broadcast_in_dim3A_216 = arith.constant 1 : i32
      %broadcast_in_dim3A_217 = vector.broadcast %broadcast_in_dim3A_216 : i32 to vector<16xi32>
      %gather3A_218 = tpu.vector_load_idx %arg19[%add3A_197, %broadcast_in_dim3A_217] : memref<80x8xf32, #tpu.memory_space<vmem>>[vector<16xi32>, vector<16xi32>], vector<16xf32>,
      %gather3A_219 = tpu.vector_load_idx %arg20[%add3A_197, %broadcast_in_dim3A_217] : memref<80x8xf32, #tpu.memory_space<vmem>>[vector<16xi32>, vector<16xi32>], vector<16xf32>,
      %add3A_220 = arith.addf %gather3A_218, %gather3A_219 : vector<16xf32>
      %get3A_221 = arith.constant 1 : i32
      %get3A_222 = arith.index_cast %get3A_221 : i32 to index
      %get3A_223 = arith.constant 0 : index
      %get3A_224 = tpu.vector_load %arg14[%get3A_222, %get3A_223] {strides = array<i32>} : memref<3x16xf32, #tpu.memory_space<vmem>>, vector<16xf32>,
      %mul3A_225 = arith.mulf %get3A_194, %get3A_224 : vector<16xf32>
      %add3A_226 = arith.addf %add3A_220, %mul3A_225 : vector<16xf32>
      %mul3A_227 = arith.constant 2.000000e-01 : f32
      %mul3A_228 = vector.broadcast %mul3A_227 : f32 to vector<16xf32>
      %mul3A_229 = arith.mulf %mul3A_228, %add3A_226 : vector<16xf32>
      %max3A_230 = arith.maximumf %add3A_226, %mul3A_229 : vector<16xf32>
      %exp3A_231 = math.exp %max3A_230 : vector<16xf32>
      %broadcast_in_dim3A_232 = arith.constant 97 : i32
      %broadcast_in_dim3A_233 = vector.broadcast %broadcast_in_dim3A_232 : i32 to vector<16xi32>
      tpu.vector_store_idx %arg22[%add3A_197, %broadcast_in_dim3A_233], %exp3A_231 : memref<80x104xf32, #tpu.memory_space<vmem>>[vector<16xi32>, vector<16xi32>], vector<16xf32>,
      %broadcast_in_dim3A_234 = arith.constant 2 : i32
      %broadcast_in_dim3A_235 = vector.broadcast %broadcast_in_dim3A_234 : i32 to vector<16xi32>
      %gather3A_236 = tpu.vector_load_idx %arg19[%add3A_197, %broadcast_in_dim3A_235] : memref<80x8xf32, #tpu.memory_space<vmem>>[vector<16xi32>, vector<16xi32>], vector<16xf32>,
      %gather3A_237 = tpu.vector_load_idx %arg20[%add3A_197, %broadcast_in_dim3A_235] : memref<80x8xf32, #tpu.memory_space<vmem>>[vector<16xi32>, vector<16xi32>], vector<16xf32>,
      %add3A_238 = arith.addf %gather3A_236, %gather3A_237 : vector<16xf32>
      %get3A_239 = arith.constant 2 : i32
      %get3A_240 = arith.index_cast %get3A_239 : i32 to index
      %get3A_241 = arith.constant 0 : index
      %get3A_242 = tpu.vector_load %arg14[%get3A_240, %get3A_241] {strides = array<i32>} : memref<3x16xf32, #tpu.memory_space<vmem>>, vector<16xf32>,
      %mul3A_243 = arith.mulf %get3A_194, %get3A_242 : vector<16xf32>
      %add3A_244 = arith.addf %add3A_238, %mul3A_243 : vector<16xf32>
      %mul3A_245 = arith.constant 2.000000e-01 : f32
      %mul3A_246 = vector.broadcast %mul3A_245 : f32 to vector<16xf32>
      %mul3A_247 = arith.mulf %mul3A_246, %add3A_244 : vector<16xf32>
      %max3A_248 = arith.maximumf %add3A_244, %mul3A_247 : vector<16xf32>
      %exp3A_249 = math.exp %max3A_248 : vector<16xf32>
      %broadcast_in_dim3A_250 = arith.constant 98 : i32
      %broadcast_in_dim3A_251 = vector.broadcast %broadcast_in_dim3A_250 : i32 to vector<16xi32>
      tpu.vector_store_idx %arg22[%add3A_197, %broadcast_in_dim3A_251], %exp3A_249 : memref<80x104xf32, #tpu.memory_space<vmem>>[vector<16xi32>, vector<16xi32>], vector<16xf32>,
      %get3A_252 = arith.constant 48 : index
      %get3A_253 = tpu.vector_load %arg18[%get3A_252] {strides = array<i32>} : memref<80xf32, #tpu.memory_space<vmem>>, vector<16xf32>,
      %add3A_254 = arith.constant 48 : i32
      %add3A_255 = vector.broadcast %add3A_254 : i32 to vector<16xi32>
      %add3A_256 = arith.addi %add3A_255, %iota3A : vector<16xi32>
      %broadcast_in_dim3A_257 = arith.constant 0 : i32
      %broadcast_in_dim3A_258 = vector.broadcast %broadcast_in_dim3A_257 : i32 to vector<16xi32>
      %gather3A_259 = tpu.vector_load_idx %arg19[%add3A_256, %broadcast_in_dim3A_258] : memref<80x8xf32, #tpu.memory_space<vmem>>[vector<16xi32>, vector<16xi32>], vector<16xf32>,
      %gather3A_260 = tpu.vector_load_idx %arg20[%add3A_256, %broadcast_in_dim3A_258] : memref<80x8xf32, #tpu.memory_space<vmem>>[vector<16xi32>, vector<16xi32>], vector<16xf32>,
      %add3A_261 = arith.addf %gather3A_259, %gather3A_260 : vector<16xf32>
      %get3A_262 = arith.constant 0 : i32
      %get3A_263 = arith.index_cast %get3A_262 : i32 to index
      %get3A_264 = arith.constant 0 : index
      %get3A_265 = tpu.vector_load %arg14[%get3A_263, %get3A_264] {strides = array<i32>} : memref<3x16xf32, #tpu.memory_space<vmem>>, vector<16xf32>,
      %mul3A_266 = arith.mulf %get3A_253, %get3A_265 : vector<16xf32>
      %add3A_267 = arith.addf %add3A_261, %mul3A_266 : vector<16xf32>
      %mul3A_268 = arith.constant 2.000000e-01 : f32
      %mul3A_269 = vector.broadcast %mul3A_268 : f32 to vector<16xf32>
      %mul3A_270 = arith.mulf %mul3A_269, %add3A_267 : vector<16xf32>
      %max3A_271 = arith.maximumf %add3A_267, %mul3A_270 : vector<16xf32>
      %exp3A_272 = math.exp %max3A_271 : vector<16xf32>
      %broadcast_in_dim3A_273 = arith.constant 96 : i32
      %broadcast_in_dim3A_274 = vector.broadcast %broadcast_in_dim3A_273 : i32 to vector<16xi32>
      tpu.vector_store_idx %arg22[%add3A_256, %broadcast_in_dim3A_274], %exp3A_272 : memref<80x104xf32, #tpu.memory_space<vmem>>[vector<16xi32>, vector<16xi32>], vector<16xf32>,
      %broadcast_in_dim3A_275 = arith.constant 1 : i32
      %broadcast_in_dim3A_276 = vector.broadcast %broadcast_in_dim3A_275 : i32 to vector<16xi32>
      %gather3A_277 = tpu.vector_load_idx %arg19[%add3A_256, %broadcast_in_dim3A_276] : memref<80x8xf32, #tpu.memory_space<vmem>>[vector<16xi32>, vector<16xi32>], vector<16xf32>,
      %gather3A_278 = tpu.vector_load_idx %arg20[%add3A_256, %broadcast_in_dim3A_276] : memref<80x8xf32, #tpu.memory_space<vmem>>[vector<16xi32>, vector<16xi32>], vector<16xf32>,
      %add3A_279 = arith.addf %gather3A_277, %gather3A_278 : vector<16xf32>
      %get3A_280 = arith.constant 1 : i32
      %get3A_281 = arith.index_cast %get3A_280 : i32 to index
      %get3A_282 = arith.constant 0 : index
      %get3A_283 = tpu.vector_load %arg14[%get3A_281, %get3A_282] {strides = array<i32>} : memref<3x16xf32, #tpu.memory_space<vmem>>, vector<16xf32>,
      %mul3A_284 = arith.mulf %get3A_253, %get3A_283 : vector<16xf32>
      %add3A_285 = arith.addf %add3A_279, %mul3A_284 : vector<16xf32>
      %mul3A_286 = arith.constant 2.000000e-01 : f32
      %mul3A_287 = vector.broadcast %mul3A_286 : f32 to vector<16xf32>
      %mul3A_288 = arith.mulf %mul3A_287, %add3A_285 : vector<16xf32>
      %max3A_289 = arith.maximumf %add3A_285, %mul3A_288 : vector<16xf32>
      %exp3A_290 = math.exp %max3A_289 : vector<16xf32>
      %broadcast_in_dim3A_291 = arith.constant 97 : i32
      %broadcast_in_dim3A_292 = vector.broadcast %broadcast_in_dim3A_291 : i32 to vector<16xi32>
      tpu.vector_store_idx %arg22[%add3A_256, %broadcast_in_dim3A_292], %exp3A_290 : memref<80x104xf32, #tpu.memory_space<vmem>>[vector<16xi32>, vector<16xi32>], vector<16xf32>,
      %broadcast_in_dim3A_293 = arith.constant 2 : i32
      %broadcast_in_dim3A_294 = vector.broadcast %broadcast_in_dim3A_293 : i32 to vector<16xi32>
      %gather3A_295 = tpu.vector_load_idx %arg19[%add3A_256, %broadcast_in_dim3A_294] : memref<80x8xf32, #tpu.memory_space<vmem>>[vector<16xi32>, vector<16xi32>], vector<16xf32>,
      %gather3A_296 = tpu.vector_load_idx %arg20[%add3A_256, %broadcast_in_dim3A_294] : memref<80x8xf32, #tpu.memory_space<vmem>>[vector<16xi32>, vector<16xi32>], vector<16xf32>,
      %add3A_297 = arith.addf %gather3A_295, %gather3A_296 : vector<16xf32>
      %get3A_298 = arith.constant 2 : i32
      %get3A_299 = arith.index_cast %get3A_298 : i32 to index
      %get3A_300 = arith.constant 0 : index
      %get3A_301 = tpu.vector_load %arg14[%get3A_299, %get3A_300] {strides = array<i32>} : memref<3x16xf32, #tpu.memory_space<vmem>>, vector<16xf32>,
      %mul3A_302 = arith.mulf %get3A_253, %get3A_301 : vector<16xf32>
      %add3A_303 = arith.addf %add3A_297, %mul3A_302 : vector<16xf32>
      %mul3A_304 = arith.constant 2.000000e-01 : f32
      %mul3A_305 = vector.broadcast %mul3A_304 : f32 to vector<16xf32>
      %mul3A_306 = arith.mulf %mul3A_305, %add3A_303 : vector<16xf32>
      %max3A_307 = arith.maximumf %add3A_303, %mul3A_306 : vector<16xf32>
      %exp3A_308 = math.exp %max3A_307 : vector<16xf32>
      %broadcast_in_dim3A_309 = arith.constant 98 : i32
      %broadcast_in_dim3A_310 = vector.broadcast %broadcast_in_dim3A_309 : i32 to vector<16xi32>
      tpu.vector_store_idx %arg22[%add3A_256, %broadcast_in_dim3A_310], %exp3A_308 : memref<80x104xf32, #tpu.memory_space<vmem>>[vector<16xi32>, vector<16xi32>], vector<16xf32>,
      %get3A_311 = arith.constant 64 : index
      %get3A_312 = tpu.vector_load %arg18[%get3A_311] {strides = array<i32>} : memref<80xf32, #tpu.memory_space<vmem>>, vector<16xf32>,
      %add3A_313 = arith.constant 64 : i32
      %add3A_314 = vector.broadcast %add3A_313 : i32 to vector<16xi32>
      %add3A_315 = arith.addi %add3A_314, %iota3A : vector<16xi32>
      %broadcast_in_dim3A_316 = arith.constant 0 : i32
      %broadcast_in_dim3A_317 = vector.broadcast %broadcast_in_dim3A_316 : i32 to vector<16xi32>
      %gather3A_318 = tpu.vector_load_idx %arg19[%add3A_315, %broadcast_in_dim3A_317] : memref<80x8xf32, #tpu.memory_space<vmem>>[vector<16xi32>, vector<16xi32>], vector<16xf32>,
      %gather3A_319 = tpu.vector_load_idx %arg20[%add3A_315, %broadcast_in_dim3A_317] : memref<80x8xf32, #tpu.memory_space<vmem>>[vector<16xi32>, vector<16xi32>], vector<16xf32>,
      %add3A_320 = arith.addf %gather3A_318, %gather3A_319 : vector<16xf32>
      %get3A_321 = arith.constant 0 : i32
      %get3A_322 = arith.index_cast %get3A_321 : i32 to index
      %get3A_323 = arith.constant 0 : index
      %get3A_324 = tpu.vector_load %arg14[%get3A_322, %get3A_323] {strides = array<i32>} : memref<3x16xf32, #tpu.memory_space<vmem>>, vector<16xf32>,
      %mul3A_325 = arith.mulf %get3A_312, %get3A_324 : vector<16xf32>
      %add3A_326 = arith.addf %add3A_320, %mul3A_325 : vector<16xf32>
      %mul3A_327 = arith.constant 2.000000e-01 : f32
      %mul3A_328 = vector.broadcast %mul3A_327 : f32 to vector<16xf32>
      %mul3A_329 = arith.mulf %mul3A_328, %add3A_326 : vector<16xf32>
      %max3A_330 = arith.maximumf %add3A_326, %mul3A_329 : vector<16xf32>
      %exp3A_331 = math.exp %max3A_330 : vector<16xf32>
      %broadcast_in_dim3A_332 = arith.constant 96 : i32
      %broadcast_in_dim3A_333 = vector.broadcast %broadcast_in_dim3A_332 : i32 to vector<16xi32>
      tpu.vector_store_idx %arg22[%add3A_315, %broadcast_in_dim3A_333], %exp3A_331 : memref<80x104xf32, #tpu.memory_space<vmem>>[vector<16xi32>, vector<16xi32>], vector<16xf32>,
      %broadcast_in_dim3A_334 = arith.constant 1 : i32
      %broadcast_in_dim3A_335 = vector.broadcast %broadcast_in_dim3A_334 : i32 to vector<16xi32>
      %gather3A_336 = tpu.vector_load_idx %arg19[%add3A_315, %broadcast_in_dim3A_335] : memref<80x8xf32, #tpu.memory_space<vmem>>[vector<16xi32>, vector<16xi32>], vector<16xf32>,
      %gather3A_337 = tpu.vector_load_idx %arg20[%add3A_315, %broadcast_in_dim3A_335] : memref<80x8xf32, #tpu.memory_space<vmem>>[vector<16xi32>, vector<16xi32>], vector<16xf32>,
      %add3A_338 = arith.addf %gather3A_336, %gather3A_337 : vector<16xf32>
      %get3A_339 = arith.constant 1 : i32
      %get3A_340 = arith.index_cast %get3A_339 : i32 to index
      %get3A_341 = arith.constant 0 : index
      %get3A_342 = tpu.vector_load %arg14[%get3A_340, %get3A_341] {strides = array<i32>} : memref<3x16xf32, #tpu.memory_space<vmem>>, vector<16xf32>,
      %mul3A_343 = arith.mulf %get3A_312, %get3A_342 : vector<16xf32>
      %add3A_344 = arith.addf %add3A_338, %mul3A_343 : vector<16xf32>
      %mul3A_345 = arith.constant 2.000000e-01 : f32
      %mul3A_346 = vector.broadcast %mul3A_345 : f32 to vector<16xf32>
      %mul3A_347 = arith.mulf %mul3A_346, %add3A_344 : vector<16xf32>
      %max3A_348 = arith.maximumf %add3A_344, %mul3A_347 : vector<16xf32>
      %exp3A_349 = math.exp %max3A_348 : vector<16xf32>
      %broadcast_in_dim3A_350 = arith.constant 97 : i32
      %broadcast_in_dim3A_351 = vector.broadcast %broadcast_in_dim3A_350 : i32 to vector<16xi32>
      tpu.vector_store_idx %arg22[%add3A_315, %broadcast_in_dim3A_351], %exp3A_349 : memref<80x104xf32, #tpu.memory_space<vmem>>[vector<16xi32>, vector<16xi32>], vector<16xf32>,
      %broadcast_in_dim3A_352 = arith.constant 2 : i32
      %broadcast_in_dim3A_353 = vector.broadcast %broadcast_in_dim3A_352 : i32 to vector<16xi32>
      %gather3A_354 = tpu.vector_load_idx %arg19[%add3A_315, %broadcast_in_dim3A_353] : memref<80x8xf32, #tpu.memory_space<vmem>>[vector<16xi32>, vector<16xi32>], vector<16xf32>,
      %gather3A_355 = tpu.vector_load_idx %arg20[%add3A_315, %broadcast_in_dim3A_353] : memref<80x8xf32, #tpu.memory_space<vmem>>[vector<16xi32>, vector<16xi32>], vector<16xf32>,
      %add3A_356 = arith.addf %gather3A_354, %gather3A_355 : vector<16xf32>
      %get3A_357 = arith.constant 2 : i32
      %get3A_358 = arith.index_cast %get3A_357 : i32 to index
      %get3A_359 = arith.constant 0 : index
      %get3A_360 = tpu.vector_load %arg14[%get3A_358, %get3A_359] {strides = array<i32>} : memref<3x16xf32, #tpu.memory_space<vmem>>, vector<16xf32>,
      %mul3A_361 = arith.mulf %get3A_312, %get3A_360 : vector<16xf32>
      %add3A_362 = arith.addf %add3A_356, %mul3A_361 : vector<16xf32>
      %mul3A_363 = arith.constant 2.000000e-01 : f32
      %mul3A_364 = vector.broadcast %mul3A_363 : f32 to vector<16xf32>
      %mul3A_365 = arith.mulf %mul3A_364, %add3A_362 : vector<16xf32>
      %max3A_366 = arith.maximumf %add3A_362, %mul3A_365 : vector<16xf32>
      %exp3A_367 = math.exp %max3A_366 : vector<16xf32>
      %broadcast_in_dim3A_368 = arith.constant 98 : i32
      %broadcast_in_dim3A_369 = vector.broadcast %broadcast_in_dim3A_368 : i32 to vector<16xi32>
      tpu.vector_store_idx %arg22[%add3A_315, %broadcast_in_dim3A_369], %exp3A_367 : memref<80x104xf32, #tpu.memory_space<vmem>>[vector<16xi32>, vector<16xi32>], vector<16xf32>,
      %dma_wait3A_370 = arith.constant 0 : i32
      %dma_wait3A_371 = arith.constant 0 : i32
      %dma_wait3A_372 = tpu.memref_slice %arg2[%dma_wait3A_370, %dma_wait3A_371] : memref<20000x96xf32, #tpu.memory_space<hbm>> -> memref<20000x96xf32, #tpu.memory_space<hbm>>
      tpu.wait_indirect_dma semaphore(%arg23 : memref<!tpu.dma_semaphore, #tpu.memory_space<semaphore_mem>>) src(%dma_wait3A_372 : memref<20000x96xf32, #tpu.memory_space<hbm>>) dst(%arg21 : memref<80x96xf32, #tpu.memory_space<vmem>>)
      %scan3A_373 = arith.constant 0 : i32
      %scan3A_374 = arith.constant 0 : i32
      %scan3A_375 = arith.constant 20 : i32
      %scan3A_376 = arith.addi %scan3A_374, %scan3A_375 : i32
      %scan3A_377 = arith.constant 1 : i32
      scf.for %scan3A_379 = %scan3A_374 to %scan3A_376 step %scan3A_377  : i32 {
        %mul3A_380 = arith.constant 4 : i32
        %mul3A_381 = arith.muli %scan3A_379, %mul3A_380 : i32
        %add3A_382 = arith.constant 0 : i32
        %add3A_383 = arith.addi %mul3A_381, %add3A_382 : i32
        %broadcast_in_dim3A_384 = vector.broadcast %add3A_383 : i32 to vector<16xi32>
        %mul3A_385 = arith.constant 96 : i32
        %mul3A_386 = arith.muli %arg0, %mul3A_385 : i32
        %add3A_387 = arith.constant 0 : i32
        %add3A_388 = arith.addi %mul3A_386, %add3A_387 : i32
        %jit3A = arith.constant 64 : i32
        %div3A = arith.divsi %add3A_388, %jit3A : i32
        %sign3A = arith.constant 0 : i32
        %sign3A_389 = arith.cmpi sgt, %add3A_388, %sign3A : i32
        %sign3A_390 = arith.extui %sign3A_389 : i1 to i32
        %sign3A_391 = arith.constant 0 : i32
        %sign3A_392 = arith.cmpi slt, %add3A_388, %sign3A_391 : i32
        %sign3A_393 = arith.extui %sign3A_392 : i1 to i32
        %sign3A_394 = arith.subi %sign3A_390, %sign3A_393 : i32
        %sign3A_395 = arith.constant 0 : i32
        %sign3A_396 = arith.cmpi sgt, %jit3A, %sign3A_395 : i32
        %sign3A_397 = arith.extui %sign3A_396 : i1 to i32
        %sign3A_398 = arith.constant 0 : i32
        %sign3A_399 = arith.cmpi slt, %jit3A, %sign3A_398 : i32
        %sign3A_400 = arith.extui %sign3A_399 : i1 to i32
        %sign3A_401 = arith.subi %sign3A_397, %sign3A_400 : i32
        %ne3A = arith.cmpi ne, %sign3A_394, %sign3A_401 : i32
        %rem3A = arith.remsi %add3A_388, %jit3A : i32
        %ne3A_402 = arith.constant 0 : i32
        %ne3A_403 = arith.cmpi ne, %rem3A, %ne3A_402 : i32
        %and3A = arith.andi %ne3A, %ne3A_403 : i1
        %sub3A = arith.constant 1 : i32
        %sub3A_404 = arith.subi %div3A, %sub3A : i32
        %select_n3A = arith.select %and3A, %sub3A_404, %div3A : i32
        %add3A_405 = arith.constant 96 : i32
        %add3A_406 = arith.addi %add3A_405, %select_n3A : i32
        %broadcast_in_dim3A_407 = vector.broadcast %add3A_406 : i32 to vector<16xi32>
        %gather3A_408 = tpu.vector_load_idx %arg22[%broadcast_in_dim3A_384, %broadcast_in_dim3A_407] : memref<80x104xf32, #tpu.memory_space<vmem>>[vector<16xi32>, vector<16xi32>], vector<16xf32>,
        %get3A_409 = arith.index_cast %add3A_383 : i32 to index
        %get3A_410 = arith.constant 0 : index
        %get3A_411 = tpu.vector_load %arg21[%get3A_409, %get3A_410] {strides = array<i32>} : memref<80x96xf32, #tpu.memory_space<vmem>>, vector<16xf32>,
        %mul3A_412 = arith.mulf %get3A_411, %gather3A_408 : vector<16xf32>
        %swap3A_413 = arith.index_cast %add3A_383 : i32 to index
        %swap3A_414 = arith.constant 0 : index
        %swap3A_415 = tpu.vector_load %arg22[%swap3A_413, %swap3A_414] {strides = array<i32>} : memref<80x104xf32, #tpu.memory_space<vmem>>, vector<16xf32>,
        tpu.vector_store %arg22[%swap3A_413, %swap3A_414], %mul3A_412 {strides = array<i32>} : memref<80x104xf32, #tpu.memory_space<vmem>>, vector<16xf32>,
        %mul3A_416 = arith.constant 96 : i32
        %mul3A_417 = arith.muli %arg0, %mul3A_416 : i32
        %add3A_418 = arith.constant 16 : i32
        %add3A_419 = arith.addi %mul3A_417, %add3A_418 : i32
        %jit3A_420 = arith.constant 64 : i32
        %div3A_421 = arith.divsi %add3A_419, %jit3A_420 : i32
        %sign3A_422 = arith.constant 0 : i32
        %sign3A_423 = arith.cmpi sgt, %add3A_419, %sign3A_422 : i32
        %sign3A_424 = arith.extui %sign3A_423 : i1 to i32
        %sign3A_425 = arith.constant 0 : i32
        %sign3A_426 = arith.cmpi slt, %add3A_419, %sign3A_425 : i32
        %sign3A_427 = arith.extui %sign3A_426 : i1 to i32
        %sign3A_428 = arith.subi %sign3A_424, %sign3A_427 : i32
        %sign3A_429 = arith.constant 0 : i32
        %sign3A_430 = arith.cmpi sgt, %jit3A_420, %sign3A_429 : i32
        %sign3A_431 = arith.extui %sign3A_430 : i1 to i32
        %sign3A_432 = arith.constant 0 : i32
        %sign3A_433 = arith.cmpi slt, %jit3A_420, %sign3A_432 : i32
        %sign3A_434 = arith.extui %sign3A_433 : i1 to i32
        %sign3A_435 = arith.subi %sign3A_431, %sign3A_434 : i32
        %ne3A_436 = arith.cmpi ne, %sign3A_428, %sign3A_435 : i32
        %rem3A_437 = arith.remsi %add3A_419, %jit3A_420 : i32
        %ne3A_438 = arith.constant 0 : i32
        %ne3A_439 = arith.cmpi ne, %rem3A_437, %ne3A_438 : i32
        %and3A_440 = arith.andi %ne3A_436, %ne3A_439 : i1
        %sub3A_441 = arith.constant 1 : i32
        %sub3A_442 = arith.subi %div3A_421, %sub3A_441 : i32
        %select_n3A_443 = arith.select %and3A_440, %sub3A_442, %div3A_421 : i32
        %add3A_444 = arith.constant 96 : i32
        %add3A_445 = arith.addi %add3A_444, %select_n3A_443 : i32
        %broadcast_in_dim3A_446 = vector.broadcast %add3A_445 : i32 to vector<16xi32>
        %gather3A_447 = tpu.vector_load_idx %arg22[%broadcast_in_dim3A_384, %broadcast_in_dim3A_446] : memref<80x104xf32, #tpu.memory_space<vmem>>[vector<16xi32>, vector<16xi32>], vector<16xf32>,
        %get3A_448 = arith.index_cast %add3A_383 : i32 to index
        %get3A_449 = arith.constant 16 : index
        %get3A_450 = tpu.vector_load %arg21[%get3A_448, %get3A_449] {strides = array<i32>} : memref<80x96xf32, #tpu.memory_space<vmem>>, vector<16xf32>,
        %mul3A_451 = arith.mulf %get3A_450, %gather3A_447 : vector<16xf32>
        %swap3A_452 = arith.index_cast %add3A_383 : i32 to index
        %swap3A_453 = arith.constant 16 : index
        %swap3A_454 = tpu.vector_load %arg22[%swap3A_452, %swap3A_453] {strides = array<i32>} : memref<80x104xf32, #tpu.memory_space<vmem>>, vector<16xf32>,
        tpu.vector_store %arg22[%swap3A_452, %swap3A_453], %mul3A_451 {strides = array<i32>} : memref<80x104xf32, #tpu.memory_space<vmem>>, vector<16xf32>,
        %mul3A_455 = arith.constant 96 : i32
        %mul3A_456 = arith.muli %arg0, %mul3A_455 : i32
        %add3A_457 = arith.constant 32 : i32
        %add3A_458 = arith.addi %mul3A_456, %add3A_457 : i32
        %jit3A_459 = arith.constant 64 : i32
        %div3A_460 = arith.divsi %add3A_458, %jit3A_459 : i32
        %sign3A_461 = arith.constant 0 : i32
        %sign3A_462 = arith.cmpi sgt, %add3A_458, %sign3A_461 : i32
        %sign3A_463 = arith.extui %sign3A_462 : i1 to i32
        %sign3A_464 = arith.constant 0 : i32
        %sign3A_465 = arith.cmpi slt, %add3A_458, %sign3A_464 : i32
        %sign3A_466 = arith.extui %sign3A_465 : i1 to i32
        %sign3A_467 = arith.subi %sign3A_463, %sign3A_466 : i32
        %sign3A_468 = arith.constant 0 : i32
        %sign3A_469 = arith.cmpi sgt, %jit3A_459, %sign3A_468 : i32
        %sign3A_470 = arith.extui %sign3A_469 : i1 to i32
        %sign3A_471 = arith.constant 0 : i32
        %sign3A_472 = arith.cmpi slt, %jit3A_459, %sign3A_471 : i32
        %sign3A_473 = arith.extui %sign3A_472 : i1 to i32
        %sign3A_474 = arith.subi %sign3A_470, %sign3A_473 : i32
        %ne3A_475 = arith.cmpi ne, %sign3A_467, %sign3A_474 : i32
        %rem3A_476 = arith.remsi %add3A_458, %jit3A_459 : i32
        %ne3A_477 = arith.constant 0 : i32
        %ne3A_478 = arith.cmpi ne, %rem3A_476, %ne3A_477 : i32
        %and3A_479 = arith.andi %ne3A_475, %ne3A_478 : i1
        %sub3A_480 = arith.constant 1 : i32
        %sub3A_481 = arith.subi %div3A_460, %sub3A_480 : i32
        %select_n3A_482 = arith.select %and3A_479, %sub3A_481, %div3A_460 : i32
        %add3A_483 = arith.constant 96 : i32
        %add3A_484 = arith.addi %add3A_483, %select_n3A_482 : i32
        %broadcast_in_dim3A_485 = vector.broadcast %add3A_484 : i32 to vector<16xi32>
        %gather3A_486 = tpu.vector_load_idx %arg22[%broadcast_in_dim3A_384, %broadcast_in_dim3A_485] : memref<80x104xf32, #tpu.memory_space<vmem>>[vector<16xi32>, vector<16xi32>], vector<16xf32>,
        %get3A_487 = arith.index_cast %add3A_383 : i32 to index
        %get3A_488 = arith.constant 32 : index
        %get3A_489 = tpu.vector_load %arg21[%get3A_487, %get3A_488] {strides = array<i32>} : memref<80x96xf32, #tpu.memory_space<vmem>>, vector<16xf32>,
        %mul3A_490 = arith.mulf %get3A_489, %gather3A_486 : vector<16xf32>
        %swap3A_491 = arith.index_cast %add3A_383 : i32 to index
        %swap3A_492 = arith.constant 32 : index
        %swap3A_493 = tpu.vector_load %arg22[%swap3A_491, %swap3A_492] {strides = array<i32>} : memref<80x104xf32, #tpu.memory_space<vmem>>, vector<16xf32>,
        tpu.vector_store %arg22[%swap3A_491, %swap3A_492], %mul3A_490 {strides = array<i32>} : memref<80x104xf32, #tpu.memory_space<vmem>>, vector<16xf32>,
        %mul3A_494 = arith.constant 96 : i32
        %mul3A_495 = arith.muli %arg0, %mul3A_494 : i32
        %add3A_496 = arith.constant 48 : i32
        %add3A_497 = arith.addi %mul3A_495, %add3A_496 : i32
        %jit3A_498 = arith.constant 64 : i32
        %div3A_499 = arith.divsi %add3A_497, %jit3A_498 : i32
        %sign3A_500 = arith.constant 0 : i32
        %sign3A_501 = arith.cmpi sgt, %add3A_497, %sign3A_500 : i32
        %sign3A_502 = arith.extui %sign3A_501 : i1 to i32
        %sign3A_503 = arith.constant 0 : i32
        %sign3A_504 = arith.cmpi slt, %add3A_497, %sign3A_503 : i32
        %sign3A_505 = arith.extui %sign3A_504 : i1 to i32
        %sign3A_506 = arith.subi %sign3A_502, %sign3A_505 : i32
        %sign3A_507 = arith.constant 0 : i32
        %sign3A_508 = arith.cmpi sgt, %jit3A_498, %sign3A_507 : i32
        %sign3A_509 = arith.extui %sign3A_508 : i1 to i32
        %sign3A_510 = arith.constant 0 : i32
        %sign3A_511 = arith.cmpi slt, %jit3A_498, %sign3A_510 : i32
        %sign3A_512 = arith.extui %sign3A_511 : i1 to i32
        %sign3A_513 = arith.subi %sign3A_509, %sign3A_512 : i32
        %ne3A_514 = arith.cmpi ne, %sign3A_506, %sign3A_513 : i32
        %rem3A_515 = arith.remsi %add3A_497, %jit3A_498 : i32
        %ne3A_516 = arith.constant 0 : i32
        %ne3A_517 = arith.cmpi ne, %rem3A_515, %ne3A_516 : i32
        %and3A_518 = arith.andi %ne3A_514, %ne3A_517 : i1
        %sub3A_519 = arith.constant 1 : i32
        %sub3A_520 = arith.subi %div3A_499, %sub3A_519 : i32
        %select_n3A_521 = arith.select %and3A_518, %sub3A_520, %div3A_499 : i32
        %add3A_522 = arith.constant 96 : i32
        %add3A_523 = arith.addi %add3A_522, %select_n3A_521 : i32
        %broadcast_in_dim3A_524 = vector.broadcast %add3A_523 : i32 to vector<16xi32>
        %gather3A_525 = tpu.vector_load_idx %arg22[%broadcast_in_dim3A_384, %broadcast_in_dim3A_524] : memref<80x104xf32, #tpu.memory_space<vmem>>[vector<16xi32>, vector<16xi32>], vector<16xf32>,
        %get3A_526 = arith.index_cast %add3A_383 : i32 to index
        %get3A_527 = arith.constant 48 : index
        %get3A_528 = tpu.vector_load %arg21[%get3A_526, %get3A_527] {strides = array<i32>} : memref<80x96xf32, #tpu.memory_space<vmem>>, vector<16xf32>,
        %mul3A_529 = arith.mulf %get3A_528, %gather3A_525 : vector<16xf32>
        %swap3A_530 = arith.index_cast %add3A_383 : i32 to index
        %swap3A_531 = arith.constant 48 : index
        %swap3A_532 = tpu.vector_load %arg22[%swap3A_530, %swap3A_531] {strides = array<i32>} : memref<80x104xf32, #tpu.memory_space<vmem>>, vector<16xf32>,
        tpu.vector_store %arg22[%swap3A_530, %swap3A_531], %mul3A_529 {strides = array<i32>} : memref<80x104xf32, #tpu.memory_space<vmem>>, vector<16xf32>,
        %mul3A_533 = arith.constant 96 : i32
        %mul3A_534 = arith.muli %arg0, %mul3A_533 : i32
        %add3A_535 = arith.constant 64 : i32
        %add3A_536 = arith.addi %mul3A_534, %add3A_535 : i32
        %jit3A_537 = arith.constant 64 : i32
        %div3A_538 = arith.divsi %add3A_536, %jit3A_537 : i32
        %sign3A_539 = arith.constant 0 : i32
        %sign3A_540 = arith.cmpi sgt, %add3A_536, %sign3A_539 : i32
        %sign3A_541 = arith.extui %sign3A_540 : i1 to i32
        %sign3A_542 = arith.constant 0 : i32
        %sign3A_543 = arith.cmpi slt, %add3A_536, %sign3A_542 : i32
        %sign3A_544 = arith.extui %sign3A_543 : i1 to i32
        %sign3A_545 = arith.subi %sign3A_541, %sign3A_544 : i32
        %sign3A_546 = arith.constant 0 : i32
        %sign3A_547 = arith.cmpi sgt, %jit3A_537, %sign3A_546 : i32
        %sign3A_548 = arith.extui %sign3A_547 : i1 to i32
        %sign3A_549 = arith.constant 0 : i32
        %sign3A_550 = arith.cmpi slt, %jit3A_537, %sign3A_549 : i32
        %sign3A_551 = arith.extui %sign3A_550 : i1 to i32
        %sign3A_552 = arith.subi %sign3A_548, %sign3A_551 : i32
        %ne3A_553 = arith.cmpi ne, %sign3A_545, %sign3A_552 : i32
        %rem3A_554 = arith.remsi %add3A_536, %jit3A_537 : i32
        %ne3A_555 = arith.constant 0 : i32
        %ne3A_556 = arith.cmpi ne, %rem3A_554, %ne3A_555 : i32
        %and3A_557 = arith.andi %ne3A_553, %ne3A_556 : i1
        %sub3A_558 = arith.constant 1 : i32
        %sub3A_559 = arith.subi %div3A_538, %sub3A_558 : i32
        %select_n3A_560 = arith.select %and3A_557, %sub3A_559, %div3A_538 : i32
        %add3A_561 = arith.constant 96 : i32
        %add3A_562 = arith.addi %add3A_561, %select_n3A_560 : i32
        %broadcast_in_dim3A_563 = vector.broadcast %add3A_562 : i32 to vector<16xi32>
        %gather3A_564 = tpu.vector_load_idx %arg22[%broadcast_in_dim3A_384, %broadcast_in_dim3A_563] : memref<80x104xf32, #tpu.memory_space<vmem>>[vector<16xi32>, vector<16xi32>], vector<16xf32>,
        %get3A_565 = arith.index_cast %add3A_383 : i32 to index
        %get3A_566 = arith.constant 64 : index
        %get3A_567 = tpu.vector_load %arg21[%get3A_565, %get3A_566] {strides = array<i32>} : memref<80x96xf32, #tpu.memory_space<vmem>>, vector<16xf32>,
        %mul3A_568 = arith.mulf %get3A_567, %gather3A_564 : vector<16xf32>
        %swap3A_569 = arith.index_cast %add3A_383 : i32 to index
        %swap3A_570 = arith.constant 64 : index
        %swap3A_571 = tpu.vector_load %arg22[%swap3A_569, %swap3A_570] {strides = array<i32>} : memref<80x104xf32, #tpu.memory_space<vmem>>, vector<16xf32>,
        tpu.vector_store %arg22[%swap3A_569, %swap3A_570], %mul3A_568 {strides = array<i32>} : memref<80x104xf32, #tpu.memory_space<vmem>>, vector<16xf32>,
        %mul3A_572 = arith.constant 96 : i32
        %mul3A_573 = arith.muli %arg0, %mul3A_572 : i32
        %add3A_574 = arith.constant 80 : i32
        %add3A_575 = arith.addi %mul3A_573, %add3A_574 : i32
        %jit3A_576 = arith.constant 64 : i32
        %div3A_577 = arith.divsi %add3A_575, %jit3A_576 : i32
        %sign3A_578 = arith.constant 0 : i32
        %sign3A_579 = arith.cmpi sgt, %add3A_575, %sign3A_578 : i32
        %sign3A_580 = arith.extui %sign3A_579 : i1 to i32
        %sign3A_581 = arith.constant 0 : i32
        %sign3A_582 = arith.cmpi slt, %add3A_575, %sign3A_581 : i32
        %sign3A_583 = arith.extui %sign3A_582 : i1 to i32
        %sign3A_584 = arith.subi %sign3A_580, %sign3A_583 : i32
        %sign3A_585 = arith.constant 0 : i32
        %sign3A_586 = arith.cmpi sgt, %jit3A_576, %sign3A_585 : i32
        %sign3A_587 = arith.extui %sign3A_586 : i1 to i32
        %sign3A_588 = arith.constant 0 : i32
        %sign3A_589 = arith.cmpi slt, %jit3A_576, %sign3A_588 : i32
        %sign3A_590 = arith.extui %sign3A_589 : i1 to i32
        %sign3A_591 = arith.subi %sign3A_587, %sign3A_590 : i32
        %ne3A_592 = arith.cmpi ne, %sign3A_584, %sign3A_591 : i32
        %rem3A_593 = arith.remsi %add3A_575, %jit3A_576 : i32
        %ne3A_594 = arith.constant 0 : i32
        %ne3A_595 = arith.cmpi ne, %rem3A_593, %ne3A_594 : i32
        %and3A_596 = arith.andi %ne3A_592, %ne3A_595 : i1
        %sub3A_597 = arith.constant 1 : i32
        %sub3A_598 = arith.subi %div3A_577, %sub3A_597 : i32
        %select_n3A_599 = arith.select %and3A_596, %sub3A_598, %div3A_577 : i32
        %add3A_600 = arith.constant 96 : i32
        %add3A_601 = arith.addi %add3A_600, %select_n3A_599 : i32
        %broadcast_in_dim3A_602 = vector.broadcast %add3A_601 : i32 to vector<16xi32>
        %gather3A_603 = tpu.vector_load_idx %arg22[%broadcast_in_dim3A_384, %broadcast_in_dim3A_602] : memref<80x104xf32, #tpu.memory_space<vmem>>[vector<16xi32>, vector<16xi32>], vector<16xf32>,
        %get3A_604 = arith.index_cast %add3A_383 : i32 to index
        %get3A_605 = arith.constant 80 : index
        %get3A_606 = tpu.vector_load %arg21[%get3A_604, %get3A_605] {strides = array<i32>} : memref<80x96xf32, #tpu.memory_space<vmem>>, vector<16xf32>,
        %mul3A_607 = arith.mulf %get3A_606, %gather3A_603 : vector<16xf32>
        %swap3A_608 = arith.index_cast %add3A_383 : i32 to index
        %swap3A_609 = arith.constant 80 : index
        %swap3A_610 = tpu.vector_load %arg22[%swap3A_608, %swap3A_609] {strides = array<i32>} : memref<80x104xf32, #tpu.memory_space<vmem>>, vector<16xf32>,
        tpu.vector_store %arg22[%swap3A_608, %swap3A_609], %mul3A_607 {strides = array<i32>} : memref<80x104xf32, #tpu.memory_space<vmem>>, vector<16xf32>,
        %mul3A_611 = arith.constant 4 : i32
        %mul3A_612 = arith.muli %scan3A_379, %mul3A_611 : i32
        %add3A_613 = arith.constant 1 : i32
        %add3A_614 = arith.addi %mul3A_612, %add3A_613 : i32
        %broadcast_in_dim3A_615 = vector.broadcast %add3A_614 : i32 to vector<16xi32>
        %mul3A_616 = arith.constant 96 : i32
        %mul3A_617 = arith.muli %arg0, %mul3A_616 : i32
        %add3A_618 = arith.constant 0 : i32
        %add3A_619 = arith.addi %mul3A_617, %add3A_618 : i32
        %jit3A_620 = arith.constant 64 : i32
        %div3A_621 = arith.divsi %add3A_619, %jit3A_620 : i32
        %sign3A_622 = arith.constant 0 : i32
        %sign3A_623 = arith.cmpi sgt, %add3A_619, %sign3A_622 : i32
        %sign3A_624 = arith.extui %sign3A_623 : i1 to i32
        %sign3A_625 = arith.constant 0 : i32
        %sign3A_626 = arith.cmpi slt, %add3A_619, %sign3A_625 : i32
        %sign3A_627 = arith.extui %sign3A_626 : i1 to i32
        %sign3A_628 = arith.subi %sign3A_624, %sign3A_627 : i32
        %sign3A_629 = arith.constant 0 : i32
        %sign3A_630 = arith.cmpi sgt, %jit3A_620, %sign3A_629 : i32
        %sign3A_631 = arith.extui %sign3A_630 : i1 to i32
        %sign3A_632 = arith.constant 0 : i32
        %sign3A_633 = arith.cmpi slt, %jit3A_620, %sign3A_632 : i32
        %sign3A_634 = arith.extui %sign3A_633 : i1 to i32
        %sign3A_635 = arith.subi %sign3A_631, %sign3A_634 : i32
        %ne3A_636 = arith.cmpi ne, %sign3A_628, %sign3A_635 : i32
        %rem3A_637 = arith.remsi %add3A_619, %jit3A_620 : i32
        %ne3A_638 = arith.constant 0 : i32
        %ne3A_639 = arith.cmpi ne, %rem3A_637, %ne3A_638 : i32
        %and3A_640 = arith.andi %ne3A_636, %ne3A_639 : i1
        %sub3A_641 = arith.constant 1 : i32
        %sub3A_642 = arith.subi %div3A_621, %sub3A_641 : i32
        %select_n3A_643 = arith.select %and3A_640, %sub3A_642, %div3A_621 : i32
        %add3A_644 = arith.constant 96 : i32
        %add3A_645 = arith.addi %add3A_644, %select_n3A_643 : i32
        %broadcast_in_dim3A_646 = vector.broadcast %add3A_645 : i32 to vector<16xi32>
        %gather3A_647 = tpu.vector_load_idx %arg22[%broadcast_in_dim3A_615, %broadcast_in_dim3A_646] : memref<80x104xf32, #tpu.memory_space<vmem>>[vector<16xi32>, vector<16xi32>], vector<16xf32>,
        %get3A_648 = arith.index_cast %add3A_614 : i32 to index
        %get3A_649 = arith.constant 0 : index
        %get3A_650 = tpu.vector_load %arg21[%get3A_648, %get3A_649] {strides = array<i32>} : memref<80x96xf32, #tpu.memory_space<vmem>>, vector<16xf32>,
        %mul3A_651 = arith.mulf %get3A_650, %gather3A_647 : vector<16xf32>
        %swap3A_652 = arith.index_cast %add3A_614 : i32 to index
        %swap3A_653 = arith.constant 0 : index
        %swap3A_654 = tpu.vector_load %arg22[%swap3A_652, %swap3A_653] {strides = array<i32>} : memref<80x104xf32, #tpu.memory_space<vmem>>, vector<16xf32>,
        tpu.vector_store %arg22[%swap3A_652, %swap3A_653], %mul3A_651 {strides = array<i32>} : memref<80x104xf32, #tpu.memory_space<vmem>>, vector<16xf32>,
        %mul3A_655 = arith.constant 96 : i32
        %mul3A_656 = arith.muli %arg0, %mul3A_655 : i32
        %add3A_657 = arith.constant 16 : i32
        %add3A_658 = arith.addi %mul3A_656, %add3A_657 : i32
        %jit3A_659 = arith.constant 64 : i32
        %div3A_660 = arith.divsi %add3A_658, %jit3A_659 : i32
        %sign3A_661 = arith.constant 0 : i32
        %sign3A_662 = arith.cmpi sgt, %add3A_658, %sign3A_661 : i32
        %sign3A_663 = arith.extui %sign3A_662 : i1 to i32
        %sign3A_664 = arith.constant 0 : i32
        %sign3A_665 = arith.cmpi slt, %add3A_658, %sign3A_664 : i32
        %sign3A_666 = arith.extui %sign3A_665 : i1 to i32
        %sign3A_667 = arith.subi %sign3A_663, %sign3A_666 : i32
        %sign3A_668 = arith.constant 0 : i32
        %sign3A_669 = arith.cmpi sgt, %jit3A_659, %sign3A_668 : i32
        %sign3A_670 = arith.extui %sign3A_669 : i1 to i32
        %sign3A_671 = arith.constant 0 : i32
        %sign3A_672 = arith.cmpi slt, %jit3A_659, %sign3A_671 : i32
        %sign3A_673 = arith.extui %sign3A_672 : i1 to i32
        %sign3A_674 = arith.subi %sign3A_670, %sign3A_673 : i32
        %ne3A_675 = arith.cmpi ne, %sign3A_667, %sign3A_674 : i32
        %rem3A_676 = arith.remsi %add3A_658, %jit3A_659 : i32
        %ne3A_677 = arith.constant 0 : i32
        %ne3A_678 = arith.cmpi ne, %rem3A_676, %ne3A_677 : i32
        %and3A_679 = arith.andi %ne3A_675, %ne3A_678 : i1
        %sub3A_680 = arith.constant 1 : i32
        %sub3A_681 = arith.subi %div3A_660, %sub3A_680 : i32
        %select_n3A_682 = arith.select %and3A_679, %sub3A_681, %div3A_660 : i32
        %add3A_683 = arith.constant 96 : i32
        %add3A_684 = arith.addi %add3A_683, %select_n3A_682 : i32
        %broadcast_in_dim3A_685 = vector.broadcast %add3A_684 : i32 to vector<16xi32>
        %gather3A_686 = tpu.vector_load_idx %arg22[%broadcast_in_dim3A_615, %broadcast_in_dim3A_685] : memref<80x104xf32, #tpu.memory_space<vmem>>[vector<16xi32>, vector<16xi32>], vector<16xf32>,
        %get3A_687 = arith.index_cast %add3A_614 : i32 to index
        %get3A_688 = arith.constant 16 : index
        %get3A_689 = tpu.vector_load %arg21[%get3A_687, %get3A_688] {strides = array<i32>} : memref<80x96xf32, #tpu.memory_space<vmem>>, vector<16xf32>,
        %mul3A_690 = arith.mulf %get3A_689, %gather3A_686 : vector<16xf32>
        %swap3A_691 = arith.index_cast %add3A_614 : i32 to index
        %swap3A_692 = arith.constant 16 : index
        %swap3A_693 = tpu.vector_load %arg22[%swap3A_691, %swap3A_692] {strides = array<i32>} : memref<80x104xf32, #tpu.memory_space<vmem>>, vector<16xf32>,
        tpu.vector_store %arg22[%swap3A_691, %swap3A_692], %mul3A_690 {strides = array<i32>} : memref<80x104xf32, #tpu.memory_space<vmem>>, vector<16xf32>,
        %mul3A_694 = arith.constant 96 : i32
        %mul3A_695 = arith.muli %arg0, %mul3A_694 : i32
        %add3A_696 = arith.constant 32 : i32
        %add3A_697 = arith.addi %mul3A_695, %add3A_696 : i32
        %jit3A_698 = arith.constant 64 : i32
        %div3A_699 = arith.divsi %add3A_697, %jit3A_698 : i32
        %sign3A_700 = arith.constant 0 : i32
        %sign3A_701 = arith.cmpi sgt, %add3A_697, %sign3A_700 : i32
        %sign3A_702 = arith.extui %sign3A_701 : i1 to i32
        %sign3A_703 = arith.constant 0 : i32
        %sign3A_704 = arith.cmpi slt, %add3A_697, %sign3A_703 : i32
        %sign3A_705 = arith.extui %sign3A_704 : i1 to i32
        %sign3A_706 = arith.subi %sign3A_702, %sign3A_705 : i32
        %sign3A_707 = arith.constant 0 : i32
        %sign3A_708 = arith.cmpi sgt, %jit3A_698, %sign3A_707 : i32
        %sign3A_709 = arith.extui %sign3A_708 : i1 to i32
        %sign3A_710 = arith.constant 0 : i32
        %sign3A_711 = arith.cmpi slt, %jit3A_698, %sign3A_710 : i32
        %sign3A_712 = arith.extui %sign3A_711 : i1 to i32
        %sign3A_713 = arith.subi %sign3A_709, %sign3A_712 : i32
        %ne3A_714 = arith.cmpi ne, %sign3A_706, %sign3A_713 : i32
        %rem3A_715 = arith.remsi %add3A_697, %jit3A_698 : i32
        %ne3A_716 = arith.constant 0 : i32
        %ne3A_717 = arith.cmpi ne, %rem3A_715, %ne3A_716 : i32
        %and3A_718 = arith.andi %ne3A_714, %ne3A_717 : i1
        %sub3A_719 = arith.constant 1 : i32
        %sub3A_720 = arith.subi %div3A_699, %sub3A_719 : i32
        %select_n3A_721 = arith.select %and3A_718, %sub3A_720, %div3A_699 : i32
        %add3A_722 = arith.constant 96 : i32
        %add3A_723 = arith.addi %add3A_722, %select_n3A_721 : i32
        %broadcast_in_dim3A_724 = vector.broadcast %add3A_723 : i32 to vector<16xi32>
        %gather3A_725 = tpu.vector_load_idx %arg22[%broadcast_in_dim3A_615, %broadcast_in_dim3A_724] : memref<80x104xf32, #tpu.memory_space<vmem>>[vector<16xi32>, vector<16xi32>], vector<16xf32>,
        %get3A_726 = arith.index_cast %add3A_614 : i32 to index
        %get3A_727 = arith.constant 32 : index
        %get3A_728 = tpu.vector_load %arg21[%get3A_726, %get3A_727] {strides = array<i32>} : memref<80x96xf32, #tpu.memory_space<vmem>>, vector<16xf32>,
        %mul3A_729 = arith.mulf %get3A_728, %gather3A_725 : vector<16xf32>
        %swap3A_730 = arith.index_cast %add3A_614 : i32 to index
        %swap3A_731 = arith.constant 32 : index
        %swap3A_732 = tpu.vector_load %arg22[%swap3A_730, %swap3A_731] {strides = array<i32>} : memref<80x104xf32, #tpu.memory_space<vmem>>, vector<16xf32>,
        tpu.vector_store %arg22[%swap3A_730, %swap3A_731], %mul3A_729 {strides = array<i32>} : memref<80x104xf32, #tpu.memory_space<vmem>>, vector<16xf32>,
        %mul3A_733 = arith.constant 96 : i32
        %mul3A_734 = arith.muli %arg0, %mul3A_733 : i32
        %add3A_735 = arith.constant 48 : i32
        %add3A_736 = arith.addi %mul3A_734, %add3A_735 : i32
        %jit3A_737 = arith.constant 64 : i32
        %div3A_738 = arith.divsi %add3A_736, %jit3A_737 : i32
        %sign3A_739 = arith.constant 0 : i32
        %sign3A_740 = arith.cmpi sgt, %add3A_736, %sign3A_739 : i32
        %sign3A_741 = arith.extui %sign3A_740 : i1 to i32
        %sign3A_742 = arith.constant 0 : i32
        %sign3A_743 = arith.cmpi slt, %add3A_736, %sign3A_742 : i32
        %sign3A_744 = arith.extui %sign3A_743 : i1 to i32
        %sign3A_745 = arith.subi %sign3A_741, %sign3A_744 : i32
        %sign3A_746 = arith.constant 0 : i32
        %sign3A_747 = arith.cmpi sgt, %jit3A_737, %sign3A_746 : i32
        %sign3A_748 = arith.extui %sign3A_747 : i1 to i32
        %sign3A_749 = arith.constant 0 : i32
        %sign3A_750 = arith.cmpi slt, %jit3A_737, %sign3A_749 : i32
        %sign3A_751 = arith.extui %sign3A_750 : i1 to i32
        %sign3A_752 = arith.subi %sign3A_748, %sign3A_751 : i32
        %ne3A_753 = arith.cmpi ne, %sign3A_745, %sign3A_752 : i32
        %rem3A_754 = arith.remsi %add3A_736, %jit3A_737 : i32
        %ne3A_755 = arith.constant 0 : i32
        %ne3A_756 = arith.cmpi ne, %rem3A_754, %ne3A_755 : i32
        %and3A_757 = arith.andi %ne3A_753, %ne3A_756 : i1
        %sub3A_758 = arith.constant 1 : i32
        %sub3A_759 = arith.subi %div3A_738, %sub3A_758 : i32
        %select_n3A_760 = arith.select %and3A_757, %sub3A_759, %div3A_738 : i32
        %add3A_761 = arith.constant 96 : i32
        %add3A_762 = arith.addi %add3A_761, %select_n3A_760 : i32
        %broadcast_in_dim3A_763 = vector.broadcast %add3A_762 : i32 to vector<16xi32>
        %gather3A_764 = tpu.vector_load_idx %arg22[%broadcast_in_dim3A_615, %broadcast_in_dim3A_763] : memref<80x104xf32, #tpu.memory_space<vmem>>[vector<16xi32>, vector<16xi32>], vector<16xf32>,
        %get3A_765 = arith.index_cast %add3A_614 : i32 to index
        %get3A_766 = arith.constant 48 : index
        %get3A_767 = tpu.vector_load %arg21[%get3A_765, %get3A_766] {strides = array<i32>} : memref<80x96xf32, #tpu.memory_space<vmem>>, vector<16xf32>,
        %mul3A_768 = arith.mulf %get3A_767, %gather3A_764 : vector<16xf32>
        %swap3A_769 = arith.index_cast %add3A_614 : i32 to index
        %swap3A_770 = arith.constant 48 : index
        %swap3A_771 = tpu.vector_load %arg22[%swap3A_769, %swap3A_770] {strides = array<i32>} : memref<80x104xf32, #tpu.memory_space<vmem>>, vector<16xf32>,
        tpu.vector_store %arg22[%swap3A_769, %swap3A_770], %mul3A_768 {strides = array<i32>} : memref<80x104xf32, #tpu.memory_space<vmem>>, vector<16xf32>,
        %mul3A_772 = arith.constant 96 : i32
        %mul3A_773 = arith.muli %arg0, %mul3A_772 : i32
        %add3A_774 = arith.constant 64 : i32
        %add3A_775 = arith.addi %mul3A_773, %add3A_774 : i32
        %jit3A_776 = arith.constant 64 : i32
        %div3A_777 = arith.divsi %add3A_775, %jit3A_776 : i32
        %sign3A_778 = arith.constant 0 : i32
        %sign3A_779 = arith.cmpi sgt, %add3A_775, %sign3A_778 : i32
        %sign3A_780 = arith.extui %sign3A_779 : i1 to i32
        %sign3A_781 = arith.constant 0 : i32
        %sign3A_782 = arith.cmpi slt, %add3A_775, %sign3A_781 : i32
        %sign3A_783 = arith.extui %sign3A_782 : i1 to i32
        %sign3A_784 = arith.subi %sign3A_780, %sign3A_783 : i32
        %sign3A_785 = arith.constant 0 : i32
        %sign3A_786 = arith.cmpi sgt, %jit3A_776, %sign3A_785 : i32
        %sign3A_787 = arith.extui %sign3A_786 : i1 to i32
        %sign3A_788 = arith.constant 0 : i32
        %sign3A_789 = arith.cmpi slt, %jit3A_776, %sign3A_788 : i32
        %sign3A_790 = arith.extui %sign3A_789 : i1 to i32
        %sign3A_791 = arith.subi %sign3A_787, %sign3A_790 : i32
        %ne3A_792 = arith.cmpi ne, %sign3A_784, %sign3A_791 : i32
        %rem3A_793 = arith.remsi %add3A_775, %jit3A_776 : i32
        %ne3A_794 = arith.constant 0 : i32
        %ne3A_795 = arith.cmpi ne, %rem3A_793, %ne3A_794 : i32
        %and3A_796 = arith.andi %ne3A_792, %ne3A_795 : i1
        %sub3A_797 = arith.constant 1 : i32
        %sub3A_798 = arith.subi %div3A_777, %sub3A_797 : i32
        %select_n3A_799 = arith.select %and3A_796, %sub3A_798, %div3A_777 : i32
        %add3A_800 = arith.constant 96 : i32
        %add3A_801 = arith.addi %add3A_800, %select_n3A_799 : i32
        %broadcast_in_dim3A_802 = vector.broadcast %add3A_801 : i32 to vector<16xi32>
        %gather3A_803 = tpu.vector_load_idx %arg22[%broadcast_in_dim3A_615, %broadcast_in_dim3A_802] : memref<80x104xf32, #tpu.memory_space<vmem>>[vector<16xi32>, vector<16xi32>], vector<16xf32>,
        %get3A_804 = arith.index_cast %add3A_614 : i32 to index
        %get3A_805 = arith.constant 64 : index
        %get3A_806 = tpu.vector_load %arg21[%get3A_804, %get3A_805] {strides = array<i32>} : memref<80x96xf32, #tpu.memory_space<vmem>>, vector<16xf32>,
        %mul3A_807 = arith.mulf %get3A_806, %gather3A_803 : vector<16xf32>
        %swap3A_808 = arith.index_cast %add3A_614 : i32 to index
        %swap3A_809 = arith.constant 64 : index
        %swap3A_810 = tpu.vector_load %arg22[%swap3A_808, %swap3A_809] {strides = array<i32>} : memref<80x104xf32, #tpu.memory_space<vmem>>, vector<16xf32>,
        tpu.vector_store %arg22[%swap3A_808, %swap3A_809], %mul3A_807 {strides = array<i32>} : memref<80x104xf32, #tpu.memory_space<vmem>>, vector<16xf32>,
        %mul3A_811 = arith.constant 96 : i32
        %mul3A_812 = arith.muli %arg0, %mul3A_811 : i32
        %add3A_813 = arith.constant 80 : i32
        %add3A_814 = arith.addi %mul3A_812, %add3A_813 : i32
        %jit3A_815 = arith.constant 64 : i32
        %div3A_816 = arith.divsi %add3A_814, %jit3A_815 : i32
        %sign3A_817 = arith.constant 0 : i32
        %sign3A_818 = arith.cmpi sgt, %add3A_814, %sign3A_817 : i32
        %sign3A_819 = arith.extui %sign3A_818 : i1 to i32
        %sign3A_820 = arith.constant 0 : i32
        %sign3A_821 = arith.cmpi slt, %add3A_814, %sign3A_820 : i32
        %sign3A_822 = arith.extui %sign3A_821 : i1 to i32
        %sign3A_823 = arith.subi %sign3A_819, %sign3A_822 : i32
        %sign3A_824 = arith.constant 0 : i32
        %sign3A_825 = arith.cmpi sgt, %jit3A_815, %sign3A_824 : i32
        %sign3A_826 = arith.extui %sign3A_825 : i1 to i32
        %sign3A_827 = arith.constant 0 : i32
        %sign3A_828 = arith.cmpi slt, %jit3A_815, %sign3A_827 : i32
        %sign3A_829 = arith.extui %sign3A_828 : i1 to i32
        %sign3A_830 = arith.subi %sign3A_826, %sign3A_829 : i32
        %ne3A_831 = arith.cmpi ne, %sign3A_823, %sign3A_830 : i32
        %rem3A_832 = arith.remsi %add3A_814, %jit3A_815 : i32
        %ne3A_833 = arith.constant 0 : i32
        %ne3A_834 = arith.cmpi ne, %rem3A_832, %ne3A_833 : i32
        %and3A_835 = arith.andi %ne3A_831, %ne3A_834 : i1
        %sub3A_836 = arith.constant 1 : i32
        %sub3A_837 = arith.subi %div3A_816, %sub3A_836 : i32
        %select_n3A_838 = arith.select %and3A_835, %sub3A_837, %div3A_816 : i32
        %add3A_839 = arith.constant 96 : i32
        %add3A_840 = arith.addi %add3A_839, %select_n3A_838 : i32
        %broadcast_in_dim3A_841 = vector.broadcast %add3A_840 : i32 to vector<16xi32>
        %gather3A_842 = tpu.vector_load_idx %arg22[%broadcast_in_dim3A_615, %broadcast_in_dim3A_841] : memref<80x104xf32, #tpu.memory_space<vmem>>[vector<16xi32>, vector<16xi32>], vector<16xf32>,
        %get3A_843 = arith.index_cast %add3A_614 : i32 to index
        %get3A_844 = arith.constant 80 : index
        %get3A_845 = tpu.vector_load %arg21[%get3A_843, %get3A_844] {strides = array<i32>} : memref<80x96xf32, #tpu.memory_space<vmem>>, vector<16xf32>,
        %mul3A_846 = arith.mulf %get3A_845, %gather3A_842 : vector<16xf32>
        %swap3A_847 = arith.index_cast %add3A_614 : i32 to index
        %swap3A_848 = arith.constant 80 : index
        %swap3A_849 = tpu.vector_load %arg22[%swap3A_847, %swap3A_848] {strides = array<i32>} : memref<80x104xf32, #tpu.memory_space<vmem>>, vector<16xf32>,
        tpu.vector_store %arg22[%swap3A_847, %swap3A_848], %mul3A_846 {strides = array<i32>} : memref<80x104xf32, #tpu.memory_space<vmem>>, vector<16xf32>,
        %mul3A_850 = arith.constant 4 : i32
        %mul3A_851 = arith.muli %scan3A_379, %mul3A_850 : i32
        %add3A_852 = arith.constant 2 : i32
        %add3A_853 = arith.addi %mul3A_851, %add3A_852 : i32
        %broadcast_in_dim3A_854 = vector.broadcast %add3A_853 : i32 to vector<16xi32>
        %mul3A_855 = arith.constant 96 : i32
        %mul3A_856 = arith.muli %arg0, %mul3A_855 : i32
        %add3A_857 = arith.constant 0 : i32
        %add3A_858 = arith.addi %mul3A_856, %add3A_857 : i32
        %jit3A_859 = arith.constant 64 : i32
        %div3A_860 = arith.divsi %add3A_858, %jit3A_859 : i32
        %sign3A_861 = arith.constant 0 : i32
        %sign3A_862 = arith.cmpi sgt, %add3A_858, %sign3A_861 : i32
        %sign3A_863 = arith.extui %sign3A_862 : i1 to i32
        %sign3A_864 = arith.constant 0 : i32
        %sign3A_865 = arith.cmpi slt, %add3A_858, %sign3A_864 : i32
        %sign3A_866 = arith.extui %sign3A_865 : i1 to i32
        %sign3A_867 = arith.subi %sign3A_863, %sign3A_866 : i32
        %sign3A_868 = arith.constant 0 : i32
        %sign3A_869 = arith.cmpi sgt, %jit3A_859, %sign3A_868 : i32
        %sign3A_870 = arith.extui %sign3A_869 : i1 to i32
        %sign3A_871 = arith.constant 0 : i32
        %sign3A_872 = arith.cmpi slt, %jit3A_859, %sign3A_871 : i32
        %sign3A_873 = arith.extui %sign3A_872 : i1 to i32
        %sign3A_874 = arith.subi %sign3A_870, %sign3A_873 : i32
        %ne3A_875 = arith.cmpi ne, %sign3A_867, %sign3A_874 : i32
        %rem3A_876 = arith.remsi %add3A_858, %jit3A_859 : i32
        %ne3A_877 = arith.constant 0 : i32
        %ne3A_878 = arith.cmpi ne, %rem3A_876, %ne3A_877 : i32
        %and3A_879 = arith.andi %ne3A_875, %ne3A_878 : i1
        %sub3A_880 = arith.constant 1 : i32
        %sub3A_881 = arith.subi %div3A_860, %sub3A_880 : i32
        %select_n3A_882 = arith.select %and3A_879, %sub3A_881, %div3A_860 : i32
        %add3A_883 = arith.constant 96 : i32
        %add3A_884 = arith.addi %add3A_883, %select_n3A_882 : i32
        %broadcast_in_dim3A_885 = vector.broadcast %add3A_884 : i32 to vector<16xi32>
        %gather3A_886 = tpu.vector_load_idx %arg22[%broadcast_in_dim3A_854, %broadcast_in_dim3A_885] : memref<80x104xf32, #tpu.memory_space<vmem>>[vector<16xi32>, vector<16xi32>], vector<16xf32>,
        %get3A_887 = arith.index_cast %add3A_853 : i32 to index
        %get3A_888 = arith.constant 0 : index
        %get3A_889 = tpu.vector_load %arg21[%get3A_887, %get3A_888] {strides = array<i32>} : memref<80x96xf32, #tpu.memory_space<vmem>>, vector<16xf32>,
        %mul3A_890 = arith.mulf %get3A_889, %gather3A_886 : vector<16xf32>
        %swap3A_891 = arith.index_cast %add3A_853 : i32 to index
        %swap3A_892 = arith.constant 0 : index
        %swap3A_893 = tpu.vector_load %arg22[%swap3A_891, %swap3A_892] {strides = array<i32>} : memref<80x104xf32, #tpu.memory_space<vmem>>, vector<16xf32>,
        tpu.vector_store %arg22[%swap3A_891, %swap3A_892], %mul3A_890 {strides = array<i32>} : memref<80x104xf32, #tpu.memory_space<vmem>>, vector<16xf32>,
        %mul3A_894 = arith.constant 96 : i32
        %mul3A_895 = arith.muli %arg0, %mul3A_894 : i32
        %add3A_896 = arith.constant 16 : i32
        %add3A_897 = arith.addi %mul3A_895, %add3A_896 : i32
        %jit3A_898 = arith.constant 64 : i32
        %div3A_899 = arith.divsi %add3A_897, %jit3A_898 : i32
        %sign3A_900 = arith.constant 0 : i32
        %sign3A_901 = arith.cmpi sgt, %add3A_897, %sign3A_900 : i32
        %sign3A_902 = arith.extui %sign3A_901 : i1 to i32
        %sign3A_903 = arith.constant 0 : i32
        %sign3A_904 = arith.cmpi slt, %add3A_897, %sign3A_903 : i32
        %sign3A_905 = arith.extui %sign3A_904 : i1 to i32
        %sign3A_906 = arith.subi %sign3A_902, %sign3A_905 : i32
        %sign3A_907 = arith.constant 0 : i32
        %sign3A_908 = arith.cmpi sgt, %jit3A_898, %sign3A_907 : i32
        %sign3A_909 = arith.extui %sign3A_908 : i1 to i32
        %sign3A_910 = arith.constant 0 : i32
        %sign3A_911 = arith.cmpi slt, %jit3A_898, %sign3A_910 : i32
        %sign3A_912 = arith.extui %sign3A_911 : i1 to i32
        %sign3A_913 = arith.subi %sign3A_909, %sign3A_912 : i32
        %ne3A_914 = arith.cmpi ne, %sign3A_906, %sign3A_913 : i32
        %rem3A_915 = arith.remsi %add3A_897, %jit3A_898 : i32
        %ne3A_916 = arith.constant 0 : i32
        %ne3A_917 = arith.cmpi ne, %rem3A_915, %ne3A_916 : i32
        %and3A_918 = arith.andi %ne3A_914, %ne3A_917 : i1
        %sub3A_919 = arith.constant 1 : i32
        %sub3A_920 = arith.subi %div3A_899, %sub3A_919 : i32
        %select_n3A_921 = arith.select %and3A_918, %sub3A_920, %div3A_899 : i32
        %add3A_922 = arith.constant 96 : i32
        %add3A_923 = arith.addi %add3A_922, %select_n3A_921 : i32
        %broadcast_in_dim3A_924 = vector.broadcast %add3A_923 : i32 to vector<16xi32>
        %gather3A_925 = tpu.vector_load_idx %arg22[%broadcast_in_dim3A_854, %broadcast_in_dim3A_924] : memref<80x104xf32, #tpu.memory_space<vmem>>[vector<16xi32>, vector<16xi32>], vector<16xf32>,
        %get3A_926 = arith.index_cast %add3A_853 : i32 to index
        %get3A_927 = arith.constant 16 : index
        %get3A_928 = tpu.vector_load %arg21[%get3A_926, %get3A_927] {strides = array<i32>} : memref<80x96xf32, #tpu.memory_space<vmem>>, vector<16xf32>,
        %mul3A_929 = arith.mulf %get3A_928, %gather3A_925 : vector<16xf32>
        %swap3A_930 = arith.index_cast %add3A_853 : i32 to index
        %swap3A_931 = arith.constant 16 : index
        %swap3A_932 = tpu.vector_load %arg22[%swap3A_930, %swap3A_931] {strides = array<i32>} : memref<80x104xf32, #tpu.memory_space<vmem>>, vector<16xf32>,
        tpu.vector_store %arg22[%swap3A_930, %swap3A_931], %mul3A_929 {strides = array<i32>} : memref<80x104xf32, #tpu.memory_space<vmem>>, vector<16xf32>,
        %mul3A_933 = arith.constant 96 : i32
        %mul3A_934 = arith.muli %arg0, %mul3A_933 : i32
        %add3A_935 = arith.constant 32 : i32
        %add3A_936 = arith.addi %mul3A_934, %add3A_935 : i32
        %jit3A_937 = arith.constant 64 : i32
        %div3A_938 = arith.divsi %add3A_936, %jit3A_937 : i32
        %sign3A_939 = arith.constant 0 : i32
        %sign3A_940 = arith.cmpi sgt, %add3A_936, %sign3A_939 : i32
        %sign3A_941 = arith.extui %sign3A_940 : i1 to i32
        %sign3A_942 = arith.constant 0 : i32
        %sign3A_943 = arith.cmpi slt, %add3A_936, %sign3A_942 : i32
        %sign3A_944 = arith.extui %sign3A_943 : i1 to i32
        %sign3A_945 = arith.subi %sign3A_941, %sign3A_944 : i32
        %sign3A_946 = arith.constant 0 : i32
        %sign3A_947 = arith.cmpi sgt, %jit3A_937, %sign3A_946 : i32
        %sign3A_948 = arith.extui %sign3A_947 : i1 to i32
        %sign3A_949 = arith.constant 0 : i32
        %sign3A_950 = arith.cmpi slt, %jit3A_937, %sign3A_949 : i32
        %sign3A_951 = arith.extui %sign3A_950 : i1 to i32
        %sign3A_952 = arith.subi %sign3A_948, %sign3A_951 : i32
        %ne3A_953 = arith.cmpi ne, %sign3A_945, %sign3A_952 : i32
        %rem3A_954 = arith.remsi %add3A_936, %jit3A_937 : i32
        %ne3A_955 = arith.constant 0 : i32
        %ne3A_956 = arith.cmpi ne, %rem3A_954, %ne3A_955 : i32
        %and3A_957 = arith.andi %ne3A_953, %ne3A_956 : i1
        %sub3A_958 = arith.constant 1 : i32
        %sub3A_959 = arith.subi %div3A_938, %sub3A_958 : i32
        %select_n3A_960 = arith.select %and3A_957, %sub3A_959, %div3A_938 : i32
        %add3A_961 = arith.constant 96 : i32
        %add3A_962 = arith.addi %add3A_961, %select_n3A_960 : i32
        %broadcast_in_dim3A_963 = vector.broadcast %add3A_962 : i32 to vector<16xi32>
        %gather3A_964 = tpu.vector_load_idx %arg22[%broadcast_in_dim3A_854, %broadcast_in_dim3A_963] : memref<80x104xf32, #tpu.memory_space<vmem>>[vector<16xi32>, vector<16xi32>], vector<16xf32>,
        %get3A_965 = arith.index_cast %add3A_853 : i32 to index
        %get3A_966 = arith.constant 32 : index
        %get3A_967 = tpu.vector_load %arg21[%get3A_965, %get3A_966] {strides = array<i32>} : memref<80x96xf32, #tpu.memory_space<vmem>>, vector<16xf32>,
        %mul3A_968 = arith.mulf %get3A_967, %gather3A_964 : vector<16xf32>
        %swap3A_969 = arith.index_cast %add3A_853 : i32 to index
        %swap3A_970 = arith.constant 32 : index
        %swap3A_971 = tpu.vector_load %arg22[%swap3A_969, %swap3A_970] {strides = array<i32>} : memref<80x104xf32, #tpu.memory_space<vmem>>, vector<16xf32>,
        tpu.vector_store %arg22[%swap3A_969, %swap3A_970], %mul3A_968 {strides = array<i32>} : memref<80x104xf32, #tpu.memory_space<vmem>>, vector<16xf32>,
        %mul3A_972 = arith.constant 96 : i32
        %mul3A_973 = arith.muli %arg0, %mul3A_972 : i32
        %add3A_974 = arith.constant 48 : i32
        %add3A_975 = arith.addi %mul3A_973, %add3A_974 : i32
        %jit3A_976 = arith.constant 64 : i32
        %div3A_977 = arith.divsi %add3A_975, %jit3A_976 : i32
        %sign3A_978 = arith.constant 0 : i32
        %sign3A_979 = arith.cmpi sgt, %add3A_975, %sign3A_978 : i32
        %sign3A_980 = arith.extui %sign3A_979 : i1 to i32
        %sign3A_981 = arith.constant 0 : i32
        %sign3A_982 = arith.cmpi slt, %add3A_975, %sign3A_981 : i32
        %sign3A_983 = arith.extui %sign3A_982 : i1 to i32
        %sign3A_984 = arith.subi %sign3A_980, %sign3A_983 : i32
        %sign3A_985 = arith.constant 0 : i32
        %sign3A_986 = arith.cmpi sgt, %jit3A_976, %sign3A_985 : i32
        %sign3A_987 = arith.extui %sign3A_986 : i1 to i32
        %sign3A_988 = arith.constant 0 : i32
        %sign3A_989 = arith.cmpi slt, %jit3A_976, %sign3A_988 : i32
        %sign3A_990 = arith.extui %sign3A_989 : i1 to i32
        %sign3A_991 = arith.subi %sign3A_987, %sign3A_990 : i32
        %ne3A_992 = arith.cmpi ne, %sign3A_984, %sign3A_991 : i32
        %rem3A_993 = arith.remsi %add3A_975, %jit3A_976 : i32
        %ne3A_994 = arith.constant 0 : i32
        %ne3A_995 = arith.cmpi ne, %rem3A_993, %ne3A_994 : i32
        %and3A_996 = arith.andi %ne3A_992, %ne3A_995 : i1
        %sub3A_997 = arith.constant 1 : i32
        %sub3A_998 = arith.subi %div3A_977, %sub3A_997 : i32
        %select_n3A_999 = arith.select %and3A_996, %sub3A_998, %div3A_977 : i32
        %add3A_1000 = arith.constant 96 : i32
        %add3A_1001 = arith.addi %add3A_1000, %select_n3A_999 : i32
        %broadcast_in_dim3A_1002 = vector.broadcast %add3A_1001 : i32 to vector<16xi32>
        %gather3A_1003 = tpu.vector_load_idx %arg22[%broadcast_in_dim3A_854, %broadcast_in_dim3A_1002] : memref<80x104xf32, #tpu.memory_space<vmem>>[vector<16xi32>, vector<16xi32>], vector<16xf32>,
        %get3A_1004 = arith.index_cast %add3A_853 : i32 to index
        %get3A_1005 = arith.constant 48 : index
        %get3A_1006 = tpu.vector_load %arg21[%get3A_1004, %get3A_1005] {strides = array<i32>} : memref<80x96xf32, #tpu.memory_space<vmem>>, vector<16xf32>,
        %mul3A_1007 = arith.mulf %get3A_1006, %gather3A_1003 : vector<16xf32>
        %swap3A_1008 = arith.index_cast %add3A_853 : i32 to index
        %swap3A_1009 = arith.constant 48 : index
        %swap3A_1010 = tpu.vector_load %arg22[%swap3A_1008, %swap3A_1009] {strides = array<i32>} : memref<80x104xf32, #tpu.memory_space<vmem>>, vector<16xf32>,
        tpu.vector_store %arg22[%swap3A_1008, %swap3A_1009], %mul3A_1007 {strides = array<i32>} : memref<80x104xf32, #tpu.memory_space<vmem>>, vector<16xf32>,
        %mul3A_1011 = arith.constant 96 : i32
        %mul3A_1012 = arith.muli %arg0, %mul3A_1011 : i32
        %add3A_1013 = arith.constant 64 : i32
        %add3A_1014 = arith.addi %mul3A_1012, %add3A_1013 : i32
        %jit3A_1015 = arith.constant 64 : i32
        %div3A_1016 = arith.divsi %add3A_1014, %jit3A_1015 : i32
        %sign3A_1017 = arith.constant 0 : i32
        %sign3A_1018 = arith.cmpi sgt, %add3A_1014, %sign3A_1017 : i32
        %sign3A_1019 = arith.extui %sign3A_1018 : i1 to i32
        %sign3A_1020 = arith.constant 0 : i32
        %sign3A_1021 = arith.cmpi slt, %add3A_1014, %sign3A_1020 : i32
        %sign3A_1022 = arith.extui %sign3A_1021 : i1 to i32
        %sign3A_1023 = arith.subi %sign3A_1019, %sign3A_1022 : i32
        %sign3A_1024 = arith.constant 0 : i32
        %sign3A_1025 = arith.cmpi sgt, %jit3A_1015, %sign3A_1024 : i32
        %sign3A_1026 = arith.extui %sign3A_1025 : i1 to i32
        %sign3A_1027 = arith.constant 0 : i32
        %sign3A_1028 = arith.cmpi slt, %jit3A_1015, %sign3A_1027 : i32
        %sign3A_1029 = arith.extui %sign3A_1028 : i1 to i32
        %sign3A_1030 = arith.subi %sign3A_1026, %sign3A_1029 : i32
        %ne3A_1031 = arith.cmpi ne, %sign3A_1023, %sign3A_1030 : i32
        %rem3A_1032 = arith.remsi %add3A_1014, %jit3A_1015 : i32
        %ne3A_1033 = arith.constant 0 : i32
        %ne3A_1034 = arith.cmpi ne, %rem3A_1032, %ne3A_1033 : i32
        %and3A_1035 = arith.andi %ne3A_1031, %ne3A_1034 : i1
        %sub3A_1036 = arith.constant 1 : i32
        %sub3A_1037 = arith.subi %div3A_1016, %sub3A_1036 : i32
        %select_n3A_1038 = arith.select %and3A_1035, %sub3A_1037, %div3A_1016 : i32
        %add3A_1039 = arith.constant 96 : i32
        %add3A_1040 = arith.addi %add3A_1039, %select_n3A_1038 : i32
        %broadcast_in_dim3A_1041 = vector.broadcast %add3A_1040 : i32 to vector<16xi32>
        %gather3A_1042 = tpu.vector_load_idx %arg22[%broadcast_in_dim3A_854, %broadcast_in_dim3A_1041] : memref<80x104xf32, #tpu.memory_space<vmem>>[vector<16xi32>, vector<16xi32>], vector<16xf32>,
        %get3A_1043 = arith.index_cast %add3A_853 : i32 to index
        %get3A_1044 = arith.constant 64 : index
        %get3A_1045 = tpu.vector_load %arg21[%get3A_1043, %get3A_1044] {strides = array<i32>} : memref<80x96xf32, #tpu.memory_space<vmem>>, vector<16xf32>,
        %mul3A_1046 = arith.mulf %get3A_1045, %gather3A_1042 : vector<16xf32>
        %swap3A_1047 = arith.index_cast %add3A_853 : i32 to index
        %swap3A_1048 = arith.constant 64 : index
        %swap3A_1049 = tpu.vector_load %arg22[%swap3A_1047, %swap3A_1048] {strides = array<i32>} : memref<80x104xf32, #tpu.memory_space<vmem>>, vector<16xf32>,
        tpu.vector_store %arg22[%swap3A_1047, %swap3A_1048], %mul3A_1046 {strides = array<i32>} : memref<80x104xf32, #tpu.memory_space<vmem>>, vector<16xf32>,
        %mul3A_1050 = arith.constant 96 : i32
        %mul3A_1051 = arith.muli %arg0, %mul3A_1050 : i32
        %add3A_1052 = arith.constant 80 : i32
        %add3A_1053 = arith.addi %mul3A_1051, %add3A_1052 : i32
        %jit3A_1054 = arith.constant 64 : i32
        %div3A_1055 = arith.divsi %add3A_1053, %jit3A_1054 : i32
        %sign3A_1056 = arith.constant 0 : i32
        %sign3A_1057 = arith.cmpi sgt, %add3A_1053, %sign3A_1056 : i32
        %sign3A_1058 = arith.extui %sign3A_1057 : i1 to i32
        %sign3A_1059 = arith.constant 0 : i32
        %sign3A_1060 = arith.cmpi slt, %add3A_1053, %sign3A_1059 : i32
        %sign3A_1061 = arith.extui %sign3A_1060 : i1 to i32
        %sign3A_1062 = arith.subi %sign3A_1058, %sign3A_1061 : i32
        %sign3A_1063 = arith.constant 0 : i32
        %sign3A_1064 = arith.cmpi sgt, %jit3A_1054, %sign3A_1063 : i32
        %sign3A_1065 = arith.extui %sign3A_1064 : i1 to i32
        %sign3A_1066 = arith.constant 0 : i32
        %sign3A_1067 = arith.cmpi slt, %jit3A_1054, %sign3A_1066 : i32
        %sign3A_1068 = arith.extui %sign3A_1067 : i1 to i32
        %sign3A_1069 = arith.subi %sign3A_1065, %sign3A_1068 : i32
        %ne3A_1070 = arith.cmpi ne, %sign3A_1062, %sign3A_1069 : i32
        %rem3A_1071 = arith.remsi %add3A_1053, %jit3A_1054 : i32
        %ne3A_1072 = arith.constant 0 : i32
        %ne3A_1073 = arith.cmpi ne, %rem3A_1071, %ne3A_1072 : i32
        %and3A_1074 = arith.andi %ne3A_1070, %ne3A_1073 : i1
        %sub3A_1075 = arith.constant 1 : i32
        %sub3A_1076 = arith.subi %div3A_1055, %sub3A_1075 : i32
        %select_n3A_1077 = arith.select %and3A_1074, %sub3A_1076, %div3A_1055 : i32
        %add3A_1078 = arith.constant 96 : i32
        %add3A_1079 = arith.addi %add3A_1078, %select_n3A_1077 : i32
        %broadcast_in_dim3A_1080 = vector.broadcast %add3A_1079 : i32 to vector<16xi32>
        %gather3A_1081 = tpu.vector_load_idx %arg22[%broadcast_in_dim3A_854, %broadcast_in_dim3A_1080] : memref<80x104xf32, #tpu.memory_space<vmem>>[vector<16xi32>, vector<16xi32>], vector<16xf32>,
        %get3A_1082 = arith.index_cast %add3A_853 : i32 to index
        %get3A_1083 = arith.constant 80 : index
        %get3A_1084 = tpu.vector_load %arg21[%get3A_1082, %get3A_1083] {strides = array<i32>} : memref<80x96xf32, #tpu.memory_space<vmem>>, vector<16xf32>,
        %mul3A_1085 = arith.mulf %get3A_1084, %gather3A_1081 : vector<16xf32>
        %swap3A_1086 = arith.index_cast %add3A_853 : i32 to index
        %swap3A_1087 = arith.constant 80 : index
        %swap3A_1088 = tpu.vector_load %arg22[%swap3A_1086, %swap3A_1087] {strides = array<i32>} : memref<80x104xf32, #tpu.memory_space<vmem>>, vector<16xf32>,
        tpu.vector_store %arg22[%swap3A_1086, %swap3A_1087], %mul3A_1085 {strides = array<i32>} : memref<80x104xf32, #tpu.memory_space<vmem>>, vector<16xf32>,
        %mul3A_1089 = arith.constant 4 : i32
        %mul3A_1090 = arith.muli %scan3A_379, %mul3A_1089 : i32
        %add3A_1091 = arith.constant 3 : i32
        %add3A_1092 = arith.addi %mul3A_1090, %add3A_1091 : i32
        %broadcast_in_dim3A_1093 = vector.broadcast %add3A_1092 : i32 to vector<16xi32>
        %mul3A_1094 = arith.constant 96 : i32
        %mul3A_1095 = arith.muli %arg0, %mul3A_1094 : i32
        %add3A_1096 = arith.constant 0 : i32
        %add3A_1097 = arith.addi %mul3A_1095, %add3A_1096 : i32
        %jit3A_1098 = arith.constant 64 : i32
        %div3A_1099 = arith.divsi %add3A_1097, %jit3A_1098 : i32
        %sign3A_1100 = arith.constant 0 : i32
        %sign3A_1101 = arith.cmpi sgt, %add3A_1097, %sign3A_1100 : i32
        %sign3A_1102 = arith.extui %sign3A_1101 : i1 to i32
        %sign3A_1103 = arith.constant 0 : i32
        %sign3A_1104 = arith.cmpi slt, %add3A_1097, %sign3A_1103 : i32
        %sign3A_1105 = arith.extui %sign3A_1104 : i1 to i32
        %sign3A_1106 = arith.subi %sign3A_1102, %sign3A_1105 : i32
        %sign3A_1107 = arith.constant 0 : i32
        %sign3A_1108 = arith.cmpi sgt, %jit3A_1098, %sign3A_1107 : i32
        %sign3A_1109 = arith.extui %sign3A_1108 : i1 to i32
        %sign3A_1110 = arith.constant 0 : i32
        %sign3A_1111 = arith.cmpi slt, %jit3A_1098, %sign3A_1110 : i32
        %sign3A_1112 = arith.extui %sign3A_1111 : i1 to i32
        %sign3A_1113 = arith.subi %sign3A_1109, %sign3A_1112 : i32
        %ne3A_1114 = arith.cmpi ne, %sign3A_1106, %sign3A_1113 : i32
        %rem3A_1115 = arith.remsi %add3A_1097, %jit3A_1098 : i32
        %ne3A_1116 = arith.constant 0 : i32
        %ne3A_1117 = arith.cmpi ne, %rem3A_1115, %ne3A_1116 : i32
        %and3A_1118 = arith.andi %ne3A_1114, %ne3A_1117 : i1
        %sub3A_1119 = arith.constant 1 : i32
        %sub3A_1120 = arith.subi %div3A_1099, %sub3A_1119 : i32
        %select_n3A_1121 = arith.select %and3A_1118, %sub3A_1120, %div3A_1099 : i32
        %add3A_1122 = arith.constant 96 : i32
        %add3A_1123 = arith.addi %add3A_1122, %select_n3A_1121 : i32
        %broadcast_in_dim3A_1124 = vector.broadcast %add3A_1123 : i32 to vector<16xi32>
        %gather3A_1125 = tpu.vector_load_idx %arg22[%broadcast_in_dim3A_1093, %broadcast_in_dim3A_1124] : memref<80x104xf32, #tpu.memory_space<vmem>>[vector<16xi32>, vector<16xi32>], vector<16xf32>,
        %get3A_1126 = arith.index_cast %add3A_1092 : i32 to index
        %get3A_1127 = arith.constant 0 : index
        %get3A_1128 = tpu.vector_load %arg21[%get3A_1126, %get3A_1127] {strides = array<i32>} : memref<80x96xf32, #tpu.memory_space<vmem>>, vector<16xf32>,
        %mul3A_1129 = arith.mulf %get3A_1128, %gather3A_1125 : vector<16xf32>
        %swap3A_1130 = arith.index_cast %add3A_1092 : i32 to index
        %swap3A_1131 = arith.constant 0 : index
        %swap3A_1132 = tpu.vector_load %arg22[%swap3A_1130, %swap3A_1131] {strides = array<i32>} : memref<80x104xf32, #tpu.memory_space<vmem>>, vector<16xf32>,
        tpu.vector_store %arg22[%swap3A_1130, %swap3A_1131], %mul3A_1129 {strides = array<i32>} : memref<80x104xf32, #tpu.memory_space<vmem>>, vector<16xf32>,
        %mul3A_1133 = arith.constant 96 : i32
        %mul3A_1134 = arith.muli %arg0, %mul3A_1133 : i32
        %add3A_1135 = arith.constant 16 : i32
        %add3A_1136 = arith.addi %mul3A_1134, %add3A_1135 : i32
        %jit3A_1137 = arith.constant 64 : i32
        %div3A_1138 = arith.divsi %add3A_1136, %jit3A_1137 : i32
        %sign3A_1139 = arith.constant 0 : i32
        %sign3A_1140 = arith.cmpi sgt, %add3A_1136, %sign3A_1139 : i32
        %sign3A_1141 = arith.extui %sign3A_1140 : i1 to i32
        %sign3A_1142 = arith.constant 0 : i32
        %sign3A_1143 = arith.cmpi slt, %add3A_1136, %sign3A_1142 : i32
        %sign3A_1144 = arith.extui %sign3A_1143 : i1 to i32
        %sign3A_1145 = arith.subi %sign3A_1141, %sign3A_1144 : i32
        %sign3A_1146 = arith.constant 0 : i32
        %sign3A_1147 = arith.cmpi sgt, %jit3A_1137, %sign3A_1146 : i32
        %sign3A_1148 = arith.extui %sign3A_1147 : i1 to i32
        %sign3A_1149 = arith.constant 0 : i32
        %sign3A_1150 = arith.cmpi slt, %jit3A_1137, %sign3A_1149 : i32
        %sign3A_1151 = arith.extui %sign3A_1150 : i1 to i32
        %sign3A_1152 = arith.subi %sign3A_1148, %sign3A_1151 : i32
        %ne3A_1153 = arith.cmpi ne, %sign3A_1145, %sign3A_1152 : i32
        %rem3A_1154 = arith.remsi %add3A_1136, %jit3A_1137 : i32
        %ne3A_1155 = arith.constant 0 : i32
        %ne3A_1156 = arith.cmpi ne, %rem3A_1154, %ne3A_1155 : i32
        %and3A_1157 = arith.andi %ne3A_1153, %ne3A_1156 : i1
        %sub3A_1158 = arith.constant 1 : i32
        %sub3A_1159 = arith.subi %div3A_1138, %sub3A_1158 : i32
        %select_n3A_1160 = arith.select %and3A_1157, %sub3A_1159, %div3A_1138 : i32
        %add3A_1161 = arith.constant 96 : i32
        %add3A_1162 = arith.addi %add3A_1161, %select_n3A_1160 : i32
        %broadcast_in_dim3A_1163 = vector.broadcast %add3A_1162 : i32 to vector<16xi32>
        %gather3A_1164 = tpu.vector_load_idx %arg22[%broadcast_in_dim3A_1093, %broadcast_in_dim3A_1163] : memref<80x104xf32, #tpu.memory_space<vmem>>[vector<16xi32>, vector<16xi32>], vector<16xf32>,
        %get3A_1165 = arith.index_cast %add3A_1092 : i32 to index
        %get3A_1166 = arith.constant 16 : index
        %get3A_1167 = tpu.vector_load %arg21[%get3A_1165, %get3A_1166] {strides = array<i32>} : memref<80x96xf32, #tpu.memory_space<vmem>>, vector<16xf32>,
        %mul3A_1168 = arith.mulf %get3A_1167, %gather3A_1164 : vector<16xf32>
        %swap3A_1169 = arith.index_cast %add3A_1092 : i32 to index
        %swap3A_1170 = arith.constant 16 : index
        %swap3A_1171 = tpu.vector_load %arg22[%swap3A_1169, %swap3A_1170] {strides = array<i32>} : memref<80x104xf32, #tpu.memory_space<vmem>>, vector<16xf32>,
        tpu.vector_store %arg22[%swap3A_1169, %swap3A_1170], %mul3A_1168 {strides = array<i32>} : memref<80x104xf32, #tpu.memory_space<vmem>>, vector<16xf32>,
        %mul3A_1172 = arith.constant 96 : i32
        %mul3A_1173 = arith.muli %arg0, %mul3A_1172 : i32
        %add3A_1174 = arith.constant 32 : i32
        %add3A_1175 = arith.addi %mul3A_1173, %add3A_1174 : i32
        %jit3A_1176 = arith.constant 64 : i32
        %div3A_1177 = arith.divsi %add3A_1175, %jit3A_1176 : i32
        %sign3A_1178 = arith.constant 0 : i32
        %sign3A_1179 = arith.cmpi sgt, %add3A_1175, %sign3A_1178 : i32
        %sign3A_1180 = arith.extui %sign3A_1179 : i1 to i32
        %sign3A_1181 = arith.constant 0 : i32
        %sign3A_1182 = arith.cmpi slt, %add3A_1175, %sign3A_1181 : i32
        %sign3A_1183 = arith.extui %sign3A_1182 : i1 to i32
        %sign3A_1184 = arith.subi %sign3A_1180, %sign3A_1183 : i32
        %sign3A_1185 = arith.constant 0 : i32
        %sign3A_1186 = arith.cmpi sgt, %jit3A_1176, %sign3A_1185 : i32
        %sign3A_1187 = arith.extui %sign3A_1186 : i1 to i32
        %sign3A_1188 = arith.constant 0 : i32
        %sign3A_1189 = arith.cmpi slt, %jit3A_1176, %sign3A_1188 : i32
        %sign3A_1190 = arith.extui %sign3A_1189 : i1 to i32
        %sign3A_1191 = arith.subi %sign3A_1187, %sign3A_1190 : i32
        %ne3A_1192 = arith.cmpi ne, %sign3A_1184, %sign3A_1191 : i32
        %rem3A_1193 = arith.remsi %add3A_1175, %jit3A_1176 : i32
        %ne3A_1194 = arith.constant 0 : i32
        %ne3A_1195 = arith.cmpi ne, %rem3A_1193, %ne3A_1194 : i32
        %and3A_1196 = arith.andi %ne3A_1192, %ne3A_1195 : i1
        %sub3A_1197 = arith.constant 1 : i32
        %sub3A_1198 = arith.subi %div3A_1177, %sub3A_1197 : i32
        %select_n3A_1199 = arith.select %and3A_1196, %sub3A_1198, %div3A_1177 : i32
        %add3A_1200 = arith.constant 96 : i32
        %add3A_1201 = arith.addi %add3A_1200, %select_n3A_1199 : i32
        %broadcast_in_dim3A_1202 = vector.broadcast %add3A_1201 : i32 to vector<16xi32>
        %gather3A_1203 = tpu.vector_load_idx %arg22[%broadcast_in_dim3A_1093, %broadcast_in_dim3A_1202] : memref<80x104xf32, #tpu.memory_space<vmem>>[vector<16xi32>, vector<16xi32>], vector<16xf32>,
        %get3A_1204 = arith.index_cast %add3A_1092 : i32 to index
        %get3A_1205 = arith.constant 32 : index
        %get3A_1206 = tpu.vector_load %arg21[%get3A_1204, %get3A_1205] {strides = array<i32>} : memref<80x96xf32, #tpu.memory_space<vmem>>, vector<16xf32>,
        %mul3A_1207 = arith.mulf %get3A_1206, %gather3A_1203 : vector<16xf32>
        %swap3A_1208 = arith.index_cast %add3A_1092 : i32 to index
        %swap3A_1209 = arith.constant 32 : index
        %swap3A_1210 = tpu.vector_load %arg22[%swap3A_1208, %swap3A_1209] {strides = array<i32>} : memref<80x104xf32, #tpu.memory_space<vmem>>, vector<16xf32>,
        tpu.vector_store %arg22[%swap3A_1208, %swap3A_1209], %mul3A_1207 {strides = array<i32>} : memref<80x104xf32, #tpu.memory_space<vmem>>, vector<16xf32>,
        %mul3A_1211 = arith.constant 96 : i32
        %mul3A_1212 = arith.muli %arg0, %mul3A_1211 : i32
        %add3A_1213 = arith.constant 48 : i32
        %add3A_1214 = arith.addi %mul3A_1212, %add3A_1213 : i32
        %jit3A_1215 = arith.constant 64 : i32
        %div3A_1216 = arith.divsi %add3A_1214, %jit3A_1215 : i32
        %sign3A_1217 = arith.constant 0 : i32
        %sign3A_1218 = arith.cmpi sgt, %add3A_1214, %sign3A_1217 : i32
        %sign3A_1219 = arith.extui %sign3A_1218 : i1 to i32
        %sign3A_1220 = arith.constant 0 : i32
        %sign3A_1221 = arith.cmpi slt, %add3A_1214, %sign3A_1220 : i32
        %sign3A_1222 = arith.extui %sign3A_1221 : i1 to i32
        %sign3A_1223 = arith.subi %sign3A_1219, %sign3A_1222 : i32
        %sign3A_1224 = arith.constant 0 : i32
        %sign3A_1225 = arith.cmpi sgt, %jit3A_1215, %sign3A_1224 : i32
        %sign3A_1226 = arith.extui %sign3A_1225 : i1 to i32
        %sign3A_1227 = arith.constant 0 : i32
        %sign3A_1228 = arith.cmpi slt, %jit3A_1215, %sign3A_1227 : i32
        %sign3A_1229 = arith.extui %sign3A_1228 : i1 to i32
        %sign3A_1230 = arith.subi %sign3A_1226, %sign3A_1229 : i32
        %ne3A_1231 = arith.cmpi ne, %sign3A_1223, %sign3A_1230 : i32
        %rem3A_1232 = arith.remsi %add3A_1214, %jit3A_1215 : i32
        %ne3A_1233 = arith.constant 0 : i32
        %ne3A_1234 = arith.cmpi ne, %rem3A_1232, %ne3A_1233 : i32
        %and3A_1235 = arith.andi %ne3A_1231, %ne3A_1234 : i1
        %sub3A_1236 = arith.constant 1 : i32
        %sub3A_1237 = arith.subi %div3A_1216, %sub3A_1236 : i32
        %select_n3A_1238 = arith.select %and3A_1235, %sub3A_1237, %div3A_1216 : i32
        %add3A_1239 = arith.constant 96 : i32
        %add3A_1240 = arith.addi %add3A_1239, %select_n3A_1238 : i32
        %broadcast_in_dim3A_1241 = vector.broadcast %add3A_1240 : i32 to vector<16xi32>
        %gather3A_1242 = tpu.vector_load_idx %arg22[%broadcast_in_dim3A_1093, %broadcast_in_dim3A_1241] : memref<80x104xf32, #tpu.memory_space<vmem>>[vector<16xi32>, vector<16xi32>], vector<16xf32>,
        %get3A_1243 = arith.index_cast %add3A_1092 : i32 to index
        %get3A_1244 = arith.constant 48 : index
        %get3A_1245 = tpu.vector_load %arg21[%get3A_1243, %get3A_1244] {strides = array<i32>} : memref<80x96xf32, #tpu.memory_space<vmem>>, vector<16xf32>,
        %mul3A_1246 = arith.mulf %get3A_1245, %gather3A_1242 : vector<16xf32>
        %swap3A_1247 = arith.index_cast %add3A_1092 : i32 to index
        %swap3A_1248 = arith.constant 48 : index
        %swap3A_1249 = tpu.vector_load %arg22[%swap3A_1247, %swap3A_1248] {strides = array<i32>} : memref<80x104xf32, #tpu.memory_space<vmem>>, vector<16xf32>,
        tpu.vector_store %arg22[%swap3A_1247, %swap3A_1248], %mul3A_1246 {strides = array<i32>} : memref<80x104xf32, #tpu.memory_space<vmem>>, vector<16xf32>,
        %mul3A_1250 = arith.constant 96 : i32
        %mul3A_1251 = arith.muli %arg0, %mul3A_1250 : i32
        %add3A_1252 = arith.constant 64 : i32
        %add3A_1253 = arith.addi %mul3A_1251, %add3A_1252 : i32
        %jit3A_1254 = arith.constant 64 : i32
        %div3A_1255 = arith.divsi %add3A_1253, %jit3A_1254 : i32
        %sign3A_1256 = arith.constant 0 : i32
        %sign3A_1257 = arith.cmpi sgt, %add3A_1253, %sign3A_1256 : i32
        %sign3A_1258 = arith.extui %sign3A_1257 : i1 to i32
        %sign3A_1259 = arith.constant 0 : i32
        %sign3A_1260 = arith.cmpi slt, %add3A_1253, %sign3A_1259 : i32
        %sign3A_1261 = arith.extui %sign3A_1260 : i1 to i32
        %sign3A_1262 = arith.subi %sign3A_1258, %sign3A_1261 : i32
        %sign3A_1263 = arith.constant 0 : i32
        %sign3A_1264 = arith.cmpi sgt, %jit3A_1254, %sign3A_1263 : i32
        %sign3A_1265 = arith.extui %sign3A_1264 : i1 to i32
        %sign3A_1266 = arith.constant 0 : i32
        %sign3A_1267 = arith.cmpi slt, %jit3A_1254, %sign3A_1266 : i32
        %sign3A_1268 = arith.extui %sign3A_1267 : i1 to i32
        %sign3A_1269 = arith.subi %sign3A_1265, %sign3A_1268 : i32
        %ne3A_1270 = arith.cmpi ne, %sign3A_1262, %sign3A_1269 : i32
        %rem3A_1271 = arith.remsi %add3A_1253, %jit3A_1254 : i32
        %ne3A_1272 = arith.constant 0 : i32
        %ne3A_1273 = arith.cmpi ne, %rem3A_1271, %ne3A_1272 : i32
        %and3A_1274 = arith.andi %ne3A_1270, %ne3A_1273 : i1
        %sub3A_1275 = arith.constant 1 : i32
        %sub3A_1276 = arith.subi %div3A_1255, %sub3A_1275 : i32
        %select_n3A_1277 = arith.select %and3A_1274, %sub3A_1276, %div3A_1255 : i32
        %add3A_1278 = arith.constant 96 : i32
        %add3A_1279 = arith.addi %add3A_1278, %select_n3A_1277 : i32
        %broadcast_in_dim3A_1280 = vector.broadcast %add3A_1279 : i32 to vector<16xi32>
        %gather3A_1281 = tpu.vector_load_idx %arg22[%broadcast_in_dim3A_1093, %broadcast_in_dim3A_1280] : memref<80x104xf32, #tpu.memory_space<vmem>>[vector<16xi32>, vector<16xi32>], vector<16xf32>,
        %get3A_1282 = arith.index_cast %add3A_1092 : i32 to index
        %get3A_1283 = arith.constant 64 : index
        %get3A_1284 = tpu.vector_load %arg21[%get3A_1282, %get3A_1283] {strides = array<i32>} : memref<80x96xf32, #tpu.memory_space<vmem>>, vector<16xf32>,
        %mul3A_1285 = arith.mulf %get3A_1284, %gather3A_1281 : vector<16xf32>
        %swap3A_1286 = arith.index_cast %add3A_1092 : i32 to index
        %swap3A_1287 = arith.constant 64 : index
        %swap3A_1288 = tpu.vector_load %arg22[%swap3A_1286, %swap3A_1287] {strides = array<i32>} : memref<80x104xf32, #tpu.memory_space<vmem>>, vector<16xf32>,
        tpu.vector_store %arg22[%swap3A_1286, %swap3A_1287], %mul3A_1285 {strides = array<i32>} : memref<80x104xf32, #tpu.memory_space<vmem>>, vector<16xf32>,
        %mul3A_1289 = arith.constant 96 : i32
        %mul3A_1290 = arith.muli %arg0, %mul3A_1289 : i32
        %add3A_1291 = arith.constant 80 : i32
        %add3A_1292 = arith.addi %mul3A_1290, %add3A_1291 : i32
        %jit3A_1293 = arith.constant 64 : i32
        %div3A_1294 = arith.divsi %add3A_1292, %jit3A_1293 : i32
        %sign3A_1295 = arith.constant 0 : i32
        %sign3A_1296 = arith.cmpi sgt, %add3A_1292, %sign3A_1295 : i32
        %sign3A_1297 = arith.extui %sign3A_1296 : i1 to i32
        %sign3A_1298 = arith.constant 0 : i32
        %sign3A_1299 = arith.cmpi slt, %add3A_1292, %sign3A_1298 : i32
        %sign3A_1300 = arith.extui %sign3A_1299 : i1 to i32
        %sign3A_1301 = arith.subi %sign3A_1297, %sign3A_1300 : i32
        %sign3A_1302 = arith.constant 0 : i32
        %sign3A_1303 = arith.cmpi sgt, %jit3A_1293, %sign3A_1302 : i32
        %sign3A_1304 = arith.extui %sign3A_1303 : i1 to i32
        %sign3A_1305 = arith.constant 0 : i32
        %sign3A_1306 = arith.cmpi slt, %jit3A_1293, %sign3A_1305 : i32
        %sign3A_1307 = arith.extui %sign3A_1306 : i1 to i32
        %sign3A_1308 = arith.subi %sign3A_1304, %sign3A_1307 : i32
        %ne3A_1309 = arith.cmpi ne, %sign3A_1301, %sign3A_1308 : i32
        %rem3A_1310 = arith.remsi %add3A_1292, %jit3A_1293 : i32
        %ne3A_1311 = arith.constant 0 : i32
        %ne3A_1312 = arith.cmpi ne, %rem3A_1310, %ne3A_1311 : i32
        %and3A_1313 = arith.andi %ne3A_1309, %ne3A_1312 : i1
        %sub3A_1314 = arith.constant 1 : i32
        %sub3A_1315 = arith.subi %div3A_1294, %sub3A_1314 : i32
        %select_n3A_1316 = arith.select %and3A_1313, %sub3A_1315, %div3A_1294 : i32
        %add3A_1317 = arith.constant 96 : i32
        %add3A_1318 = arith.addi %add3A_1317, %select_n3A_1316 : i32
        %broadcast_in_dim3A_1319 = vector.broadcast %add3A_1318 : i32 to vector<16xi32>
        %gather3A_1320 = tpu.vector_load_idx %arg22[%broadcast_in_dim3A_1093, %broadcast_in_dim3A_1319] : memref<80x104xf32, #tpu.memory_space<vmem>>[vector<16xi32>, vector<16xi32>], vector<16xf32>,
        %get3A_1321 = arith.index_cast %add3A_1092 : i32 to index
        %get3A_1322 = arith.constant 80 : index
        %get3A_1323 = tpu.vector_load %arg21[%get3A_1321, %get3A_1322] {strides = array<i32>} : memref<80x96xf32, #tpu.memory_space<vmem>>, vector<16xf32>,
        %mul3A_1324 = arith.mulf %get3A_1323, %gather3A_1320 : vector<16xf32>
        %swap3A_1325 = arith.index_cast %add3A_1092 : i32 to index
        %swap3A_1326 = arith.constant 80 : index
        %swap3A_1327 = tpu.vector_load %arg22[%swap3A_1325, %swap3A_1326] {strides = array<i32>} : memref<80x104xf32, #tpu.memory_space<vmem>>, vector<16xf32>,
        tpu.vector_store %arg22[%swap3A_1325, %swap3A_1326], %mul3A_1324 {strides = array<i32>} : memref<80x104xf32, #tpu.memory_space<vmem>>, vector<16xf32>,
      }
      %scan3A_378 = arith.constant 20 : i32
      "tpu.region"() ({
        %run_scoped3A = tpu.sem_alloc : memref<!tpu.dma_semaphore, #tpu.memory_space<semaphore_mem>>
        %dma_start3A_379 = arith.constant 0 : i32
        %dma_start3A_380 = arith.constant 0 : i32
        %dma_start3A_381 = tpu.memref_slice %arg13[%dma_start3A_379, %dma_start3A_380] : memref<10000x104xf32, #tpu.memory_space<vmem_shared>> -> memref<10000x104xf32, #tpu.memory_space<vmem_shared>>
        tpu.enqueue_indirect_dma source(%arg22 : memref<80x104xf32, #tpu.memory_space<vmem>>) target(%dma_start3A_381 : memref<10000x104xf32, #tpu.memory_space<vmem_shared>>) offsets(%arg17 : memref<80xi32, #tpu.memory_space<vmem>>) semaphore(%run_scoped3A : memref<!tpu.dma_semaphore, #tpu.memory_space<semaphore_mem>>) {add = true}
        %dma_wait3A_382 = arith.constant 0 : i32
        %dma_wait3A_383 = arith.constant 0 : i32
        %dma_wait3A_384 = tpu.memref_slice %arg13[%dma_wait3A_382, %dma_wait3A_383] : memref<10000x104xf32, #tpu.memory_space<vmem_shared>> -> memref<10000x104xf32, #tpu.memory_space<vmem_shared>>
        tpu.wait_indirect_dma semaphore(%run_scoped3A : memref<!tpu.dma_semaphore, #tpu.memory_space<semaphore_mem>>) src(%arg22 : memref<80x104xf32, #tpu.memory_space<vmem>>) dst(%dma_wait3A_384 : memref<10000x104xf32, #tpu.memory_space<vmem_shared>>)
        tpu.yield
      }) : () -> ()
    }
    %scan3A_9 = arith.constant 250 : i32
    %barrier3A_10 = arith.constant 0 : index
    tpu.barrier barrier_id(%barrier3A_10)
    %mul3A_11 = arith.constant 625 : i32
    %mul3A_12 = arith.muli %arg1, %mul3A_11 : i32
    "tpu.region"() ({
      %run_scoped3A = tpu.sem_alloc : memref<!tpu.dma_semaphore, #tpu.memory_space<semaphore_mem>>
      %dma_start3A = arith.constant 0 : i32
      %dma_start3A_13 = tpu.memref_slice %arg10[%arg0, %mul3A_12, %dma_start3A] : memref<2x10000x104xf32, #tpu.memory_space<hbm>> -> memref<1x625x104xf32, #tpu.memory_space<hbm>>
      %dma_start3A_14 = tpu.memref_squeeze %dma_start3A_13 : memref<1x625x104xf32, #tpu.memory_space<hbm>> -> memref<625x104xf32, #tpu.memory_space<hbm>>
      %dma_start3A_15 = arith.constant 0 : i32
      %dma_start3A_16 = tpu.memref_slice %arg13[%mul3A_12, %dma_start3A_15] : memref<10000x104xf32, #tpu.memory_space<vmem_shared>> -> memref<625x104xf32, #tpu.memory_space<vmem_shared>>
      tpu.enqueue_dma source(%dma_start3A_16 : memref<625x104xf32, #tpu.memory_space<vmem_shared>>) target(%dma_start3A_14 : memref<625x104xf32, #tpu.memory_space<hbm>>) target_semaphore(%run_scoped3A : memref<!tpu.dma_semaphore, #tpu.memory_space<semaphore_mem>>)
      %dma_wait3A = arith.constant 0 : i32
      %dma_wait3A_17 = tpu.memref_slice %arg10[%arg0, %mul3A_12, %dma_wait3A] : memref<2x10000x104xf32, #tpu.memory_space<hbm>> -> memref<1x625x104xf32, #tpu.memory_space<hbm>>
      %dma_wait3A_18 = tpu.memref_squeeze %dma_wait3A_17 : memref<1x625x104xf32, #tpu.memory_space<hbm>> -> memref<625x104xf32, #tpu.memory_space<hbm>>
      %dma_wait3A_19 = arith.constant 0 : i32
      %dma_wait3A_20 = tpu.memref_slice %arg13[%mul3A_12, %dma_wait3A_19] : memref<10000x104xf32, #tpu.memory_space<vmem_shared>> -> memref<625x104xf32, #tpu.memory_space<vmem_shared>>
      tpu.wait_dma2 semaphore(%run_scoped3A : memref<!tpu.dma_semaphore, #tpu.memory_space<semaphore_mem>>) src(%dma_wait3A_20 : memref<625x104xf32, #tpu.memory_space<vmem_shared>>) dst(%dma_wait3A_18 : memref<625x104xf32, #tpu.memory_space<hbm>>)
      tpu.yield
    }) : () -> ()
    return
  }
}

#map = affine_map<(d0, d1) -> (0, 0)>
#map1 = affine_map<(d0, d1) -> (0)>
#map2 = affine_map<(d0, d1) -> (0, 0, 0)>
module attributes {stable_mosaic.version = 14 : i64} {
  func.func @sc_edge(%arg0: i32, %arg1: i32, %arg2: memref<20000x96xf32, #tpu.memory_space<hbm>>, %arg3: memref<10000x8xf32, #tpu.memory_space<hbm>>, %arg4: memref<10000x8xf32, #tpu.memory_space<hbm>>, %arg5: memref<320000xi32, #tpu.memory_space<hbm>>, %arg6: memref<320000xi32, #tpu.memory_space<hbm>>, %arg7: memref<320000xf32, #tpu.memory_space<hbm>>, %arg8: memref<3x16xf32, #tpu.memory_space<hbm>>, %arg9: memref<625x104xf32, #tpu.memory_space<hbm>>, %arg10: memref<2x10000x104xf32, #tpu.memory_space<hbm>>, %arg11: memref<10000x8xf32, #tpu.memory_space<vmem_shared>>, %arg12: memref<10000x8xf32, #tpu.memory_space<vmem_shared>>, %arg13: memref<10000x104xf32, #tpu.memory_space<vmem_shared>>, %arg14: memref<3x16xf32, #tpu.memory_space<vmem>>, %arg15: memref<80xi32, #tpu.memory_space<vmem>>, %arg16: memref<80xi32, #tpu.memory_space<vmem>>, %arg17: memref<80xi32, #tpu.memory_space<vmem>>, %arg18: memref<80xf32, #tpu.memory_space<vmem>>, %arg19: memref<80x8xf32, #tpu.memory_space<vmem>>, %arg20: memref<80x8xf32, #tpu.memory_space<vmem>>, %arg21: memref<80x96xf32, #tpu.memory_space<vmem>>, %arg22: memref<80x104xf32, #tpu.memory_space<vmem>>, %arg23: memref<!tpu.dma_semaphore, #tpu.memory_space<semaphore_mem>>, %arg24: memref<!tpu.dma_semaphore, #tpu.memory_space<semaphore_mem>>) attributes {dimension_semantics = [#tpu.dimension_semantics<core_parallel>, #tpu.dimension_semantics<subcore_parallel>], iteration_bounds = array<i64: 2, 16>, scalar_prefetch = 0 : i64, scratch_operands = 14 : i64, tpu.core_type = #tpu.core_type<sc_vector_subcore>, window_params = [{transform_indices = #map}, {transform_indices = #map}, {transform_indices = #map}, {transform_indices = #map1}, {transform_indices = #map1}, {transform_indices = #map1}, {transform_indices = #map}, {transform_indices = #map}, {transform_indices = #map2}]} {
    %mul3A = arith.constant 20000 : i32
    %mul3A_0 = arith.muli %arg1, %mul3A : i32
    "tpu.region"() ({
      %run_scoped3A = tpu.sem_alloc : memref<!tpu.dma_semaphore, #tpu.memory_space<semaphore_mem>>
      tpu.enqueue_dma source(%arg8 : memref<3x16xf32, #tpu.memory_space<hbm>>) target(%arg14 : memref<3x16xf32, #tpu.memory_space<vmem>>) target_semaphore(%run_scoped3A : memref<!tpu.dma_semaphore, #tpu.memory_space<semaphore_mem>>)
      tpu.wait_dma2 semaphore(%run_scoped3A : memref<!tpu.dma_semaphore, #tpu.memory_space<semaphore_mem>>) src(%arg8 : memref<3x16xf32, #tpu.memory_space<hbm>>) dst(%arg14 : memref<3x16xf32, #tpu.memory_space<vmem>>)
      tpu.yield
    }) : () -> ()
    %mul3A_1 = arith.constant 625 : i32
    %mul3A_2 = arith.muli %arg1, %mul3A_1 : i32
    "tpu.region"() ({
      %run_scoped3A = tpu.sem_alloc : memref<!tpu.dma_semaphore, #tpu.memory_space<semaphore_mem>>
      %dma_start3A = arith.constant 0 : i32
      %dma_start3A_13 = tpu.memref_slice %arg13[%mul3A_2, %dma_start3A] : memref<10000x104xf32, #tpu.memory_space<vmem_shared>> -> memref<625x104xf32, #tpu.memory_space<vmem_shared>>
      %dma_start3A_14 = arith.constant 0 : i32
      %dma_start3A_15 = arith.constant 0 : i32
      %dma_start3A_16 = tpu.memref_slice %arg9[%dma_start3A_14, %dma_start3A_15] : memref<625x104xf32, #tpu.memory_space<hbm>> -> memref<625x104xf32, #tpu.memory_space<hbm>>
      tpu.enqueue_dma source(%dma_start3A_16 : memref<625x104xf32, #tpu.memory_space<hbm>>) target(%dma_start3A_13 : memref<625x104xf32, #tpu.memory_space<vmem_shared>>) target_semaphore(%run_scoped3A : memref<!tpu.dma_semaphore, #tpu.memory_space<semaphore_mem>>)
      %dma_wait3A = arith.constant 0 : i32
      %dma_wait3A_17 = tpu.memref_slice %arg13[%mul3A_2, %dma_wait3A] : memref<10000x104xf32, #tpu.memory_space<vmem_shared>> -> memref<625x104xf32, #tpu.memory_space<vmem_shared>>
      %dma_wait3A_18 = arith.constant 0 : i32
      %dma_wait3A_19 = arith.constant 0 : i32
      %dma_wait3A_20 = tpu.memref_slice %arg9[%dma_wait3A_18, %dma_wait3A_19] : memref<625x104xf32, #tpu.memory_space<hbm>> -> memref<625x104xf32, #tpu.memory_space<hbm>>
      tpu.wait_dma2 semaphore(%run_scoped3A : memref<!tpu.dma_semaphore, #tpu.memory_space<semaphore_mem>>) src(%dma_wait3A_20 : memref<625x104xf32, #tpu.memory_space<hbm>>) dst(%dma_wait3A_17 : memref<625x104xf32, #tpu.memory_space<vmem_shared>>)
      tpu.yield
    }) : () -> ()
    "tpu.region"() ({
      %run_scoped3A = tpu.sem_alloc : memref<!tpu.dma_semaphore, #tpu.memory_space<semaphore_mem>>
      %dma_start3A = arith.constant 0 : i32
      %dma_start3A_13 = arith.constant 0 : i32
      %dma_start3A_14 = tpu.memref_slice %arg9[%dma_start3A, %dma_start3A_13] : memref<625x104xf32, #tpu.memory_space<hbm>> -> memref<80x104xf32, #tpu.memory_space<hbm>>
      %dma_start3A_15 = arith.constant 0 : i32
      %dma_start3A_16 = arith.constant 0 : i32
      %dma_start3A_17 = tpu.memref_slice %arg9[%dma_start3A_15, %dma_start3A_16] : memref<625x104xf32, #tpu.memory_space<hbm>> -> memref<80x104xf32, #tpu.memory_space<hbm>>
      tpu.enqueue_dma source(%dma_start3A_17 : memref<80x104xf32, #tpu.memory_space<hbm>>) target(%arg22 : memref<80x104xf32, #tpu.memory_space<vmem>>) target_semaphore(%run_scoped3A : memref<!tpu.dma_semaphore, #tpu.memory_space<semaphore_mem>>)
      %dma_wait3A = arith.constant 0 : i32
      %dma_wait3A_18 = arith.constant 0 : i32
      %dma_wait3A_19 = tpu.memref_slice %arg9[%dma_wait3A, %dma_wait3A_18] : memref<625x104xf32, #tpu.memory_space<hbm>> -> memref<80x104xf32, #tpu.memory_space<hbm>>
      %dma_wait3A_20 = arith.constant 0 : i32
      %dma_wait3A_21 = arith.constant 0 : i32
      %dma_wait3A_22 = tpu.memref_slice %arg9[%dma_wait3A_20, %dma_wait3A_21] : memref<625x104xf32, #tpu.memory_space<hbm>> -> memref<80x104xf32, #tpu.memory_space<hbm>>
      tpu.wait_dma2 semaphore(%run_scoped3A : memref<!tpu.dma_semaphore, #tpu.memory_space<semaphore_mem>>) src(%dma_wait3A_22 : memref<80x104xf32, #tpu.memory_space<hbm>>) dst(%arg22 : memref<80x104xf32, #tpu.memory_space<vmem>>)
      tpu.yield
    }) : () -> ()
    %eq3A = arith.constant 0 : i32
    %eq3A_3 = arith.cmpi eq, %arg1, %eq3A : i32
    %convert_element_type3A = arith.extui %eq3A_3 : i1 to i32
    %cond3A = arith.constant 0 : i32
    %cond3A_4 = arith.cmpi ne, %convert_element_type3A, %cond3A : i32
    scf.if %cond3A_4 {
      "tpu.region"() ({
        %run_scoped3A = tpu.sem_alloc : memref<!tpu.dma_semaphore, #tpu.memory_space<semaphore_mem>>
        tpu.enqueue_dma source(%arg3 : memref<10000x8xf32, #tpu.memory_space<hbm>>) target(%arg11 : memref<10000x8xf32, #tpu.memory_space<vmem_shared>>) target_semaphore(%run_scoped3A : memref<!tpu.dma_semaphore, #tpu.memory_space<semaphore_mem>>)
        tpu.wait_dma2 semaphore(%run_scoped3A : memref<!tpu.dma_semaphore, #tpu.memory_space<semaphore_mem>>) src(%arg3 : memref<10000x8xf32, #tpu.memory_space<hbm>>) dst(%arg11 : memref<10000x8xf32, #tpu.memory_space<vmem_shared>>)
        tpu.yield
      }) : () -> ()
      "tpu.region"() ({
        %run_scoped3A = tpu.sem_alloc : memref<!tpu.dma_semaphore, #tpu.memory_space<semaphore_mem>>
        tpu.enqueue_dma source(%arg4 : memref<10000x8xf32, #tpu.memory_space<hbm>>) target(%arg12 : memref<10000x8xf32, #tpu.memory_space<vmem_shared>>) target_semaphore(%run_scoped3A : memref<!tpu.dma_semaphore, #tpu.memory_space<semaphore_mem>>)
        tpu.wait_dma2 semaphore(%run_scoped3A : memref<!tpu.dma_semaphore, #tpu.memory_space<semaphore_mem>>) src(%arg4 : memref<10000x8xf32, #tpu.memory_space<hbm>>) dst(%arg12 : memref<10000x8xf32, #tpu.memory_space<vmem_shared>>)
        tpu.yield
      }) : () -> ()
    } else {
    }
    %barrier3A = arith.constant 0 : index
    tpu.barrier barrier_id(%barrier3A)
    %iota3A = tpu.iota {dimensions = array<i32: 0>} : vector<16xi32>
    %scan3A = arith.constant 0 : i32
    %scan3A_5 = arith.constant 0 : i32
    %scan3A_6 = arith.constant 250 : i32
    %scan3A_7 = arith.addi %scan3A_5, %scan3A_6 : i32
    %scan3A_8 = arith.constant 1 : i32
    scf.for %scan3A_13 = %scan3A_5 to %scan3A_7 step %scan3A_8  : i32 {
      %mul3A_14 = arith.constant 80 : i32
      %mul3A_15 = arith.muli %scan3A_13, %mul3A_14 : i32
      %add3A = arith.addi %mul3A_0, %mul3A_15 : i32
      %dma_start3A = tpu.memref_slice %arg5[%add3A] : memref<320000xi32, #tpu.memory_space<hbm>> -> memref<80xi32, #tpu.memory_space<hbm>>
      %dma_start3A_16 = tpu.memref_slice %arg5[%add3A] : memref<320000xi32, #tpu.memory_space<hbm>> -> memref<80xi32, #tpu.memory_space<hbm>>
      tpu.enqueue_dma source(%dma_start3A_16 : memref<80xi32, #tpu.memory_space<hbm>>) target(%arg15 : memref<80xi32, #tpu.memory_space<vmem>>) target_semaphore(%arg24 : memref<!tpu.dma_semaphore, #tpu.memory_space<semaphore_mem>>)
      %dma_start3A_17 = tpu.memref_slice %arg6[%add3A] : memref<320000xi32, #tpu.memory_space<hbm>> -> memref<80xi32, #tpu.memory_space<hbm>>
      %dma_start3A_18 = tpu.memref_slice %arg6[%add3A] : memref<320000xi32, #tpu.memory_space<hbm>> -> memref<80xi32, #tpu.memory_space<hbm>>
      tpu.enqueue_dma source(%dma_start3A_18 : memref<80xi32, #tpu.memory_space<hbm>>) target(%arg17 : memref<80xi32, #tpu.memory_space<vmem>>) target_semaphore(%arg24 : memref<!tpu.dma_semaphore, #tpu.memory_space<semaphore_mem>>)
      %dma_start3A_19 = tpu.memref_slice %arg7[%add3A] : memref<320000xf32, #tpu.memory_space<hbm>> -> memref<80xf32, #tpu.memory_space<hbm>>
      %dma_start3A_20 = tpu.memref_slice %arg7[%add3A] : memref<320000xf32, #tpu.memory_space<hbm>> -> memref<80xf32, #tpu.memory_space<hbm>>
      tpu.enqueue_dma source(%dma_start3A_20 : memref<80xf32, #tpu.memory_space<hbm>>) target(%arg18 : memref<80xf32, #tpu.memory_space<vmem>>) target_semaphore(%arg24 : memref<!tpu.dma_semaphore, #tpu.memory_space<semaphore_mem>>)
      %dma_wait3A = tpu.memref_slice %arg5[%add3A] : memref<320000xi32, #tpu.memory_space<hbm>> -> memref<80xi32, #tpu.memory_space<hbm>>
      %dma_wait3A_21 = tpu.memref_slice %arg5[%add3A] : memref<320000xi32, #tpu.memory_space<hbm>> -> memref<80xi32, #tpu.memory_space<hbm>>
      tpu.wait_dma2 semaphore(%arg24 : memref<!tpu.dma_semaphore, #tpu.memory_space<semaphore_mem>>) src(%dma_wait3A_21 : memref<80xi32, #tpu.memory_space<hbm>>) dst(%arg15 : memref<80xi32, #tpu.memory_space<vmem>>)
      %dma_wait3A_22 = tpu.memref_slice %arg6[%add3A] : memref<320000xi32, #tpu.memory_space<hbm>> -> memref<80xi32, #tpu.memory_space<hbm>>
      %dma_wait3A_23 = tpu.memref_slice %arg6[%add3A] : memref<320000xi32, #tpu.memory_space<hbm>> -> memref<80xi32, #tpu.memory_space<hbm>>
      tpu.wait_dma2 semaphore(%arg24 : memref<!tpu.dma_semaphore, #tpu.memory_space<semaphore_mem>>) src(%dma_wait3A_23 : memref<80xi32, #tpu.memory_space<hbm>>) dst(%arg17 : memref<80xi32, #tpu.memory_space<vmem>>)
      %dma_wait3A_24 = tpu.memref_slice %arg7[%add3A] : memref<320000xf32, #tpu.memory_space<hbm>> -> memref<80xf32, #tpu.memory_space<hbm>>
      %dma_wait3A_25 = tpu.memref_slice %arg7[%add3A] : memref<320000xf32, #tpu.memory_space<hbm>> -> memref<80xf32, #tpu.memory_space<hbm>>
      tpu.wait_dma2 semaphore(%arg24 : memref<!tpu.dma_semaphore, #tpu.memory_space<semaphore_mem>>) src(%dma_wait3A_25 : memref<80xf32, #tpu.memory_space<hbm>>) dst(%arg18 : memref<80xf32, #tpu.memory_space<vmem>>)
      %get3A = arith.constant 0 : index
      %get3A_26 = tpu.vector_load %arg15[%get3A] {strides = array<i32>} : memref<80xi32, #tpu.memory_space<vmem>>, vector<16xi32>,
      %mul3A_27 = arith.constant 10000 : i32
      %mul3A_28 = arith.muli %arg0, %mul3A_27 : i32
      %add3A_29 = vector.broadcast %mul3A_28 : i32 to vector<16xi32>
      %add3A_30 = arith.addi %get3A_26, %add3A_29 : vector<16xi32>
      %swap3A = arith.constant 0 : index
      %swap3A_31 = tpu.vector_load %arg16[%swap3A] {strides = array<i32>} : memref<80xi32, #tpu.memory_space<vmem>>, vector<16xi32>,
      tpu.vector_store %arg16[%swap3A], %add3A_30 {strides = array<i32>} : memref<80xi32, #tpu.memory_space<vmem>>, vector<16xi32>,
      %get3A_32 = arith.constant 16 : index
      %get3A_33 = tpu.vector_load %arg15[%get3A_32] {strides = array<i32>} : memref<80xi32, #tpu.memory_space<vmem>>, vector<16xi32>,
      %mul3A_34 = arith.constant 10000 : i32
      %mul3A_35 = arith.muli %arg0, %mul3A_34 : i32
      %add3A_36 = vector.broadcast %mul3A_35 : i32 to vector<16xi32>
      %add3A_37 = arith.addi %get3A_33, %add3A_36 : vector<16xi32>
      %swap3A_38 = arith.constant 16 : index
      %swap3A_39 = tpu.vector_load %arg16[%swap3A_38] {strides = array<i32>} : memref<80xi32, #tpu.memory_space<vmem>>, vector<16xi32>,
      tpu.vector_store %arg16[%swap3A_38], %add3A_37 {strides = array<i32>} : memref<80xi32, #tpu.memory_space<vmem>>, vector<16xi32>,
      %get3A_40 = arith.constant 32 : index
      %get3A_41 = tpu.vector_load %arg15[%get3A_40] {strides = array<i32>} : memref<80xi32, #tpu.memory_space<vmem>>, vector<16xi32>,
      %mul3A_42 = arith.constant 10000 : i32
      %mul3A_43 = arith.muli %arg0, %mul3A_42 : i32
      %add3A_44 = vector.broadcast %mul3A_43 : i32 to vector<16xi32>
      %add3A_45 = arith.addi %get3A_41, %add3A_44 : vector<16xi32>
      %swap3A_46 = arith.constant 32 : index
      %swap3A_47 = tpu.vector_load %arg16[%swap3A_46] {strides = array<i32>} : memref<80xi32, #tpu.memory_space<vmem>>, vector<16xi32>,
      tpu.vector_store %arg16[%swap3A_46], %add3A_45 {strides = array<i32>} : memref<80xi32, #tpu.memory_space<vmem>>, vector<16xi32>,
      %get3A_48 = arith.constant 48 : index
      %get3A_49 = tpu.vector_load %arg15[%get3A_48] {strides = array<i32>} : memref<80xi32, #tpu.memory_space<vmem>>, vector<16xi32>,
      %mul3A_50 = arith.constant 10000 : i32
      %mul3A_51 = arith.muli %arg0, %mul3A_50 : i32
      %add3A_52 = vector.broadcast %mul3A_51 : i32 to vector<16xi32>
      %add3A_53 = arith.addi %get3A_49, %add3A_52 : vector<16xi32>
      %swap3A_54 = arith.constant 48 : index
      %swap3A_55 = tpu.vector_load %arg16[%swap3A_54] {strides = array<i32>} : memref<80xi32, #tpu.memory_space<vmem>>, vector<16xi32>,
      tpu.vector_store %arg16[%swap3A_54], %add3A_53 {strides = array<i32>} : memref<80xi32, #tpu.memory_space<vmem>>, vector<16xi32>,
      %get3A_56 = arith.constant 64 : index
      %get3A_57 = tpu.vector_load %arg15[%get3A_56] {strides = array<i32>} : memref<80xi32, #tpu.memory_space<vmem>>, vector<16xi32>,
      %mul3A_58 = arith.constant 10000 : i32
      %mul3A_59 = arith.muli %arg0, %mul3A_58 : i32
      %add3A_60 = vector.broadcast %mul3A_59 : i32 to vector<16xi32>
      %add3A_61 = arith.addi %get3A_57, %add3A_60 : vector<16xi32>
      %swap3A_62 = arith.constant 64 : index
      %swap3A_63 = tpu.vector_load %arg16[%swap3A_62] {strides = array<i32>} : memref<80xi32, #tpu.memory_space<vmem>>, vector<16xi32>,
      tpu.vector_store %arg16[%swap3A_62], %add3A_61 {strides = array<i32>} : memref<80xi32, #tpu.memory_space<vmem>>, vector<16xi32>,
      %dma_start3A_64 = arith.constant 0 : i32
      %dma_start3A_65 = arith.constant 0 : i32
      %dma_start3A_66 = tpu.memref_slice %arg2[%dma_start3A_64, %dma_start3A_65] : memref<20000x96xf32, #tpu.memory_space<hbm>> -> memref<20000x96xf32, #tpu.memory_space<hbm>>
      tpu.enqueue_indirect_dma source(%dma_start3A_66 : memref<20000x96xf32, #tpu.memory_space<hbm>>) target(%arg21 : memref<80x96xf32, #tpu.memory_space<vmem>>) offsets(%arg16 : memref<80xi32, #tpu.memory_space<vmem>>) semaphore(%arg23 : memref<!tpu.dma_semaphore, #tpu.memory_space<semaphore_mem>>)
      %dma_start3A_67 = arith.constant 0 : i32
      %dma_start3A_68 = arith.constant 0 : i32
      %dma_start3A_69 = tpu.memref_slice %arg11[%dma_start3A_67, %dma_start3A_68] : memref<10000x8xf32, #tpu.memory_space<vmem_shared>> -> memref<10000x8xf32, #tpu.memory_space<vmem_shared>>
      tpu.enqueue_indirect_dma source(%dma_start3A_69 : memref<10000x8xf32, #tpu.memory_space<vmem_shared>>) target(%arg19 : memref<80x8xf32, #tpu.memory_space<vmem>>) offsets(%arg15 : memref<80xi32, #tpu.memory_space<vmem>>) semaphore(%arg24 : memref<!tpu.dma_semaphore, #tpu.memory_space<semaphore_mem>>)
      %dma_start3A_70 = arith.constant 0 : i32
      %dma_start3A_71 = arith.constant 0 : i32
      %dma_start3A_72 = tpu.memref_slice %arg12[%dma_start3A_70, %dma_start3A_71] : memref<10000x8xf32, #tpu.memory_space<vmem_shared>> -> memref<10000x8xf32, #tpu.memory_space<vmem_shared>>
      tpu.enqueue_indirect_dma source(%dma_start3A_72 : memref<10000x8xf32, #tpu.memory_space<vmem_shared>>) target(%arg20 : memref<80x8xf32, #tpu.memory_space<vmem>>) offsets(%arg17 : memref<80xi32, #tpu.memory_space<vmem>>) semaphore(%arg24 : memref<!tpu.dma_semaphore, #tpu.memory_space<semaphore_mem>>)
      %dma_wait3A_73 = arith.constant 0 : i32
      %dma_wait3A_74 = arith.constant 0 : i32
      %dma_wait3A_75 = tpu.memref_slice %arg11[%dma_wait3A_73, %dma_wait3A_74] : memref<10000x8xf32, #tpu.memory_space<vmem_shared>> -> memref<10000x8xf32, #tpu.memory_space<vmem_shared>>
      tpu.wait_indirect_dma semaphore(%arg24 : memref<!tpu.dma_semaphore, #tpu.memory_space<semaphore_mem>>) src(%dma_wait3A_75 : memref<10000x8xf32, #tpu.memory_space<vmem_shared>>) dst(%arg19 : memref<80x8xf32, #tpu.memory_space<vmem>>)
      %dma_wait3A_76 = arith.constant 0 : i32
      %dma_wait3A_77 = arith.constant 0 : i32
      %dma_wait3A_78 = tpu.memref_slice %arg12[%dma_wait3A_76, %dma_wait3A_77] : memref<10000x8xf32, #tpu.memory_space<vmem_shared>> -> memref<10000x8xf32, #tpu.memory_space<vmem_shared>>
      tpu.wait_indirect_dma semaphore(%arg24 : memref<!tpu.dma_semaphore, #tpu.memory_space<semaphore_mem>>) src(%dma_wait3A_78 : memref<10000x8xf32, #tpu.memory_space<vmem_shared>>) dst(%arg20 : memref<80x8xf32, #tpu.memory_space<vmem>>)
      %get3A_79 = arith.constant 0 : index
      %get3A_80 = tpu.vector_load %arg18[%get3A_79] {strides = array<i32>} : memref<80xf32, #tpu.memory_space<vmem>>, vector<16xf32>,
      %add3A_81 = arith.constant 0 : i32
      %add3A_82 = vector.broadcast %add3A_81 : i32 to vector<16xi32>
      %add3A_83 = arith.addi %add3A_82, %iota3A : vector<16xi32>
      %broadcast_in_dim3A = arith.constant 0 : i32
      %broadcast_in_dim3A_84 = vector.broadcast %broadcast_in_dim3A : i32 to vector<16xi32>
      %gather3A = tpu.vector_load_idx %arg19[%add3A_83, %broadcast_in_dim3A_84] : memref<80x8xf32, #tpu.memory_space<vmem>>[vector<16xi32>, vector<16xi32>], vector<16xf32>,
      %gather3A_85 = tpu.vector_load_idx %arg20[%add3A_83, %broadcast_in_dim3A_84] : memref<80x8xf32, #tpu.memory_space<vmem>>[vector<16xi32>, vector<16xi32>], vector<16xf32>,
      %add3A_86 = arith.addf %gather3A, %gather3A_85 : vector<16xf32>
      %get3A_87 = arith.constant 0 : i32
      %get3A_88 = arith.index_cast %get3A_87 : i32 to index
      %get3A_89 = arith.constant 0 : index
      %get3A_90 = tpu.vector_load %arg14[%get3A_88, %get3A_89] {strides = array<i32>} : memref<3x16xf32, #tpu.memory_space<vmem>>, vector<16xf32>,
      %mul3A_91 = arith.mulf %get3A_80, %get3A_90 : vector<16xf32>
      %add3A_92 = arith.addf %add3A_86, %mul3A_91 : vector<16xf32>
      %mul3A_93 = arith.constant 2.000000e-01 : f32
      %mul3A_94 = vector.broadcast %mul3A_93 : f32 to vector<16xf32>
      %mul3A_95 = arith.mulf %mul3A_94, %add3A_92 : vector<16xf32>
      %max3A = arith.maximumf %add3A_92, %mul3A_95 : vector<16xf32>
      %exp3A = math.exp %max3A : vector<16xf32>
      %broadcast_in_dim3A_96 = arith.constant 96 : i32
      %broadcast_in_dim3A_97 = vector.broadcast %broadcast_in_dim3A_96 : i32 to vector<16xi32>
      tpu.vector_store_idx %arg22[%add3A_83, %broadcast_in_dim3A_97], %exp3A : memref<80x104xf32, #tpu.memory_space<vmem>>[vector<16xi32>, vector<16xi32>], vector<16xf32>,
      %broadcast_in_dim3A_98 = arith.constant 1 : i32
      %broadcast_in_dim3A_99 = vector.broadcast %broadcast_in_dim3A_98 : i32 to vector<16xi32>
      %gather3A_100 = tpu.vector_load_idx %arg19[%add3A_83, %broadcast_in_dim3A_99] : memref<80x8xf32, #tpu.memory_space<vmem>>[vector<16xi32>, vector<16xi32>], vector<16xf32>,
      %gather3A_101 = tpu.vector_load_idx %arg20[%add3A_83, %broadcast_in_dim3A_99] : memref<80x8xf32, #tpu.memory_space<vmem>>[vector<16xi32>, vector<16xi32>], vector<16xf32>,
      %add3A_102 = arith.addf %gather3A_100, %gather3A_101 : vector<16xf32>
      %get3A_103 = arith.constant 1 : i32
      %get3A_104 = arith.index_cast %get3A_103 : i32 to index
      %get3A_105 = arith.constant 0 : index
      %get3A_106 = tpu.vector_load %arg14[%get3A_104, %get3A_105] {strides = array<i32>} : memref<3x16xf32, #tpu.memory_space<vmem>>, vector<16xf32>,
      %mul3A_107 = arith.mulf %get3A_80, %get3A_106 : vector<16xf32>
      %add3A_108 = arith.addf %add3A_102, %mul3A_107 : vector<16xf32>
      %mul3A_109 = arith.constant 2.000000e-01 : f32
      %mul3A_110 = vector.broadcast %mul3A_109 : f32 to vector<16xf32>
      %mul3A_111 = arith.mulf %mul3A_110, %add3A_108 : vector<16xf32>
      %max3A_112 = arith.maximumf %add3A_108, %mul3A_111 : vector<16xf32>
      %exp3A_113 = math.exp %max3A_112 : vector<16xf32>
      %broadcast_in_dim3A_114 = arith.constant 97 : i32
      %broadcast_in_dim3A_115 = vector.broadcast %broadcast_in_dim3A_114 : i32 to vector<16xi32>
      tpu.vector_store_idx %arg22[%add3A_83, %broadcast_in_dim3A_115], %exp3A_113 : memref<80x104xf32, #tpu.memory_space<vmem>>[vector<16xi32>, vector<16xi32>], vector<16xf32>,
      %broadcast_in_dim3A_116 = arith.constant 2 : i32
      %broadcast_in_dim3A_117 = vector.broadcast %broadcast_in_dim3A_116 : i32 to vector<16xi32>
      %gather3A_118 = tpu.vector_load_idx %arg19[%add3A_83, %broadcast_in_dim3A_117] : memref<80x8xf32, #tpu.memory_space<vmem>>[vector<16xi32>, vector<16xi32>], vector<16xf32>,
      %gather3A_119 = tpu.vector_load_idx %arg20[%add3A_83, %broadcast_in_dim3A_117] : memref<80x8xf32, #tpu.memory_space<vmem>>[vector<16xi32>, vector<16xi32>], vector<16xf32>,
      %add3A_120 = arith.addf %gather3A_118, %gather3A_119 : vector<16xf32>
      %get3A_121 = arith.constant 2 : i32
      %get3A_122 = arith.index_cast %get3A_121 : i32 to index
      %get3A_123 = arith.constant 0 : index
      %get3A_124 = tpu.vector_load %arg14[%get3A_122, %get3A_123] {strides = array<i32>} : memref<3x16xf32, #tpu.memory_space<vmem>>, vector<16xf32>,
      %mul3A_125 = arith.mulf %get3A_80, %get3A_124 : vector<16xf32>
      %add3A_126 = arith.addf %add3A_120, %mul3A_125 : vector<16xf32>
      %mul3A_127 = arith.constant 2.000000e-01 : f32
      %mul3A_128 = vector.broadcast %mul3A_127 : f32 to vector<16xf32>
      %mul3A_129 = arith.mulf %mul3A_128, %add3A_126 : vector<16xf32>
      %max3A_130 = arith.maximumf %add3A_126, %mul3A_129 : vector<16xf32>
      %exp3A_131 = math.exp %max3A_130 : vector<16xf32>
      %broadcast_in_dim3A_132 = arith.constant 98 : i32
      %broadcast_in_dim3A_133 = vector.broadcast %broadcast_in_dim3A_132 : i32 to vector<16xi32>
      tpu.vector_store_idx %arg22[%add3A_83, %broadcast_in_dim3A_133], %exp3A_131 : memref<80x104xf32, #tpu.memory_space<vmem>>[vector<16xi32>, vector<16xi32>], vector<16xf32>,
      %get3A_134 = arith.constant 16 : index
      %get3A_135 = tpu.vector_load %arg18[%get3A_134] {strides = array<i32>} : memref<80xf32, #tpu.memory_space<vmem>>, vector<16xf32>,
      %add3A_136 = arith.constant 16 : i32
      %add3A_137 = vector.broadcast %add3A_136 : i32 to vector<16xi32>
      %add3A_138 = arith.addi %add3A_137, %iota3A : vector<16xi32>
      %broadcast_in_dim3A_139 = arith.constant 0 : i32
      %broadcast_in_dim3A_140 = vector.broadcast %broadcast_in_dim3A_139 : i32 to vector<16xi32>
      %gather3A_141 = tpu.vector_load_idx %arg19[%add3A_138, %broadcast_in_dim3A_140] : memref<80x8xf32, #tpu.memory_space<vmem>>[vector<16xi32>, vector<16xi32>], vector<16xf32>,
      %gather3A_142 = tpu.vector_load_idx %arg20[%add3A_138, %broadcast_in_dim3A_140] : memref<80x8xf32, #tpu.memory_space<vmem>>[vector<16xi32>, vector<16xi32>], vector<16xf32>,
      %add3A_143 = arith.addf %gather3A_141, %gather3A_142 : vector<16xf32>
      %get3A_144 = arith.constant 0 : i32
      %get3A_145 = arith.index_cast %get3A_144 : i32 to index
      %get3A_146 = arith.constant 0 : index
      %get3A_147 = tpu.vector_load %arg14[%get3A_145, %get3A_146] {strides = array<i32>} : memref<3x16xf32, #tpu.memory_space<vmem>>, vector<16xf32>,
      %mul3A_148 = arith.mulf %get3A_135, %get3A_147 : vector<16xf32>
      %add3A_149 = arith.addf %add3A_143, %mul3A_148 : vector<16xf32>
      %mul3A_150 = arith.constant 2.000000e-01 : f32
      %mul3A_151 = vector.broadcast %mul3A_150 : f32 to vector<16xf32>
      %mul3A_152 = arith.mulf %mul3A_151, %add3A_149 : vector<16xf32>
      %max3A_153 = arith.maximumf %add3A_149, %mul3A_152 : vector<16xf32>
      %exp3A_154 = math.exp %max3A_153 : vector<16xf32>
      %broadcast_in_dim3A_155 = arith.constant 96 : i32
      %broadcast_in_dim3A_156 = vector.broadcast %broadcast_in_dim3A_155 : i32 to vector<16xi32>
      tpu.vector_store_idx %arg22[%add3A_138, %broadcast_in_dim3A_156], %exp3A_154 : memref<80x104xf32, #tpu.memory_space<vmem>>[vector<16xi32>, vector<16xi32>], vector<16xf32>,
      %broadcast_in_dim3A_157 = arith.constant 1 : i32
      %broadcast_in_dim3A_158 = vector.broadcast %broadcast_in_dim3A_157 : i32 to vector<16xi32>
      %gather3A_159 = tpu.vector_load_idx %arg19[%add3A_138, %broadcast_in_dim3A_158] : memref<80x8xf32, #tpu.memory_space<vmem>>[vector<16xi32>, vector<16xi32>], vector<16xf32>,
      %gather3A_160 = tpu.vector_load_idx %arg20[%add3A_138, %broadcast_in_dim3A_158] : memref<80x8xf32, #tpu.memory_space<vmem>>[vector<16xi32>, vector<16xi32>], vector<16xf32>,
      %add3A_161 = arith.addf %gather3A_159, %gather3A_160 : vector<16xf32>
      %get3A_162 = arith.constant 1 : i32
      %get3A_163 = arith.index_cast %get3A_162 : i32 to index
      %get3A_164 = arith.constant 0 : index
      %get3A_165 = tpu.vector_load %arg14[%get3A_163, %get3A_164] {strides = array<i32>} : memref<3x16xf32, #tpu.memory_space<vmem>>, vector<16xf32>,
      %mul3A_166 = arith.mulf %get3A_135, %get3A_165 : vector<16xf32>
      %add3A_167 = arith.addf %add3A_161, %mul3A_166 : vector<16xf32>
      %mul3A_168 = arith.constant 2.000000e-01 : f32
      %mul3A_169 = vector.broadcast %mul3A_168 : f32 to vector<16xf32>
      %mul3A_170 = arith.mulf %mul3A_169, %add3A_167 : vector<16xf32>
      %max3A_171 = arith.maximumf %add3A_167, %mul3A_170 : vector<16xf32>
      %exp3A_172 = math.exp %max3A_171 : vector<16xf32>
      %broadcast_in_dim3A_173 = arith.constant 97 : i32
      %broadcast_in_dim3A_174 = vector.broadcast %broadcast_in_dim3A_173 : i32 to vector<16xi32>
      tpu.vector_store_idx %arg22[%add3A_138, %broadcast_in_dim3A_174], %exp3A_172 : memref<80x104xf32, #tpu.memory_space<vmem>>[vector<16xi32>, vector<16xi32>], vector<16xf32>,
      %broadcast_in_dim3A_175 = arith.constant 2 : i32
      %broadcast_in_dim3A_176 = vector.broadcast %broadcast_in_dim3A_175 : i32 to vector<16xi32>
      %gather3A_177 = tpu.vector_load_idx %arg19[%add3A_138, %broadcast_in_dim3A_176] : memref<80x8xf32, #tpu.memory_space<vmem>>[vector<16xi32>, vector<16xi32>], vector<16xf32>,
      %gather3A_178 = tpu.vector_load_idx %arg20[%add3A_138, %broadcast_in_dim3A_176] : memref<80x8xf32, #tpu.memory_space<vmem>>[vector<16xi32>, vector<16xi32>], vector<16xf32>,
      %add3A_179 = arith.addf %gather3A_177, %gather3A_178 : vector<16xf32>
      %get3A_180 = arith.constant 2 : i32
      %get3A_181 = arith.index_cast %get3A_180 : i32 to index
      %get3A_182 = arith.constant 0 : index
      %get3A_183 = tpu.vector_load %arg14[%get3A_181, %get3A_182] {strides = array<i32>} : memref<3x16xf32, #tpu.memory_space<vmem>>, vector<16xf32>,
      %mul3A_184 = arith.mulf %get3A_135, %get3A_183 : vector<16xf32>
      %add3A_185 = arith.addf %add3A_179, %mul3A_184 : vector<16xf32>
      %mul3A_186 = arith.constant 2.000000e-01 : f32
      %mul3A_187 = vector.broadcast %mul3A_186 : f32 to vector<16xf32>
      %mul3A_188 = arith.mulf %mul3A_187, %add3A_185 : vector<16xf32>
      %max3A_189 = arith.maximumf %add3A_185, %mul3A_188 : vector<16xf32>
      %exp3A_190 = math.exp %max3A_189 : vector<16xf32>
      %broadcast_in_dim3A_191 = arith.constant 98 : i32
      %broadcast_in_dim3A_192 = vector.broadcast %broadcast_in_dim3A_191 : i32 to vector<16xi32>
      tpu.vector_store_idx %arg22[%add3A_138, %broadcast_in_dim3A_192], %exp3A_190 : memref<80x104xf32, #tpu.memory_space<vmem>>[vector<16xi32>, vector<16xi32>], vector<16xf32>,
      %get3A_193 = arith.constant 32 : index
      %get3A_194 = tpu.vector_load %arg18[%get3A_193] {strides = array<i32>} : memref<80xf32, #tpu.memory_space<vmem>>, vector<16xf32>,
      %add3A_195 = arith.constant 32 : i32
      %add3A_196 = vector.broadcast %add3A_195 : i32 to vector<16xi32>
      %add3A_197 = arith.addi %add3A_196, %iota3A : vector<16xi32>
      %broadcast_in_dim3A_198 = arith.constant 0 : i32
      %broadcast_in_dim3A_199 = vector.broadcast %broadcast_in_dim3A_198 : i32 to vector<16xi32>
      %gather3A_200 = tpu.vector_load_idx %arg19[%add3A_197, %broadcast_in_dim3A_199] : memref<80x8xf32, #tpu.memory_space<vmem>>[vector<16xi32>, vector<16xi32>], vector<16xf32>,
      %gather3A_201 = tpu.vector_load_idx %arg20[%add3A_197, %broadcast_in_dim3A_199] : memref<80x8xf32, #tpu.memory_space<vmem>>[vector<16xi32>, vector<16xi32>], vector<16xf32>,
      %add3A_202 = arith.addf %gather3A_200, %gather3A_201 : vector<16xf32>
      %get3A_203 = arith.constant 0 : i32
      %get3A_204 = arith.index_cast %get3A_203 : i32 to index
      %get3A_205 = arith.constant 0 : index
      %get3A_206 = tpu.vector_load %arg14[%get3A_204, %get3A_205] {strides = array<i32>} : memref<3x16xf32, #tpu.memory_space<vmem>>, vector<16xf32>,
      %mul3A_207 = arith.mulf %get3A_194, %get3A_206 : vector<16xf32>
      %add3A_208 = arith.addf %add3A_202, %mul3A_207 : vector<16xf32>
      %mul3A_209 = arith.constant 2.000000e-01 : f32
      %mul3A_210 = vector.broadcast %mul3A_209 : f32 to vector<16xf32>
      %mul3A_211 = arith.mulf %mul3A_210, %add3A_208 : vector<16xf32>
      %max3A_212 = arith.maximumf %add3A_208, %mul3A_211 : vector<16xf32>
      %exp3A_213 = math.exp %max3A_212 : vector<16xf32>
      %broadcast_in_dim3A_214 = arith.constant 96 : i32
      %broadcast_in_dim3A_215 = vector.broadcast %broadcast_in_dim3A_214 : i32 to vector<16xi32>
      tpu.vector_store_idx %arg22[%add3A_197, %broadcast_in_dim3A_215], %exp3A_213 : memref<80x104xf32, #tpu.memory_space<vmem>>[vector<16xi32>, vector<16xi32>], vector<16xf32>,
      %broadcast_in_dim3A_216 = arith.constant 1 : i32
      %broadcast_in_dim3A_217 = vector.broadcast %broadcast_in_dim3A_216 : i32 to vector<16xi32>
      %gather3A_218 = tpu.vector_load_idx %arg19[%add3A_197, %broadcast_in_dim3A_217] : memref<80x8xf32, #tpu.memory_space<vmem>>[vector<16xi32>, vector<16xi32>], vector<16xf32>,
      %gather3A_219 = tpu.vector_load_idx %arg20[%add3A_197, %broadcast_in_dim3A_217] : memref<80x8xf32, #tpu.memory_space<vmem>>[vector<16xi32>, vector<16xi32>], vector<16xf32>,
      %add3A_220 = arith.addf %gather3A_218, %gather3A_219 : vector<16xf32>
      %get3A_221 = arith.constant 1 : i32
      %get3A_222 = arith.index_cast %get3A_221 : i32 to index
      %get3A_223 = arith.constant 0 : index
      %get3A_224 = tpu.vector_load %arg14[%get3A_222, %get3A_223] {strides = array<i32>} : memref<3x16xf32, #tpu.memory_space<vmem>>, vector<16xf32>,
      %mul3A_225 = arith.mulf %get3A_194, %get3A_224 : vector<16xf32>
      %add3A_226 = arith.addf %add3A_220, %mul3A_225 : vector<16xf32>
      %mul3A_227 = arith.constant 2.000000e-01 : f32
      %mul3A_228 = vector.broadcast %mul3A_227 : f32 to vector<16xf32>
      %mul3A_229 = arith.mulf %mul3A_228, %add3A_226 : vector<16xf32>
      %max3A_230 = arith.maximumf %add3A_226, %mul3A_229 : vector<16xf32>
      %exp3A_231 = math.exp %max3A_230 : vector<16xf32>
      %broadcast_in_dim3A_232 = arith.constant 97 : i32
      %broadcast_in_dim3A_233 = vector.broadcast %broadcast_in_dim3A_232 : i32 to vector<16xi32>
      tpu.vector_store_idx %arg22[%add3A_197, %broadcast_in_dim3A_233], %exp3A_231 : memref<80x104xf32, #tpu.memory_space<vmem>>[vector<16xi32>, vector<16xi32>], vector<16xf32>,
      %broadcast_in_dim3A_234 = arith.constant 2 : i32
      %broadcast_in_dim3A_235 = vector.broadcast %broadcast_in_dim3A_234 : i32 to vector<16xi32>
      %gather3A_236 = tpu.vector_load_idx %arg19[%add3A_197, %broadcast_in_dim3A_235] : memref<80x8xf32, #tpu.memory_space<vmem>>[vector<16xi32>, vector<16xi32>], vector<16xf32>,
      %gather3A_237 = tpu.vector_load_idx %arg20[%add3A_197, %broadcast_in_dim3A_235] : memref<80x8xf32, #tpu.memory_space<vmem>>[vector<16xi32>, vector<16xi32>], vector<16xf32>,
      %add3A_238 = arith.addf %gather3A_236, %gather3A_237 : vector<16xf32>
      %get3A_239 = arith.constant 2 : i32
      %get3A_240 = arith.index_cast %get3A_239 : i32 to index
      %get3A_241 = arith.constant 0 : index
      %get3A_242 = tpu.vector_load %arg14[%get3A_240, %get3A_241] {strides = array<i32>} : memref<3x16xf32, #tpu.memory_space<vmem>>, vector<16xf32>,
      %mul3A_243 = arith.mulf %get3A_194, %get3A_242 : vector<16xf32>
      %add3A_244 = arith.addf %add3A_238, %mul3A_243 : vector<16xf32>
      %mul3A_245 = arith.constant 2.000000e-01 : f32
      %mul3A_246 = vector.broadcast %mul3A_245 : f32 to vector<16xf32>
      %mul3A_247 = arith.mulf %mul3A_246, %add3A_244 : vector<16xf32>
      %max3A_248 = arith.maximumf %add3A_244, %mul3A_247 : vector<16xf32>
      %exp3A_249 = math.exp %max3A_248 : vector<16xf32>
      %broadcast_in_dim3A_250 = arith.constant 98 : i32
      %broadcast_in_dim3A_251 = vector.broadcast %broadcast_in_dim3A_250 : i32 to vector<16xi32>
      tpu.vector_store_idx %arg22[%add3A_197, %broadcast_in_dim3A_251], %exp3A_249 : memref<80x104xf32, #tpu.memory_space<vmem>>[vector<16xi32>, vector<16xi32>], vector<16xf32>,
      %get3A_252 = arith.constant 48 : index
      %get3A_253 = tpu.vector_load %arg18[%get3A_252] {strides = array<i32>} : memref<80xf32, #tpu.memory_space<vmem>>, vector<16xf32>,
      %add3A_254 = arith.constant 48 : i32
      %add3A_255 = vector.broadcast %add3A_254 : i32 to vector<16xi32>
      %add3A_256 = arith.addi %add3A_255, %iota3A : vector<16xi32>
      %broadcast_in_dim3A_257 = arith.constant 0 : i32
      %broadcast_in_dim3A_258 = vector.broadcast %broadcast_in_dim3A_257 : i32 to vector<16xi32>
      %gather3A_259 = tpu.vector_load_idx %arg19[%add3A_256, %broadcast_in_dim3A_258] : memref<80x8xf32, #tpu.memory_space<vmem>>[vector<16xi32>, vector<16xi32>], vector<16xf32>,
      %gather3A_260 = tpu.vector_load_idx %arg20[%add3A_256, %broadcast_in_dim3A_258] : memref<80x8xf32, #tpu.memory_space<vmem>>[vector<16xi32>, vector<16xi32>], vector<16xf32>,
      %add3A_261 = arith.addf %gather3A_259, %gather3A_260 : vector<16xf32>
      %get3A_262 = arith.constant 0 : i32
      %get3A_263 = arith.index_cast %get3A_262 : i32 to index
      %get3A_264 = arith.constant 0 : index
      %get3A_265 = tpu.vector_load %arg14[%get3A_263, %get3A_264] {strides = array<i32>} : memref<3x16xf32, #tpu.memory_space<vmem>>, vector<16xf32>,
      %mul3A_266 = arith.mulf %get3A_253, %get3A_265 : vector<16xf32>
      %add3A_267 = arith.addf %add3A_261, %mul3A_266 : vector<16xf32>
      %mul3A_268 = arith.constant 2.000000e-01 : f32
      %mul3A_269 = vector.broadcast %mul3A_268 : f32 to vector<16xf32>
      %mul3A_270 = arith.mulf %mul3A_269, %add3A_267 : vector<16xf32>
      %max3A_271 = arith.maximumf %add3A_267, %mul3A_270 : vector<16xf32>
      %exp3A_272 = math.exp %max3A_271 : vector<16xf32>
      %broadcast_in_dim3A_273 = arith.constant 96 : i32
      %broadcast_in_dim3A_274 = vector.broadcast %broadcast_in_dim3A_273 : i32 to vector<16xi32>
      tpu.vector_store_idx %arg22[%add3A_256, %broadcast_in_dim3A_274], %exp3A_272 : memref<80x104xf32, #tpu.memory_space<vmem>>[vector<16xi32>, vector<16xi32>], vector<16xf32>,
      %broadcast_in_dim3A_275 = arith.constant 1 : i32
      %broadcast_in_dim3A_276 = vector.broadcast %broadcast_in_dim3A_275 : i32 to vector<16xi32>
      %gather3A_277 = tpu.vector_load_idx %arg19[%add3A_256, %broadcast_in_dim3A_276] : memref<80x8xf32, #tpu.memory_space<vmem>>[vector<16xi32>, vector<16xi32>], vector<16xf32>,
      %gather3A_278 = tpu.vector_load_idx %arg20[%add3A_256, %broadcast_in_dim3A_276] : memref<80x8xf32, #tpu.memory_space<vmem>>[vector<16xi32>, vector<16xi32>], vector<16xf32>,
      %add3A_279 = arith.addf %gather3A_277, %gather3A_278 : vector<16xf32>
      %get3A_280 = arith.constant 1 : i32
      %get3A_281 = arith.index_cast %get3A_280 : i32 to index
      %get3A_282 = arith.constant 0 : index
      %get3A_283 = tpu.vector_load %arg14[%get3A_281, %get3A_282] {strides = array<i32>} : memref<3x16xf32, #tpu.memory_space<vmem>>, vector<16xf32>,
      %mul3A_284 = arith.mulf %get3A_253, %get3A_283 : vector<16xf32>
      %add3A_285 = arith.addf %add3A_279, %mul3A_284 : vector<16xf32>
      %mul3A_286 = arith.constant 2.000000e-01 : f32
      %mul3A_287 = vector.broadcast %mul3A_286 : f32 to vector<16xf32>
      %mul3A_288 = arith.mulf %mul3A_287, %add3A_285 : vector<16xf32>
      %max3A_289 = arith.maximumf %add3A_285, %mul3A_288 : vector<16xf32>
      %exp3A_290 = math.exp %max3A_289 : vector<16xf32>
      %broadcast_in_dim3A_291 = arith.constant 97 : i32
      %broadcast_in_dim3A_292 = vector.broadcast %broadcast_in_dim3A_291 : i32 to vector<16xi32>
      tpu.vector_store_idx %arg22[%add3A_256, %broadcast_in_dim3A_292], %exp3A_290 : memref<80x104xf32, #tpu.memory_space<vmem>>[vector<16xi32>, vector<16xi32>], vector<16xf32>,
      %broadcast_in_dim3A_293 = arith.constant 2 : i32
      %broadcast_in_dim3A_294 = vector.broadcast %broadcast_in_dim3A_293 : i32 to vector<16xi32>
      %gather3A_295 = tpu.vector_load_idx %arg19[%add3A_256, %broadcast_in_dim3A_294] : memref<80x8xf32, #tpu.memory_space<vmem>>[vector<16xi32>, vector<16xi32>], vector<16xf32>,
      %gather3A_296 = tpu.vector_load_idx %arg20[%add3A_256, %broadcast_in_dim3A_294] : memref<80x8xf32, #tpu.memory_space<vmem>>[vector<16xi32>, vector<16xi32>], vector<16xf32>,
      %add3A_297 = arith.addf %gather3A_295, %gather3A_296 : vector<16xf32>
      %get3A_298 = arith.constant 2 : i32
      %get3A_299 = arith.index_cast %get3A_298 : i32 to index
      %get3A_300 = arith.constant 0 : index
      %get3A_301 = tpu.vector_load %arg14[%get3A_299, %get3A_300] {strides = array<i32>} : memref<3x16xf32, #tpu.memory_space<vmem>>, vector<16xf32>,
      %mul3A_302 = arith.mulf %get3A_253, %get3A_301 : vector<16xf32>
      %add3A_303 = arith.addf %add3A_297, %mul3A_302 : vector<16xf32>
      %mul3A_304 = arith.constant 2.000000e-01 : f32
      %mul3A_305 = vector.broadcast %mul3A_304 : f32 to vector<16xf32>
      %mul3A_306 = arith.mulf %mul3A_305, %add3A_303 : vector<16xf32>
      %max3A_307 = arith.maximumf %add3A_303, %mul3A_306 : vector<16xf32>
      %exp3A_308 = math.exp %max3A_307 : vector<16xf32>
      %broadcast_in_dim3A_309 = arith.constant 98 : i32
      %broadcast_in_dim3A_310 = vector.broadcast %broadcast_in_dim3A_309 : i32 to vector<16xi32>
      tpu.vector_store_idx %arg22[%add3A_256, %broadcast_in_dim3A_310], %exp3A_308 : memref<80x104xf32, #tpu.memory_space<vmem>>[vector<16xi32>, vector<16xi32>], vector<16xf32>,
      %get3A_311 = arith.constant 64 : index
      %get3A_312 = tpu.vector_load %arg18[%get3A_311] {strides = array<i32>} : memref<80xf32, #tpu.memory_space<vmem>>, vector<16xf32>,
      %add3A_313 = arith.constant 64 : i32
      %add3A_314 = vector.broadcast %add3A_313 : i32 to vector<16xi32>
      %add3A_315 = arith.addi %add3A_314, %iota3A : vector<16xi32>
      %broadcast_in_dim3A_316 = arith.constant 0 : i32
      %broadcast_in_dim3A_317 = vector.broadcast %broadcast_in_dim3A_316 : i32 to vector<16xi32>
      %gather3A_318 = tpu.vector_load_idx %arg19[%add3A_315, %broadcast_in_dim3A_317] : memref<80x8xf32, #tpu.memory_space<vmem>>[vector<16xi32>, vector<16xi32>], vector<16xf32>,
      %gather3A_319 = tpu.vector_load_idx %arg20[%add3A_315, %broadcast_in_dim3A_317] : memref<80x8xf32, #tpu.memory_space<vmem>>[vector<16xi32>, vector<16xi32>], vector<16xf32>,
      %add3A_320 = arith.addf %gather3A_318, %gather3A_319 : vector<16xf32>
      %get3A_321 = arith.constant 0 : i32
      %get3A_322 = arith.index_cast %get3A_321 : i32 to index
      %get3A_323 = arith.constant 0 : index
      %get3A_324 = tpu.vector_load %arg14[%get3A_322, %get3A_323] {strides = array<i32>} : memref<3x16xf32, #tpu.memory_space<vmem>>, vector<16xf32>,
      %mul3A_325 = arith.mulf %get3A_312, %get3A_324 : vector<16xf32>
      %add3A_326 = arith.addf %add3A_320, %mul3A_325 : vector<16xf32>
      %mul3A_327 = arith.constant 2.000000e-01 : f32
      %mul3A_328 = vector.broadcast %mul3A_327 : f32 to vector<16xf32>
      %mul3A_329 = arith.mulf %mul3A_328, %add3A_326 : vector<16xf32>
      %max3A_330 = arith.maximumf %add3A_326, %mul3A_329 : vector<16xf32>
      %exp3A_331 = math.exp %max3A_330 : vector<16xf32>
      %broadcast_in_dim3A_332 = arith.constant 96 : i32
      %broadcast_in_dim3A_333 = vector.broadcast %broadcast_in_dim3A_332 : i32 to vector<16xi32>
      tpu.vector_store_idx %arg22[%add3A_315, %broadcast_in_dim3A_333], %exp3A_331 : memref<80x104xf32, #tpu.memory_space<vmem>>[vector<16xi32>, vector<16xi32>], vector<16xf32>,
      %broadcast_in_dim3A_334 = arith.constant 1 : i32
      %broadcast_in_dim3A_335 = vector.broadcast %broadcast_in_dim3A_334 : i32 to vector<16xi32>
      %gather3A_336 = tpu.vector_load_idx %arg19[%add3A_315, %broadcast_in_dim3A_335] : memref<80x8xf32, #tpu.memory_space<vmem>>[vector<16xi32>, vector<16xi32>], vector<16xf32>,
      %gather3A_337 = tpu.vector_load_idx %arg20[%add3A_315, %broadcast_in_dim3A_335] : memref<80x8xf32, #tpu.memory_space<vmem>>[vector<16xi32>, vector<16xi32>], vector<16xf32>,
      %add3A_338 = arith.addf %gather3A_336, %gather3A_337 : vector<16xf32>
      %get3A_339 = arith.constant 1 : i32
      %get3A_340 = arith.index_cast %get3A_339 : i32 to index
      %get3A_341 = arith.constant 0 : index
      %get3A_342 = tpu.vector_load %arg14[%get3A_340, %get3A_341] {strides = array<i32>} : memref<3x16xf32, #tpu.memory_space<vmem>>, vector<16xf32>,
      %mul3A_343 = arith.mulf %get3A_312, %get3A_342 : vector<16xf32>
      %add3A_344 = arith.addf %add3A_338, %mul3A_343 : vector<16xf32>
      %mul3A_345 = arith.constant 2.000000e-01 : f32
      %mul3A_346 = vector.broadcast %mul3A_345 : f32 to vector<16xf32>
      %mul3A_347 = arith.mulf %mul3A_346, %add3A_344 : vector<16xf32>
      %max3A_348 = arith.maximumf %add3A_344, %mul3A_347 : vector<16xf32>
      %exp3A_349 = math.exp %max3A_348 : vector<16xf32>
      %broadcast_in_dim3A_350 = arith.constant 97 : i32
      %broadcast_in_dim3A_351 = vector.broadcast %broadcast_in_dim3A_350 : i32 to vector<16xi32>
      tpu.vector_store_idx %arg22[%add3A_315, %broadcast_in_dim3A_351], %exp3A_349 : memref<80x104xf32, #tpu.memory_space<vmem>>[vector<16xi32>, vector<16xi32>], vector<16xf32>,
      %broadcast_in_dim3A_352 = arith.constant 2 : i32
      %broadcast_in_dim3A_353 = vector.broadcast %broadcast_in_dim3A_352 : i32 to vector<16xi32>
      %gather3A_354 = tpu.vector_load_idx %arg19[%add3A_315, %broadcast_in_dim3A_353] : memref<80x8xf32, #tpu.memory_space<vmem>>[vector<16xi32>, vector<16xi32>], vector<16xf32>,
      %gather3A_355 = tpu.vector_load_idx %arg20[%add3A_315, %broadcast_in_dim3A_353] : memref<80x8xf32, #tpu.memory_space<vmem>>[vector<16xi32>, vector<16xi32>], vector<16xf32>,
      %add3A_356 = arith.addf %gather3A_354, %gather3A_355 : vector<16xf32>
      %get3A_357 = arith.constant 2 : i32
      %get3A_358 = arith.index_cast %get3A_357 : i32 to index
      %get3A_359 = arith.constant 0 : index
      %get3A_360 = tpu.vector_load %arg14[%get3A_358, %get3A_359] {strides = array<i32>} : memref<3x16xf32, #tpu.memory_space<vmem>>, vector<16xf32>,
      %mul3A_361 = arith.mulf %get3A_312, %get3A_360 : vector<16xf32>
      %add3A_362 = arith.addf %add3A_356, %mul3A_361 : vector<16xf32>
      %mul3A_363 = arith.constant 2.000000e-01 : f32
      %mul3A_364 = vector.broadcast %mul3A_363 : f32 to vector<16xf32>
      %mul3A_365 = arith.mulf %mul3A_364, %add3A_362 : vector<16xf32>
      %max3A_366 = arith.maximumf %add3A_362, %mul3A_365 : vector<16xf32>
      %exp3A_367 = math.exp %max3A_366 : vector<16xf32>
      %broadcast_in_dim3A_368 = arith.constant 98 : i32
      %broadcast_in_dim3A_369 = vector.broadcast %broadcast_in_dim3A_368 : i32 to vector<16xi32>
      tpu.vector_store_idx %arg22[%add3A_315, %broadcast_in_dim3A_369], %exp3A_367 : memref<80x104xf32, #tpu.memory_space<vmem>>[vector<16xi32>, vector<16xi32>], vector<16xf32>,
      %dma_wait3A_370 = arith.constant 0 : i32
      %dma_wait3A_371 = arith.constant 0 : i32
      %dma_wait3A_372 = tpu.memref_slice %arg2[%dma_wait3A_370, %dma_wait3A_371] : memref<20000x96xf32, #tpu.memory_space<hbm>> -> memref<20000x96xf32, #tpu.memory_space<hbm>>
      tpu.wait_indirect_dma semaphore(%arg23 : memref<!tpu.dma_semaphore, #tpu.memory_space<semaphore_mem>>) src(%dma_wait3A_372 : memref<20000x96xf32, #tpu.memory_space<hbm>>) dst(%arg21 : memref<80x96xf32, #tpu.memory_space<vmem>>)
      %scan3A_373 = arith.constant 0 : i32
      %scan3A_374 = arith.constant 0 : i32
      %scan3A_375 = arith.constant 20 : i32
      %scan3A_376 = arith.addi %scan3A_374, %scan3A_375 : i32
      %scan3A_377 = arith.constant 1 : i32
      scf.for %scan3A_379 = %scan3A_374 to %scan3A_376 step %scan3A_377  : i32 {
        %mul3A_380 = arith.constant 4 : i32
        %mul3A_381 = arith.muli %scan3A_379, %mul3A_380 : i32
        %add3A_382 = arith.constant 0 : i32
        %add3A_383 = arith.addi %mul3A_381, %add3A_382 : i32
        %broadcast_in_dim3A_384 = vector.broadcast %add3A_383 : i32 to vector<16xi32>
        %mul3A_385 = arith.constant 96 : i32
        %mul3A_386 = arith.muli %arg0, %mul3A_385 : i32
        %add3A_387 = arith.constant 0 : i32
        %add3A_388 = arith.addi %mul3A_386, %add3A_387 : i32
        %jit3A = arith.constant 64 : i32
        %div3A = arith.divsi %add3A_388, %jit3A : i32
        %sign3A = arith.constant 0 : i32
        %sign3A_389 = arith.cmpi sgt, %add3A_388, %sign3A : i32
        %sign3A_390 = arith.extui %sign3A_389 : i1 to i32
        %sign3A_391 = arith.constant 0 : i32
        %sign3A_392 = arith.cmpi slt, %add3A_388, %sign3A_391 : i32
        %sign3A_393 = arith.extui %sign3A_392 : i1 to i32
        %sign3A_394 = arith.subi %sign3A_390, %sign3A_393 : i32
        %sign3A_395 = arith.constant 0 : i32
        %sign3A_396 = arith.cmpi sgt, %jit3A, %sign3A_395 : i32
        %sign3A_397 = arith.extui %sign3A_396 : i1 to i32
        %sign3A_398 = arith.constant 0 : i32
        %sign3A_399 = arith.cmpi slt, %jit3A, %sign3A_398 : i32
        %sign3A_400 = arith.extui %sign3A_399 : i1 to i32
        %sign3A_401 = arith.subi %sign3A_397, %sign3A_400 : i32
        %ne3A = arith.cmpi ne, %sign3A_394, %sign3A_401 : i32
        %rem3A = arith.remsi %add3A_388, %jit3A : i32
        %ne3A_402 = arith.constant 0 : i32
        %ne3A_403 = arith.cmpi ne, %rem3A, %ne3A_402 : i32
        %and3A = arith.andi %ne3A, %ne3A_403 : i1
        %sub3A = arith.constant 1 : i32
        %sub3A_404 = arith.subi %div3A, %sub3A : i32
        %select_n3A = arith.select %and3A, %sub3A_404, %div3A : i32
        %add3A_405 = arith.constant 96 : i32
        %add3A_406 = arith.addi %add3A_405, %select_n3A : i32
        %broadcast_in_dim3A_407 = vector.broadcast %add3A_406 : i32 to vector<16xi32>
        %gather3A_408 = tpu.vector_load_idx %arg22[%broadcast_in_dim3A_384, %broadcast_in_dim3A_407] : memref<80x104xf32, #tpu.memory_space<vmem>>[vector<16xi32>, vector<16xi32>], vector<16xf32>,
        %get3A_409 = arith.index_cast %add3A_383 : i32 to index
        %get3A_410 = arith.constant 0 : index
        %get3A_411 = tpu.vector_load %arg21[%get3A_409, %get3A_410] {strides = array<i32>} : memref<80x96xf32, #tpu.memory_space<vmem>>, vector<16xf32>,
        %mul3A_412 = arith.mulf %get3A_411, %gather3A_408 : vector<16xf32>
        %swap3A_413 = arith.index_cast %add3A_383 : i32 to index
        %swap3A_414 = arith.constant 0 : index
        %swap3A_415 = tpu.vector_load %arg22[%swap3A_413, %swap3A_414] {strides = array<i32>} : memref<80x104xf32, #tpu.memory_space<vmem>>, vector<16xf32>,
        tpu.vector_store %arg22[%swap3A_413, %swap3A_414], %mul3A_412 {strides = array<i32>} : memref<80x104xf32, #tpu.memory_space<vmem>>, vector<16xf32>,
        %mul3A_416 = arith.constant 96 : i32
        %mul3A_417 = arith.muli %arg0, %mul3A_416 : i32
        %add3A_418 = arith.constant 16 : i32
        %add3A_419 = arith.addi %mul3A_417, %add3A_418 : i32
        %jit3A_420 = arith.constant 64 : i32
        %div3A_421 = arith.divsi %add3A_419, %jit3A_420 : i32
        %sign3A_422 = arith.constant 0 : i32
        %sign3A_423 = arith.cmpi sgt, %add3A_419, %sign3A_422 : i32
        %sign3A_424 = arith.extui %sign3A_423 : i1 to i32
        %sign3A_425 = arith.constant 0 : i32
        %sign3A_426 = arith.cmpi slt, %add3A_419, %sign3A_425 : i32
        %sign3A_427 = arith.extui %sign3A_426 : i1 to i32
        %sign3A_428 = arith.subi %sign3A_424, %sign3A_427 : i32
        %sign3A_429 = arith.constant 0 : i32
        %sign3A_430 = arith.cmpi sgt, %jit3A_420, %sign3A_429 : i32
        %sign3A_431 = arith.extui %sign3A_430 : i1 to i32
        %sign3A_432 = arith.constant 0 : i32
        %sign3A_433 = arith.cmpi slt, %jit3A_420, %sign3A_432 : i32
        %sign3A_434 = arith.extui %sign3A_433 : i1 to i32
        %sign3A_435 = arith.subi %sign3A_431, %sign3A_434 : i32
        %ne3A_436 = arith.cmpi ne, %sign3A_428, %sign3A_435 : i32
        %rem3A_437 = arith.remsi %add3A_419, %jit3A_420 : i32
        %ne3A_438 = arith.constant 0 : i32
        %ne3A_439 = arith.cmpi ne, %rem3A_437, %ne3A_438 : i32
        %and3A_440 = arith.andi %ne3A_436, %ne3A_439 : i1
        %sub3A_441 = arith.constant 1 : i32
        %sub3A_442 = arith.subi %div3A_421, %sub3A_441 : i32
        %select_n3A_443 = arith.select %and3A_440, %sub3A_442, %div3A_421 : i32
        %add3A_444 = arith.constant 96 : i32
        %add3A_445 = arith.addi %add3A_444, %select_n3A_443 : i32
        %broadcast_in_dim3A_446 = vector.broadcast %add3A_445 : i32 to vector<16xi32>
        %gather3A_447 = tpu.vector_load_idx %arg22[%broadcast_in_dim3A_384, %broadcast_in_dim3A_446] : memref<80x104xf32, #tpu.memory_space<vmem>>[vector<16xi32>, vector<16xi32>], vector<16xf32>,
        %get3A_448 = arith.index_cast %add3A_383 : i32 to index
        %get3A_449 = arith.constant 16 : index
        %get3A_450 = tpu.vector_load %arg21[%get3A_448, %get3A_449] {strides = array<i32>} : memref<80x96xf32, #tpu.memory_space<vmem>>, vector<16xf32>,
        %mul3A_451 = arith.mulf %get3A_450, %gather3A_447 : vector<16xf32>
        %swap3A_452 = arith.index_cast %add3A_383 : i32 to index
        %swap3A_453 = arith.constant 16 : index
        %swap3A_454 = tpu.vector_load %arg22[%swap3A_452, %swap3A_453] {strides = array<i32>} : memref<80x104xf32, #tpu.memory_space<vmem>>, vector<16xf32>,
        tpu.vector_store %arg22[%swap3A_452, %swap3A_453], %mul3A_451 {strides = array<i32>} : memref<80x104xf32, #tpu.memory_space<vmem>>, vector<16xf32>,
        %mul3A_455 = arith.constant 96 : i32
        %mul3A_456 = arith.muli %arg0, %mul3A_455 : i32
        %add3A_457 = arith.constant 32 : i32
        %add3A_458 = arith.addi %mul3A_456, %add3A_457 : i32
        %jit3A_459 = arith.constant 64 : i32
        %div3A_460 = arith.divsi %add3A_458, %jit3A_459 : i32
        %sign3A_461 = arith.constant 0 : i32
        %sign3A_462 = arith.cmpi sgt, %add3A_458, %sign3A_461 : i32
        %sign3A_463 = arith.extui %sign3A_462 : i1 to i32
        %sign3A_464 = arith.constant 0 : i32
        %sign3A_465 = arith.cmpi slt, %add3A_458, %sign3A_464 : i32
        %sign3A_466 = arith.extui %sign3A_465 : i1 to i32
        %sign3A_467 = arith.subi %sign3A_463, %sign3A_466 : i32
        %sign3A_468 = arith.constant 0 : i32
        %sign3A_469 = arith.cmpi sgt, %jit3A_459, %sign3A_468 : i32
        %sign3A_470 = arith.extui %sign3A_469 : i1 to i32
        %sign3A_471 = arith.constant 0 : i32
        %sign3A_472 = arith.cmpi slt, %jit3A_459, %sign3A_471 : i32
        %sign3A_473 = arith.extui %sign3A_472 : i1 to i32
        %sign3A_474 = arith.subi %sign3A_470, %sign3A_473 : i32
        %ne3A_475 = arith.cmpi ne, %sign3A_467, %sign3A_474 : i32
        %rem3A_476 = arith.remsi %add3A_458, %jit3A_459 : i32
        %ne3A_477 = arith.constant 0 : i32
        %ne3A_478 = arith.cmpi ne, %rem3A_476, %ne3A_477 : i32
        %and3A_479 = arith.andi %ne3A_475, %ne3A_478 : i1
        %sub3A_480 = arith.constant 1 : i32
        %sub3A_481 = arith.subi %div3A_460, %sub3A_480 : i32
        %select_n3A_482 = arith.select %and3A_479, %sub3A_481, %div3A_460 : i32
        %add3A_483 = arith.constant 96 : i32
        %add3A_484 = arith.addi %add3A_483, %select_n3A_482 : i32
        %broadcast_in_dim3A_485 = vector.broadcast %add3A_484 : i32 to vector<16xi32>
        %gather3A_486 = tpu.vector_load_idx %arg22[%broadcast_in_dim3A_384, %broadcast_in_dim3A_485] : memref<80x104xf32, #tpu.memory_space<vmem>>[vector<16xi32>, vector<16xi32>], vector<16xf32>,
        %get3A_487 = arith.index_cast %add3A_383 : i32 to index
        %get3A_488 = arith.constant 32 : index
        %get3A_489 = tpu.vector_load %arg21[%get3A_487, %get3A_488] {strides = array<i32>} : memref<80x96xf32, #tpu.memory_space<vmem>>, vector<16xf32>,
        %mul3A_490 = arith.mulf %get3A_489, %gather3A_486 : vector<16xf32>
        %swap3A_491 = arith.index_cast %add3A_383 : i32 to index
        %swap3A_492 = arith.constant 32 : index
        %swap3A_493 = tpu.vector_load %arg22[%swap3A_491, %swap3A_492] {strides = array<i32>} : memref<80x104xf32, #tpu.memory_space<vmem>>, vector<16xf32>,
        tpu.vector_store %arg22[%swap3A_491, %swap3A_492], %mul3A_490 {strides = array<i32>} : memref<80x104xf32, #tpu.memory_space<vmem>>, vector<16xf32>,
        %mul3A_494 = arith.constant 96 : i32
        %mul3A_495 = arith.muli %arg0, %mul3A_494 : i32
        %add3A_496 = arith.constant 48 : i32
        %add3A_497 = arith.addi %mul3A_495, %add3A_496 : i32
        %jit3A_498 = arith.constant 64 : i32
        %div3A_499 = arith.divsi %add3A_497, %jit3A_498 : i32
        %sign3A_500 = arith.constant 0 : i32
        %sign3A_501 = arith.cmpi sgt, %add3A_497, %sign3A_500 : i32
        %sign3A_502 = arith.extui %sign3A_501 : i1 to i32
        %sign3A_503 = arith.constant 0 : i32
        %sign3A_504 = arith.cmpi slt, %add3A_497, %sign3A_503 : i32
        %sign3A_505 = arith.extui %sign3A_504 : i1 to i32
        %sign3A_506 = arith.subi %sign3A_502, %sign3A_505 : i32
        %sign3A_507 = arith.constant 0 : i32
        %sign3A_508 = arith.cmpi sgt, %jit3A_498, %sign3A_507 : i32
        %sign3A_509 = arith.extui %sign3A_508 : i1 to i32
        %sign3A_510 = arith.constant 0 : i32
        %sign3A_511 = arith.cmpi slt, %jit3A_498, %sign3A_510 : i32
        %sign3A_512 = arith.extui %sign3A_511 : i1 to i32
        %sign3A_513 = arith.subi %sign3A_509, %sign3A_512 : i32
        %ne3A_514 = arith.cmpi ne, %sign3A_506, %sign3A_513 : i32
        %rem3A_515 = arith.remsi %add3A_497, %jit3A_498 : i32
        %ne3A_516 = arith.constant 0 : i32
        %ne3A_517 = arith.cmpi ne, %rem3A_515, %ne3A_516 : i32
        %and3A_518 = arith.andi %ne3A_514, %ne3A_517 : i1
        %sub3A_519 = arith.constant 1 : i32
        %sub3A_520 = arith.subi %div3A_499, %sub3A_519 : i32
        %select_n3A_521 = arith.select %and3A_518, %sub3A_520, %div3A_499 : i32
        %add3A_522 = arith.constant 96 : i32
        %add3A_523 = arith.addi %add3A_522, %select_n3A_521 : i32
        %broadcast_in_dim3A_524 = vector.broadcast %add3A_523 : i32 to vector<16xi32>
        %gather3A_525 = tpu.vector_load_idx %arg22[%broadcast_in_dim3A_384, %broadcast_in_dim3A_524] : memref<80x104xf32, #tpu.memory_space<vmem>>[vector<16xi32>, vector<16xi32>], vector<16xf32>,
        %get3A_526 = arith.index_cast %add3A_383 : i32 to index
        %get3A_527 = arith.constant 48 : index
        %get3A_528 = tpu.vector_load %arg21[%get3A_526, %get3A_527] {strides = array<i32>} : memref<80x96xf32, #tpu.memory_space<vmem>>, vector<16xf32>,
        %mul3A_529 = arith.mulf %get3A_528, %gather3A_525 : vector<16xf32>
        %swap3A_530 = arith.index_cast %add3A_383 : i32 to index
        %swap3A_531 = arith.constant 48 : index
        %swap3A_532 = tpu.vector_load %arg22[%swap3A_530, %swap3A_531] {strides = array<i32>} : memref<80x104xf32, #tpu.memory_space<vmem>>, vector<16xf32>,
        tpu.vector_store %arg22[%swap3A_530, %swap3A_531], %mul3A_529 {strides = array<i32>} : memref<80x104xf32, #tpu.memory_space<vmem>>, vector<16xf32>,
        %mul3A_533 = arith.constant 96 : i32
        %mul3A_534 = arith.muli %arg0, %mul3A_533 : i32
        %add3A_535 = arith.constant 64 : i32
        %add3A_536 = arith.addi %mul3A_534, %add3A_535 : i32
        %jit3A_537 = arith.constant 64 : i32
        %div3A_538 = arith.divsi %add3A_536, %jit3A_537 : i32
        %sign3A_539 = arith.constant 0 : i32
        %sign3A_540 = arith.cmpi sgt, %add3A_536, %sign3A_539 : i32
        %sign3A_541 = arith.extui %sign3A_540 : i1 to i32
        %sign3A_542 = arith.constant 0 : i32
        %sign3A_543 = arith.cmpi slt, %add3A_536, %sign3A_542 : i32
        %sign3A_544 = arith.extui %sign3A_543 : i1 to i32
        %sign3A_545 = arith.subi %sign3A_541, %sign3A_544 : i32
        %sign3A_546 = arith.constant 0 : i32
        %sign3A_547 = arith.cmpi sgt, %jit3A_537, %sign3A_546 : i32
        %sign3A_548 = arith.extui %sign3A_547 : i1 to i32
        %sign3A_549 = arith.constant 0 : i32
        %sign3A_550 = arith.cmpi slt, %jit3A_537, %sign3A_549 : i32
        %sign3A_551 = arith.extui %sign3A_550 : i1 to i32
        %sign3A_552 = arith.subi %sign3A_548, %sign3A_551 : i32
        %ne3A_553 = arith.cmpi ne, %sign3A_545, %sign3A_552 : i32
        %rem3A_554 = arith.remsi %add3A_536, %jit3A_537 : i32
        %ne3A_555 = arith.constant 0 : i32
        %ne3A_556 = arith.cmpi ne, %rem3A_554, %ne3A_555 : i32
        %and3A_557 = arith.andi %ne3A_553, %ne3A_556 : i1
        %sub3A_558 = arith.constant 1 : i32
        %sub3A_559 = arith.subi %div3A_538, %sub3A_558 : i32
        %select_n3A_560 = arith.select %and3A_557, %sub3A_559, %div3A_538 : i32
        %add3A_561 = arith.constant 96 : i32
        %add3A_562 = arith.addi %add3A_561, %select_n3A_560 : i32
        %broadcast_in_dim3A_563 = vector.broadcast %add3A_562 : i32 to vector<16xi32>
        %gather3A_564 = tpu.vector_load_idx %arg22[%broadcast_in_dim3A_384, %broadcast_in_dim3A_563] : memref<80x104xf32, #tpu.memory_space<vmem>>[vector<16xi32>, vector<16xi32>], vector<16xf32>,
        %get3A_565 = arith.index_cast %add3A_383 : i32 to index
        %get3A_566 = arith.constant 64 : index
        %get3A_567 = tpu.vector_load %arg21[%get3A_565, %get3A_566] {strides = array<i32>} : memref<80x96xf32, #tpu.memory_space<vmem>>, vector<16xf32>,
        %mul3A_568 = arith.mulf %get3A_567, %gather3A_564 : vector<16xf32>
        %swap3A_569 = arith.index_cast %add3A_383 : i32 to index
        %swap3A_570 = arith.constant 64 : index
        %swap3A_571 = tpu.vector_load %arg22[%swap3A_569, %swap3A_570] {strides = array<i32>} : memref<80x104xf32, #tpu.memory_space<vmem>>, vector<16xf32>,
        tpu.vector_store %arg22[%swap3A_569, %swap3A_570], %mul3A_568 {strides = array<i32>} : memref<80x104xf32, #tpu.memory_space<vmem>>, vector<16xf32>,
        %mul3A_572 = arith.constant 96 : i32
        %mul3A_573 = arith.muli %arg0, %mul3A_572 : i32
        %add3A_574 = arith.constant 80 : i32
        %add3A_575 = arith.addi %mul3A_573, %add3A_574 : i32
        %jit3A_576 = arith.constant 64 : i32
        %div3A_577 = arith.divsi %add3A_575, %jit3A_576 : i32
        %sign3A_578 = arith.constant 0 : i32
        %sign3A_579 = arith.cmpi sgt, %add3A_575, %sign3A_578 : i32
        %sign3A_580 = arith.extui %sign3A_579 : i1 to i32
        %sign3A_581 = arith.constant 0 : i32
        %sign3A_582 = arith.cmpi slt, %add3A_575, %sign3A_581 : i32
        %sign3A_583 = arith.extui %sign3A_582 : i1 to i32
        %sign3A_584 = arith.subi %sign3A_580, %sign3A_583 : i32
        %sign3A_585 = arith.constant 0 : i32
        %sign3A_586 = arith.cmpi sgt, %jit3A_576, %sign3A_585 : i32
        %sign3A_587 = arith.extui %sign3A_586 : i1 to i32
        %sign3A_588 = arith.constant 0 : i32
        %sign3A_589 = arith.cmpi slt, %jit3A_576, %sign3A_588 : i32
        %sign3A_590 = arith.extui %sign3A_589 : i1 to i32
        %sign3A_591 = arith.subi %sign3A_587, %sign3A_590 : i32
        %ne3A_592 = arith.cmpi ne, %sign3A_584, %sign3A_591 : i32
        %rem3A_593 = arith.remsi %add3A_575, %jit3A_576 : i32
        %ne3A_594 = arith.constant 0 : i32
        %ne3A_595 = arith.cmpi ne, %rem3A_593, %ne3A_594 : i32
        %and3A_596 = arith.andi %ne3A_592, %ne3A_595 : i1
        %sub3A_597 = arith.constant 1 : i32
        %sub3A_598 = arith.subi %div3A_577, %sub3A_597 : i32
        %select_n3A_599 = arith.select %and3A_596, %sub3A_598, %div3A_577 : i32
        %add3A_600 = arith.constant 96 : i32
        %add3A_601 = arith.addi %add3A_600, %select_n3A_599 : i32
        %broadcast_in_dim3A_602 = vector.broadcast %add3A_601 : i32 to vector<16xi32>
        %gather3A_603 = tpu.vector_load_idx %arg22[%broadcast_in_dim3A_384, %broadcast_in_dim3A_602] : memref<80x104xf32, #tpu.memory_space<vmem>>[vector<16xi32>, vector<16xi32>], vector<16xf32>,
        %get3A_604 = arith.index_cast %add3A_383 : i32 to index
        %get3A_605 = arith.constant 80 : index
        %get3A_606 = tpu.vector_load %arg21[%get3A_604, %get3A_605] {strides = array<i32>} : memref<80x96xf32, #tpu.memory_space<vmem>>, vector<16xf32>,
        %mul3A_607 = arith.mulf %get3A_606, %gather3A_603 : vector<16xf32>
        %swap3A_608 = arith.index_cast %add3A_383 : i32 to index
        %swap3A_609 = arith.constant 80 : index
        %swap3A_610 = tpu.vector_load %arg22[%swap3A_608, %swap3A_609] {strides = array<i32>} : memref<80x104xf32, #tpu.memory_space<vmem>>, vector<16xf32>,
        tpu.vector_store %arg22[%swap3A_608, %swap3A_609], %mul3A_607 {strides = array<i32>} : memref<80x104xf32, #tpu.memory_space<vmem>>, vector<16xf32>,
        %mul3A_611 = arith.constant 4 : i32
        %mul3A_612 = arith.muli %scan3A_379, %mul3A_611 : i32
        %add3A_613 = arith.constant 1 : i32
        %add3A_614 = arith.addi %mul3A_612, %add3A_613 : i32
        %broadcast_in_dim3A_615 = vector.broadcast %add3A_614 : i32 to vector<16xi32>
        %mul3A_616 = arith.constant 96 : i32
        %mul3A_617 = arith.muli %arg0, %mul3A_616 : i32
        %add3A_618 = arith.constant 0 : i32
        %add3A_619 = arith.addi %mul3A_617, %add3A_618 : i32
        %jit3A_620 = arith.constant 64 : i32
        %div3A_621 = arith.divsi %add3A_619, %jit3A_620 : i32
        %sign3A_622 = arith.constant 0 : i32
        %sign3A_623 = arith.cmpi sgt, %add3A_619, %sign3A_622 : i32
        %sign3A_624 = arith.extui %sign3A_623 : i1 to i32
        %sign3A_625 = arith.constant 0 : i32
        %sign3A_626 = arith.cmpi slt, %add3A_619, %sign3A_625 : i32
        %sign3A_627 = arith.extui %sign3A_626 : i1 to i32
        %sign3A_628 = arith.subi %sign3A_624, %sign3A_627 : i32
        %sign3A_629 = arith.constant 0 : i32
        %sign3A_630 = arith.cmpi sgt, %jit3A_620, %sign3A_629 : i32
        %sign3A_631 = arith.extui %sign3A_630 : i1 to i32
        %sign3A_632 = arith.constant 0 : i32
        %sign3A_633 = arith.cmpi slt, %jit3A_620, %sign3A_632 : i32
        %sign3A_634 = arith.extui %sign3A_633 : i1 to i32
        %sign3A_635 = arith.subi %sign3A_631, %sign3A_634 : i32
        %ne3A_636 = arith.cmpi ne, %sign3A_628, %sign3A_635 : i32
        %rem3A_637 = arith.remsi %add3A_619, %jit3A_620 : i32
        %ne3A_638 = arith.constant 0 : i32
        %ne3A_639 = arith.cmpi ne, %rem3A_637, %ne3A_638 : i32
        %and3A_640 = arith.andi %ne3A_636, %ne3A_639 : i1
        %sub3A_641 = arith.constant 1 : i32
        %sub3A_642 = arith.subi %div3A_621, %sub3A_641 : i32
        %select_n3A_643 = arith.select %and3A_640, %sub3A_642, %div3A_621 : i32
        %add3A_644 = arith.constant 96 : i32
        %add3A_645 = arith.addi %add3A_644, %select_n3A_643 : i32
        %broadcast_in_dim3A_646 = vector.broadcast %add3A_645 : i32 to vector<16xi32>
        %gather3A_647 = tpu.vector_load_idx %arg22[%broadcast_in_dim3A_615, %broadcast_in_dim3A_646] : memref<80x104xf32, #tpu.memory_space<vmem>>[vector<16xi32>, vector<16xi32>], vector<16xf32>,
        %get3A_648 = arith.index_cast %add3A_614 : i32 to index
        %get3A_649 = arith.constant 0 : index
        %get3A_650 = tpu.vector_load %arg21[%get3A_648, %get3A_649] {strides = array<i32>} : memref<80x96xf32, #tpu.memory_space<vmem>>, vector<16xf32>,
        %mul3A_651 = arith.mulf %get3A_650, %gather3A_647 : vector<16xf32>
        %swap3A_652 = arith.index_cast %add3A_614 : i32 to index
        %swap3A_653 = arith.constant 0 : index
        %swap3A_654 = tpu.vector_load %arg22[%swap3A_652, %swap3A_653] {strides = array<i32>} : memref<80x104xf32, #tpu.memory_space<vmem>>, vector<16xf32>,
        tpu.vector_store %arg22[%swap3A_652, %swap3A_653], %mul3A_651 {strides = array<i32>} : memref<80x104xf32, #tpu.memory_space<vmem>>, vector<16xf32>,
        %mul3A_655 = arith.constant 96 : i32
        %mul3A_656 = arith.muli %arg0, %mul3A_655 : i32
        %add3A_657 = arith.constant 16 : i32
        %add3A_658 = arith.addi %mul3A_656, %add3A_657 : i32
        %jit3A_659 = arith.constant 64 : i32
        %div3A_660 = arith.divsi %add3A_658, %jit3A_659 : i32
        %sign3A_661 = arith.constant 0 : i32
        %sign3A_662 = arith.cmpi sgt, %add3A_658, %sign3A_661 : i32
        %sign3A_663 = arith.extui %sign3A_662 : i1 to i32
        %sign3A_664 = arith.constant 0 : i32
        %sign3A_665 = arith.cmpi slt, %add3A_658, %sign3A_664 : i32
        %sign3A_666 = arith.extui %sign3A_665 : i1 to i32
        %sign3A_667 = arith.subi %sign3A_663, %sign3A_666 : i32
        %sign3A_668 = arith.constant 0 : i32
        %sign3A_669 = arith.cmpi sgt, %jit3A_659, %sign3A_668 : i32
        %sign3A_670 = arith.extui %sign3A_669 : i1 to i32
        %sign3A_671 = arith.constant 0 : i32
        %sign3A_672 = arith.cmpi slt, %jit3A_659, %sign3A_671 : i32
        %sign3A_673 = arith.extui %sign3A_672 : i1 to i32
        %sign3A_674 = arith.subi %sign3A_670, %sign3A_673 : i32
        %ne3A_675 = arith.cmpi ne, %sign3A_667, %sign3A_674 : i32
        %rem3A_676 = arith.remsi %add3A_658, %jit3A_659 : i32
        %ne3A_677 = arith.constant 0 : i32
        %ne3A_678 = arith.cmpi ne, %rem3A_676, %ne3A_677 : i32
        %and3A_679 = arith.andi %ne3A_675, %ne3A_678 : i1
        %sub3A_680 = arith.constant 1 : i32
        %sub3A_681 = arith.subi %div3A_660, %sub3A_680 : i32
        %select_n3A_682 = arith.select %and3A_679, %sub3A_681, %div3A_660 : i32
        %add3A_683 = arith.constant 96 : i32
        %add3A_684 = arith.addi %add3A_683, %select_n3A_682 : i32
        %broadcast_in_dim3A_685 = vector.broadcast %add3A_684 : i32 to vector<16xi32>
        %gather3A_686 = tpu.vector_load_idx %arg22[%broadcast_in_dim3A_615, %broadcast_in_dim3A_685] : memref<80x104xf32, #tpu.memory_space<vmem>>[vector<16xi32>, vector<16xi32>], vector<16xf32>,
        %get3A_687 = arith.index_cast %add3A_614 : i32 to index
        %get3A_688 = arith.constant 16 : index
        %get3A_689 = tpu.vector_load %arg21[%get3A_687, %get3A_688] {strides = array<i32>} : memref<80x96xf32, #tpu.memory_space<vmem>>, vector<16xf32>,
        %mul3A_690 = arith.mulf %get3A_689, %gather3A_686 : vector<16xf32>
        %swap3A_691 = arith.index_cast %add3A_614 : i32 to index
        %swap3A_692 = arith.constant 16 : index
        %swap3A_693 = tpu.vector_load %arg22[%swap3A_691, %swap3A_692] {strides = array<i32>} : memref<80x104xf32, #tpu.memory_space<vmem>>, vector<16xf32>,
        tpu.vector_store %arg22[%swap3A_691, %swap3A_692], %mul3A_690 {strides = array<i32>} : memref<80x104xf32, #tpu.memory_space<vmem>>, vector<16xf32>,
        %mul3A_694 = arith.constant 96 : i32
        %mul3A_695 = arith.muli %arg0, %mul3A_694 : i32
        %add3A_696 = arith.constant 32 : i32
        %add3A_697 = arith.addi %mul3A_695, %add3A_696 : i32
        %jit3A_698 = arith.constant 64 : i32
        %div3A_699 = arith.divsi %add3A_697, %jit3A_698 : i32
        %sign3A_700 = arith.constant 0 : i32
        %sign3A_701 = arith.cmpi sgt, %add3A_697, %sign3A_700 : i32
        %sign3A_702 = arith.extui %sign3A_701 : i1 to i32
        %sign3A_703 = arith.constant 0 : i32
        %sign3A_704 = arith.cmpi slt, %add3A_697, %sign3A_703 : i32
        %sign3A_705 = arith.extui %sign3A_704 : i1 to i32
        %sign3A_706 = arith.subi %sign3A_702, %sign3A_705 : i32
        %sign3A_707 = arith.constant 0 : i32
        %sign3A_708 = arith.cmpi sgt, %jit3A_698, %sign3A_707 : i32
        %sign3A_709 = arith.extui %sign3A_708 : i1 to i32
        %sign3A_710 = arith.constant 0 : i32
        %sign3A_711 = arith.cmpi slt, %jit3A_698, %sign3A_710 : i32
        %sign3A_712 = arith.extui %sign3A_711 : i1 to i32
        %sign3A_713 = arith.subi %sign3A_709, %sign3A_712 : i32
        %ne3A_714 = arith.cmpi ne, %sign3A_706, %sign3A_713 : i32
        %rem3A_715 = arith.remsi %add3A_697, %jit3A_698 : i32
        %ne3A_716 = arith.constant 0 : i32
        %ne3A_717 = arith.cmpi ne, %rem3A_715, %ne3A_716 : i32
        %and3A_718 = arith.andi %ne3A_714, %ne3A_717 : i1
        %sub3A_719 = arith.constant 1 : i32
        %sub3A_720 = arith.subi %div3A_699, %sub3A_719 : i32
        %select_n3A_721 = arith.select %and3A_718, %sub3A_720, %div3A_699 : i32
        %add3A_722 = arith.constant 96 : i32
        %add3A_723 = arith.addi %add3A_722, %select_n3A_721 : i32
        %broadcast_in_dim3A_724 = vector.broadcast %add3A_723 : i32 to vector<16xi32>
        %gather3A_725 = tpu.vector_load_idx %arg22[%broadcast_in_dim3A_615, %broadcast_in_dim3A_724] : memref<80x104xf32, #tpu.memory_space<vmem>>[vector<16xi32>, vector<16xi32>], vector<16xf32>,
        %get3A_726 = arith.index_cast %add3A_614 : i32 to index
        %get3A_727 = arith.constant 32 : index
        %get3A_728 = tpu.vector_load %arg21[%get3A_726, %get3A_727] {strides = array<i32>} : memref<80x96xf32, #tpu.memory_space<vmem>>, vector<16xf32>,
        %mul3A_729 = arith.mulf %get3A_728, %gather3A_725 : vector<16xf32>
        %swap3A_730 = arith.index_cast %add3A_614 : i32 to index
        %swap3A_731 = arith.constant 32 : index
        %swap3A_732 = tpu.vector_load %arg22[%swap3A_730, %swap3A_731] {strides = array<i32>} : memref<80x104xf32, #tpu.memory_space<vmem>>, vector<16xf32>,
        tpu.vector_store %arg22[%swap3A_730, %swap3A_731], %mul3A_729 {strides = array<i32>} : memref<80x104xf32, #tpu.memory_space<vmem>>, vector<16xf32>,
        %mul3A_733 = arith.constant 96 : i32
        %mul3A_734 = arith.muli %arg0, %mul3A_733 : i32
        %add3A_735 = arith.constant 48 : i32
        %add3A_736 = arith.addi %mul3A_734, %add3A_735 : i32
        %jit3A_737 = arith.constant 64 : i32
        %div3A_738 = arith.divsi %add3A_736, %jit3A_737 : i32
        %sign3A_739 = arith.constant 0 : i32
        %sign3A_740 = arith.cmpi sgt, %add3A_736, %sign3A_739 : i32
        %sign3A_741 = arith.extui %sign3A_740 : i1 to i32
        %sign3A_742 = arith.constant 0 : i32
        %sign3A_743 = arith.cmpi slt, %add3A_736, %sign3A_742 : i32
        %sign3A_744 = arith.extui %sign3A_743 : i1 to i32
        %sign3A_745 = arith.subi %sign3A_741, %sign3A_744 : i32
        %sign3A_746 = arith.constant 0 : i32
        %sign3A_747 = arith.cmpi sgt, %jit3A_737, %sign3A_746 : i32
        %sign3A_748 = arith.extui %sign3A_747 : i1 to i32
        %sign3A_749 = arith.constant 0 : i32
        %sign3A_750 = arith.cmpi slt, %jit3A_737, %sign3A_749 : i32
        %sign3A_751 = arith.extui %sign3A_750 : i1 to i32
        %sign3A_752 = arith.subi %sign3A_748, %sign3A_751 : i32
        %ne3A_753 = arith.cmpi ne, %sign3A_745, %sign3A_752 : i32
        %rem3A_754 = arith.remsi %add3A_736, %jit3A_737 : i32
        %ne3A_755 = arith.constant 0 : i32
        %ne3A_756 = arith.cmpi ne, %rem3A_754, %ne3A_755 : i32
        %and3A_757 = arith.andi %ne3A_753, %ne3A_756 : i1
        %sub3A_758 = arith.constant 1 : i32
        %sub3A_759 = arith.subi %div3A_738, %sub3A_758 : i32
        %select_n3A_760 = arith.select %and3A_757, %sub3A_759, %div3A_738 : i32
        %add3A_761 = arith.constant 96 : i32
        %add3A_762 = arith.addi %add3A_761, %select_n3A_760 : i32
        %broadcast_in_dim3A_763 = vector.broadcast %add3A_762 : i32 to vector<16xi32>
        %gather3A_764 = tpu.vector_load_idx %arg22[%broadcast_in_dim3A_615, %broadcast_in_dim3A_763] : memref<80x104xf32, #tpu.memory_space<vmem>>[vector<16xi32>, vector<16xi32>], vector<16xf32>,
        %get3A_765 = arith.index_cast %add3A_614 : i32 to index
        %get3A_766 = arith.constant 48 : index
        %get3A_767 = tpu.vector_load %arg21[%get3A_765, %get3A_766] {strides = array<i32>} : memref<80x96xf32, #tpu.memory_space<vmem>>, vector<16xf32>,
        %mul3A_768 = arith.mulf %get3A_767, %gather3A_764 : vector<16xf32>
        %swap3A_769 = arith.index_cast %add3A_614 : i32 to index
        %swap3A_770 = arith.constant 48 : index
        %swap3A_771 = tpu.vector_load %arg22[%swap3A_769, %swap3A_770] {strides = array<i32>} : memref<80x104xf32, #tpu.memory_space<vmem>>, vector<16xf32>,
        tpu.vector_store %arg22[%swap3A_769, %swap3A_770], %mul3A_768 {strides = array<i32>} : memref<80x104xf32, #tpu.memory_space<vmem>>, vector<16xf32>,
        %mul3A_772 = arith.constant 96 : i32
        %mul3A_773 = arith.muli %arg0, %mul3A_772 : i32
        %add3A_774 = arith.constant 64 : i32
        %add3A_775 = arith.addi %mul3A_773, %add3A_774 : i32
        %jit3A_776 = arith.constant 64 : i32
        %div3A_777 = arith.divsi %add3A_775, %jit3A_776 : i32
        %sign3A_778 = arith.constant 0 : i32
        %sign3A_779 = arith.cmpi sgt, %add3A_775, %sign3A_778 : i32
        %sign3A_780 = arith.extui %sign3A_779 : i1 to i32
        %sign3A_781 = arith.constant 0 : i32
        %sign3A_782 = arith.cmpi slt, %add3A_775, %sign3A_781 : i32
        %sign3A_783 = arith.extui %sign3A_782 : i1 to i32
        %sign3A_784 = arith.subi %sign3A_780, %sign3A_783 : i32
        %sign3A_785 = arith.constant 0 : i32
        %sign3A_786 = arith.cmpi sgt, %jit3A_776, %sign3A_785 : i32
        %sign3A_787 = arith.extui %sign3A_786 : i1 to i32
        %sign3A_788 = arith.constant 0 : i32
        %sign3A_789 = arith.cmpi slt, %jit3A_776, %sign3A_788 : i32
        %sign3A_790 = arith.extui %sign3A_789 : i1 to i32
        %sign3A_791 = arith.subi %sign3A_787, %sign3A_790 : i32
        %ne3A_792 = arith.cmpi ne, %sign3A_784, %sign3A_791 : i32
        %rem3A_793 = arith.remsi %add3A_775, %jit3A_776 : i32
        %ne3A_794 = arith.constant 0 : i32
        %ne3A_795 = arith.cmpi ne, %rem3A_793, %ne3A_794 : i32
        %and3A_796 = arith.andi %ne3A_792, %ne3A_795 : i1
        %sub3A_797 = arith.constant 1 : i32
        %sub3A_798 = arith.subi %div3A_777, %sub3A_797 : i32
        %select_n3A_799 = arith.select %and3A_796, %sub3A_798, %div3A_777 : i32
        %add3A_800 = arith.constant 96 : i32
        %add3A_801 = arith.addi %add3A_800, %select_n3A_799 : i32
        %broadcast_in_dim3A_802 = vector.broadcast %add3A_801 : i32 to vector<16xi32>
        %gather3A_803 = tpu.vector_load_idx %arg22[%broadcast_in_dim3A_615, %broadcast_in_dim3A_802] : memref<80x104xf32, #tpu.memory_space<vmem>>[vector<16xi32>, vector<16xi32>], vector<16xf32>,
        %get3A_804 = arith.index_cast %add3A_614 : i32 to index
        %get3A_805 = arith.constant 64 : index
        %get3A_806 = tpu.vector_load %arg21[%get3A_804, %get3A_805] {strides = array<i32>} : memref<80x96xf32, #tpu.memory_space<vmem>>, vector<16xf32>,
        %mul3A_807 = arith.mulf %get3A_806, %gather3A_803 : vector<16xf32>
        %swap3A_808 = arith.index_cast %add3A_614 : i32 to index
        %swap3A_809 = arith.constant 64 : index
        %swap3A_810 = tpu.vector_load %arg22[%swap3A_808, %swap3A_809] {strides = array<i32>} : memref<80x104xf32, #tpu.memory_space<vmem>>, vector<16xf32>,
        tpu.vector_store %arg22[%swap3A_808, %swap3A_809], %mul3A_807 {strides = array<i32>} : memref<80x104xf32, #tpu.memory_space<vmem>>, vector<16xf32>,
        %mul3A_811 = arith.constant 96 : i32
        %mul3A_812 = arith.muli %arg0, %mul3A_811 : i32
        %add3A_813 = arith.constant 80 : i32
        %add3A_814 = arith.addi %mul3A_812, %add3A_813 : i32
        %jit3A_815 = arith.constant 64 : i32
        %div3A_816 = arith.divsi %add3A_814, %jit3A_815 : i32
        %sign3A_817 = arith.constant 0 : i32
        %sign3A_818 = arith.cmpi sgt, %add3A_814, %sign3A_817 : i32
        %sign3A_819 = arith.extui %sign3A_818 : i1 to i32
        %sign3A_820 = arith.constant 0 : i32
        %sign3A_821 = arith.cmpi slt, %add3A_814, %sign3A_820 : i32
        %sign3A_822 = arith.extui %sign3A_821 : i1 to i32
        %sign3A_823 = arith.subi %sign3A_819, %sign3A_822 : i32
        %sign3A_824 = arith.constant 0 : i32
        %sign3A_825 = arith.cmpi sgt, %jit3A_815, %sign3A_824 : i32
        %sign3A_826 = arith.extui %sign3A_825 : i1 to i32
        %sign3A_827 = arith.constant 0 : i32
        %sign3A_828 = arith.cmpi slt, %jit3A_815, %sign3A_827 : i32
        %sign3A_829 = arith.extui %sign3A_828 : i1 to i32
        %sign3A_830 = arith.subi %sign3A_826, %sign3A_829 : i32
        %ne3A_831 = arith.cmpi ne, %sign3A_823, %sign3A_830 : i32
        %rem3A_832 = arith.remsi %add3A_814, %jit3A_815 : i32
        %ne3A_833 = arith.constant 0 : i32
        %ne3A_834 = arith.cmpi ne, %rem3A_832, %ne3A_833 : i32
        %and3A_835 = arith.andi %ne3A_831, %ne3A_834 : i1
        %sub3A_836 = arith.constant 1 : i32
        %sub3A_837 = arith.subi %div3A_816, %sub3A_836 : i32
        %select_n3A_838 = arith.select %and3A_835, %sub3A_837, %div3A_816 : i32
        %add3A_839 = arith.constant 96 : i32
        %add3A_840 = arith.addi %add3A_839, %select_n3A_838 : i32
        %broadcast_in_dim3A_841 = vector.broadcast %add3A_840 : i32 to vector<16xi32>
        %gather3A_842 = tpu.vector_load_idx %arg22[%broadcast_in_dim3A_615, %broadcast_in_dim3A_841] : memref<80x104xf32, #tpu.memory_space<vmem>>[vector<16xi32>, vector<16xi32>], vector<16xf32>,
        %get3A_843 = arith.index_cast %add3A_614 : i32 to index
        %get3A_844 = arith.constant 80 : index
        %get3A_845 = tpu.vector_load %arg21[%get3A_843, %get3A_844] {strides = array<i32>} : memref<80x96xf32, #tpu.memory_space<vmem>>, vector<16xf32>,
        %mul3A_846 = arith.mulf %get3A_845, %gather3A_842 : vector<16xf32>
        %swap3A_847 = arith.index_cast %add3A_614 : i32 to index
        %swap3A_848 = arith.constant 80 : index
        %swap3A_849 = tpu.vector_load %arg22[%swap3A_847, %swap3A_848] {strides = array<i32>} : memref<80x104xf32, #tpu.memory_space<vmem>>, vector<16xf32>,
        tpu.vector_store %arg22[%swap3A_847, %swap3A_848], %mul3A_846 {strides = array<i32>} : memref<80x104xf32, #tpu.memory_space<vmem>>, vector<16xf32>,
        %mul3A_850 = arith.constant 4 : i32
        %mul3A_851 = arith.muli %scan3A_379, %mul3A_850 : i32
        %add3A_852 = arith.constant 2 : i32
        %add3A_853 = arith.addi %mul3A_851, %add3A_852 : i32
        %broadcast_in_dim3A_854 = vector.broadcast %add3A_853 : i32 to vector<16xi32>
        %mul3A_855 = arith.constant 96 : i32
        %mul3A_856 = arith.muli %arg0, %mul3A_855 : i32
        %add3A_857 = arith.constant 0 : i32
        %add3A_858 = arith.addi %mul3A_856, %add3A_857 : i32
        %jit3A_859 = arith.constant 64 : i32
        %div3A_860 = arith.divsi %add3A_858, %jit3A_859 : i32
        %sign3A_861 = arith.constant 0 : i32
        %sign3A_862 = arith.cmpi sgt, %add3A_858, %sign3A_861 : i32
        %sign3A_863 = arith.extui %sign3A_862 : i1 to i32
        %sign3A_864 = arith.constant 0 : i32
        %sign3A_865 = arith.cmpi slt, %add3A_858, %sign3A_864 : i32
        %sign3A_866 = arith.extui %sign3A_865 : i1 to i32
        %sign3A_867 = arith.subi %sign3A_863, %sign3A_866 : i32
        %sign3A_868 = arith.constant 0 : i32
        %sign3A_869 = arith.cmpi sgt, %jit3A_859, %sign3A_868 : i32
        %sign3A_870 = arith.extui %sign3A_869 : i1 to i32
        %sign3A_871 = arith.constant 0 : i32
        %sign3A_872 = arith.cmpi slt, %jit3A_859, %sign3A_871 : i32
        %sign3A_873 = arith.extui %sign3A_872 : i1 to i32
        %sign3A_874 = arith.subi %sign3A_870, %sign3A_873 : i32
        %ne3A_875 = arith.cmpi ne, %sign3A_867, %sign3A_874 : i32
        %rem3A_876 = arith.remsi %add3A_858, %jit3A_859 : i32
        %ne3A_877 = arith.constant 0 : i32
        %ne3A_878 = arith.cmpi ne, %rem3A_876, %ne3A_877 : i32
        %and3A_879 = arith.andi %ne3A_875, %ne3A_878 : i1
        %sub3A_880 = arith.constant 1 : i32
        %sub3A_881 = arith.subi %div3A_860, %sub3A_880 : i32
        %select_n3A_882 = arith.select %and3A_879, %sub3A_881, %div3A_860 : i32
        %add3A_883 = arith.constant 96 : i32
        %add3A_884 = arith.addi %add3A_883, %select_n3A_882 : i32
        %broadcast_in_dim3A_885 = vector.broadcast %add3A_884 : i32 to vector<16xi32>
        %gather3A_886 = tpu.vector_load_idx %arg22[%broadcast_in_dim3A_854, %broadcast_in_dim3A_885] : memref<80x104xf32, #tpu.memory_space<vmem>>[vector<16xi32>, vector<16xi32>], vector<16xf32>,
        %get3A_887 = arith.index_cast %add3A_853 : i32 to index
        %get3A_888 = arith.constant 0 : index
        %get3A_889 = tpu.vector_load %arg21[%get3A_887, %get3A_888] {strides = array<i32>} : memref<80x96xf32, #tpu.memory_space<vmem>>, vector<16xf32>,
        %mul3A_890 = arith.mulf %get3A_889, %gather3A_886 : vector<16xf32>
        %swap3A_891 = arith.index_cast %add3A_853 : i32 to index
        %swap3A_892 = arith.constant 0 : index
        %swap3A_893 = tpu.vector_load %arg22[%swap3A_891, %swap3A_892] {strides = array<i32>} : memref<80x104xf32, #tpu.memory_space<vmem>>, vector<16xf32>,
        tpu.vector_store %arg22[%swap3A_891, %swap3A_892], %mul3A_890 {strides = array<i32>} : memref<80x104xf32, #tpu.memory_space<vmem>>, vector<16xf32>,
        %mul3A_894 = arith.constant 96 : i32
        %mul3A_895 = arith.muli %arg0, %mul3A_894 : i32
        %add3A_896 = arith.constant 16 : i32
        %add3A_897 = arith.addi %mul3A_895, %add3A_896 : i32
        %jit3A_898 = arith.constant 64 : i32
        %div3A_899 = arith.divsi %add3A_897, %jit3A_898 : i32
        %sign3A_900 = arith.constant 0 : i32
        %sign3A_901 = arith.cmpi sgt, %add3A_897, %sign3A_900 : i32
        %sign3A_902 = arith.extui %sign3A_901 : i1 to i32
        %sign3A_903 = arith.constant 0 : i32
        %sign3A_904 = arith.cmpi slt, %add3A_897, %sign3A_903 : i32
        %sign3A_905 = arith.extui %sign3A_904 : i1 to i32
        %sign3A_906 = arith.subi %sign3A_902, %sign3A_905 : i32
        %sign3A_907 = arith.constant 0 : i32
        %sign3A_908 = arith.cmpi sgt, %jit3A_898, %sign3A_907 : i32
        %sign3A_909 = arith.extui %sign3A_908 : i1 to i32
        %sign3A_910 = arith.constant 0 : i32
        %sign3A_911 = arith.cmpi slt, %jit3A_898, %sign3A_910 : i32
        %sign3A_912 = arith.extui %sign3A_911 : i1 to i32
        %sign3A_913 = arith.subi %sign3A_909, %sign3A_912 : i32
        %ne3A_914 = arith.cmpi ne, %sign3A_906, %sign3A_913 : i32
        %rem3A_915 = arith.remsi %add3A_897, %jit3A_898 : i32
        %ne3A_916 = arith.constant 0 : i32
        %ne3A_917 = arith.cmpi ne, %rem3A_915, %ne3A_916 : i32
        %and3A_918 = arith.andi %ne3A_914, %ne3A_917 : i1
        %sub3A_919 = arith.constant 1 : i32
        %sub3A_920 = arith.subi %div3A_899, %sub3A_919 : i32
        %select_n3A_921 = arith.select %and3A_918, %sub3A_920, %div3A_899 : i32
        %add3A_922 = arith.constant 96 : i32
        %add3A_923 = arith.addi %add3A_922, %select_n3A_921 : i32
        %broadcast_in_dim3A_924 = vector.broadcast %add3A_923 : i32 to vector<16xi32>
        %gather3A_925 = tpu.vector_load_idx %arg22[%broadcast_in_dim3A_854, %broadcast_in_dim3A_924] : memref<80x104xf32, #tpu.memory_space<vmem>>[vector<16xi32>, vector<16xi32>], vector<16xf32>,
        %get3A_926 = arith.index_cast %add3A_853 : i32 to index
        %get3A_927 = arith.constant 16 : index
        %get3A_928 = tpu.vector_load %arg21[%get3A_926, %get3A_927] {strides = array<i32>} : memref<80x96xf32, #tpu.memory_space<vmem>>, vector<16xf32>,
        %mul3A_929 = arith.mulf %get3A_928, %gather3A_925 : vector<16xf32>
        %swap3A_930 = arith.index_cast %add3A_853 : i32 to index
        %swap3A_931 = arith.constant 16 : index
        %swap3A_932 = tpu.vector_load %arg22[%swap3A_930, %swap3A_931] {strides = array<i32>} : memref<80x104xf32, #tpu.memory_space<vmem>>, vector<16xf32>,
        tpu.vector_store %arg22[%swap3A_930, %swap3A_931], %mul3A_929 {strides = array<i32>} : memref<80x104xf32, #tpu.memory_space<vmem>>, vector<16xf32>,
        %mul3A_933 = arith.constant 96 : i32
        %mul3A_934 = arith.muli %arg0, %mul3A_933 : i32
        %add3A_935 = arith.constant 32 : i32
        %add3A_936 = arith.addi %mul3A_934, %add3A_935 : i32
        %jit3A_937 = arith.constant 64 : i32
        %div3A_938 = arith.divsi %add3A_936, %jit3A_937 : i32
        %sign3A_939 = arith.constant 0 : i32
        %sign3A_940 = arith.cmpi sgt, %add3A_936, %sign3A_939 : i32
        %sign3A_941 = arith.extui %sign3A_940 : i1 to i32
        %sign3A_942 = arith.constant 0 : i32
        %sign3A_943 = arith.cmpi slt, %add3A_936, %sign3A_942 : i32
        %sign3A_944 = arith.extui %sign3A_943 : i1 to i32
        %sign3A_945 = arith.subi %sign3A_941, %sign3A_944 : i32
        %sign3A_946 = arith.constant 0 : i32
        %sign3A_947 = arith.cmpi sgt, %jit3A_937, %sign3A_946 : i32
        %sign3A_948 = arith.extui %sign3A_947 : i1 to i32
        %sign3A_949 = arith.constant 0 : i32
        %sign3A_950 = arith.cmpi slt, %jit3A_937, %sign3A_949 : i32
        %sign3A_951 = arith.extui %sign3A_950 : i1 to i32
        %sign3A_952 = arith.subi %sign3A_948, %sign3A_951 : i32
        %ne3A_953 = arith.cmpi ne, %sign3A_945, %sign3A_952 : i32
        %rem3A_954 = arith.remsi %add3A_936, %jit3A_937 : i32
        %ne3A_955 = arith.constant 0 : i32
        %ne3A_956 = arith.cmpi ne, %rem3A_954, %ne3A_955 : i32
        %and3A_957 = arith.andi %ne3A_953, %ne3A_956 : i1
        %sub3A_958 = arith.constant 1 : i32
        %sub3A_959 = arith.subi %div3A_938, %sub3A_958 : i32
        %select_n3A_960 = arith.select %and3A_957, %sub3A_959, %div3A_938 : i32
        %add3A_961 = arith.constant 96 : i32
        %add3A_962 = arith.addi %add3A_961, %select_n3A_960 : i32
        %broadcast_in_dim3A_963 = vector.broadcast %add3A_962 : i32 to vector<16xi32>
        %gather3A_964 = tpu.vector_load_idx %arg22[%broadcast_in_dim3A_854, %broadcast_in_dim3A_963] : memref<80x104xf32, #tpu.memory_space<vmem>>[vector<16xi32>, vector<16xi32>], vector<16xf32>,
        %get3A_965 = arith.index_cast %add3A_853 : i32 to index
        %get3A_966 = arith.constant 32 : index
        %get3A_967 = tpu.vector_load %arg21[%get3A_965, %get3A_966] {strides = array<i32>} : memref<80x96xf32, #tpu.memory_space<vmem>>, vector<16xf32>,
        %mul3A_968 = arith.mulf %get3A_967, %gather3A_964 : vector<16xf32>
        %swap3A_969 = arith.index_cast %add3A_853 : i32 to index
        %swap3A_970 = arith.constant 32 : index
        %swap3A_971 = tpu.vector_load %arg22[%swap3A_969, %swap3A_970] {strides = array<i32>} : memref<80x104xf32, #tpu.memory_space<vmem>>, vector<16xf32>,
        tpu.vector_store %arg22[%swap3A_969, %swap3A_970], %mul3A_968 {strides = array<i32>} : memref<80x104xf32, #tpu.memory_space<vmem>>, vector<16xf32>,
        %mul3A_972 = arith.constant 96 : i32
        %mul3A_973 = arith.muli %arg0, %mul3A_972 : i32
        %add3A_974 = arith.constant 48 : i32
        %add3A_975 = arith.addi %mul3A_973, %add3A_974 : i32
        %jit3A_976 = arith.constant 64 : i32
        %div3A_977 = arith.divsi %add3A_975, %jit3A_976 : i32
        %sign3A_978 = arith.constant 0 : i32
        %sign3A_979 = arith.cmpi sgt, %add3A_975, %sign3A_978 : i32
        %sign3A_980 = arith.extui %sign3A_979 : i1 to i32
        %sign3A_981 = arith.constant 0 : i32
        %sign3A_982 = arith.cmpi slt, %add3A_975, %sign3A_981 : i32
        %sign3A_983 = arith.extui %sign3A_982 : i1 to i32
        %sign3A_984 = arith.subi %sign3A_980, %sign3A_983 : i32
        %sign3A_985 = arith.constant 0 : i32
        %sign3A_986 = arith.cmpi sgt, %jit3A_976, %sign3A_985 : i32
        %sign3A_987 = arith.extui %sign3A_986 : i1 to i32
        %sign3A_988 = arith.constant 0 : i32
        %sign3A_989 = arith.cmpi slt, %jit3A_976, %sign3A_988 : i32
        %sign3A_990 = arith.extui %sign3A_989 : i1 to i32
        %sign3A_991 = arith.subi %sign3A_987, %sign3A_990 : i32
        %ne3A_992 = arith.cmpi ne, %sign3A_984, %sign3A_991 : i32
        %rem3A_993 = arith.remsi %add3A_975, %jit3A_976 : i32
        %ne3A_994 = arith.constant 0 : i32
        %ne3A_995 = arith.cmpi ne, %rem3A_993, %ne3A_994 : i32
        %and3A_996 = arith.andi %ne3A_992, %ne3A_995 : i1
        %sub3A_997 = arith.constant 1 : i32
        %sub3A_998 = arith.subi %div3A_977, %sub3A_997 : i32
        %select_n3A_999 = arith.select %and3A_996, %sub3A_998, %div3A_977 : i32
        %add3A_1000 = arith.constant 96 : i32
        %add3A_1001 = arith.addi %add3A_1000, %select_n3A_999 : i32
        %broadcast_in_dim3A_1002 = vector.broadcast %add3A_1001 : i32 to vector<16xi32>
        %gather3A_1003 = tpu.vector_load_idx %arg22[%broadcast_in_dim3A_854, %broadcast_in_dim3A_1002] : memref<80x104xf32, #tpu.memory_space<vmem>>[vector<16xi32>, vector<16xi32>], vector<16xf32>,
        %get3A_1004 = arith.index_cast %add3A_853 : i32 to index
        %get3A_1005 = arith.constant 48 : index
        %get3A_1006 = tpu.vector_load %arg21[%get3A_1004, %get3A_1005] {strides = array<i32>} : memref<80x96xf32, #tpu.memory_space<vmem>>, vector<16xf32>,
        %mul3A_1007 = arith.mulf %get3A_1006, %gather3A_1003 : vector<16xf32>
        %swap3A_1008 = arith.index_cast %add3A_853 : i32 to index
        %swap3A_1009 = arith.constant 48 : index
        %swap3A_1010 = tpu.vector_load %arg22[%swap3A_1008, %swap3A_1009] {strides = array<i32>} : memref<80x104xf32, #tpu.memory_space<vmem>>, vector<16xf32>,
        tpu.vector_store %arg22[%swap3A_1008, %swap3A_1009], %mul3A_1007 {strides = array<i32>} : memref<80x104xf32, #tpu.memory_space<vmem>>, vector<16xf32>,
        %mul3A_1011 = arith.constant 96 : i32
        %mul3A_1012 = arith.muli %arg0, %mul3A_1011 : i32
        %add3A_1013 = arith.constant 64 : i32
        %add3A_1014 = arith.addi %mul3A_1012, %add3A_1013 : i32
        %jit3A_1015 = arith.constant 64 : i32
        %div3A_1016 = arith.divsi %add3A_1014, %jit3A_1015 : i32
        %sign3A_1017 = arith.constant 0 : i32
        %sign3A_1018 = arith.cmpi sgt, %add3A_1014, %sign3A_1017 : i32
        %sign3A_1019 = arith.extui %sign3A_1018 : i1 to i32
        %sign3A_1020 = arith.constant 0 : i32
        %sign3A_1021 = arith.cmpi slt, %add3A_1014, %sign3A_1020 : i32
        %sign3A_1022 = arith.extui %sign3A_1021 : i1 to i32
        %sign3A_1023 = arith.subi %sign3A_1019, %sign3A_1022 : i32
        %sign3A_1024 = arith.constant 0 : i32
        %sign3A_1025 = arith.cmpi sgt, %jit3A_1015, %sign3A_1024 : i32
        %sign3A_1026 = arith.extui %sign3A_1025 : i1 to i32
        %sign3A_1027 = arith.constant 0 : i32
        %sign3A_1028 = arith.cmpi slt, %jit3A_1015, %sign3A_1027 : i32
        %sign3A_1029 = arith.extui %sign3A_1028 : i1 to i32
        %sign3A_1030 = arith.subi %sign3A_1026, %sign3A_1029 : i32
        %ne3A_1031 = arith.cmpi ne, %sign3A_1023, %sign3A_1030 : i32
        %rem3A_1032 = arith.remsi %add3A_1014, %jit3A_1015 : i32
        %ne3A_1033 = arith.constant 0 : i32
        %ne3A_1034 = arith.cmpi ne, %rem3A_1032, %ne3A_1033 : i32
        %and3A_1035 = arith.andi %ne3A_1031, %ne3A_1034 : i1
        %sub3A_1036 = arith.constant 1 : i32
        %sub3A_1037 = arith.subi %div3A_1016, %sub3A_1036 : i32
        %select_n3A_1038 = arith.select %and3A_1035, %sub3A_1037, %div3A_1016 : i32
        %add3A_1039 = arith.constant 96 : i32
        %add3A_1040 = arith.addi %add3A_1039, %select_n3A_1038 : i32
        %broadcast_in_dim3A_1041 = vector.broadcast %add3A_1040 : i32 to vector<16xi32>
        %gather3A_1042 = tpu.vector_load_idx %arg22[%broadcast_in_dim3A_854, %broadcast_in_dim3A_1041] : memref<80x104xf32, #tpu.memory_space<vmem>>[vector<16xi32>, vector<16xi32>], vector<16xf32>,
        %get3A_1043 = arith.index_cast %add3A_853 : i32 to index
        %get3A_1044 = arith.constant 64 : index
        %get3A_1045 = tpu.vector_load %arg21[%get3A_1043, %get3A_1044] {strides = array<i32>} : memref<80x96xf32, #tpu.memory_space<vmem>>, vector<16xf32>,
        %mul3A_1046 = arith.mulf %get3A_1045, %gather3A_1042 : vector<16xf32>
        %swap3A_1047 = arith.index_cast %add3A_853 : i32 to index
        %swap3A_1048 = arith.constant 64 : index
        %swap3A_1049 = tpu.vector_load %arg22[%swap3A_1047, %swap3A_1048] {strides = array<i32>} : memref<80x104xf32, #tpu.memory_space<vmem>>, vector<16xf32>,
        tpu.vector_store %arg22[%swap3A_1047, %swap3A_1048], %mul3A_1046 {strides = array<i32>} : memref<80x104xf32, #tpu.memory_space<vmem>>, vector<16xf32>,
        %mul3A_1050 = arith.constant 96 : i32
        %mul3A_1051 = arith.muli %arg0, %mul3A_1050 : i32
        %add3A_1052 = arith.constant 80 : i32
        %add3A_1053 = arith.addi %mul3A_1051, %add3A_1052 : i32
        %jit3A_1054 = arith.constant 64 : i32
        %div3A_1055 = arith.divsi %add3A_1053, %jit3A_1054 : i32
        %sign3A_1056 = arith.constant 0 : i32
        %sign3A_1057 = arith.cmpi sgt, %add3A_1053, %sign3A_1056 : i32
        %sign3A_1058 = arith.extui %sign3A_1057 : i1 to i32
        %sign3A_1059 = arith.constant 0 : i32
        %sign3A_1060 = arith.cmpi slt, %add3A_1053, %sign3A_1059 : i32
        %sign3A_1061 = arith.extui %sign3A_1060 : i1 to i32
        %sign3A_1062 = arith.subi %sign3A_1058, %sign3A_1061 : i32
        %sign3A_1063 = arith.constant 0 : i32
        %sign3A_1064 = arith.cmpi sgt, %jit3A_1054, %sign3A_1063 : i32
        %sign3A_1065 = arith.extui %sign3A_1064 : i1 to i32
        %sign3A_1066 = arith.constant 0 : i32
        %sign3A_1067 = arith.cmpi slt, %jit3A_1054, %sign3A_1066 : i32
        %sign3A_1068 = arith.extui %sign3A_1067 : i1 to i32
        %sign3A_1069 = arith.subi %sign3A_1065, %sign3A_1068 : i32
        %ne3A_1070 = arith.cmpi ne, %sign3A_1062, %sign3A_1069 : i32
        %rem3A_1071 = arith.remsi %add3A_1053, %jit3A_1054 : i32
        %ne3A_1072 = arith.constant 0 : i32
        %ne3A_1073 = arith.cmpi ne, %rem3A_1071, %ne3A_1072 : i32
        %and3A_1074 = arith.andi %ne3A_1070, %ne3A_1073 : i1
        %sub3A_1075 = arith.constant 1 : i32
        %sub3A_1076 = arith.subi %div3A_1055, %sub3A_1075 : i32
        %select_n3A_1077 = arith.select %and3A_1074, %sub3A_1076, %div3A_1055 : i32
        %add3A_1078 = arith.constant 96 : i32
        %add3A_1079 = arith.addi %add3A_1078, %select_n3A_1077 : i32
        %broadcast_in_dim3A_1080 = vector.broadcast %add3A_1079 : i32 to vector<16xi32>
        %gather3A_1081 = tpu.vector_load_idx %arg22[%broadcast_in_dim3A_854, %broadcast_in_dim3A_1080] : memref<80x104xf32, #tpu.memory_space<vmem>>[vector<16xi32>, vector<16xi32>], vector<16xf32>,
        %get3A_1082 = arith.index_cast %add3A_853 : i32 to index
        %get3A_1083 = arith.constant 80 : index
        %get3A_1084 = tpu.vector_load %arg21[%get3A_1082, %get3A_1083] {strides = array<i32>} : memref<80x96xf32, #tpu.memory_space<vmem>>, vector<16xf32>,
        %mul3A_1085 = arith.mulf %get3A_1084, %gather3A_1081 : vector<16xf32>
        %swap3A_1086 = arith.index_cast %add3A_853 : i32 to index
        %swap3A_1087 = arith.constant 80 : index
        %swap3A_1088 = tpu.vector_load %arg22[%swap3A_1086, %swap3A_1087] {strides = array<i32>} : memref<80x104xf32, #tpu.memory_space<vmem>>, vector<16xf32>,
        tpu.vector_store %arg22[%swap3A_1086, %swap3A_1087], %mul3A_1085 {strides = array<i32>} : memref<80x104xf32, #tpu.memory_space<vmem>>, vector<16xf32>,
        %mul3A_1089 = arith.constant 4 : i32
        %mul3A_1090 = arith.muli %scan3A_379, %mul3A_1089 : i32
        %add3A_1091 = arith.constant 3 : i32
        %add3A_1092 = arith.addi %mul3A_1090, %add3A_1091 : i32
        %broadcast_in_dim3A_1093 = vector.broadcast %add3A_1092 : i32 to vector<16xi32>
        %mul3A_1094 = arith.constant 96 : i32
        %mul3A_1095 = arith.muli %arg0, %mul3A_1094 : i32
        %add3A_1096 = arith.constant 0 : i32
        %add3A_1097 = arith.addi %mul3A_1095, %add3A_1096 : i32
        %jit3A_1098 = arith.constant 64 : i32
        %div3A_1099 = arith.divsi %add3A_1097, %jit3A_1098 : i32
        %sign3A_1100 = arith.constant 0 : i32
        %sign3A_1101 = arith.cmpi sgt, %add3A_1097, %sign3A_1100 : i32
        %sign3A_1102 = arith.extui %sign3A_1101 : i1 to i32
        %sign3A_1103 = arith.constant 0 : i32
        %sign3A_1104 = arith.cmpi slt, %add3A_1097, %sign3A_1103 : i32
        %sign3A_1105 = arith.extui %sign3A_1104 : i1 to i32
        %sign3A_1106 = arith.subi %sign3A_1102, %sign3A_1105 : i32
        %sign3A_1107 = arith.constant 0 : i32
        %sign3A_1108 = arith.cmpi sgt, %jit3A_1098, %sign3A_1107 : i32
        %sign3A_1109 = arith.extui %sign3A_1108 : i1 to i32
        %sign3A_1110 = arith.constant 0 : i32
        %sign3A_1111 = arith.cmpi slt, %jit3A_1098, %sign3A_1110 : i32
        %sign3A_1112 = arith.extui %sign3A_1111 : i1 to i32
        %sign3A_1113 = arith.subi %sign3A_1109, %sign3A_1112 : i32
        %ne3A_1114 = arith.cmpi ne, %sign3A_1106, %sign3A_1113 : i32
        %rem3A_1115 = arith.remsi %add3A_1097, %jit3A_1098 : i32
        %ne3A_1116 = arith.constant 0 : i32
        %ne3A_1117 = arith.cmpi ne, %rem3A_1115, %ne3A_1116 : i32
        %and3A_1118 = arith.andi %ne3A_1114, %ne3A_1117 : i1
        %sub3A_1119 = arith.constant 1 : i32
        %sub3A_1120 = arith.subi %div3A_1099, %sub3A_1119 : i32
        %select_n3A_1121 = arith.select %and3A_1118, %sub3A_1120, %div3A_1099 : i32
        %add3A_1122 = arith.constant 96 : i32
        %add3A_1123 = arith.addi %add3A_1122, %select_n3A_1121 : i32
        %broadcast_in_dim3A_1124 = vector.broadcast %add3A_1123 : i32 to vector<16xi32>
        %gather3A_1125 = tpu.vector_load_idx %arg22[%broadcast_in_dim3A_1093, %broadcast_in_dim3A_1124] : memref<80x104xf32, #tpu.memory_space<vmem>>[vector<16xi32>, vector<16xi32>], vector<16xf32>,
        %get3A_1126 = arith.index_cast %add3A_1092 : i32 to index
        %get3A_1127 = arith.constant 0 : index
        %get3A_1128 = tpu.vector_load %arg21[%get3A_1126, %get3A_1127] {strides = array<i32>} : memref<80x96xf32, #tpu.memory_space<vmem>>, vector<16xf32>,
        %mul3A_1129 = arith.mulf %get3A_1128, %gather3A_1125 : vector<16xf32>
        %swap3A_1130 = arith.index_cast %add3A_1092 : i32 to index
        %swap3A_1131 = arith.constant 0 : index
        %swap3A_1132 = tpu.vector_load %arg22[%swap3A_1130, %swap3A_1131] {strides = array<i32>} : memref<80x104xf32, #tpu.memory_space<vmem>>, vector<16xf32>,
        tpu.vector_store %arg22[%swap3A_1130, %swap3A_1131], %mul3A_1129 {strides = array<i32>} : memref<80x104xf32, #tpu.memory_space<vmem>>, vector<16xf32>,
        %mul3A_1133 = arith.constant 96 : i32
        %mul3A_1134 = arith.muli %arg0, %mul3A_1133 : i32
        %add3A_1135 = arith.constant 16 : i32
        %add3A_1136 = arith.addi %mul3A_1134, %add3A_1135 : i32
        %jit3A_1137 = arith.constant 64 : i32
        %div3A_1138 = arith.divsi %add3A_1136, %jit3A_1137 : i32
        %sign3A_1139 = arith.constant 0 : i32
        %sign3A_1140 = arith.cmpi sgt, %add3A_1136, %sign3A_1139 : i32
        %sign3A_1141 = arith.extui %sign3A_1140 : i1 to i32
        %sign3A_1142 = arith.constant 0 : i32
        %sign3A_1143 = arith.cmpi slt, %add3A_1136, %sign3A_1142 : i32
        %sign3A_1144 = arith.extui %sign3A_1143 : i1 to i32
        %sign3A_1145 = arith.subi %sign3A_1141, %sign3A_1144 : i32
        %sign3A_1146 = arith.constant 0 : i32
        %sign3A_1147 = arith.cmpi sgt, %jit3A_1137, %sign3A_1146 : i32
        %sign3A_1148 = arith.extui %sign3A_1147 : i1 to i32
        %sign3A_1149 = arith.constant 0 : i32
        %sign3A_1150 = arith.cmpi slt, %jit3A_1137, %sign3A_1149 : i32
        %sign3A_1151 = arith.extui %sign3A_1150 : i1 to i32
        %sign3A_1152 = arith.subi %sign3A_1148, %sign3A_1151 : i32
        %ne3A_1153 = arith.cmpi ne, %sign3A_1145, %sign3A_1152 : i32
        %rem3A_1154 = arith.remsi %add3A_1136, %jit3A_1137 : i32
        %ne3A_1155 = arith.constant 0 : i32
        %ne3A_1156 = arith.cmpi ne, %rem3A_1154, %ne3A_1155 : i32
        %and3A_1157 = arith.andi %ne3A_1153, %ne3A_1156 : i1
        %sub3A_1158 = arith.constant 1 : i32
        %sub3A_1159 = arith.subi %div3A_1138, %sub3A_1158 : i32
        %select_n3A_1160 = arith.select %and3A_1157, %sub3A_1159, %div3A_1138 : i32
        %add3A_1161 = arith.constant 96 : i32
        %add3A_1162 = arith.addi %add3A_1161, %select_n3A_1160 : i32
        %broadcast_in_dim3A_1163 = vector.broadcast %add3A_1162 : i32 to vector<16xi32>
        %gather3A_1164 = tpu.vector_load_idx %arg22[%broadcast_in_dim3A_1093, %broadcast_in_dim3A_1163] : memref<80x104xf32, #tpu.memory_space<vmem>>[vector<16xi32>, vector<16xi32>], vector<16xf32>,
        %get3A_1165 = arith.index_cast %add3A_1092 : i32 to index
        %get3A_1166 = arith.constant 16 : index
        %get3A_1167 = tpu.vector_load %arg21[%get3A_1165, %get3A_1166] {strides = array<i32>} : memref<80x96xf32, #tpu.memory_space<vmem>>, vector<16xf32>,
        %mul3A_1168 = arith.mulf %get3A_1167, %gather3A_1164 : vector<16xf32>
        %swap3A_1169 = arith.index_cast %add3A_1092 : i32 to index
        %swap3A_1170 = arith.constant 16 : index
        %swap3A_1171 = tpu.vector_load %arg22[%swap3A_1169, %swap3A_1170] {strides = array<i32>} : memref<80x104xf32, #tpu.memory_space<vmem>>, vector<16xf32>,
        tpu.vector_store %arg22[%swap3A_1169, %swap3A_1170], %mul3A_1168 {strides = array<i32>} : memref<80x104xf32, #tpu.memory_space<vmem>>, vector<16xf32>,
        %mul3A_1172 = arith.constant 96 : i32
        %mul3A_1173 = arith.muli %arg0, %mul3A_1172 : i32
        %add3A_1174 = arith.constant 32 : i32
        %add3A_1175 = arith.addi %mul3A_1173, %add3A_1174 : i32
        %jit3A_1176 = arith.constant 64 : i32
        %div3A_1177 = arith.divsi %add3A_1175, %jit3A_1176 : i32
        %sign3A_1178 = arith.constant 0 : i32
        %sign3A_1179 = arith.cmpi sgt, %add3A_1175, %sign3A_1178 : i32
        %sign3A_1180 = arith.extui %sign3A_1179 : i1 to i32
        %sign3A_1181 = arith.constant 0 : i32
        %sign3A_1182 = arith.cmpi slt, %add3A_1175, %sign3A_1181 : i32
        %sign3A_1183 = arith.extui %sign3A_1182 : i1 to i32
        %sign3A_1184 = arith.subi %sign3A_1180, %sign3A_1183 : i32
        %sign3A_1185 = arith.constant 0 : i32
        %sign3A_1186 = arith.cmpi sgt, %jit3A_1176, %sign3A_1185 : i32
        %sign3A_1187 = arith.extui %sign3A_1186 : i1 to i32
        %sign3A_1188 = arith.constant 0 : i32
        %sign3A_1189 = arith.cmpi slt, %jit3A_1176, %sign3A_1188 : i32
        %sign3A_1190 = arith.extui %sign3A_1189 : i1 to i32
        %sign3A_1191 = arith.subi %sign3A_1187, %sign3A_1190 : i32
        %ne3A_1192 = arith.cmpi ne, %sign3A_1184, %sign3A_1191 : i32
        %rem3A_1193 = arith.remsi %add3A_1175, %jit3A_1176 : i32
        %ne3A_1194 = arith.constant 0 : i32
        %ne3A_1195 = arith.cmpi ne, %rem3A_1193, %ne3A_1194 : i32
        %and3A_1196 = arith.andi %ne3A_1192, %ne3A_1195 : i1
        %sub3A_1197 = arith.constant 1 : i32
        %sub3A_1198 = arith.subi %div3A_1177, %sub3A_1197 : i32
        %select_n3A_1199 = arith.select %and3A_1196, %sub3A_1198, %div3A_1177 : i32
        %add3A_1200 = arith.constant 96 : i32
        %add3A_1201 = arith.addi %add3A_1200, %select_n3A_1199 : i32
        %broadcast_in_dim3A_1202 = vector.broadcast %add3A_1201 : i32 to vector<16xi32>
        %gather3A_1203 = tpu.vector_load_idx %arg22[%broadcast_in_dim3A_1093, %broadcast_in_dim3A_1202] : memref<80x104xf32, #tpu.memory_space<vmem>>[vector<16xi32>, vector<16xi32>], vector<16xf32>,
        %get3A_1204 = arith.index_cast %add3A_1092 : i32 to index
        %get3A_1205 = arith.constant 32 : index
        %get3A_1206 = tpu.vector_load %arg21[%get3A_1204, %get3A_1205] {strides = array<i32>} : memref<80x96xf32, #tpu.memory_space<vmem>>, vector<16xf32>,
        %mul3A_1207 = arith.mulf %get3A_1206, %gather3A_1203 : vector<16xf32>
        %swap3A_1208 = arith.index_cast %add3A_1092 : i32 to index
        %swap3A_1209 = arith.constant 32 : index
        %swap3A_1210 = tpu.vector_load %arg22[%swap3A_1208, %swap3A_1209] {strides = array<i32>} : memref<80x104xf32, #tpu.memory_space<vmem>>, vector<16xf32>,
        tpu.vector_store %arg22[%swap3A_1208, %swap3A_1209], %mul3A_1207 {strides = array<i32>} : memref<80x104xf32, #tpu.memory_space<vmem>>, vector<16xf32>,
        %mul3A_1211 = arith.constant 96 : i32
        %mul3A_1212 = arith.muli %arg0, %mul3A_1211 : i32
        %add3A_1213 = arith.constant 48 : i32
        %add3A_1214 = arith.addi %mul3A_1212, %add3A_1213 : i32
        %jit3A_1215 = arith.constant 64 : i32
        %div3A_1216 = arith.divsi %add3A_1214, %jit3A_1215 : i32
        %sign3A_1217 = arith.constant 0 : i32
        %sign3A_1218 = arith.cmpi sgt, %add3A_1214, %sign3A_1217 : i32
        %sign3A_1219 = arith.extui %sign3A_1218 : i1 to i32
        %sign3A_1220 = arith.constant 0 : i32
        %sign3A_1221 = arith.cmpi slt, %add3A_1214, %sign3A_1220 : i32
        %sign3A_1222 = arith.extui %sign3A_1221 : i1 to i32
        %sign3A_1223 = arith.subi %sign3A_1219, %sign3A_1222 : i32
        %sign3A_1224 = arith.constant 0 : i32
        %sign3A_1225 = arith.cmpi sgt, %jit3A_1215, %sign3A_1224 : i32
        %sign3A_1226 = arith.extui %sign3A_1225 : i1 to i32
        %sign3A_1227 = arith.constant 0 : i32
        %sign3A_1228 = arith.cmpi slt, %jit3A_1215, %sign3A_1227 : i32
        %sign3A_1229 = arith.extui %sign3A_1228 : i1 to i32
        %sign3A_1230 = arith.subi %sign3A_1226, %sign3A_1229 : i32
        %ne3A_1231 = arith.cmpi ne, %sign3A_1223, %sign3A_1230 : i32
        %rem3A_1232 = arith.remsi %add3A_1214, %jit3A_1215 : i32
        %ne3A_1233 = arith.constant 0 : i32
        %ne3A_1234 = arith.cmpi ne, %rem3A_1232, %ne3A_1233 : i32
        %and3A_1235 = arith.andi %ne3A_1231, %ne3A_1234 : i1
        %sub3A_1236 = arith.constant 1 : i32
        %sub3A_1237 = arith.subi %div3A_1216, %sub3A_1236 : i32
        %select_n3A_1238 = arith.select %and3A_1235, %sub3A_1237, %div3A_1216 : i32
        %add3A_1239 = arith.constant 96 : i32
        %add3A_1240 = arith.addi %add3A_1239, %select_n3A_1238 : i32
        %broadcast_in_dim3A_1241 = vector.broadcast %add3A_1240 : i32 to vector<16xi32>
        %gather3A_1242 = tpu.vector_load_idx %arg22[%broadcast_in_dim3A_1093, %broadcast_in_dim3A_1241] : memref<80x104xf32, #tpu.memory_space<vmem>>[vector<16xi32>, vector<16xi32>], vector<16xf32>,
        %get3A_1243 = arith.index_cast %add3A_1092 : i32 to index
        %get3A_1244 = arith.constant 48 : index
        %get3A_1245 = tpu.vector_load %arg21[%get3A_1243, %get3A_1244] {strides = array<i32>} : memref<80x96xf32, #tpu.memory_space<vmem>>, vector<16xf32>,
        %mul3A_1246 = arith.mulf %get3A_1245, %gather3A_1242 : vector<16xf32>
        %swap3A_1247 = arith.index_cast %add3A_1092 : i32 to index
        %swap3A_1248 = arith.constant 48 : index
        %swap3A_1249 = tpu.vector_load %arg22[%swap3A_1247, %swap3A_1248] {strides = array<i32>} : memref<80x104xf32, #tpu.memory_space<vmem>>, vector<16xf32>,
        tpu.vector_store %arg22[%swap3A_1247, %swap3A_1248], %mul3A_1246 {strides = array<i32>} : memref<80x104xf32, #tpu.memory_space<vmem>>, vector<16xf32>,
        %mul3A_1250 = arith.constant 96 : i32
        %mul3A_1251 = arith.muli %arg0, %mul3A_1250 : i32
        %add3A_1252 = arith.constant 64 : i32
        %add3A_1253 = arith.addi %mul3A_1251, %add3A_1252 : i32
        %jit3A_1254 = arith.constant 64 : i32
        %div3A_1255 = arith.divsi %add3A_1253, %jit3A_1254 : i32
        %sign3A_1256 = arith.constant 0 : i32
        %sign3A_1257 = arith.cmpi sgt, %add3A_1253, %sign3A_1256 : i32
        %sign3A_1258 = arith.extui %sign3A_1257 : i1 to i32
        %sign3A_1259 = arith.constant 0 : i32
        %sign3A_1260 = arith.cmpi slt, %add3A_1253, %sign3A_1259 : i32
        %sign3A_1261 = arith.extui %sign3A_1260 : i1 to i32
        %sign3A_1262 = arith.subi %sign3A_1258, %sign3A_1261 : i32
        %sign3A_1263 = arith.constant 0 : i32
        %sign3A_1264 = arith.cmpi sgt, %jit3A_1254, %sign3A_1263 : i32
        %sign3A_1265 = arith.extui %sign3A_1264 : i1 to i32
        %sign3A_1266 = arith.constant 0 : i32
        %sign3A_1267 = arith.cmpi slt, %jit3A_1254, %sign3A_1266 : i32
        %sign3A_1268 = arith.extui %sign3A_1267 : i1 to i32
        %sign3A_1269 = arith.subi %sign3A_1265, %sign3A_1268 : i32
        %ne3A_1270 = arith.cmpi ne, %sign3A_1262, %sign3A_1269 : i32
        %rem3A_1271 = arith.remsi %add3A_1253, %jit3A_1254 : i32
        %ne3A_1272 = arith.constant 0 : i32
        %ne3A_1273 = arith.cmpi ne, %rem3A_1271, %ne3A_1272 : i32
        %and3A_1274 = arith.andi %ne3A_1270, %ne3A_1273 : i1
        %sub3A_1275 = arith.constant 1 : i32
        %sub3A_1276 = arith.subi %div3A_1255, %sub3A_1275 : i32
        %select_n3A_1277 = arith.select %and3A_1274, %sub3A_1276, %div3A_1255 : i32
        %add3A_1278 = arith.constant 96 : i32
        %add3A_1279 = arith.addi %add3A_1278, %select_n3A_1277 : i32
        %broadcast_in_dim3A_1280 = vector.broadcast %add3A_1279 : i32 to vector<16xi32>
        %gather3A_1281 = tpu.vector_load_idx %arg22[%broadcast_in_dim3A_1093, %broadcast_in_dim3A_1280] : memref<80x104xf32, #tpu.memory_space<vmem>>[vector<16xi32>, vector<16xi32>], vector<16xf32>,
        %get3A_1282 = arith.index_cast %add3A_1092 : i32 to index
        %get3A_1283 = arith.constant 64 : index
        %get3A_1284 = tpu.vector_load %arg21[%get3A_1282, %get3A_1283] {strides = array<i32>} : memref<80x96xf32, #tpu.memory_space<vmem>>, vector<16xf32>,
        %mul3A_1285 = arith.mulf %get3A_1284, %gather3A_1281 : vector<16xf32>
        %swap3A_1286 = arith.index_cast %add3A_1092 : i32 to index
        %swap3A_1287 = arith.constant 64 : index
        %swap3A_1288 = tpu.vector_load %arg22[%swap3A_1286, %swap3A_1287] {strides = array<i32>} : memref<80x104xf32, #tpu.memory_space<vmem>>, vector<16xf32>,
        tpu.vector_store %arg22[%swap3A_1286, %swap3A_1287], %mul3A_1285 {strides = array<i32>} : memref<80x104xf32, #tpu.memory_space<vmem>>, vector<16xf32>,
        %mul3A_1289 = arith.constant 96 : i32
        %mul3A_1290 = arith.muli %arg0, %mul3A_1289 : i32
        %add3A_1291 = arith.constant 80 : i32
        %add3A_1292 = arith.addi %mul3A_1290, %add3A_1291 : i32
        %jit3A_1293 = arith.constant 64 : i32
        %div3A_1294 = arith.divsi %add3A_1292, %jit3A_1293 : i32
        %sign3A_1295 = arith.constant 0 : i32
        %sign3A_1296 = arith.cmpi sgt, %add3A_1292, %sign3A_1295 : i32
        %sign3A_1297 = arith.extui %sign3A_1296 : i1 to i32
        %sign3A_1298 = arith.constant 0 : i32
        %sign3A_1299 = arith.cmpi slt, %add3A_1292, %sign3A_1298 : i32
        %sign3A_1300 = arith.extui %sign3A_1299 : i1 to i32
        %sign3A_1301 = arith.subi %sign3A_1297, %sign3A_1300 : i32
        %sign3A_1302 = arith.constant 0 : i32
        %sign3A_1303 = arith.cmpi sgt, %jit3A_1293, %sign3A_1302 : i32
        %sign3A_1304 = arith.extui %sign3A_1303 : i1 to i32
        %sign3A_1305 = arith.constant 0 : i32
        %sign3A_1306 = arith.cmpi slt, %jit3A_1293, %sign3A_1305 : i32
        %sign3A_1307 = arith.extui %sign3A_1306 : i1 to i32
        %sign3A_1308 = arith.subi %sign3A_1304, %sign3A_1307 : i32
        %ne3A_1309 = arith.cmpi ne, %sign3A_1301, %sign3A_1308 : i32
        %rem3A_1310 = arith.remsi %add3A_1292, %jit3A_1293 : i32
        %ne3A_1311 = arith.constant 0 : i32
        %ne3A_1312 = arith.cmpi ne, %rem3A_1310, %ne3A_1311 : i32
        %and3A_1313 = arith.andi %ne3A_1309, %ne3A_1312 : i1
        %sub3A_1314 = arith.constant 1 : i32
        %sub3A_1315 = arith.subi %div3A_1294, %sub3A_1314 : i32
        %select_n3A_1316 = arith.select %and3A_1313, %sub3A_1315, %div3A_1294 : i32
        %add3A_1317 = arith.constant 96 : i32
        %add3A_1318 = arith.addi %add3A_1317, %select_n3A_1316 : i32
        %broadcast_in_dim3A_1319 = vector.broadcast %add3A_1318 : i32 to vector<16xi32>
        %gather3A_1320 = tpu.vector_load_idx %arg22[%broadcast_in_dim3A_1093, %broadcast_in_dim3A_1319] : memref<80x104xf32, #tpu.memory_space<vmem>>[vector<16xi32>, vector<16xi32>], vector<16xf32>,
        %get3A_1321 = arith.index_cast %add3A_1092 : i32 to index
        %get3A_1322 = arith.constant 80 : index
        %get3A_1323 = tpu.vector_load %arg21[%get3A_1321, %get3A_1322] {strides = array<i32>} : memref<80x96xf32, #tpu.memory_space<vmem>>, vector<16xf32>,
        %mul3A_1324 = arith.mulf %get3A_1323, %gather3A_1320 : vector<16xf32>
        %swap3A_1325 = arith.index_cast %add3A_1092 : i32 to index
        %swap3A_1326 = arith.constant 80 : index
        %swap3A_1327 = tpu.vector_load %arg22[%swap3A_1325, %swap3A_1326] {strides = array<i32>} : memref<80x104xf32, #tpu.memory_space<vmem>>, vector<16xf32>,
        tpu.vector_store %arg22[%swap3A_1325, %swap3A_1326], %mul3A_1324 {strides = array<i32>} : memref<80x104xf32, #tpu.memory_space<vmem>>, vector<16xf32>,
      }
      %scan3A_378 = arith.constant 20 : i32
      "tpu.region"() ({
        %run_scoped3A = tpu.sem_alloc : memref<!tpu.dma_semaphore, #tpu.memory_space<semaphore_mem>>
        %dma_start3A_379 = arith.constant 0 : i32
        %dma_start3A_380 = arith.constant 0 : i32
        %dma_start3A_381 = tpu.memref_slice %arg13[%dma_start3A_379, %dma_start3A_380] : memref<10000x104xf32, #tpu.memory_space<vmem_shared>> -> memref<10000x104xf32, #tpu.memory_space<vmem_shared>>
        tpu.enqueue_indirect_dma source(%arg22 : memref<80x104xf32, #tpu.memory_space<vmem>>) target(%dma_start3A_381 : memref<10000x104xf32, #tpu.memory_space<vmem_shared>>) offsets(%arg17 : memref<80xi32, #tpu.memory_space<vmem>>) semaphore(%run_scoped3A : memref<!tpu.dma_semaphore, #tpu.memory_space<semaphore_mem>>) {add = true}
        %dma_wait3A_382 = arith.constant 0 : i32
        %dma_wait3A_383 = arith.constant 0 : i32
        %dma_wait3A_384 = tpu.memref_slice %arg13[%dma_wait3A_382, %dma_wait3A_383] : memref<10000x104xf32, #tpu.memory_space<vmem_shared>> -> memref<10000x104xf32, #tpu.memory_space<vmem_shared>>
        tpu.wait_indirect_dma semaphore(%run_scoped3A : memref<!tpu.dma_semaphore, #tpu.memory_space<semaphore_mem>>) src(%arg22 : memref<80x104xf32, #tpu.memory_space<vmem>>) dst(%dma_wait3A_384 : memref<10000x104xf32, #tpu.memory_space<vmem_shared>>)
        tpu.yield
      }) : () -> ()
    }
    %scan3A_9 = arith.constant 250 : i32
    %barrier3A_10 = arith.constant 0 : index
    tpu.barrier barrier_id(%barrier3A_10)
    %mul3A_11 = arith.constant 625 : i32
    %mul3A_12 = arith.muli %arg1, %mul3A_11 : i32
    "tpu.region"() ({
      %run_scoped3A = tpu.sem_alloc : memref<!tpu.dma_semaphore, #tpu.memory_space<semaphore_mem>>
      %dma_start3A = arith.constant 0 : i32
      %dma_start3A_13 = tpu.memref_slice %arg10[%arg0, %mul3A_12, %dma_start3A] : memref<2x10000x104xf32, #tpu.memory_space<hbm>> -> memref<1x625x104xf32, #tpu.memory_space<hbm>>
      %dma_start3A_14 = tpu.memref_squeeze %dma_start3A_13 : memref<1x625x104xf32, #tpu.memory_space<hbm>> -> memref<625x104xf32, #tpu.memory_space<hbm>>
      %dma_start3A_15 = arith.constant 0 : i32
      %dma_start3A_16 = tpu.memref_slice %arg13[%mul3A_12, %dma_start3A_15] : memref<10000x104xf32, #tpu.memory_space<vmem_shared>> -> memref<625x104xf32, #tpu.memory_space<vmem_shared>>
      tpu.enqueue_dma source(%dma_start3A_16 : memref<625x104xf32, #tpu.memory_space<vmem_shared>>) target(%dma_start3A_14 : memref<625x104xf32, #tpu.memory_space<hbm>>) target_semaphore(%run_scoped3A : memref<!tpu.dma_semaphore, #tpu.memory_space<semaphore_mem>>)
      %dma_wait3A = arith.constant 0 : i32
      %dma_wait3A_17 = tpu.memref_slice %arg10[%arg0, %mul3A_12, %dma_wait3A] : memref<2x10000x104xf32, #tpu.memory_space<hbm>> -> memref<1x625x104xf32, #tpu.memory_space<hbm>>
      %dma_wait3A_18 = tpu.memref_squeeze %dma_wait3A_17 : memref<1x625x104xf32, #tpu.memory_space<hbm>> -> memref<625x104xf32, #tpu.memory_space<hbm>>
      %dma_wait3A_19 = arith.constant 0 : i32
      %dma_wait3A_20 = tpu.memref_slice %arg13[%mul3A_12, %dma_wait3A_19] : memref<10000x104xf32, #tpu.memory_space<vmem_shared>> -> memref<625x104xf32, #tpu.memory_space<vmem_shared>>
      tpu.wait_dma2 semaphore(%run_scoped3A : memref<!tpu.dma_semaphore, #tpu.memory_space<semaphore_mem>>) src(%dma_wait3A_20 : memref<625x104xf32, #tpu.memory_space<vmem_shared>>) dst(%dma_wait3A_18 : memref<625x104xf32, #tpu.memory_space<hbm>>)
      tpu.yield
    }) : () -> ()
    return
  }
}

#map = affine_map<(d0, d1) -> (0, 0)>
#map1 = affine_map<(d0, d1) -> (0)>
#map2 = affine_map<(d0, d1) -> (0, 0, 0)>
module attributes {stable_mosaic.version = 14 : i64} {
  func.func @sc_edge(%arg0: i32, %arg1: i32, %arg2: memref<20000x64xf32, #tpu.memory_space<hbm>>, %arg3: memref<10000x8xf32, #tpu.memory_space<hbm>>, %arg4: memref<10000x8xf32, #tpu.memory_space<hbm>>, %arg5: memref<320000xi32, #tpu.memory_space<hbm>>, %arg6: memref<320000xi32, #tpu.memory_space<hbm>>, %arg7: memref<320000xf32, #tpu.memory_space<hbm>>, %arg8: memref<1x16xf32, #tpu.memory_space<hbm>>, %arg9: memref<625x72xf32, #tpu.memory_space<hbm>>, %arg10: memref<2x10000x72xf32, #tpu.memory_space<hbm>>, %arg11: memref<10000x8xf32, #tpu.memory_space<vmem_shared>>, %arg12: memref<10000x8xf32, #tpu.memory_space<vmem_shared>>, %arg13: memref<10000x72xf32, #tpu.memory_space<vmem_shared>>, %arg14: memref<1x16xf32, #tpu.memory_space<vmem>>, %arg15: memref<80xi32, #tpu.memory_space<vmem>>, %arg16: memref<80xi32, #tpu.memory_space<vmem>>, %arg17: memref<80xi32, #tpu.memory_space<vmem>>, %arg18: memref<80xf32, #tpu.memory_space<vmem>>, %arg19: memref<80x8xf32, #tpu.memory_space<vmem>>, %arg20: memref<80x8xf32, #tpu.memory_space<vmem>>, %arg21: memref<80x64xf32, #tpu.memory_space<vmem>>, %arg22: memref<80x72xf32, #tpu.memory_space<vmem>>, %arg23: memref<!tpu.dma_semaphore, #tpu.memory_space<semaphore_mem>>, %arg24: memref<!tpu.dma_semaphore, #tpu.memory_space<semaphore_mem>>) attributes {dimension_semantics = [#tpu.dimension_semantics<core_parallel>, #tpu.dimension_semantics<subcore_parallel>], iteration_bounds = array<i64: 2, 16>, scalar_prefetch = 0 : i64, scratch_operands = 14 : i64, tpu.core_type = #tpu.core_type<sc_vector_subcore>, window_params = [{transform_indices = #map}, {transform_indices = #map}, {transform_indices = #map}, {transform_indices = #map1}, {transform_indices = #map1}, {transform_indices = #map1}, {transform_indices = #map}, {transform_indices = #map}, {transform_indices = #map2}]} {
    %mul3A = arith.constant 20000 : i32
    %mul3A_0 = arith.muli %arg1, %mul3A : i32
    "tpu.region"() ({
      %run_scoped3A = tpu.sem_alloc : memref<!tpu.dma_semaphore, #tpu.memory_space<semaphore_mem>>
      tpu.enqueue_dma source(%arg8 : memref<1x16xf32, #tpu.memory_space<hbm>>) target(%arg14 : memref<1x16xf32, #tpu.memory_space<vmem>>) target_semaphore(%run_scoped3A : memref<!tpu.dma_semaphore, #tpu.memory_space<semaphore_mem>>)
      tpu.wait_dma2 semaphore(%run_scoped3A : memref<!tpu.dma_semaphore, #tpu.memory_space<semaphore_mem>>) src(%arg8 : memref<1x16xf32, #tpu.memory_space<hbm>>) dst(%arg14 : memref<1x16xf32, #tpu.memory_space<vmem>>)
      tpu.yield
    }) : () -> ()
    %mul3A_1 = arith.constant 625 : i32
    %mul3A_2 = arith.muli %arg1, %mul3A_1 : i32
    "tpu.region"() ({
      %run_scoped3A = tpu.sem_alloc : memref<!tpu.dma_semaphore, #tpu.memory_space<semaphore_mem>>
      %dma_start3A = arith.constant 0 : i32
      %dma_start3A_13 = tpu.memref_slice %arg13[%mul3A_2, %dma_start3A] : memref<10000x72xf32, #tpu.memory_space<vmem_shared>> -> memref<625x72xf32, #tpu.memory_space<vmem_shared>>
      %dma_start3A_14 = arith.constant 0 : i32
      %dma_start3A_15 = arith.constant 0 : i32
      %dma_start3A_16 = tpu.memref_slice %arg9[%dma_start3A_14, %dma_start3A_15] : memref<625x72xf32, #tpu.memory_space<hbm>> -> memref<625x72xf32, #tpu.memory_space<hbm>>
      tpu.enqueue_dma source(%dma_start3A_16 : memref<625x72xf32, #tpu.memory_space<hbm>>) target(%dma_start3A_13 : memref<625x72xf32, #tpu.memory_space<vmem_shared>>) target_semaphore(%run_scoped3A : memref<!tpu.dma_semaphore, #tpu.memory_space<semaphore_mem>>)
      %dma_wait3A = arith.constant 0 : i32
      %dma_wait3A_17 = tpu.memref_slice %arg13[%mul3A_2, %dma_wait3A] : memref<10000x72xf32, #tpu.memory_space<vmem_shared>> -> memref<625x72xf32, #tpu.memory_space<vmem_shared>>
      %dma_wait3A_18 = arith.constant 0 : i32
      %dma_wait3A_19 = arith.constant 0 : i32
      %dma_wait3A_20 = tpu.memref_slice %arg9[%dma_wait3A_18, %dma_wait3A_19] : memref<625x72xf32, #tpu.memory_space<hbm>> -> memref<625x72xf32, #tpu.memory_space<hbm>>
      tpu.wait_dma2 semaphore(%run_scoped3A : memref<!tpu.dma_semaphore, #tpu.memory_space<semaphore_mem>>) src(%dma_wait3A_20 : memref<625x72xf32, #tpu.memory_space<hbm>>) dst(%dma_wait3A_17 : memref<625x72xf32, #tpu.memory_space<vmem_shared>>)
      tpu.yield
    }) : () -> ()
    "tpu.region"() ({
      %run_scoped3A = tpu.sem_alloc : memref<!tpu.dma_semaphore, #tpu.memory_space<semaphore_mem>>
      %dma_start3A = arith.constant 0 : i32
      %dma_start3A_13 = arith.constant 0 : i32
      %dma_start3A_14 = tpu.memref_slice %arg9[%dma_start3A, %dma_start3A_13] : memref<625x72xf32, #tpu.memory_space<hbm>> -> memref<80x72xf32, #tpu.memory_space<hbm>>
      %dma_start3A_15 = arith.constant 0 : i32
      %dma_start3A_16 = arith.constant 0 : i32
      %dma_start3A_17 = tpu.memref_slice %arg9[%dma_start3A_15, %dma_start3A_16] : memref<625x72xf32, #tpu.memory_space<hbm>> -> memref<80x72xf32, #tpu.memory_space<hbm>>
      tpu.enqueue_dma source(%dma_start3A_17 : memref<80x72xf32, #tpu.memory_space<hbm>>) target(%arg22 : memref<80x72xf32, #tpu.memory_space<vmem>>) target_semaphore(%run_scoped3A : memref<!tpu.dma_semaphore, #tpu.memory_space<semaphore_mem>>)
      %dma_wait3A = arith.constant 0 : i32
      %dma_wait3A_18 = arith.constant 0 : i32
      %dma_wait3A_19 = tpu.memref_slice %arg9[%dma_wait3A, %dma_wait3A_18] : memref<625x72xf32, #tpu.memory_space<hbm>> -> memref<80x72xf32, #tpu.memory_space<hbm>>
      %dma_wait3A_20 = arith.constant 0 : i32
      %dma_wait3A_21 = arith.constant 0 : i32
      %dma_wait3A_22 = tpu.memref_slice %arg9[%dma_wait3A_20, %dma_wait3A_21] : memref<625x72xf32, #tpu.memory_space<hbm>> -> memref<80x72xf32, #tpu.memory_space<hbm>>
      tpu.wait_dma2 semaphore(%run_scoped3A : memref<!tpu.dma_semaphore, #tpu.memory_space<semaphore_mem>>) src(%dma_wait3A_22 : memref<80x72xf32, #tpu.memory_space<hbm>>) dst(%arg22 : memref<80x72xf32, #tpu.memory_space<vmem>>)
      tpu.yield
    }) : () -> ()
    %eq3A = arith.constant 0 : i32
    %eq3A_3 = arith.cmpi eq, %arg1, %eq3A : i32
    %convert_element_type3A = arith.extui %eq3A_3 : i1 to i32
    %cond3A = arith.constant 0 : i32
    %cond3A_4 = arith.cmpi ne, %convert_element_type3A, %cond3A : i32
    scf.if %cond3A_4 {
      "tpu.region"() ({
        %run_scoped3A = tpu.sem_alloc : memref<!tpu.dma_semaphore, #tpu.memory_space<semaphore_mem>>
        tpu.enqueue_dma source(%arg3 : memref<10000x8xf32, #tpu.memory_space<hbm>>) target(%arg11 : memref<10000x8xf32, #tpu.memory_space<vmem_shared>>) target_semaphore(%run_scoped3A : memref<!tpu.dma_semaphore, #tpu.memory_space<semaphore_mem>>)
        tpu.wait_dma2 semaphore(%run_scoped3A : memref<!tpu.dma_semaphore, #tpu.memory_space<semaphore_mem>>) src(%arg3 : memref<10000x8xf32, #tpu.memory_space<hbm>>) dst(%arg11 : memref<10000x8xf32, #tpu.memory_space<vmem_shared>>)
        tpu.yield
      }) : () -> ()
      "tpu.region"() ({
        %run_scoped3A = tpu.sem_alloc : memref<!tpu.dma_semaphore, #tpu.memory_space<semaphore_mem>>
        tpu.enqueue_dma source(%arg4 : memref<10000x8xf32, #tpu.memory_space<hbm>>) target(%arg12 : memref<10000x8xf32, #tpu.memory_space<vmem_shared>>) target_semaphore(%run_scoped3A : memref<!tpu.dma_semaphore, #tpu.memory_space<semaphore_mem>>)
        tpu.wait_dma2 semaphore(%run_scoped3A : memref<!tpu.dma_semaphore, #tpu.memory_space<semaphore_mem>>) src(%arg4 : memref<10000x8xf32, #tpu.memory_space<hbm>>) dst(%arg12 : memref<10000x8xf32, #tpu.memory_space<vmem_shared>>)
        tpu.yield
      }) : () -> ()
    } else {
    }
    %barrier3A = arith.constant 0 : index
    tpu.barrier barrier_id(%barrier3A)
    %iota3A = tpu.iota {dimensions = array<i32: 0>} : vector<16xi32>
    %scan3A = arith.constant 0 : i32
    %scan3A_5 = arith.constant 0 : i32
    %scan3A_6 = arith.constant 250 : i32
    %scan3A_7 = arith.addi %scan3A_5, %scan3A_6 : i32
    %scan3A_8 = arith.constant 1 : i32
    scf.for %scan3A_13 = %scan3A_5 to %scan3A_7 step %scan3A_8  : i32 {
      %mul3A_14 = arith.constant 80 : i32
      %mul3A_15 = arith.muli %scan3A_13, %mul3A_14 : i32
      %add3A = arith.addi %mul3A_0, %mul3A_15 : i32
      %dma_start3A = tpu.memref_slice %arg5[%add3A] : memref<320000xi32, #tpu.memory_space<hbm>> -> memref<80xi32, #tpu.memory_space<hbm>>
      %dma_start3A_16 = tpu.memref_slice %arg5[%add3A] : memref<320000xi32, #tpu.memory_space<hbm>> -> memref<80xi32, #tpu.memory_space<hbm>>
      tpu.enqueue_dma source(%dma_start3A_16 : memref<80xi32, #tpu.memory_space<hbm>>) target(%arg15 : memref<80xi32, #tpu.memory_space<vmem>>) target_semaphore(%arg24 : memref<!tpu.dma_semaphore, #tpu.memory_space<semaphore_mem>>)
      %dma_start3A_17 = tpu.memref_slice %arg6[%add3A] : memref<320000xi32, #tpu.memory_space<hbm>> -> memref<80xi32, #tpu.memory_space<hbm>>
      %dma_start3A_18 = tpu.memref_slice %arg6[%add3A] : memref<320000xi32, #tpu.memory_space<hbm>> -> memref<80xi32, #tpu.memory_space<hbm>>
      tpu.enqueue_dma source(%dma_start3A_18 : memref<80xi32, #tpu.memory_space<hbm>>) target(%arg17 : memref<80xi32, #tpu.memory_space<vmem>>) target_semaphore(%arg24 : memref<!tpu.dma_semaphore, #tpu.memory_space<semaphore_mem>>)
      %dma_start3A_19 = tpu.memref_slice %arg7[%add3A] : memref<320000xf32, #tpu.memory_space<hbm>> -> memref<80xf32, #tpu.memory_space<hbm>>
      %dma_start3A_20 = tpu.memref_slice %arg7[%add3A] : memref<320000xf32, #tpu.memory_space<hbm>> -> memref<80xf32, #tpu.memory_space<hbm>>
      tpu.enqueue_dma source(%dma_start3A_20 : memref<80xf32, #tpu.memory_space<hbm>>) target(%arg18 : memref<80xf32, #tpu.memory_space<vmem>>) target_semaphore(%arg24 : memref<!tpu.dma_semaphore, #tpu.memory_space<semaphore_mem>>)
      %dma_wait3A = tpu.memref_slice %arg5[%add3A] : memref<320000xi32, #tpu.memory_space<hbm>> -> memref<80xi32, #tpu.memory_space<hbm>>
      %dma_wait3A_21 = tpu.memref_slice %arg5[%add3A] : memref<320000xi32, #tpu.memory_space<hbm>> -> memref<80xi32, #tpu.memory_space<hbm>>
      tpu.wait_dma2 semaphore(%arg24 : memref<!tpu.dma_semaphore, #tpu.memory_space<semaphore_mem>>) src(%dma_wait3A_21 : memref<80xi32, #tpu.memory_space<hbm>>) dst(%arg15 : memref<80xi32, #tpu.memory_space<vmem>>)
      %dma_wait3A_22 = tpu.memref_slice %arg6[%add3A] : memref<320000xi32, #tpu.memory_space<hbm>> -> memref<80xi32, #tpu.memory_space<hbm>>
      %dma_wait3A_23 = tpu.memref_slice %arg6[%add3A] : memref<320000xi32, #tpu.memory_space<hbm>> -> memref<80xi32, #tpu.memory_space<hbm>>
      tpu.wait_dma2 semaphore(%arg24 : memref<!tpu.dma_semaphore, #tpu.memory_space<semaphore_mem>>) src(%dma_wait3A_23 : memref<80xi32, #tpu.memory_space<hbm>>) dst(%arg17 : memref<80xi32, #tpu.memory_space<vmem>>)
      %dma_wait3A_24 = tpu.memref_slice %arg7[%add3A] : memref<320000xf32, #tpu.memory_space<hbm>> -> memref<80xf32, #tpu.memory_space<hbm>>
      %dma_wait3A_25 = tpu.memref_slice %arg7[%add3A] : memref<320000xf32, #tpu.memory_space<hbm>> -> memref<80xf32, #tpu.memory_space<hbm>>
      tpu.wait_dma2 semaphore(%arg24 : memref<!tpu.dma_semaphore, #tpu.memory_space<semaphore_mem>>) src(%dma_wait3A_25 : memref<80xf32, #tpu.memory_space<hbm>>) dst(%arg18 : memref<80xf32, #tpu.memory_space<vmem>>)
      %get3A = arith.constant 0 : index
      %get3A_26 = tpu.vector_load %arg15[%get3A] {strides = array<i32>} : memref<80xi32, #tpu.memory_space<vmem>>, vector<16xi32>,
      %mul3A_27 = arith.constant 10000 : i32
      %mul3A_28 = arith.muli %arg0, %mul3A_27 : i32
      %add3A_29 = vector.broadcast %mul3A_28 : i32 to vector<16xi32>
      %add3A_30 = arith.addi %get3A_26, %add3A_29 : vector<16xi32>
      %swap3A = arith.constant 0 : index
      %swap3A_31 = tpu.vector_load %arg16[%swap3A] {strides = array<i32>} : memref<80xi32, #tpu.memory_space<vmem>>, vector<16xi32>,
      tpu.vector_store %arg16[%swap3A], %add3A_30 {strides = array<i32>} : memref<80xi32, #tpu.memory_space<vmem>>, vector<16xi32>,
      %get3A_32 = arith.constant 16 : index
      %get3A_33 = tpu.vector_load %arg15[%get3A_32] {strides = array<i32>} : memref<80xi32, #tpu.memory_space<vmem>>, vector<16xi32>,
      %mul3A_34 = arith.constant 10000 : i32
      %mul3A_35 = arith.muli %arg0, %mul3A_34 : i32
      %add3A_36 = vector.broadcast %mul3A_35 : i32 to vector<16xi32>
      %add3A_37 = arith.addi %get3A_33, %add3A_36 : vector<16xi32>
      %swap3A_38 = arith.constant 16 : index
      %swap3A_39 = tpu.vector_load %arg16[%swap3A_38] {strides = array<i32>} : memref<80xi32, #tpu.memory_space<vmem>>, vector<16xi32>,
      tpu.vector_store %arg16[%swap3A_38], %add3A_37 {strides = array<i32>} : memref<80xi32, #tpu.memory_space<vmem>>, vector<16xi32>,
      %get3A_40 = arith.constant 32 : index
      %get3A_41 = tpu.vector_load %arg15[%get3A_40] {strides = array<i32>} : memref<80xi32, #tpu.memory_space<vmem>>, vector<16xi32>,
      %mul3A_42 = arith.constant 10000 : i32
      %mul3A_43 = arith.muli %arg0, %mul3A_42 : i32
      %add3A_44 = vector.broadcast %mul3A_43 : i32 to vector<16xi32>
      %add3A_45 = arith.addi %get3A_41, %add3A_44 : vector<16xi32>
      %swap3A_46 = arith.constant 32 : index
      %swap3A_47 = tpu.vector_load %arg16[%swap3A_46] {strides = array<i32>} : memref<80xi32, #tpu.memory_space<vmem>>, vector<16xi32>,
      tpu.vector_store %arg16[%swap3A_46], %add3A_45 {strides = array<i32>} : memref<80xi32, #tpu.memory_space<vmem>>, vector<16xi32>,
      %get3A_48 = arith.constant 48 : index
      %get3A_49 = tpu.vector_load %arg15[%get3A_48] {strides = array<i32>} : memref<80xi32, #tpu.memory_space<vmem>>, vector<16xi32>,
      %mul3A_50 = arith.constant 10000 : i32
      %mul3A_51 = arith.muli %arg0, %mul3A_50 : i32
      %add3A_52 = vector.broadcast %mul3A_51 : i32 to vector<16xi32>
      %add3A_53 = arith.addi %get3A_49, %add3A_52 : vector<16xi32>
      %swap3A_54 = arith.constant 48 : index
      %swap3A_55 = tpu.vector_load %arg16[%swap3A_54] {strides = array<i32>} : memref<80xi32, #tpu.memory_space<vmem>>, vector<16xi32>,
      tpu.vector_store %arg16[%swap3A_54], %add3A_53 {strides = array<i32>} : memref<80xi32, #tpu.memory_space<vmem>>, vector<16xi32>,
      %get3A_56 = arith.constant 64 : index
      %get3A_57 = tpu.vector_load %arg15[%get3A_56] {strides = array<i32>} : memref<80xi32, #tpu.memory_space<vmem>>, vector<16xi32>,
      %mul3A_58 = arith.constant 10000 : i32
      %mul3A_59 = arith.muli %arg0, %mul3A_58 : i32
      %add3A_60 = vector.broadcast %mul3A_59 : i32 to vector<16xi32>
      %add3A_61 = arith.addi %get3A_57, %add3A_60 : vector<16xi32>
      %swap3A_62 = arith.constant 64 : index
      %swap3A_63 = tpu.vector_load %arg16[%swap3A_62] {strides = array<i32>} : memref<80xi32, #tpu.memory_space<vmem>>, vector<16xi32>,
      tpu.vector_store %arg16[%swap3A_62], %add3A_61 {strides = array<i32>} : memref<80xi32, #tpu.memory_space<vmem>>, vector<16xi32>,
      %dma_start3A_64 = arith.constant 0 : i32
      %dma_start3A_65 = arith.constant 0 : i32
      %dma_start3A_66 = tpu.memref_slice %arg2[%dma_start3A_64, %dma_start3A_65] : memref<20000x64xf32, #tpu.memory_space<hbm>> -> memref<20000x64xf32, #tpu.memory_space<hbm>>
      tpu.enqueue_indirect_dma source(%dma_start3A_66 : memref<20000x64xf32, #tpu.memory_space<hbm>>) target(%arg21 : memref<80x64xf32, #tpu.memory_space<vmem>>) offsets(%arg16 : memref<80xi32, #tpu.memory_space<vmem>>) semaphore(%arg23 : memref<!tpu.dma_semaphore, #tpu.memory_space<semaphore_mem>>)
      %dma_start3A_67 = arith.constant 0 : i32
      %dma_start3A_68 = arith.constant 0 : i32
      %dma_start3A_69 = tpu.memref_slice %arg11[%dma_start3A_67, %dma_start3A_68] : memref<10000x8xf32, #tpu.memory_space<vmem_shared>> -> memref<10000x8xf32, #tpu.memory_space<vmem_shared>>
      tpu.enqueue_indirect_dma source(%dma_start3A_69 : memref<10000x8xf32, #tpu.memory_space<vmem_shared>>) target(%arg19 : memref<80x8xf32, #tpu.memory_space<vmem>>) offsets(%arg15 : memref<80xi32, #tpu.memory_space<vmem>>) semaphore(%arg24 : memref<!tpu.dma_semaphore, #tpu.memory_space<semaphore_mem>>)
      %dma_start3A_70 = arith.constant 0 : i32
      %dma_start3A_71 = arith.constant 0 : i32
      %dma_start3A_72 = tpu.memref_slice %arg12[%dma_start3A_70, %dma_start3A_71] : memref<10000x8xf32, #tpu.memory_space<vmem_shared>> -> memref<10000x8xf32, #tpu.memory_space<vmem_shared>>
      tpu.enqueue_indirect_dma source(%dma_start3A_72 : memref<10000x8xf32, #tpu.memory_space<vmem_shared>>) target(%arg20 : memref<80x8xf32, #tpu.memory_space<vmem>>) offsets(%arg17 : memref<80xi32, #tpu.memory_space<vmem>>) semaphore(%arg24 : memref<!tpu.dma_semaphore, #tpu.memory_space<semaphore_mem>>)
      %dma_wait3A_73 = arith.constant 0 : i32
      %dma_wait3A_74 = arith.constant 0 : i32
      %dma_wait3A_75 = tpu.memref_slice %arg11[%dma_wait3A_73, %dma_wait3A_74] : memref<10000x8xf32, #tpu.memory_space<vmem_shared>> -> memref<10000x8xf32, #tpu.memory_space<vmem_shared>>
      tpu.wait_indirect_dma semaphore(%arg24 : memref<!tpu.dma_semaphore, #tpu.memory_space<semaphore_mem>>) src(%dma_wait3A_75 : memref<10000x8xf32, #tpu.memory_space<vmem_shared>>) dst(%arg19 : memref<80x8xf32, #tpu.memory_space<vmem>>)
      %dma_wait3A_76 = arith.constant 0 : i32
      %dma_wait3A_77 = arith.constant 0 : i32
      %dma_wait3A_78 = tpu.memref_slice %arg12[%dma_wait3A_76, %dma_wait3A_77] : memref<10000x8xf32, #tpu.memory_space<vmem_shared>> -> memref<10000x8xf32, #tpu.memory_space<vmem_shared>>
      tpu.wait_indirect_dma semaphore(%arg24 : memref<!tpu.dma_semaphore, #tpu.memory_space<semaphore_mem>>) src(%dma_wait3A_78 : memref<10000x8xf32, #tpu.memory_space<vmem_shared>>) dst(%arg20 : memref<80x8xf32, #tpu.memory_space<vmem>>)
      %get3A_79 = arith.constant 0 : index
      %get3A_80 = tpu.vector_load %arg18[%get3A_79] {strides = array<i32>} : memref<80xf32, #tpu.memory_space<vmem>>, vector<16xf32>,
      %add3A_81 = arith.constant 0 : i32
      %add3A_82 = vector.broadcast %add3A_81 : i32 to vector<16xi32>
      %add3A_83 = arith.addi %add3A_82, %iota3A : vector<16xi32>
      %broadcast_in_dim3A = arith.constant 0 : i32
      %broadcast_in_dim3A_84 = vector.broadcast %broadcast_in_dim3A : i32 to vector<16xi32>
      %gather3A = tpu.vector_load_idx %arg19[%add3A_83, %broadcast_in_dim3A_84] : memref<80x8xf32, #tpu.memory_space<vmem>>[vector<16xi32>, vector<16xi32>], vector<16xf32>,
      %gather3A_85 = tpu.vector_load_idx %arg20[%add3A_83, %broadcast_in_dim3A_84] : memref<80x8xf32, #tpu.memory_space<vmem>>[vector<16xi32>, vector<16xi32>], vector<16xf32>,
      %add3A_86 = arith.addf %gather3A, %gather3A_85 : vector<16xf32>
      %get3A_87 = arith.constant 0 : i32
      %get3A_88 = arith.index_cast %get3A_87 : i32 to index
      %get3A_89 = arith.constant 0 : index
      %get3A_90 = tpu.vector_load %arg14[%get3A_88, %get3A_89] {strides = array<i32>} : memref<1x16xf32, #tpu.memory_space<vmem>>, vector<16xf32>,
      %mul3A_91 = arith.mulf %get3A_80, %get3A_90 : vector<16xf32>
      %add3A_92 = arith.addf %add3A_86, %mul3A_91 : vector<16xf32>
      %mul3A_93 = arith.constant 2.000000e-01 : f32
      %mul3A_94 = vector.broadcast %mul3A_93 : f32 to vector<16xf32>
      %mul3A_95 = arith.mulf %mul3A_94, %add3A_92 : vector<16xf32>
      %max3A = arith.maximumf %add3A_92, %mul3A_95 : vector<16xf32>
      %exp3A = math.exp %max3A : vector<16xf32>
      %broadcast_in_dim3A_96 = arith.constant 64 : i32
      %broadcast_in_dim3A_97 = vector.broadcast %broadcast_in_dim3A_96 : i32 to vector<16xi32>
      tpu.vector_store_idx %arg22[%add3A_83, %broadcast_in_dim3A_97], %exp3A : memref<80x72xf32, #tpu.memory_space<vmem>>[vector<16xi32>, vector<16xi32>], vector<16xf32>,
      %get3A_98 = arith.constant 16 : index
      %get3A_99 = tpu.vector_load %arg18[%get3A_98] {strides = array<i32>} : memref<80xf32, #tpu.memory_space<vmem>>, vector<16xf32>,
      %add3A_100 = arith.constant 16 : i32
      %add3A_101 = vector.broadcast %add3A_100 : i32 to vector<16xi32>
      %add3A_102 = arith.addi %add3A_101, %iota3A : vector<16xi32>
      %broadcast_in_dim3A_103 = arith.constant 0 : i32
      %broadcast_in_dim3A_104 = vector.broadcast %broadcast_in_dim3A_103 : i32 to vector<16xi32>
      %gather3A_105 = tpu.vector_load_idx %arg19[%add3A_102, %broadcast_in_dim3A_104] : memref<80x8xf32, #tpu.memory_space<vmem>>[vector<16xi32>, vector<16xi32>], vector<16xf32>,
      %gather3A_106 = tpu.vector_load_idx %arg20[%add3A_102, %broadcast_in_dim3A_104] : memref<80x8xf32, #tpu.memory_space<vmem>>[vector<16xi32>, vector<16xi32>], vector<16xf32>,
      %add3A_107 = arith.addf %gather3A_105, %gather3A_106 : vector<16xf32>
      %get3A_108 = arith.constant 0 : i32
      %get3A_109 = arith.index_cast %get3A_108 : i32 to index
      %get3A_110 = arith.constant 0 : index
      %get3A_111 = tpu.vector_load %arg14[%get3A_109, %get3A_110] {strides = array<i32>} : memref<1x16xf32, #tpu.memory_space<vmem>>, vector<16xf32>,
      %mul3A_112 = arith.mulf %get3A_99, %get3A_111 : vector<16xf32>
      %add3A_113 = arith.addf %add3A_107, %mul3A_112 : vector<16xf32>
      %mul3A_114 = arith.constant 2.000000e-01 : f32
      %mul3A_115 = vector.broadcast %mul3A_114 : f32 to vector<16xf32>
      %mul3A_116 = arith.mulf %mul3A_115, %add3A_113 : vector<16xf32>
      %max3A_117 = arith.maximumf %add3A_113, %mul3A_116 : vector<16xf32>
      %exp3A_118 = math.exp %max3A_117 : vector<16xf32>
      %broadcast_in_dim3A_119 = arith.constant 64 : i32
      %broadcast_in_dim3A_120 = vector.broadcast %broadcast_in_dim3A_119 : i32 to vector<16xi32>
      tpu.vector_store_idx %arg22[%add3A_102, %broadcast_in_dim3A_120], %exp3A_118 : memref<80x72xf32, #tpu.memory_space<vmem>>[vector<16xi32>, vector<16xi32>], vector<16xf32>,
      %get3A_121 = arith.constant 32 : index
      %get3A_122 = tpu.vector_load %arg18[%get3A_121] {strides = array<i32>} : memref<80xf32, #tpu.memory_space<vmem>>, vector<16xf32>,
      %add3A_123 = arith.constant 32 : i32
      %add3A_124 = vector.broadcast %add3A_123 : i32 to vector<16xi32>
      %add3A_125 = arith.addi %add3A_124, %iota3A : vector<16xi32>
      %broadcast_in_dim3A_126 = arith.constant 0 : i32
      %broadcast_in_dim3A_127 = vector.broadcast %broadcast_in_dim3A_126 : i32 to vector<16xi32>
      %gather3A_128 = tpu.vector_load_idx %arg19[%add3A_125, %broadcast_in_dim3A_127] : memref<80x8xf32, #tpu.memory_space<vmem>>[vector<16xi32>, vector<16xi32>], vector<16xf32>,
      %gather3A_129 = tpu.vector_load_idx %arg20[%add3A_125, %broadcast_in_dim3A_127] : memref<80x8xf32, #tpu.memory_space<vmem>>[vector<16xi32>, vector<16xi32>], vector<16xf32>,
      %add3A_130 = arith.addf %gather3A_128, %gather3A_129 : vector<16xf32>
      %get3A_131 = arith.constant 0 : i32
      %get3A_132 = arith.index_cast %get3A_131 : i32 to index
      %get3A_133 = arith.constant 0 : index
      %get3A_134 = tpu.vector_load %arg14[%get3A_132, %get3A_133] {strides = array<i32>} : memref<1x16xf32, #tpu.memory_space<vmem>>, vector<16xf32>,
      %mul3A_135 = arith.mulf %get3A_122, %get3A_134 : vector<16xf32>
      %add3A_136 = arith.addf %add3A_130, %mul3A_135 : vector<16xf32>
      %mul3A_137 = arith.constant 2.000000e-01 : f32
      %mul3A_138 = vector.broadcast %mul3A_137 : f32 to vector<16xf32>
      %mul3A_139 = arith.mulf %mul3A_138, %add3A_136 : vector<16xf32>
      %max3A_140 = arith.maximumf %add3A_136, %mul3A_139 : vector<16xf32>
      %exp3A_141 = math.exp %max3A_140 : vector<16xf32>
      %broadcast_in_dim3A_142 = arith.constant 64 : i32
      %broadcast_in_dim3A_143 = vector.broadcast %broadcast_in_dim3A_142 : i32 to vector<16xi32>
      tpu.vector_store_idx %arg22[%add3A_125, %broadcast_in_dim3A_143], %exp3A_141 : memref<80x72xf32, #tpu.memory_space<vmem>>[vector<16xi32>, vector<16xi32>], vector<16xf32>,
      %get3A_144 = arith.constant 48 : index
      %get3A_145 = tpu.vector_load %arg18[%get3A_144] {strides = array<i32>} : memref<80xf32, #tpu.memory_space<vmem>>, vector<16xf32>,
      %add3A_146 = arith.constant 48 : i32
      %add3A_147 = vector.broadcast %add3A_146 : i32 to vector<16xi32>
      %add3A_148 = arith.addi %add3A_147, %iota3A : vector<16xi32>
      %broadcast_in_dim3A_149 = arith.constant 0 : i32
      %broadcast_in_dim3A_150 = vector.broadcast %broadcast_in_dim3A_149 : i32 to vector<16xi32>
      %gather3A_151 = tpu.vector_load_idx %arg19[%add3A_148, %broadcast_in_dim3A_150] : memref<80x8xf32, #tpu.memory_space<vmem>>[vector<16xi32>, vector<16xi32>], vector<16xf32>,
      %gather3A_152 = tpu.vector_load_idx %arg20[%add3A_148, %broadcast_in_dim3A_150] : memref<80x8xf32, #tpu.memory_space<vmem>>[vector<16xi32>, vector<16xi32>], vector<16xf32>,
      %add3A_153 = arith.addf %gather3A_151, %gather3A_152 : vector<16xf32>
      %get3A_154 = arith.constant 0 : i32
      %get3A_155 = arith.index_cast %get3A_154 : i32 to index
      %get3A_156 = arith.constant 0 : index
      %get3A_157 = tpu.vector_load %arg14[%get3A_155, %get3A_156] {strides = array<i32>} : memref<1x16xf32, #tpu.memory_space<vmem>>, vector<16xf32>,
      %mul3A_158 = arith.mulf %get3A_145, %get3A_157 : vector<16xf32>
      %add3A_159 = arith.addf %add3A_153, %mul3A_158 : vector<16xf32>
      %mul3A_160 = arith.constant 2.000000e-01 : f32
      %mul3A_161 = vector.broadcast %mul3A_160 : f32 to vector<16xf32>
      %mul3A_162 = arith.mulf %mul3A_161, %add3A_159 : vector<16xf32>
      %max3A_163 = arith.maximumf %add3A_159, %mul3A_162 : vector<16xf32>
      %exp3A_164 = math.exp %max3A_163 : vector<16xf32>
      %broadcast_in_dim3A_165 = arith.constant 64 : i32
      %broadcast_in_dim3A_166 = vector.broadcast %broadcast_in_dim3A_165 : i32 to vector<16xi32>
      tpu.vector_store_idx %arg22[%add3A_148, %broadcast_in_dim3A_166], %exp3A_164 : memref<80x72xf32, #tpu.memory_space<vmem>>[vector<16xi32>, vector<16xi32>], vector<16xf32>,
      %get3A_167 = arith.constant 64 : index
      %get3A_168 = tpu.vector_load %arg18[%get3A_167] {strides = array<i32>} : memref<80xf32, #tpu.memory_space<vmem>>, vector<16xf32>,
      %add3A_169 = arith.constant 64 : i32
      %add3A_170 = vector.broadcast %add3A_169 : i32 to vector<16xi32>
      %add3A_171 = arith.addi %add3A_170, %iota3A : vector<16xi32>
      %broadcast_in_dim3A_172 = arith.constant 0 : i32
      %broadcast_in_dim3A_173 = vector.broadcast %broadcast_in_dim3A_172 : i32 to vector<16xi32>
      %gather3A_174 = tpu.vector_load_idx %arg19[%add3A_171, %broadcast_in_dim3A_173] : memref<80x8xf32, #tpu.memory_space<vmem>>[vector<16xi32>, vector<16xi32>], vector<16xf32>,
      %gather3A_175 = tpu.vector_load_idx %arg20[%add3A_171, %broadcast_in_dim3A_173] : memref<80x8xf32, #tpu.memory_space<vmem>>[vector<16xi32>, vector<16xi32>], vector<16xf32>,
      %add3A_176 = arith.addf %gather3A_174, %gather3A_175 : vector<16xf32>
      %get3A_177 = arith.constant 0 : i32
      %get3A_178 = arith.index_cast %get3A_177 : i32 to index
      %get3A_179 = arith.constant 0 : index
      %get3A_180 = tpu.vector_load %arg14[%get3A_178, %get3A_179] {strides = array<i32>} : memref<1x16xf32, #tpu.memory_space<vmem>>, vector<16xf32>,
      %mul3A_181 = arith.mulf %get3A_168, %get3A_180 : vector<16xf32>
      %add3A_182 = arith.addf %add3A_176, %mul3A_181 : vector<16xf32>
      %mul3A_183 = arith.constant 2.000000e-01 : f32
      %mul3A_184 = vector.broadcast %mul3A_183 : f32 to vector<16xf32>
      %mul3A_185 = arith.mulf %mul3A_184, %add3A_182 : vector<16xf32>
      %max3A_186 = arith.maximumf %add3A_182, %mul3A_185 : vector<16xf32>
      %exp3A_187 = math.exp %max3A_186 : vector<16xf32>
      %broadcast_in_dim3A_188 = arith.constant 64 : i32
      %broadcast_in_dim3A_189 = vector.broadcast %broadcast_in_dim3A_188 : i32 to vector<16xi32>
      tpu.vector_store_idx %arg22[%add3A_171, %broadcast_in_dim3A_189], %exp3A_187 : memref<80x72xf32, #tpu.memory_space<vmem>>[vector<16xi32>, vector<16xi32>], vector<16xf32>,
      %dma_wait3A_190 = arith.constant 0 : i32
      %dma_wait3A_191 = arith.constant 0 : i32
      %dma_wait3A_192 = tpu.memref_slice %arg2[%dma_wait3A_190, %dma_wait3A_191] : memref<20000x64xf32, #tpu.memory_space<hbm>> -> memref<20000x64xf32, #tpu.memory_space<hbm>>
      tpu.wait_indirect_dma semaphore(%arg23 : memref<!tpu.dma_semaphore, #tpu.memory_space<semaphore_mem>>) src(%dma_wait3A_192 : memref<20000x64xf32, #tpu.memory_space<hbm>>) dst(%arg21 : memref<80x64xf32, #tpu.memory_space<vmem>>)
      %scan3A_193 = arith.constant 0 : i32
      %scan3A_194 = arith.constant 0 : i32
      %scan3A_195 = arith.constant 20 : i32
      %scan3A_196 = arith.addi %scan3A_194, %scan3A_195 : i32
      %scan3A_197 = arith.constant 1 : i32
      scf.for %scan3A_199 = %scan3A_194 to %scan3A_196 step %scan3A_197  : i32 {
        %mul3A_200 = arith.constant 4 : i32
        %mul3A_201 = arith.muli %scan3A_199, %mul3A_200 : i32
        %add3A_202 = arith.constant 0 : i32
        %add3A_203 = arith.addi %mul3A_201, %add3A_202 : i32
        %broadcast_in_dim3A_204 = vector.broadcast %add3A_203 : i32 to vector<16xi32>
        %mul3A_205 = arith.constant 64 : i32
        %mul3A_206 = arith.muli %arg0, %mul3A_205 : i32
        %add3A_207 = arith.constant 0 : i32
        %add3A_208 = arith.addi %mul3A_206, %add3A_207 : i32
        %jit3A = arith.constant 128 : i32
        %div3A = arith.divsi %add3A_208, %jit3A : i32
        %sign3A = arith.constant 0 : i32
        %sign3A_209 = arith.cmpi sgt, %add3A_208, %sign3A : i32
        %sign3A_210 = arith.extui %sign3A_209 : i1 to i32
        %sign3A_211 = arith.constant 0 : i32
        %sign3A_212 = arith.cmpi slt, %add3A_208, %sign3A_211 : i32
        %sign3A_213 = arith.extui %sign3A_212 : i1 to i32
        %sign3A_214 = arith.subi %sign3A_210, %sign3A_213 : i32
        %sign3A_215 = arith.constant 0 : i32
        %sign3A_216 = arith.cmpi sgt, %jit3A, %sign3A_215 : i32
        %sign3A_217 = arith.extui %sign3A_216 : i1 to i32
        %sign3A_218 = arith.constant 0 : i32
        %sign3A_219 = arith.cmpi slt, %jit3A, %sign3A_218 : i32
        %sign3A_220 = arith.extui %sign3A_219 : i1 to i32
        %sign3A_221 = arith.subi %sign3A_217, %sign3A_220 : i32
        %ne3A = arith.cmpi ne, %sign3A_214, %sign3A_221 : i32
        %rem3A = arith.remsi %add3A_208, %jit3A : i32
        %ne3A_222 = arith.constant 0 : i32
        %ne3A_223 = arith.cmpi ne, %rem3A, %ne3A_222 : i32
        %and3A = arith.andi %ne3A, %ne3A_223 : i1
        %sub3A = arith.constant 1 : i32
        %sub3A_224 = arith.subi %div3A, %sub3A : i32
        %select_n3A = arith.select %and3A, %sub3A_224, %div3A : i32
        %add3A_225 = arith.constant 64 : i32
        %add3A_226 = arith.addi %add3A_225, %select_n3A : i32
        %broadcast_in_dim3A_227 = vector.broadcast %add3A_226 : i32 to vector<16xi32>
        %gather3A_228 = tpu.vector_load_idx %arg22[%broadcast_in_dim3A_204, %broadcast_in_dim3A_227] : memref<80x72xf32, #tpu.memory_space<vmem>>[vector<16xi32>, vector<16xi32>], vector<16xf32>,
        %get3A_229 = arith.index_cast %add3A_203 : i32 to index
        %get3A_230 = arith.constant 0 : index
        %get3A_231 = tpu.vector_load %arg21[%get3A_229, %get3A_230] {strides = array<i32>} : memref<80x64xf32, #tpu.memory_space<vmem>>, vector<16xf32>,
        %mul3A_232 = arith.mulf %get3A_231, %gather3A_228 : vector<16xf32>
        %swap3A_233 = arith.index_cast %add3A_203 : i32 to index
        %swap3A_234 = arith.constant 0 : index
        %swap3A_235 = tpu.vector_load %arg22[%swap3A_233, %swap3A_234] {strides = array<i32>} : memref<80x72xf32, #tpu.memory_space<vmem>>, vector<16xf32>,
        tpu.vector_store %arg22[%swap3A_233, %swap3A_234], %mul3A_232 {strides = array<i32>} : memref<80x72xf32, #tpu.memory_space<vmem>>, vector<16xf32>,
        %mul3A_236 = arith.constant 64 : i32
        %mul3A_237 = arith.muli %arg0, %mul3A_236 : i32
        %add3A_238 = arith.constant 16 : i32
        %add3A_239 = arith.addi %mul3A_237, %add3A_238 : i32
        %jit3A_240 = arith.constant 128 : i32
        %div3A_241 = arith.divsi %add3A_239, %jit3A_240 : i32
        %sign3A_242 = arith.constant 0 : i32
        %sign3A_243 = arith.cmpi sgt, %add3A_239, %sign3A_242 : i32
        %sign3A_244 = arith.extui %sign3A_243 : i1 to i32
        %sign3A_245 = arith.constant 0 : i32
        %sign3A_246 = arith.cmpi slt, %add3A_239, %sign3A_245 : i32
        %sign3A_247 = arith.extui %sign3A_246 : i1 to i32
        %sign3A_248 = arith.subi %sign3A_244, %sign3A_247 : i32
        %sign3A_249 = arith.constant 0 : i32
        %sign3A_250 = arith.cmpi sgt, %jit3A_240, %sign3A_249 : i32
        %sign3A_251 = arith.extui %sign3A_250 : i1 to i32
        %sign3A_252 = arith.constant 0 : i32
        %sign3A_253 = arith.cmpi slt, %jit3A_240, %sign3A_252 : i32
        %sign3A_254 = arith.extui %sign3A_253 : i1 to i32
        %sign3A_255 = arith.subi %sign3A_251, %sign3A_254 : i32
        %ne3A_256 = arith.cmpi ne, %sign3A_248, %sign3A_255 : i32
        %rem3A_257 = arith.remsi %add3A_239, %jit3A_240 : i32
        %ne3A_258 = arith.constant 0 : i32
        %ne3A_259 = arith.cmpi ne, %rem3A_257, %ne3A_258 : i32
        %and3A_260 = arith.andi %ne3A_256, %ne3A_259 : i1
        %sub3A_261 = arith.constant 1 : i32
        %sub3A_262 = arith.subi %div3A_241, %sub3A_261 : i32
        %select_n3A_263 = arith.select %and3A_260, %sub3A_262, %div3A_241 : i32
        %add3A_264 = arith.constant 64 : i32
        %add3A_265 = arith.addi %add3A_264, %select_n3A_263 : i32
        %broadcast_in_dim3A_266 = vector.broadcast %add3A_265 : i32 to vector<16xi32>
        %gather3A_267 = tpu.vector_load_idx %arg22[%broadcast_in_dim3A_204, %broadcast_in_dim3A_266] : memref<80x72xf32, #tpu.memory_space<vmem>>[vector<16xi32>, vector<16xi32>], vector<16xf32>,
        %get3A_268 = arith.index_cast %add3A_203 : i32 to index
        %get3A_269 = arith.constant 16 : index
        %get3A_270 = tpu.vector_load %arg21[%get3A_268, %get3A_269] {strides = array<i32>} : memref<80x64xf32, #tpu.memory_space<vmem>>, vector<16xf32>,
        %mul3A_271 = arith.mulf %get3A_270, %gather3A_267 : vector<16xf32>
        %swap3A_272 = arith.index_cast %add3A_203 : i32 to index
        %swap3A_273 = arith.constant 16 : index
        %swap3A_274 = tpu.vector_load %arg22[%swap3A_272, %swap3A_273] {strides = array<i32>} : memref<80x72xf32, #tpu.memory_space<vmem>>, vector<16xf32>,
        tpu.vector_store %arg22[%swap3A_272, %swap3A_273], %mul3A_271 {strides = array<i32>} : memref<80x72xf32, #tpu.memory_space<vmem>>, vector<16xf32>,
        %mul3A_275 = arith.constant 64 : i32
        %mul3A_276 = arith.muli %arg0, %mul3A_275 : i32
        %add3A_277 = arith.constant 32 : i32
        %add3A_278 = arith.addi %mul3A_276, %add3A_277 : i32
        %jit3A_279 = arith.constant 128 : i32
        %div3A_280 = arith.divsi %add3A_278, %jit3A_279 : i32
        %sign3A_281 = arith.constant 0 : i32
        %sign3A_282 = arith.cmpi sgt, %add3A_278, %sign3A_281 : i32
        %sign3A_283 = arith.extui %sign3A_282 : i1 to i32
        %sign3A_284 = arith.constant 0 : i32
        %sign3A_285 = arith.cmpi slt, %add3A_278, %sign3A_284 : i32
        %sign3A_286 = arith.extui %sign3A_285 : i1 to i32
        %sign3A_287 = arith.subi %sign3A_283, %sign3A_286 : i32
        %sign3A_288 = arith.constant 0 : i32
        %sign3A_289 = arith.cmpi sgt, %jit3A_279, %sign3A_288 : i32
        %sign3A_290 = arith.extui %sign3A_289 : i1 to i32
        %sign3A_291 = arith.constant 0 : i32
        %sign3A_292 = arith.cmpi slt, %jit3A_279, %sign3A_291 : i32
        %sign3A_293 = arith.extui %sign3A_292 : i1 to i32
        %sign3A_294 = arith.subi %sign3A_290, %sign3A_293 : i32
        %ne3A_295 = arith.cmpi ne, %sign3A_287, %sign3A_294 : i32
        %rem3A_296 = arith.remsi %add3A_278, %jit3A_279 : i32
        %ne3A_297 = arith.constant 0 : i32
        %ne3A_298 = arith.cmpi ne, %rem3A_296, %ne3A_297 : i32
        %and3A_299 = arith.andi %ne3A_295, %ne3A_298 : i1
        %sub3A_300 = arith.constant 1 : i32
        %sub3A_301 = arith.subi %div3A_280, %sub3A_300 : i32
        %select_n3A_302 = arith.select %and3A_299, %sub3A_301, %div3A_280 : i32
        %add3A_303 = arith.constant 64 : i32
        %add3A_304 = arith.addi %add3A_303, %select_n3A_302 : i32
        %broadcast_in_dim3A_305 = vector.broadcast %add3A_304 : i32 to vector<16xi32>
        %gather3A_306 = tpu.vector_load_idx %arg22[%broadcast_in_dim3A_204, %broadcast_in_dim3A_305] : memref<80x72xf32, #tpu.memory_space<vmem>>[vector<16xi32>, vector<16xi32>], vector<16xf32>,
        %get3A_307 = arith.index_cast %add3A_203 : i32 to index
        %get3A_308 = arith.constant 32 : index
        %get3A_309 = tpu.vector_load %arg21[%get3A_307, %get3A_308] {strides = array<i32>} : memref<80x64xf32, #tpu.memory_space<vmem>>, vector<16xf32>,
        %mul3A_310 = arith.mulf %get3A_309, %gather3A_306 : vector<16xf32>
        %swap3A_311 = arith.index_cast %add3A_203 : i32 to index
        %swap3A_312 = arith.constant 32 : index
        %swap3A_313 = tpu.vector_load %arg22[%swap3A_311, %swap3A_312] {strides = array<i32>} : memref<80x72xf32, #tpu.memory_space<vmem>>, vector<16xf32>,
        tpu.vector_store %arg22[%swap3A_311, %swap3A_312], %mul3A_310 {strides = array<i32>} : memref<80x72xf32, #tpu.memory_space<vmem>>, vector<16xf32>,
        %mul3A_314 = arith.constant 64 : i32
        %mul3A_315 = arith.muli %arg0, %mul3A_314 : i32
        %add3A_316 = arith.constant 48 : i32
        %add3A_317 = arith.addi %mul3A_315, %add3A_316 : i32
        %jit3A_318 = arith.constant 128 : i32
        %div3A_319 = arith.divsi %add3A_317, %jit3A_318 : i32
        %sign3A_320 = arith.constant 0 : i32
        %sign3A_321 = arith.cmpi sgt, %add3A_317, %sign3A_320 : i32
        %sign3A_322 = arith.extui %sign3A_321 : i1 to i32
        %sign3A_323 = arith.constant 0 : i32
        %sign3A_324 = arith.cmpi slt, %add3A_317, %sign3A_323 : i32
        %sign3A_325 = arith.extui %sign3A_324 : i1 to i32
        %sign3A_326 = arith.subi %sign3A_322, %sign3A_325 : i32
        %sign3A_327 = arith.constant 0 : i32
        %sign3A_328 = arith.cmpi sgt, %jit3A_318, %sign3A_327 : i32
        %sign3A_329 = arith.extui %sign3A_328 : i1 to i32
        %sign3A_330 = arith.constant 0 : i32
        %sign3A_331 = arith.cmpi slt, %jit3A_318, %sign3A_330 : i32
        %sign3A_332 = arith.extui %sign3A_331 : i1 to i32
        %sign3A_333 = arith.subi %sign3A_329, %sign3A_332 : i32
        %ne3A_334 = arith.cmpi ne, %sign3A_326, %sign3A_333 : i32
        %rem3A_335 = arith.remsi %add3A_317, %jit3A_318 : i32
        %ne3A_336 = arith.constant 0 : i32
        %ne3A_337 = arith.cmpi ne, %rem3A_335, %ne3A_336 : i32
        %and3A_338 = arith.andi %ne3A_334, %ne3A_337 : i1
        %sub3A_339 = arith.constant 1 : i32
        %sub3A_340 = arith.subi %div3A_319, %sub3A_339 : i32
        %select_n3A_341 = arith.select %and3A_338, %sub3A_340, %div3A_319 : i32
        %add3A_342 = arith.constant 64 : i32
        %add3A_343 = arith.addi %add3A_342, %select_n3A_341 : i32
        %broadcast_in_dim3A_344 = vector.broadcast %add3A_343 : i32 to vector<16xi32>
        %gather3A_345 = tpu.vector_load_idx %arg22[%broadcast_in_dim3A_204, %broadcast_in_dim3A_344] : memref<80x72xf32, #tpu.memory_space<vmem>>[vector<16xi32>, vector<16xi32>], vector<16xf32>,
        %get3A_346 = arith.index_cast %add3A_203 : i32 to index
        %get3A_347 = arith.constant 48 : index
        %get3A_348 = tpu.vector_load %arg21[%get3A_346, %get3A_347] {strides = array<i32>} : memref<80x64xf32, #tpu.memory_space<vmem>>, vector<16xf32>,
        %mul3A_349 = arith.mulf %get3A_348, %gather3A_345 : vector<16xf32>
        %swap3A_350 = arith.index_cast %add3A_203 : i32 to index
        %swap3A_351 = arith.constant 48 : index
        %swap3A_352 = tpu.vector_load %arg22[%swap3A_350, %swap3A_351] {strides = array<i32>} : memref<80x72xf32, #tpu.memory_space<vmem>>, vector<16xf32>,
        tpu.vector_store %arg22[%swap3A_350, %swap3A_351], %mul3A_349 {strides = array<i32>} : memref<80x72xf32, #tpu.memory_space<vmem>>, vector<16xf32>,
        %mul3A_353 = arith.constant 4 : i32
        %mul3A_354 = arith.muli %scan3A_199, %mul3A_353 : i32
        %add3A_355 = arith.constant 1 : i32
        %add3A_356 = arith.addi %mul3A_354, %add3A_355 : i32
        %broadcast_in_dim3A_357 = vector.broadcast %add3A_356 : i32 to vector<16xi32>
        %mul3A_358 = arith.constant 64 : i32
        %mul3A_359 = arith.muli %arg0, %mul3A_358 : i32
        %add3A_360 = arith.constant 0 : i32
        %add3A_361 = arith.addi %mul3A_359, %add3A_360 : i32
        %jit3A_362 = arith.constant 128 : i32
        %div3A_363 = arith.divsi %add3A_361, %jit3A_362 : i32
        %sign3A_364 = arith.constant 0 : i32
        %sign3A_365 = arith.cmpi sgt, %add3A_361, %sign3A_364 : i32
        %sign3A_366 = arith.extui %sign3A_365 : i1 to i32
        %sign3A_367 = arith.constant 0 : i32
        %sign3A_368 = arith.cmpi slt, %add3A_361, %sign3A_367 : i32
        %sign3A_369 = arith.extui %sign3A_368 : i1 to i32
        %sign3A_370 = arith.subi %sign3A_366, %sign3A_369 : i32
        %sign3A_371 = arith.constant 0 : i32
        %sign3A_372 = arith.cmpi sgt, %jit3A_362, %sign3A_371 : i32
        %sign3A_373 = arith.extui %sign3A_372 : i1 to i32
        %sign3A_374 = arith.constant 0 : i32
        %sign3A_375 = arith.cmpi slt, %jit3A_362, %sign3A_374 : i32
        %sign3A_376 = arith.extui %sign3A_375 : i1 to i32
        %sign3A_377 = arith.subi %sign3A_373, %sign3A_376 : i32
        %ne3A_378 = arith.cmpi ne, %sign3A_370, %sign3A_377 : i32
        %rem3A_379 = arith.remsi %add3A_361, %jit3A_362 : i32
        %ne3A_380 = arith.constant 0 : i32
        %ne3A_381 = arith.cmpi ne, %rem3A_379, %ne3A_380 : i32
        %and3A_382 = arith.andi %ne3A_378, %ne3A_381 : i1
        %sub3A_383 = arith.constant 1 : i32
        %sub3A_384 = arith.subi %div3A_363, %sub3A_383 : i32
        %select_n3A_385 = arith.select %and3A_382, %sub3A_384, %div3A_363 : i32
        %add3A_386 = arith.constant 64 : i32
        %add3A_387 = arith.addi %add3A_386, %select_n3A_385 : i32
        %broadcast_in_dim3A_388 = vector.broadcast %add3A_387 : i32 to vector<16xi32>
        %gather3A_389 = tpu.vector_load_idx %arg22[%broadcast_in_dim3A_357, %broadcast_in_dim3A_388] : memref<80x72xf32, #tpu.memory_space<vmem>>[vector<16xi32>, vector<16xi32>], vector<16xf32>,
        %get3A_390 = arith.index_cast %add3A_356 : i32 to index
        %get3A_391 = arith.constant 0 : index
        %get3A_392 = tpu.vector_load %arg21[%get3A_390, %get3A_391] {strides = array<i32>} : memref<80x64xf32, #tpu.memory_space<vmem>>, vector<16xf32>,
        %mul3A_393 = arith.mulf %get3A_392, %gather3A_389 : vector<16xf32>
        %swap3A_394 = arith.index_cast %add3A_356 : i32 to index
        %swap3A_395 = arith.constant 0 : index
        %swap3A_396 = tpu.vector_load %arg22[%swap3A_394, %swap3A_395] {strides = array<i32>} : memref<80x72xf32, #tpu.memory_space<vmem>>, vector<16xf32>,
        tpu.vector_store %arg22[%swap3A_394, %swap3A_395], %mul3A_393 {strides = array<i32>} : memref<80x72xf32, #tpu.memory_space<vmem>>, vector<16xf32>,
        %mul3A_397 = arith.constant 64 : i32
        %mul3A_398 = arith.muli %arg0, %mul3A_397 : i32
        %add3A_399 = arith.constant 16 : i32
        %add3A_400 = arith.addi %mul3A_398, %add3A_399 : i32
        %jit3A_401 = arith.constant 128 : i32
        %div3A_402 = arith.divsi %add3A_400, %jit3A_401 : i32
        %sign3A_403 = arith.constant 0 : i32
        %sign3A_404 = arith.cmpi sgt, %add3A_400, %sign3A_403 : i32
        %sign3A_405 = arith.extui %sign3A_404 : i1 to i32
        %sign3A_406 = arith.constant 0 : i32
        %sign3A_407 = arith.cmpi slt, %add3A_400, %sign3A_406 : i32
        %sign3A_408 = arith.extui %sign3A_407 : i1 to i32
        %sign3A_409 = arith.subi %sign3A_405, %sign3A_408 : i32
        %sign3A_410 = arith.constant 0 : i32
        %sign3A_411 = arith.cmpi sgt, %jit3A_401, %sign3A_410 : i32
        %sign3A_412 = arith.extui %sign3A_411 : i1 to i32
        %sign3A_413 = arith.constant 0 : i32
        %sign3A_414 = arith.cmpi slt, %jit3A_401, %sign3A_413 : i32
        %sign3A_415 = arith.extui %sign3A_414 : i1 to i32
        %sign3A_416 = arith.subi %sign3A_412, %sign3A_415 : i32
        %ne3A_417 = arith.cmpi ne, %sign3A_409, %sign3A_416 : i32
        %rem3A_418 = arith.remsi %add3A_400, %jit3A_401 : i32
        %ne3A_419 = arith.constant 0 : i32
        %ne3A_420 = arith.cmpi ne, %rem3A_418, %ne3A_419 : i32
        %and3A_421 = arith.andi %ne3A_417, %ne3A_420 : i1
        %sub3A_422 = arith.constant 1 : i32
        %sub3A_423 = arith.subi %div3A_402, %sub3A_422 : i32
        %select_n3A_424 = arith.select %and3A_421, %sub3A_423, %div3A_402 : i32
        %add3A_425 = arith.constant 64 : i32
        %add3A_426 = arith.addi %add3A_425, %select_n3A_424 : i32
        %broadcast_in_dim3A_427 = vector.broadcast %add3A_426 : i32 to vector<16xi32>
        %gather3A_428 = tpu.vector_load_idx %arg22[%broadcast_in_dim3A_357, %broadcast_in_dim3A_427] : memref<80x72xf32, #tpu.memory_space<vmem>>[vector<16xi32>, vector<16xi32>], vector<16xf32>,
        %get3A_429 = arith.index_cast %add3A_356 : i32 to index
        %get3A_430 = arith.constant 16 : index
        %get3A_431 = tpu.vector_load %arg21[%get3A_429, %get3A_430] {strides = array<i32>} : memref<80x64xf32, #tpu.memory_space<vmem>>, vector<16xf32>,
        %mul3A_432 = arith.mulf %get3A_431, %gather3A_428 : vector<16xf32>
        %swap3A_433 = arith.index_cast %add3A_356 : i32 to index
        %swap3A_434 = arith.constant 16 : index
        %swap3A_435 = tpu.vector_load %arg22[%swap3A_433, %swap3A_434] {strides = array<i32>} : memref<80x72xf32, #tpu.memory_space<vmem>>, vector<16xf32>,
        tpu.vector_store %arg22[%swap3A_433, %swap3A_434], %mul3A_432 {strides = array<i32>} : memref<80x72xf32, #tpu.memory_space<vmem>>, vector<16xf32>,
        %mul3A_436 = arith.constant 64 : i32
        %mul3A_437 = arith.muli %arg0, %mul3A_436 : i32
        %add3A_438 = arith.constant 32 : i32
        %add3A_439 = arith.addi %mul3A_437, %add3A_438 : i32
        %jit3A_440 = arith.constant 128 : i32
        %div3A_441 = arith.divsi %add3A_439, %jit3A_440 : i32
        %sign3A_442 = arith.constant 0 : i32
        %sign3A_443 = arith.cmpi sgt, %add3A_439, %sign3A_442 : i32
        %sign3A_444 = arith.extui %sign3A_443 : i1 to i32
        %sign3A_445 = arith.constant 0 : i32
        %sign3A_446 = arith.cmpi slt, %add3A_439, %sign3A_445 : i32
        %sign3A_447 = arith.extui %sign3A_446 : i1 to i32
        %sign3A_448 = arith.subi %sign3A_444, %sign3A_447 : i32
        %sign3A_449 = arith.constant 0 : i32
        %sign3A_450 = arith.cmpi sgt, %jit3A_440, %sign3A_449 : i32
        %sign3A_451 = arith.extui %sign3A_450 : i1 to i32
        %sign3A_452 = arith.constant 0 : i32
        %sign3A_453 = arith.cmpi slt, %jit3A_440, %sign3A_452 : i32
        %sign3A_454 = arith.extui %sign3A_453 : i1 to i32
        %sign3A_455 = arith.subi %sign3A_451, %sign3A_454 : i32
        %ne3A_456 = arith.cmpi ne, %sign3A_448, %sign3A_455 : i32
        %rem3A_457 = arith.remsi %add3A_439, %jit3A_440 : i32
        %ne3A_458 = arith.constant 0 : i32
        %ne3A_459 = arith.cmpi ne, %rem3A_457, %ne3A_458 : i32
        %and3A_460 = arith.andi %ne3A_456, %ne3A_459 : i1
        %sub3A_461 = arith.constant 1 : i32
        %sub3A_462 = arith.subi %div3A_441, %sub3A_461 : i32
        %select_n3A_463 = arith.select %and3A_460, %sub3A_462, %div3A_441 : i32
        %add3A_464 = arith.constant 64 : i32
        %add3A_465 = arith.addi %add3A_464, %select_n3A_463 : i32
        %broadcast_in_dim3A_466 = vector.broadcast %add3A_465 : i32 to vector<16xi32>
        %gather3A_467 = tpu.vector_load_idx %arg22[%broadcast_in_dim3A_357, %broadcast_in_dim3A_466] : memref<80x72xf32, #tpu.memory_space<vmem>>[vector<16xi32>, vector<16xi32>], vector<16xf32>,
        %get3A_468 = arith.index_cast %add3A_356 : i32 to index
        %get3A_469 = arith.constant 32 : index
        %get3A_470 = tpu.vector_load %arg21[%get3A_468, %get3A_469] {strides = array<i32>} : memref<80x64xf32, #tpu.memory_space<vmem>>, vector<16xf32>,
        %mul3A_471 = arith.mulf %get3A_470, %gather3A_467 : vector<16xf32>
        %swap3A_472 = arith.index_cast %add3A_356 : i32 to index
        %swap3A_473 = arith.constant 32 : index
        %swap3A_474 = tpu.vector_load %arg22[%swap3A_472, %swap3A_473] {strides = array<i32>} : memref<80x72xf32, #tpu.memory_space<vmem>>, vector<16xf32>,
        tpu.vector_store %arg22[%swap3A_472, %swap3A_473], %mul3A_471 {strides = array<i32>} : memref<80x72xf32, #tpu.memory_space<vmem>>, vector<16xf32>,
        %mul3A_475 = arith.constant 64 : i32
        %mul3A_476 = arith.muli %arg0, %mul3A_475 : i32
        %add3A_477 = arith.constant 48 : i32
        %add3A_478 = arith.addi %mul3A_476, %add3A_477 : i32
        %jit3A_479 = arith.constant 128 : i32
        %div3A_480 = arith.divsi %add3A_478, %jit3A_479 : i32
        %sign3A_481 = arith.constant 0 : i32
        %sign3A_482 = arith.cmpi sgt, %add3A_478, %sign3A_481 : i32
        %sign3A_483 = arith.extui %sign3A_482 : i1 to i32
        %sign3A_484 = arith.constant 0 : i32
        %sign3A_485 = arith.cmpi slt, %add3A_478, %sign3A_484 : i32
        %sign3A_486 = arith.extui %sign3A_485 : i1 to i32
        %sign3A_487 = arith.subi %sign3A_483, %sign3A_486 : i32
        %sign3A_488 = arith.constant 0 : i32
        %sign3A_489 = arith.cmpi sgt, %jit3A_479, %sign3A_488 : i32
        %sign3A_490 = arith.extui %sign3A_489 : i1 to i32
        %sign3A_491 = arith.constant 0 : i32
        %sign3A_492 = arith.cmpi slt, %jit3A_479, %sign3A_491 : i32
        %sign3A_493 = arith.extui %sign3A_492 : i1 to i32
        %sign3A_494 = arith.subi %sign3A_490, %sign3A_493 : i32
        %ne3A_495 = arith.cmpi ne, %sign3A_487, %sign3A_494 : i32
        %rem3A_496 = arith.remsi %add3A_478, %jit3A_479 : i32
        %ne3A_497 = arith.constant 0 : i32
        %ne3A_498 = arith.cmpi ne, %rem3A_496, %ne3A_497 : i32
        %and3A_499 = arith.andi %ne3A_495, %ne3A_498 : i1
        %sub3A_500 = arith.constant 1 : i32
        %sub3A_501 = arith.subi %div3A_480, %sub3A_500 : i32
        %select_n3A_502 = arith.select %and3A_499, %sub3A_501, %div3A_480 : i32
        %add3A_503 = arith.constant 64 : i32
        %add3A_504 = arith.addi %add3A_503, %select_n3A_502 : i32
        %broadcast_in_dim3A_505 = vector.broadcast %add3A_504 : i32 to vector<16xi32>
        %gather3A_506 = tpu.vector_load_idx %arg22[%broadcast_in_dim3A_357, %broadcast_in_dim3A_505] : memref<80x72xf32, #tpu.memory_space<vmem>>[vector<16xi32>, vector<16xi32>], vector<16xf32>,
        %get3A_507 = arith.index_cast %add3A_356 : i32 to index
        %get3A_508 = arith.constant 48 : index
        %get3A_509 = tpu.vector_load %arg21[%get3A_507, %get3A_508] {strides = array<i32>} : memref<80x64xf32, #tpu.memory_space<vmem>>, vector<16xf32>,
        %mul3A_510 = arith.mulf %get3A_509, %gather3A_506 : vector<16xf32>
        %swap3A_511 = arith.index_cast %add3A_356 : i32 to index
        %swap3A_512 = arith.constant 48 : index
        %swap3A_513 = tpu.vector_load %arg22[%swap3A_511, %swap3A_512] {strides = array<i32>} : memref<80x72xf32, #tpu.memory_space<vmem>>, vector<16xf32>,
        tpu.vector_store %arg22[%swap3A_511, %swap3A_512], %mul3A_510 {strides = array<i32>} : memref<80x72xf32, #tpu.memory_space<vmem>>, vector<16xf32>,
        %mul3A_514 = arith.constant 4 : i32
        %mul3A_515 = arith.muli %scan3A_199, %mul3A_514 : i32
        %add3A_516 = arith.constant 2 : i32
        %add3A_517 = arith.addi %mul3A_515, %add3A_516 : i32
        %broadcast_in_dim3A_518 = vector.broadcast %add3A_517 : i32 to vector<16xi32>
        %mul3A_519 = arith.constant 64 : i32
        %mul3A_520 = arith.muli %arg0, %mul3A_519 : i32
        %add3A_521 = arith.constant 0 : i32
        %add3A_522 = arith.addi %mul3A_520, %add3A_521 : i32
        %jit3A_523 = arith.constant 128 : i32
        %div3A_524 = arith.divsi %add3A_522, %jit3A_523 : i32
        %sign3A_525 = arith.constant 0 : i32
        %sign3A_526 = arith.cmpi sgt, %add3A_522, %sign3A_525 : i32
        %sign3A_527 = arith.extui %sign3A_526 : i1 to i32
        %sign3A_528 = arith.constant 0 : i32
        %sign3A_529 = arith.cmpi slt, %add3A_522, %sign3A_528 : i32
        %sign3A_530 = arith.extui %sign3A_529 : i1 to i32
        %sign3A_531 = arith.subi %sign3A_527, %sign3A_530 : i32
        %sign3A_532 = arith.constant 0 : i32
        %sign3A_533 = arith.cmpi sgt, %jit3A_523, %sign3A_532 : i32
        %sign3A_534 = arith.extui %sign3A_533 : i1 to i32
        %sign3A_535 = arith.constant 0 : i32
        %sign3A_536 = arith.cmpi slt, %jit3A_523, %sign3A_535 : i32
        %sign3A_537 = arith.extui %sign3A_536 : i1 to i32
        %sign3A_538 = arith.subi %sign3A_534, %sign3A_537 : i32
        %ne3A_539 = arith.cmpi ne, %sign3A_531, %sign3A_538 : i32
        %rem3A_540 = arith.remsi %add3A_522, %jit3A_523 : i32
        %ne3A_541 = arith.constant 0 : i32
        %ne3A_542 = arith.cmpi ne, %rem3A_540, %ne3A_541 : i32
        %and3A_543 = arith.andi %ne3A_539, %ne3A_542 : i1
        %sub3A_544 = arith.constant 1 : i32
        %sub3A_545 = arith.subi %div3A_524, %sub3A_544 : i32
        %select_n3A_546 = arith.select %and3A_543, %sub3A_545, %div3A_524 : i32
        %add3A_547 = arith.constant 64 : i32
        %add3A_548 = arith.addi %add3A_547, %select_n3A_546 : i32
        %broadcast_in_dim3A_549 = vector.broadcast %add3A_548 : i32 to vector<16xi32>
        %gather3A_550 = tpu.vector_load_idx %arg22[%broadcast_in_dim3A_518, %broadcast_in_dim3A_549] : memref<80x72xf32, #tpu.memory_space<vmem>>[vector<16xi32>, vector<16xi32>], vector<16xf32>,
        %get3A_551 = arith.index_cast %add3A_517 : i32 to index
        %get3A_552 = arith.constant 0 : index
        %get3A_553 = tpu.vector_load %arg21[%get3A_551, %get3A_552] {strides = array<i32>} : memref<80x64xf32, #tpu.memory_space<vmem>>, vector<16xf32>,
        %mul3A_554 = arith.mulf %get3A_553, %gather3A_550 : vector<16xf32>
        %swap3A_555 = arith.index_cast %add3A_517 : i32 to index
        %swap3A_556 = arith.constant 0 : index
        %swap3A_557 = tpu.vector_load %arg22[%swap3A_555, %swap3A_556] {strides = array<i32>} : memref<80x72xf32, #tpu.memory_space<vmem>>, vector<16xf32>,
        tpu.vector_store %arg22[%swap3A_555, %swap3A_556], %mul3A_554 {strides = array<i32>} : memref<80x72xf32, #tpu.memory_space<vmem>>, vector<16xf32>,
        %mul3A_558 = arith.constant 64 : i32
        %mul3A_559 = arith.muli %arg0, %mul3A_558 : i32
        %add3A_560 = arith.constant 16 : i32
        %add3A_561 = arith.addi %mul3A_559, %add3A_560 : i32
        %jit3A_562 = arith.constant 128 : i32
        %div3A_563 = arith.divsi %add3A_561, %jit3A_562 : i32
        %sign3A_564 = arith.constant 0 : i32
        %sign3A_565 = arith.cmpi sgt, %add3A_561, %sign3A_564 : i32
        %sign3A_566 = arith.extui %sign3A_565 : i1 to i32
        %sign3A_567 = arith.constant 0 : i32
        %sign3A_568 = arith.cmpi slt, %add3A_561, %sign3A_567 : i32
        %sign3A_569 = arith.extui %sign3A_568 : i1 to i32
        %sign3A_570 = arith.subi %sign3A_566, %sign3A_569 : i32
        %sign3A_571 = arith.constant 0 : i32
        %sign3A_572 = arith.cmpi sgt, %jit3A_562, %sign3A_571 : i32
        %sign3A_573 = arith.extui %sign3A_572 : i1 to i32
        %sign3A_574 = arith.constant 0 : i32
        %sign3A_575 = arith.cmpi slt, %jit3A_562, %sign3A_574 : i32
        %sign3A_576 = arith.extui %sign3A_575 : i1 to i32
        %sign3A_577 = arith.subi %sign3A_573, %sign3A_576 : i32
        %ne3A_578 = arith.cmpi ne, %sign3A_570, %sign3A_577 : i32
        %rem3A_579 = arith.remsi %add3A_561, %jit3A_562 : i32
        %ne3A_580 = arith.constant 0 : i32
        %ne3A_581 = arith.cmpi ne, %rem3A_579, %ne3A_580 : i32
        %and3A_582 = arith.andi %ne3A_578, %ne3A_581 : i1
        %sub3A_583 = arith.constant 1 : i32
        %sub3A_584 = arith.subi %div3A_563, %sub3A_583 : i32
        %select_n3A_585 = arith.select %and3A_582, %sub3A_584, %div3A_563 : i32
        %add3A_586 = arith.constant 64 : i32
        %add3A_587 = arith.addi %add3A_586, %select_n3A_585 : i32
        %broadcast_in_dim3A_588 = vector.broadcast %add3A_587 : i32 to vector<16xi32>
        %gather3A_589 = tpu.vector_load_idx %arg22[%broadcast_in_dim3A_518, %broadcast_in_dim3A_588] : memref<80x72xf32, #tpu.memory_space<vmem>>[vector<16xi32>, vector<16xi32>], vector<16xf32>,
        %get3A_590 = arith.index_cast %add3A_517 : i32 to index
        %get3A_591 = arith.constant 16 : index
        %get3A_592 = tpu.vector_load %arg21[%get3A_590, %get3A_591] {strides = array<i32>} : memref<80x64xf32, #tpu.memory_space<vmem>>, vector<16xf32>,
        %mul3A_593 = arith.mulf %get3A_592, %gather3A_589 : vector<16xf32>
        %swap3A_594 = arith.index_cast %add3A_517 : i32 to index
        %swap3A_595 = arith.constant 16 : index
        %swap3A_596 = tpu.vector_load %arg22[%swap3A_594, %swap3A_595] {strides = array<i32>} : memref<80x72xf32, #tpu.memory_space<vmem>>, vector<16xf32>,
        tpu.vector_store %arg22[%swap3A_594, %swap3A_595], %mul3A_593 {strides = array<i32>} : memref<80x72xf32, #tpu.memory_space<vmem>>, vector<16xf32>,
        %mul3A_597 = arith.constant 64 : i32
        %mul3A_598 = arith.muli %arg0, %mul3A_597 : i32
        %add3A_599 = arith.constant 32 : i32
        %add3A_600 = arith.addi %mul3A_598, %add3A_599 : i32
        %jit3A_601 = arith.constant 128 : i32
        %div3A_602 = arith.divsi %add3A_600, %jit3A_601 : i32
        %sign3A_603 = arith.constant 0 : i32
        %sign3A_604 = arith.cmpi sgt, %add3A_600, %sign3A_603 : i32
        %sign3A_605 = arith.extui %sign3A_604 : i1 to i32
        %sign3A_606 = arith.constant 0 : i32
        %sign3A_607 = arith.cmpi slt, %add3A_600, %sign3A_606 : i32
        %sign3A_608 = arith.extui %sign3A_607 : i1 to i32
        %sign3A_609 = arith.subi %sign3A_605, %sign3A_608 : i32
        %sign3A_610 = arith.constant 0 : i32
        %sign3A_611 = arith.cmpi sgt, %jit3A_601, %sign3A_610 : i32
        %sign3A_612 = arith.extui %sign3A_611 : i1 to i32
        %sign3A_613 = arith.constant 0 : i32
        %sign3A_614 = arith.cmpi slt, %jit3A_601, %sign3A_613 : i32
        %sign3A_615 = arith.extui %sign3A_614 : i1 to i32
        %sign3A_616 = arith.subi %sign3A_612, %sign3A_615 : i32
        %ne3A_617 = arith.cmpi ne, %sign3A_609, %sign3A_616 : i32
        %rem3A_618 = arith.remsi %add3A_600, %jit3A_601 : i32
        %ne3A_619 = arith.constant 0 : i32
        %ne3A_620 = arith.cmpi ne, %rem3A_618, %ne3A_619 : i32
        %and3A_621 = arith.andi %ne3A_617, %ne3A_620 : i1
        %sub3A_622 = arith.constant 1 : i32
        %sub3A_623 = arith.subi %div3A_602, %sub3A_622 : i32
        %select_n3A_624 = arith.select %and3A_621, %sub3A_623, %div3A_602 : i32
        %add3A_625 = arith.constant 64 : i32
        %add3A_626 = arith.addi %add3A_625, %select_n3A_624 : i32
        %broadcast_in_dim3A_627 = vector.broadcast %add3A_626 : i32 to vector<16xi32>
        %gather3A_628 = tpu.vector_load_idx %arg22[%broadcast_in_dim3A_518, %broadcast_in_dim3A_627] : memref<80x72xf32, #tpu.memory_space<vmem>>[vector<16xi32>, vector<16xi32>], vector<16xf32>,
        %get3A_629 = arith.index_cast %add3A_517 : i32 to index
        %get3A_630 = arith.constant 32 : index
        %get3A_631 = tpu.vector_load %arg21[%get3A_629, %get3A_630] {strides = array<i32>} : memref<80x64xf32, #tpu.memory_space<vmem>>, vector<16xf32>,
        %mul3A_632 = arith.mulf %get3A_631, %gather3A_628 : vector<16xf32>
        %swap3A_633 = arith.index_cast %add3A_517 : i32 to index
        %swap3A_634 = arith.constant 32 : index
        %swap3A_635 = tpu.vector_load %arg22[%swap3A_633, %swap3A_634] {strides = array<i32>} : memref<80x72xf32, #tpu.memory_space<vmem>>, vector<16xf32>,
        tpu.vector_store %arg22[%swap3A_633, %swap3A_634], %mul3A_632 {strides = array<i32>} : memref<80x72xf32, #tpu.memory_space<vmem>>, vector<16xf32>,
        %mul3A_636 = arith.constant 64 : i32
        %mul3A_637 = arith.muli %arg0, %mul3A_636 : i32
        %add3A_638 = arith.constant 48 : i32
        %add3A_639 = arith.addi %mul3A_637, %add3A_638 : i32
        %jit3A_640 = arith.constant 128 : i32
        %div3A_641 = arith.divsi %add3A_639, %jit3A_640 : i32
        %sign3A_642 = arith.constant 0 : i32
        %sign3A_643 = arith.cmpi sgt, %add3A_639, %sign3A_642 : i32
        %sign3A_644 = arith.extui %sign3A_643 : i1 to i32
        %sign3A_645 = arith.constant 0 : i32
        %sign3A_646 = arith.cmpi slt, %add3A_639, %sign3A_645 : i32
        %sign3A_647 = arith.extui %sign3A_646 : i1 to i32
        %sign3A_648 = arith.subi %sign3A_644, %sign3A_647 : i32
        %sign3A_649 = arith.constant 0 : i32
        %sign3A_650 = arith.cmpi sgt, %jit3A_640, %sign3A_649 : i32
        %sign3A_651 = arith.extui %sign3A_650 : i1 to i32
        %sign3A_652 = arith.constant 0 : i32
        %sign3A_653 = arith.cmpi slt, %jit3A_640, %sign3A_652 : i32
        %sign3A_654 = arith.extui %sign3A_653 : i1 to i32
        %sign3A_655 = arith.subi %sign3A_651, %sign3A_654 : i32
        %ne3A_656 = arith.cmpi ne, %sign3A_648, %sign3A_655 : i32
        %rem3A_657 = arith.remsi %add3A_639, %jit3A_640 : i32
        %ne3A_658 = arith.constant 0 : i32
        %ne3A_659 = arith.cmpi ne, %rem3A_657, %ne3A_658 : i32
        %and3A_660 = arith.andi %ne3A_656, %ne3A_659 : i1
        %sub3A_661 = arith.constant 1 : i32
        %sub3A_662 = arith.subi %div3A_641, %sub3A_661 : i32
        %select_n3A_663 = arith.select %and3A_660, %sub3A_662, %div3A_641 : i32
        %add3A_664 = arith.constant 64 : i32
        %add3A_665 = arith.addi %add3A_664, %select_n3A_663 : i32
        %broadcast_in_dim3A_666 = vector.broadcast %add3A_665 : i32 to vector<16xi32>
        %gather3A_667 = tpu.vector_load_idx %arg22[%broadcast_in_dim3A_518, %broadcast_in_dim3A_666] : memref<80x72xf32, #tpu.memory_space<vmem>>[vector<16xi32>, vector<16xi32>], vector<16xf32>,
        %get3A_668 = arith.index_cast %add3A_517 : i32 to index
        %get3A_669 = arith.constant 48 : index
        %get3A_670 = tpu.vector_load %arg21[%get3A_668, %get3A_669] {strides = array<i32>} : memref<80x64xf32, #tpu.memory_space<vmem>>, vector<16xf32>,
        %mul3A_671 = arith.mulf %get3A_670, %gather3A_667 : vector<16xf32>
        %swap3A_672 = arith.index_cast %add3A_517 : i32 to index
        %swap3A_673 = arith.constant 48 : index
        %swap3A_674 = tpu.vector_load %arg22[%swap3A_672, %swap3A_673] {strides = array<i32>} : memref<80x72xf32, #tpu.memory_space<vmem>>, vector<16xf32>,
        tpu.vector_store %arg22[%swap3A_672, %swap3A_673], %mul3A_671 {strides = array<i32>} : memref<80x72xf32, #tpu.memory_space<vmem>>, vector<16xf32>,
        %mul3A_675 = arith.constant 4 : i32
        %mul3A_676 = arith.muli %scan3A_199, %mul3A_675 : i32
        %add3A_677 = arith.constant 3 : i32
        %add3A_678 = arith.addi %mul3A_676, %add3A_677 : i32
        %broadcast_in_dim3A_679 = vector.broadcast %add3A_678 : i32 to vector<16xi32>
        %mul3A_680 = arith.constant 64 : i32
        %mul3A_681 = arith.muli %arg0, %mul3A_680 : i32
        %add3A_682 = arith.constant 0 : i32
        %add3A_683 = arith.addi %mul3A_681, %add3A_682 : i32
        %jit3A_684 = arith.constant 128 : i32
        %div3A_685 = arith.divsi %add3A_683, %jit3A_684 : i32
        %sign3A_686 = arith.constant 0 : i32
        %sign3A_687 = arith.cmpi sgt, %add3A_683, %sign3A_686 : i32
        %sign3A_688 = arith.extui %sign3A_687 : i1 to i32
        %sign3A_689 = arith.constant 0 : i32
        %sign3A_690 = arith.cmpi slt, %add3A_683, %sign3A_689 : i32
        %sign3A_691 = arith.extui %sign3A_690 : i1 to i32
        %sign3A_692 = arith.subi %sign3A_688, %sign3A_691 : i32
        %sign3A_693 = arith.constant 0 : i32
        %sign3A_694 = arith.cmpi sgt, %jit3A_684, %sign3A_693 : i32
        %sign3A_695 = arith.extui %sign3A_694 : i1 to i32
        %sign3A_696 = arith.constant 0 : i32
        %sign3A_697 = arith.cmpi slt, %jit3A_684, %sign3A_696 : i32
        %sign3A_698 = arith.extui %sign3A_697 : i1 to i32
        %sign3A_699 = arith.subi %sign3A_695, %sign3A_698 : i32
        %ne3A_700 = arith.cmpi ne, %sign3A_692, %sign3A_699 : i32
        %rem3A_701 = arith.remsi %add3A_683, %jit3A_684 : i32
        %ne3A_702 = arith.constant 0 : i32
        %ne3A_703 = arith.cmpi ne, %rem3A_701, %ne3A_702 : i32
        %and3A_704 = arith.andi %ne3A_700, %ne3A_703 : i1
        %sub3A_705 = arith.constant 1 : i32
        %sub3A_706 = arith.subi %div3A_685, %sub3A_705 : i32
        %select_n3A_707 = arith.select %and3A_704, %sub3A_706, %div3A_685 : i32
        %add3A_708 = arith.constant 64 : i32
        %add3A_709 = arith.addi %add3A_708, %select_n3A_707 : i32
        %broadcast_in_dim3A_710 = vector.broadcast %add3A_709 : i32 to vector<16xi32>
        %gather3A_711 = tpu.vector_load_idx %arg22[%broadcast_in_dim3A_679, %broadcast_in_dim3A_710] : memref<80x72xf32, #tpu.memory_space<vmem>>[vector<16xi32>, vector<16xi32>], vector<16xf32>,
        %get3A_712 = arith.index_cast %add3A_678 : i32 to index
        %get3A_713 = arith.constant 0 : index
        %get3A_714 = tpu.vector_load %arg21[%get3A_712, %get3A_713] {strides = array<i32>} : memref<80x64xf32, #tpu.memory_space<vmem>>, vector<16xf32>,
        %mul3A_715 = arith.mulf %get3A_714, %gather3A_711 : vector<16xf32>
        %swap3A_716 = arith.index_cast %add3A_678 : i32 to index
        %swap3A_717 = arith.constant 0 : index
        %swap3A_718 = tpu.vector_load %arg22[%swap3A_716, %swap3A_717] {strides = array<i32>} : memref<80x72xf32, #tpu.memory_space<vmem>>, vector<16xf32>,
        tpu.vector_store %arg22[%swap3A_716, %swap3A_717], %mul3A_715 {strides = array<i32>} : memref<80x72xf32, #tpu.memory_space<vmem>>, vector<16xf32>,
        %mul3A_719 = arith.constant 64 : i32
        %mul3A_720 = arith.muli %arg0, %mul3A_719 : i32
        %add3A_721 = arith.constant 16 : i32
        %add3A_722 = arith.addi %mul3A_720, %add3A_721 : i32
        %jit3A_723 = arith.constant 128 : i32
        %div3A_724 = arith.divsi %add3A_722, %jit3A_723 : i32
        %sign3A_725 = arith.constant 0 : i32
        %sign3A_726 = arith.cmpi sgt, %add3A_722, %sign3A_725 : i32
        %sign3A_727 = arith.extui %sign3A_726 : i1 to i32
        %sign3A_728 = arith.constant 0 : i32
        %sign3A_729 = arith.cmpi slt, %add3A_722, %sign3A_728 : i32
        %sign3A_730 = arith.extui %sign3A_729 : i1 to i32
        %sign3A_731 = arith.subi %sign3A_727, %sign3A_730 : i32
        %sign3A_732 = arith.constant 0 : i32
        %sign3A_733 = arith.cmpi sgt, %jit3A_723, %sign3A_732 : i32
        %sign3A_734 = arith.extui %sign3A_733 : i1 to i32
        %sign3A_735 = arith.constant 0 : i32
        %sign3A_736 = arith.cmpi slt, %jit3A_723, %sign3A_735 : i32
        %sign3A_737 = arith.extui %sign3A_736 : i1 to i32
        %sign3A_738 = arith.subi %sign3A_734, %sign3A_737 : i32
        %ne3A_739 = arith.cmpi ne, %sign3A_731, %sign3A_738 : i32
        %rem3A_740 = arith.remsi %add3A_722, %jit3A_723 : i32
        %ne3A_741 = arith.constant 0 : i32
        %ne3A_742 = arith.cmpi ne, %rem3A_740, %ne3A_741 : i32
        %and3A_743 = arith.andi %ne3A_739, %ne3A_742 : i1
        %sub3A_744 = arith.constant 1 : i32
        %sub3A_745 = arith.subi %div3A_724, %sub3A_744 : i32
        %select_n3A_746 = arith.select %and3A_743, %sub3A_745, %div3A_724 : i32
        %add3A_747 = arith.constant 64 : i32
        %add3A_748 = arith.addi %add3A_747, %select_n3A_746 : i32
        %broadcast_in_dim3A_749 = vector.broadcast %add3A_748 : i32 to vector<16xi32>
        %gather3A_750 = tpu.vector_load_idx %arg22[%broadcast_in_dim3A_679, %broadcast_in_dim3A_749] : memref<80x72xf32, #tpu.memory_space<vmem>>[vector<16xi32>, vector<16xi32>], vector<16xf32>,
        %get3A_751 = arith.index_cast %add3A_678 : i32 to index
        %get3A_752 = arith.constant 16 : index
        %get3A_753 = tpu.vector_load %arg21[%get3A_751, %get3A_752] {strides = array<i32>} : memref<80x64xf32, #tpu.memory_space<vmem>>, vector<16xf32>,
        %mul3A_754 = arith.mulf %get3A_753, %gather3A_750 : vector<16xf32>
        %swap3A_755 = arith.index_cast %add3A_678 : i32 to index
        %swap3A_756 = arith.constant 16 : index
        %swap3A_757 = tpu.vector_load %arg22[%swap3A_755, %swap3A_756] {strides = array<i32>} : memref<80x72xf32, #tpu.memory_space<vmem>>, vector<16xf32>,
        tpu.vector_store %arg22[%swap3A_755, %swap3A_756], %mul3A_754 {strides = array<i32>} : memref<80x72xf32, #tpu.memory_space<vmem>>, vector<16xf32>,
        %mul3A_758 = arith.constant 64 : i32
        %mul3A_759 = arith.muli %arg0, %mul3A_758 : i32
        %add3A_760 = arith.constant 32 : i32
        %add3A_761 = arith.addi %mul3A_759, %add3A_760 : i32
        %jit3A_762 = arith.constant 128 : i32
        %div3A_763 = arith.divsi %add3A_761, %jit3A_762 : i32
        %sign3A_764 = arith.constant 0 : i32
        %sign3A_765 = arith.cmpi sgt, %add3A_761, %sign3A_764 : i32
        %sign3A_766 = arith.extui %sign3A_765 : i1 to i32
        %sign3A_767 = arith.constant 0 : i32
        %sign3A_768 = arith.cmpi slt, %add3A_761, %sign3A_767 : i32
        %sign3A_769 = arith.extui %sign3A_768 : i1 to i32
        %sign3A_770 = arith.subi %sign3A_766, %sign3A_769 : i32
        %sign3A_771 = arith.constant 0 : i32
        %sign3A_772 = arith.cmpi sgt, %jit3A_762, %sign3A_771 : i32
        %sign3A_773 = arith.extui %sign3A_772 : i1 to i32
        %sign3A_774 = arith.constant 0 : i32
        %sign3A_775 = arith.cmpi slt, %jit3A_762, %sign3A_774 : i32
        %sign3A_776 = arith.extui %sign3A_775 : i1 to i32
        %sign3A_777 = arith.subi %sign3A_773, %sign3A_776 : i32
        %ne3A_778 = arith.cmpi ne, %sign3A_770, %sign3A_777 : i32
        %rem3A_779 = arith.remsi %add3A_761, %jit3A_762 : i32
        %ne3A_780 = arith.constant 0 : i32
        %ne3A_781 = arith.cmpi ne, %rem3A_779, %ne3A_780 : i32
        %and3A_782 = arith.andi %ne3A_778, %ne3A_781 : i1
        %sub3A_783 = arith.constant 1 : i32
        %sub3A_784 = arith.subi %div3A_763, %sub3A_783 : i32
        %select_n3A_785 = arith.select %and3A_782, %sub3A_784, %div3A_763 : i32
        %add3A_786 = arith.constant 64 : i32
        %add3A_787 = arith.addi %add3A_786, %select_n3A_785 : i32
        %broadcast_in_dim3A_788 = vector.broadcast %add3A_787 : i32 to vector<16xi32>
        %gather3A_789 = tpu.vector_load_idx %arg22[%broadcast_in_dim3A_679, %broadcast_in_dim3A_788] : memref<80x72xf32, #tpu.memory_space<vmem>>[vector<16xi32>, vector<16xi32>], vector<16xf32>,
        %get3A_790 = arith.index_cast %add3A_678 : i32 to index
        %get3A_791 = arith.constant 32 : index
        %get3A_792 = tpu.vector_load %arg21[%get3A_790, %get3A_791] {strides = array<i32>} : memref<80x64xf32, #tpu.memory_space<vmem>>, vector<16xf32>,
        %mul3A_793 = arith.mulf %get3A_792, %gather3A_789 : vector<16xf32>
        %swap3A_794 = arith.index_cast %add3A_678 : i32 to index
        %swap3A_795 = arith.constant 32 : index
        %swap3A_796 = tpu.vector_load %arg22[%swap3A_794, %swap3A_795] {strides = array<i32>} : memref<80x72xf32, #tpu.memory_space<vmem>>, vector<16xf32>,
        tpu.vector_store %arg22[%swap3A_794, %swap3A_795], %mul3A_793 {strides = array<i32>} : memref<80x72xf32, #tpu.memory_space<vmem>>, vector<16xf32>,
        %mul3A_797 = arith.constant 64 : i32
        %mul3A_798 = arith.muli %arg0, %mul3A_797 : i32
        %add3A_799 = arith.constant 48 : i32
        %add3A_800 = arith.addi %mul3A_798, %add3A_799 : i32
        %jit3A_801 = arith.constant 128 : i32
        %div3A_802 = arith.divsi %add3A_800, %jit3A_801 : i32
        %sign3A_803 = arith.constant 0 : i32
        %sign3A_804 = arith.cmpi sgt, %add3A_800, %sign3A_803 : i32
        %sign3A_805 = arith.extui %sign3A_804 : i1 to i32
        %sign3A_806 = arith.constant 0 : i32
        %sign3A_807 = arith.cmpi slt, %add3A_800, %sign3A_806 : i32
        %sign3A_808 = arith.extui %sign3A_807 : i1 to i32
        %sign3A_809 = arith.subi %sign3A_805, %sign3A_808 : i32
        %sign3A_810 = arith.constant 0 : i32
        %sign3A_811 = arith.cmpi sgt, %jit3A_801, %sign3A_810 : i32
        %sign3A_812 = arith.extui %sign3A_811 : i1 to i32
        %sign3A_813 = arith.constant 0 : i32
        %sign3A_814 = arith.cmpi slt, %jit3A_801, %sign3A_813 : i32
        %sign3A_815 = arith.extui %sign3A_814 : i1 to i32
        %sign3A_816 = arith.subi %sign3A_812, %sign3A_815 : i32
        %ne3A_817 = arith.cmpi ne, %sign3A_809, %sign3A_816 : i32
        %rem3A_818 = arith.remsi %add3A_800, %jit3A_801 : i32
        %ne3A_819 = arith.constant 0 : i32
        %ne3A_820 = arith.cmpi ne, %rem3A_818, %ne3A_819 : i32
        %and3A_821 = arith.andi %ne3A_817, %ne3A_820 : i1
        %sub3A_822 = arith.constant 1 : i32
        %sub3A_823 = arith.subi %div3A_802, %sub3A_822 : i32
        %select_n3A_824 = arith.select %and3A_821, %sub3A_823, %div3A_802 : i32
        %add3A_825 = arith.constant 64 : i32
        %add3A_826 = arith.addi %add3A_825, %select_n3A_824 : i32
        %broadcast_in_dim3A_827 = vector.broadcast %add3A_826 : i32 to vector<16xi32>
        %gather3A_828 = tpu.vector_load_idx %arg22[%broadcast_in_dim3A_679, %broadcast_in_dim3A_827] : memref<80x72xf32, #tpu.memory_space<vmem>>[vector<16xi32>, vector<16xi32>], vector<16xf32>,
        %get3A_829 = arith.index_cast %add3A_678 : i32 to index
        %get3A_830 = arith.constant 48 : index
        %get3A_831 = tpu.vector_load %arg21[%get3A_829, %get3A_830] {strides = array<i32>} : memref<80x64xf32, #tpu.memory_space<vmem>>, vector<16xf32>,
        %mul3A_832 = arith.mulf %get3A_831, %gather3A_828 : vector<16xf32>
        %swap3A_833 = arith.index_cast %add3A_678 : i32 to index
        %swap3A_834 = arith.constant 48 : index
        %swap3A_835 = tpu.vector_load %arg22[%swap3A_833, %swap3A_834] {strides = array<i32>} : memref<80x72xf32, #tpu.memory_space<vmem>>, vector<16xf32>,
        tpu.vector_store %arg22[%swap3A_833, %swap3A_834], %mul3A_832 {strides = array<i32>} : memref<80x72xf32, #tpu.memory_space<vmem>>, vector<16xf32>,
      }
      %scan3A_198 = arith.constant 20 : i32
      "tpu.region"() ({
        %run_scoped3A = tpu.sem_alloc : memref<!tpu.dma_semaphore, #tpu.memory_space<semaphore_mem>>
        %dma_start3A_199 = arith.constant 0 : i32
        %dma_start3A_200 = arith.constant 0 : i32
        %dma_start3A_201 = tpu.memref_slice %arg13[%dma_start3A_199, %dma_start3A_200] : memref<10000x72xf32, #tpu.memory_space<vmem_shared>> -> memref<10000x72xf32, #tpu.memory_space<vmem_shared>>
        tpu.enqueue_indirect_dma source(%arg22 : memref<80x72xf32, #tpu.memory_space<vmem>>) target(%dma_start3A_201 : memref<10000x72xf32, #tpu.memory_space<vmem_shared>>) offsets(%arg17 : memref<80xi32, #tpu.memory_space<vmem>>) semaphore(%run_scoped3A : memref<!tpu.dma_semaphore, #tpu.memory_space<semaphore_mem>>) {add = true}
        %dma_wait3A_202 = arith.constant 0 : i32
        %dma_wait3A_203 = arith.constant 0 : i32
        %dma_wait3A_204 = tpu.memref_slice %arg13[%dma_wait3A_202, %dma_wait3A_203] : memref<10000x72xf32, #tpu.memory_space<vmem_shared>> -> memref<10000x72xf32, #tpu.memory_space<vmem_shared>>
        tpu.wait_indirect_dma semaphore(%run_scoped3A : memref<!tpu.dma_semaphore, #tpu.memory_space<semaphore_mem>>) src(%arg22 : memref<80x72xf32, #tpu.memory_space<vmem>>) dst(%dma_wait3A_204 : memref<10000x72xf32, #tpu.memory_space<vmem_shared>>)
        tpu.yield
      }) : () -> ()
    }
    %scan3A_9 = arith.constant 250 : i32
    %barrier3A_10 = arith.constant 0 : index
    tpu.barrier barrier_id(%barrier3A_10)
    %mul3A_11 = arith.constant 625 : i32
    %mul3A_12 = arith.muli %arg1, %mul3A_11 : i32
    "tpu.region"() ({
      %run_scoped3A = tpu.sem_alloc : memref<!tpu.dma_semaphore, #tpu.memory_space<semaphore_mem>>
      %dma_start3A = arith.constant 0 : i32
      %dma_start3A_13 = tpu.memref_slice %arg10[%arg0, %mul3A_12, %dma_start3A] : memref<2x10000x72xf32, #tpu.memory_space<hbm>> -> memref<1x625x72xf32, #tpu.memory_space<hbm>>
      %dma_start3A_14 = tpu.memref_squeeze %dma_start3A_13 : memref<1x625x72xf32, #tpu.memory_space<hbm>> -> memref<625x72xf32, #tpu.memory_space<hbm>>
      %dma_start3A_15 = arith.constant 0 : i32
      %dma_start3A_16 = tpu.memref_slice %arg13[%mul3A_12, %dma_start3A_15] : memref<10000x72xf32, #tpu.memory_space<vmem_shared>> -> memref<625x72xf32, #tpu.memory_space<vmem_shared>>
      tpu.enqueue_dma source(%dma_start3A_16 : memref<625x72xf32, #tpu.memory_space<vmem_shared>>) target(%dma_start3A_14 : memref<625x72xf32, #tpu.memory_space<hbm>>) target_semaphore(%run_scoped3A : memref<!tpu.dma_semaphore, #tpu.memory_space<semaphore_mem>>)
      %dma_wait3A = arith.constant 0 : i32
      %dma_wait3A_17 = tpu.memref_slice %arg10[%arg0, %mul3A_12, %dma_wait3A] : memref<2x10000x72xf32, #tpu.memory_space<hbm>> -> memref<1x625x72xf32, #tpu.memory_space<hbm>>
      %dma_wait3A_18 = tpu.memref_squeeze %dma_wait3A_17 : memref<1x625x72xf32, #tpu.memory_space<hbm>> -> memref<625x72xf32, #tpu.memory_space<hbm>>
      %dma_wait3A_19 = arith.constant 0 : i32
      %dma_wait3A_20 = tpu.memref_slice %arg13[%mul3A_12, %dma_wait3A_19] : memref<10000x72xf32, #tpu.memory_space<vmem_shared>> -> memref<625x72xf32, #tpu.memory_space<vmem_shared>>
      tpu.wait_dma2 semaphore(%run_scoped3A : memref<!tpu.dma_semaphore, #tpu.memory_space<semaphore_mem>>) src(%dma_wait3A_20 : memref<625x72xf32, #tpu.memory_space<vmem_shared>>) dst(%dma_wait3A_18 : memref<625x72xf32, #tpu.memory_space<hbm>>)
      tpu.yield
    }) : () -> ()
    return
  }
}

module attributes {stable_mosaic.version = 14 : i64} {
  func.func @body(%arg0: i32, %arg1: memref<1000x128xf32, #tpu.memory_space<vmem>>, %arg2: memref<128x192xf32, #tpu.memory_space<vmem>>, %arg3: memref<128x192xf32, #tpu.memory_space<vmem>>, %arg4: memref<192x8xf32, #tpu.memory_space<vmem>>, %arg5: memref<192x8xf32, #tpu.memory_space<vmem>>, %arg6: memref<1000x96xf32, #tpu.memory_space<vmem>>, %arg7: memref<1000x96xf32, #tpu.memory_space<vmem>>, %arg8: memref<1000x8xf32, #tpu.memory_space<vmem>>, %arg9: memref<1000x8xf32, #tpu.memory_space<vmem>>) attributes {dimension_semantics = [#tpu.dimension_semantics<arbitrary>], iteration_bounds = array<i64: 10>, scalar_prefetch = 0 : i64, scratch_operands = 0 : i64, tpu.core_type = #tpu.core_type<tc>, window_params = [{transform_indices = @transform_0, window_bounds = array<i64: 1000, 128>}, {pipeline_mode = #tpu.pipeline_mode<synchronous>, transform_indices = @transform_1, window_bounds = array<i64: 128, 192>}, {pipeline_mode = #tpu.pipeline_mode<synchronous>, transform_indices = @transform_2, window_bounds = array<i64: 128, 192>}, {pipeline_mode = #tpu.pipeline_mode<synchronous>, transform_indices = @transform_3, window_bounds = array<i64: 192, 8>}, {pipeline_mode = #tpu.pipeline_mode<synchronous>, transform_indices = @transform_4, window_bounds = array<i64: 192, 8>}, {transform_indices = @transform_5, window_bounds = array<i64: 1000, 96>}, {transform_indices = @transform_6, window_bounds = array<i64: 1000, 96>}, {transform_indices = @transform_7, window_bounds = array<i64: 1000, 8>}, {transform_indices = @transform_8, window_bounds = array<i64: 1000, 8>}]} {
    %get3A = arith.constant 0 : index
    %get3A_0 = arith.constant 0 : index
    %get3A_1 = vector.load %arg1[%get3A, %get3A_0] : memref<1000x128xf32, #tpu.memory_space<vmem>>, vector<1000x128xf32>
    %get3A_2 = arith.constant 0 : index
    %get3A_3 = arith.constant 0 : index
    %get3A_4 = vector.load %arg2[%get3A_2, %get3A_3] : memref<128x192xf32, #tpu.memory_space<vmem>>, vector<128x192xf32>
    %dot_general3A = arith.constant dense<0.000000e+00> : vector<1000x192xf32>
    %dot_general3A_5 = tpu.matmul %get3A_1, %get3A_4, %dot_general3A {dimension_numbers = #tpu.dot_dimension_numbers<[1], [0], [0], [1], [0, 0, 1, 1], [], []>, precision = #tpu.contract_precision<fp32>, transpose_lhs_hint = false} : vector<1000x128xf32>, vector<128x192xf32>, vector<1000x192xf32> -> vector<1000x192xf32>
    %slice3A = vector.extract_strided_slice %dot_general3A_5 {offsets = [0, 0], sizes = [1000, 96], strides = [1, 1]} : vector<1000x192xf32> to vector<1000x96xf32>
    %swap3A = arith.constant 0 : index
    %swap3A_6 = arith.constant 0 : index
    %swap3A_7 = vector.load %arg6[%swap3A, %swap3A_6] : memref<1000x96xf32, #tpu.memory_space<vmem>>, vector<1000x96xf32>
    tpu.vector_store %arg6[%swap3A, %swap3A_6], %slice3A {strides = array<i32>} : memref<1000x96xf32, #tpu.memory_space<vmem>>, vector<1000x96xf32>,
    %slice3A_8 = vector.extract_strided_slice %dot_general3A_5 {offsets = [0, 96], sizes = [1000, 96], strides = [1, 1]} : vector<1000x192xf32> to vector<1000x96xf32>
    %swap3A_9 = arith.constant 0 : index
    %swap3A_10 = arith.constant 0 : index
    %swap3A_11 = vector.load %arg7[%swap3A_9, %swap3A_10] : memref<1000x96xf32, #tpu.memory_space<vmem>>, vector<1000x96xf32>
    tpu.vector_store %arg7[%swap3A_9, %swap3A_10], %slice3A_8 {strides = array<i32>} : memref<1000x96xf32, #tpu.memory_space<vmem>>, vector<1000x96xf32>,
    %get3A_12 = arith.constant 0 : index
    %get3A_13 = arith.constant 0 : index
    %get3A_14 = vector.load %arg4[%get3A_12, %get3A_13] : memref<192x8xf32, #tpu.memory_space<vmem>>, vector<192x8xf32>
    %dot_general3A_15 = arith.constant dense<0.000000e+00> : vector<1000x8xf32>
    %dot_general3A_16 = tpu.matmul %dot_general3A_5, %get3A_14, %dot_general3A_15 {dimension_numbers = #tpu.dot_dimension_numbers<[1], [0], [0], [1], [0, 0, 1, 1], [], []>, precision = #tpu.contract_precision<fp32>, transpose_lhs_hint = false} : vector<1000x192xf32>, vector<192x8xf32>, vector<1000x8xf32> -> vector<1000x8xf32>
    %swap3A_17 = arith.constant 0 : index
    %swap3A_18 = arith.constant 0 : index
    %swap3A_19 = vector.load %arg8[%swap3A_17, %swap3A_18] : memref<1000x8xf32, #tpu.memory_space<vmem>>, vector<1000x8xf32>
    tpu.vector_store %arg8[%swap3A_17, %swap3A_18], %dot_general3A_16 {strides = array<i32>} : memref<1000x8xf32, #tpu.memory_space<vmem>>, vector<1000x8xf32>,
    %get3A_20 = arith.constant 0 : index
    %get3A_21 = arith.constant 0 : index
    %get3A_22 = vector.load %arg3[%get3A_20, %get3A_21] : memref<128x192xf32, #tpu.memory_space<vmem>>, vector<128x192xf32>
    %dot_general3A_23 = arith.constant dense<0.000000e+00> : vector<1000x192xf32>
    %dot_general3A_24 = tpu.matmul %get3A_1, %get3A_22, %dot_general3A_23 {dimension_numbers = #tpu.dot_dimension_numbers<[1], [0], [0], [1], [0, 0, 1, 1], [], []>, precision = #tpu.contract_precision<fp32>, transpose_lhs_hint = false} : vector<1000x128xf32>, vector<128x192xf32>, vector<1000x192xf32> -> vector<1000x192xf32>
    %get3A_25 = arith.constant 0 : index
    %get3A_26 = arith.constant 0 : index
    %get3A_27 = vector.load %arg5[%get3A_25, %get3A_26] : memref<192x8xf32, #tpu.memory_space<vmem>>, vector<192x8xf32>
    %dot_general3A_28 = arith.constant dense<0.000000e+00> : vector<1000x8xf32>
    %dot_general3A_29 = tpu.matmul %dot_general3A_24, %get3A_27, %dot_general3A_28 {dimension_numbers = #tpu.dot_dimension_numbers<[1], [0], [0], [1], [0, 0, 1, 1], [], []>, precision = #tpu.contract_precision<fp32>, transpose_lhs_hint = false} : vector<1000x192xf32>, vector<192x8xf32>, vector<1000x8xf32> -> vector<1000x8xf32>
    %swap3A_30 = arith.constant 0 : index
    %swap3A_31 = arith.constant 0 : index
    %swap3A_32 = vector.load %arg9[%swap3A_30, %swap3A_31] : memref<1000x8xf32, #tpu.memory_space<vmem>>, vector<1000x8xf32>
    tpu.vector_store %arg9[%swap3A_30, %swap3A_31], %dot_general3A_29 {strides = array<i32>} : memref<1000x8xf32, #tpu.memory_space<vmem>>, vector<1000x8xf32>,
    return
  }
  func.func @transform_0(%arg0: i32) -> (i32, i32) {
    %c0_i32 = arith.constant 0 : i32
    %c0_i32_0 = arith.constant 0 : i32
    return %arg0, %c0_i32 : i32, i32
  }
  func.func @transform_1(%arg0: i32) -> (i32, i32) {
    %c0_i32 = arith.constant 0 : i32
    %c0_i32_0 = arith.constant 0 : i32
    %c0_i32_1 = arith.constant 0 : i32
    return %c0_i32, %c0_i32_0 : i32, i32
  }
  func.func @transform_2(%arg0: i32) -> (i32, i32) {
    %c0_i32 = arith.constant 0 : i32
    %c0_i32_0 = arith.constant 0 : i32
    %c0_i32_1 = arith.constant 0 : i32
    return %c0_i32, %c0_i32_0 : i32, i32
  }
  func.func @transform_3(%arg0: i32) -> (i32, i32) {
    %c0_i32 = arith.constant 0 : i32
    %c0_i32_0 = arith.constant 0 : i32
    %c0_i32_1 = arith.constant 0 : i32
    return %c0_i32, %c0_i32_0 : i32, i32
  }
  func.func @transform_4(%arg0: i32) -> (i32, i32) {
    %c0_i32 = arith.constant 0 : i32
    %c0_i32_0 = arith.constant 0 : i32
    %c0_i32_1 = arith.constant 0 : i32
    return %c0_i32, %c0_i32_0 : i32, i32
  }
  func.func @transform_5(%arg0: i32) -> (i32, i32) {
    %c0_i32 = arith.constant 0 : i32
    %c0_i32_0 = arith.constant 0 : i32
    return %arg0, %c0_i32 : i32, i32
  }
  func.func @transform_6(%arg0: i32) -> (i32, i32) {
    %c0_i32 = arith.constant 0 : i32
    %c0_i32_0 = arith.constant 0 : i32
    return %arg0, %c0_i32 : i32, i32
  }
  func.func @transform_7(%arg0: i32) -> (i32, i32) {
    %c0_i32 = arith.constant 0 : i32
    %c0_i32_0 = arith.constant 0 : i32
    return %arg0, %c0_i32 : i32, i32
  }
  func.func @transform_8(%arg0: i32) -> (i32, i32) {
    %c0_i32 = arith.constant 0 : i32
    %c0_i32_0 = arith.constant 0 : i32
    return %arg0, %c0_i32 : i32, i32
  }
}

module attributes {stable_mosaic.version = 14 : i64} {
  func.func @body(%arg0: i32, %arg1: memref<2x1000x104xf32, #tpu.memory_space<vmem>>, %arg2: memref<1x192xf32, #tpu.memory_space<vmem>>, %arg3: memref<192x192xf32, #tpu.memory_space<vmem>>, %arg4: memref<192x192xf32, #tpu.memory_space<vmem>>, %arg5: memref<192x8xf32, #tpu.memory_space<vmem>>, %arg6: memref<192x8xf32, #tpu.memory_space<vmem>>, %arg7: memref<1000x96xf32, #tpu.memory_space<vmem>>, %arg8: memref<1000x96xf32, #tpu.memory_space<vmem>>, %arg9: memref<1000x8xf32, #tpu.memory_space<vmem>>, %arg10: memref<1000x8xf32, #tpu.memory_space<vmem>>) attributes {dimension_semantics = [#tpu.dimension_semantics<arbitrary>], iteration_bounds = array<i64: 10>, scalar_prefetch = 0 : i64, scratch_operands = 0 : i64, tpu.core_type = #tpu.core_type<tc>, window_params = [{transform_indices = @transform_0, window_bounds = array<i64: 2, 1000, 104>}, {pipeline_mode = #tpu.pipeline_mode<synchronous>, transform_indices = @transform_1, window_bounds = array<i64: 1, 192>}, {pipeline_mode = #tpu.pipeline_mode<synchronous>, transform_indices = @transform_2, window_bounds = array<i64: 192, 192>}, {pipeline_mode = #tpu.pipeline_mode<synchronous>, transform_indices = @transform_3, window_bounds = array<i64: 192, 192>}, {pipeline_mode = #tpu.pipeline_mode<synchronous>, transform_indices = @transform_4, window_bounds = array<i64: 192, 8>}, {pipeline_mode = #tpu.pipeline_mode<synchronous>, transform_indices = @transform_5, window_bounds = array<i64: 192, 8>}, {transform_indices = @transform_6, window_bounds = array<i64: 1000, 96>}, {transform_indices = @transform_7, window_bounds = array<i64: 1000, 96>}, {transform_indices = @transform_8, window_bounds = array<i64: 1000, 8>}, {transform_indices = @transform_9, window_bounds = array<i64: 1000, 8>}]} {
    %get3A = arith.constant 0 : index
    %get3A_0 = arith.constant 0 : index
    %get3A_1 = arith.constant 0 : index
    %get3A_2 = vector.load %arg1[%get3A, %get3A_0, %get3A_1] : memref<2x1000x104xf32, #tpu.memory_space<vmem>>, vector<2x1000x104xf32>
    %get3A_3 = arith.constant 0 : index
    %get3A_4 = arith.constant 0 : index
    %get3A_5 = vector.load %arg2[%get3A_3, %get3A_4] : memref<1x192xf32, #tpu.memory_space<vmem>>, vector<1x192xf32>
    %slice3A = vector.extract_strided_slice %get3A_2 {offsets = [0, 0, 0], sizes = [1, 1000, 104], strides = [1, 1, 1]} : vector<2x1000x104xf32> to vector<1x1000x104xf32>
    %squeeze3A = vector.shape_cast %slice3A : vector<1x1000x104xf32> to vector<1000x104xf32>
    %slice3A_6 = vector.extract_strided_slice %squeeze3A {offsets = [0, 0], sizes = [1000, 96], strides = [1, 1]} : vector<1000x104xf32> to vector<1000x96xf32>
    %slice3A_7 = vector.extract_strided_slice %get3A_2 {offsets = [1, 0, 0], sizes = [1, 1000, 104], strides = [1, 1, 1]} : vector<2x1000x104xf32> to vector<1x1000x104xf32>
    %squeeze3A_8 = vector.shape_cast %slice3A_7 : vector<1x1000x104xf32> to vector<1000x104xf32>
    %slice3A_9 = vector.extract_strided_slice %squeeze3A_8 {offsets = [0, 0], sizes = [1000, 96], strides = [1, 1]} : vector<1000x104xf32> to vector<1000x96xf32>
    %concatenate3A = tpu.concatenate %slice3A_6, %slice3A_9 in 1 : vector<1000x96xf32>, vector<1000x96xf32> -> vector<1000x192xf32>
    %slice3A_10 = vector.extract_strided_slice %get3A_2 {offsets = [0, 0, 0], sizes = [1, 1000, 104], strides = [1, 1, 1]} : vector<2x1000x104xf32> to vector<1x1000x104xf32>
    %squeeze3A_11 = vector.shape_cast %slice3A_10 : vector<1x1000x104xf32> to vector<1000x104xf32>
    %slice3A_12 = vector.extract_strided_slice %squeeze3A_11 {offsets = [0, 96], sizes = [1000, 1], strides = [1, 1]} : vector<1000x104xf32> to vector<1000x1xf32>
    %broadcast_in_dim3A = vector.shape_cast %slice3A_12 : vector<1000x1xf32> to vector<1000x1xf32>
    %broadcast_in_dim3A_13 = vector.broadcast %broadcast_in_dim3A : vector<1000x1xf32> to vector<1000x64xf32>
    %slice3A_14 = vector.extract_strided_slice %get3A_2 {offsets = [0, 0, 0], sizes = [1, 1000, 104], strides = [1, 1, 1]} : vector<2x1000x104xf32> to vector<1x1000x104xf32>
    %squeeze3A_15 = vector.shape_cast %slice3A_14 : vector<1x1000x104xf32> to vector<1000x104xf32>
    %slice3A_16 = vector.extract_strided_slice %squeeze3A_15 {offsets = [0, 97], sizes = [1000, 1], strides = [1, 1]} : vector<1000x104xf32> to vector<1000x1xf32>
    %broadcast_in_dim3A_17 = vector.shape_cast %slice3A_16 : vector<1000x1xf32> to vector<1000x1xf32>
    %broadcast_in_dim3A_18 = vector.broadcast %broadcast_in_dim3A_17 : vector<1000x1xf32> to vector<1000x64xf32>
    %slice3A_19 = vector.extract_strided_slice %get3A_2 {offsets = [0, 0, 0], sizes = [1, 1000, 104], strides = [1, 1, 1]} : vector<2x1000x104xf32> to vector<1x1000x104xf32>
    %squeeze3A_20 = vector.shape_cast %slice3A_19 : vector<1x1000x104xf32> to vector<1000x104xf32>
    %slice3A_21 = vector.extract_strided_slice %squeeze3A_20 {offsets = [0, 98], sizes = [1000, 1], strides = [1, 1]} : vector<1000x104xf32> to vector<1000x1xf32>
    %broadcast_in_dim3A_22 = vector.shape_cast %slice3A_21 : vector<1000x1xf32> to vector<1000x1xf32>
    %broadcast_in_dim3A_23 = vector.broadcast %broadcast_in_dim3A_22 : vector<1000x1xf32> to vector<1000x64xf32>
    %concatenate3A_24 = tpu.concatenate %broadcast_in_dim3A_13, %broadcast_in_dim3A_18, %broadcast_in_dim3A_23 in 1 : vector<1000x64xf32>, vector<1000x64xf32>, vector<1000x64xf32> -> vector<1000x192xf32>
    %add3A = arith.constant 1.000000e-16 : f32
    %add3A_25 = vector.broadcast %add3A : f32 to vector<1000x192xf32>
    %add3A_26 = arith.addf %concatenate3A_24, %add3A_25 : vector<1000x192xf32>
    %div3A = arith.divf %concatenate3A, %add3A_26 : vector<1000x192xf32>
    %add3A_27 = vector.broadcast %get3A_5 : vector<1x192xf32> to vector<1000x192xf32>
    %add3A_28 = arith.addf %div3A, %add3A_27 : vector<1000x192xf32>
    %max3A = arith.constant 0.000000e+00 : f32
    %max3A_29 = vector.broadcast %max3A : f32 to vector<1000x192xf32>
    %max3A_30 = arith.maximumf %add3A_28, %max3A_29 : vector<1000x192xf32>
    %get3A_31 = arith.constant 0 : index
    %get3A_32 = arith.constant 0 : index
    %get3A_33 = vector.load %arg3[%get3A_31, %get3A_32] : memref<192x192xf32, #tpu.memory_space<vmem>>, vector<192x192xf32>
    %dot_general3A = arith.constant dense<0.000000e+00> : vector<1000x192xf32>
    %dot_general3A_34 = tpu.matmul %max3A_30, %get3A_33, %dot_general3A {dimension_numbers = #tpu.dot_dimension_numbers<[1], [0], [0], [1], [0, 0, 1, 1], [], []>, precision = #tpu.contract_precision<fp32>, transpose_lhs_hint = false} : vector<1000x192xf32>, vector<192x192xf32>, vector<1000x192xf32> -> vector<1000x192xf32>
    %slice3A_35 = vector.extract_strided_slice %dot_general3A_34 {offsets = [0, 0], sizes = [1000, 96], strides = [1, 1]} : vector<1000x192xf32> to vector<1000x96xf32>
    %swap3A = arith.constant 0 : index
    %swap3A_36 = arith.constant 0 : index
    %swap3A_37 = vector.load %arg7[%swap3A, %swap3A_36] : memref<1000x96xf32, #tpu.memory_space<vmem>>, vector<1000x96xf32>
    tpu.vector_store %arg7[%swap3A, %swap3A_36], %slice3A_35 {strides = array<i32>} : memref<1000x96xf32, #tpu.memory_space<vmem>>, vector<1000x96xf32>,
    %slice3A_38 = vector.extract_strided_slice %dot_general3A_34 {offsets = [0, 96], sizes = [1000, 96], strides = [1, 1]} : vector<1000x192xf32> to vector<1000x96xf32>
    %swap3A_39 = arith.constant 0 : index
    %swap3A_40 = arith.constant 0 : index
    %swap3A_41 = vector.load %arg8[%swap3A_39, %swap3A_40] : memref<1000x96xf32, #tpu.memory_space<vmem>>, vector<1000x96xf32>
    tpu.vector_store %arg8[%swap3A_39, %swap3A_40], %slice3A_38 {strides = array<i32>} : memref<1000x96xf32, #tpu.memory_space<vmem>>, vector<1000x96xf32>,
    %get3A_42 = arith.constant 0 : index
    %get3A_43 = arith.constant 0 : index
    %get3A_44 = vector.load %arg5[%get3A_42, %get3A_43] : memref<192x8xf32, #tpu.memory_space<vmem>>, vector<192x8xf32>
    %dot_general3A_45 = arith.constant dense<0.000000e+00> : vector<1000x8xf32>
    %dot_general3A_46 = tpu.matmul %dot_general3A_34, %get3A_44, %dot_general3A_45 {dimension_numbers = #tpu.dot_dimension_numbers<[1], [0], [0], [1], [0, 0, 1, 1], [], []>, precision = #tpu.contract_precision<fp32>, transpose_lhs_hint = false} : vector<1000x192xf32>, vector<192x8xf32>, vector<1000x8xf32> -> vector<1000x8xf32>
    %swap3A_47 = arith.constant 0 : index
    %swap3A_48 = arith.constant 0 : index
    %swap3A_49 = vector.load %arg9[%swap3A_47, %swap3A_48] : memref<1000x8xf32, #tpu.memory_space<vmem>>, vector<1000x8xf32>
    tpu.vector_store %arg9[%swap3A_47, %swap3A_48], %dot_general3A_46 {strides = array<i32>} : memref<1000x8xf32, #tpu.memory_space<vmem>>, vector<1000x8xf32>,
    %get3A_50 = arith.constant 0 : index
    %get3A_51 = arith.constant 0 : index
    %get3A_52 = vector.load %arg4[%get3A_50, %get3A_51] : memref<192x192xf32, #tpu.memory_space<vmem>>, vector<192x192xf32>
    %dot_general3A_53 = arith.constant dense<0.000000e+00> : vector<1000x192xf32>
    %dot_general3A_54 = tpu.matmul %max3A_30, %get3A_52, %dot_general3A_53 {dimension_numbers = #tpu.dot_dimension_numbers<[1], [0], [0], [1], [0, 0, 1, 1], [], []>, precision = #tpu.contract_precision<fp32>, transpose_lhs_hint = false} : vector<1000x192xf32>, vector<192x192xf32>, vector<1000x192xf32> -> vector<1000x192xf32>
    %get3A_55 = arith.constant 0 : index
    %get3A_56 = arith.constant 0 : index
    %get3A_57 = vector.load %arg6[%get3A_55, %get3A_56] : memref<192x8xf32, #tpu.memory_space<vmem>>, vector<192x8xf32>
    %dot_general3A_58 = arith.constant dense<0.000000e+00> : vector<1000x8xf32>
    %dot_general3A_59 = tpu.matmul %dot_general3A_54, %get3A_57, %dot_general3A_58 {dimension_numbers = #tpu.dot_dimension_numbers<[1], [0], [0], [1], [0, 0, 1, 1], [], []>, precision = #tpu.contract_precision<fp32>, transpose_lhs_hint = false} : vector<1000x192xf32>, vector<192x8xf32>, vector<1000x8xf32> -> vector<1000x8xf32>
    %swap3A_60 = arith.constant 0 : index
    %swap3A_61 = arith.constant 0 : index
    %swap3A_62 = vector.load %arg10[%swap3A_60, %swap3A_61] : memref<1000x8xf32, #tpu.memory_space<vmem>>, vector<1000x8xf32>
    tpu.vector_store %arg10[%swap3A_60, %swap3A_61], %dot_general3A_59 {strides = array<i32>} : memref<1000x8xf32, #tpu.memory_space<vmem>>, vector<1000x8xf32>,
    return
  }
  func.func @transform_0(%arg0: i32) -> (i32, i32, i32) {
    %c0_i32 = arith.constant 0 : i32
    %c0_i32_0 = arith.constant 0 : i32
    %c0_i32_1 = arith.constant 0 : i32
    return %c0_i32, %arg0, %c0_i32_0 : i32, i32, i32
  }
  func.func @transform_1(%arg0: i32) -> (i32, i32) {
    %c0_i32 = arith.constant 0 : i32
    %c0_i32_0 = arith.constant 0 : i32
    %c0_i32_1 = arith.constant 0 : i32
    return %c0_i32, %c0_i32_0 : i32, i32
  }
  func.func @transform_2(%arg0: i32) -> (i32, i32) {
    %c0_i32 = arith.constant 0 : i32
    %c0_i32_0 = arith.constant 0 : i32
    %c0_i32_1 = arith.constant 0 : i32
    return %c0_i32, %c0_i32_0 : i32, i32
  }
  func.func @transform_3(%arg0: i32) -> (i32, i32) {
    %c0_i32 = arith.constant 0 : i32
    %c0_i32_0 = arith.constant 0 : i32
    %c0_i32_1 = arith.constant 0 : i32
    return %c0_i32, %c0_i32_0 : i32, i32
  }
  func.func @transform_4(%arg0: i32) -> (i32, i32) {
    %c0_i32 = arith.constant 0 : i32
    %c0_i32_0 = arith.constant 0 : i32
    %c0_i32_1 = arith.constant 0 : i32
    return %c0_i32, %c0_i32_0 : i32, i32
  }
  func.func @transform_5(%arg0: i32) -> (i32, i32) {
    %c0_i32 = arith.constant 0 : i32
    %c0_i32_0 = arith.constant 0 : i32
    %c0_i32_1 = arith.constant 0 : i32
    return %c0_i32, %c0_i32_0 : i32, i32
  }
  func.func @transform_6(%arg0: i32) -> (i32, i32) {
    %c0_i32 = arith.constant 0 : i32
    %c0_i32_0 = arith.constant 0 : i32
    return %arg0, %c0_i32 : i32, i32
  }
  func.func @transform_7(%arg0: i32) -> (i32, i32) {
    %c0_i32 = arith.constant 0 : i32
    %c0_i32_0 = arith.constant 0 : i32
    return %arg0, %c0_i32 : i32, i32
  }
  func.func @transform_8(%arg0: i32) -> (i32, i32) {
    %c0_i32 = arith.constant 0 : i32
    %c0_i32_0 = arith.constant 0 : i32
    return %arg0, %c0_i32 : i32, i32
  }
  func.func @transform_9(%arg0: i32) -> (i32, i32) {
    %c0_i32 = arith.constant 0 : i32
    %c0_i32_0 = arith.constant 0 : i32
    return %arg0, %c0_i32 : i32, i32
  }
}

module attributes {stable_mosaic.version = 14 : i64} {
  func.func @body(%arg0: i32, %arg1: memref<2x1000x104xf32, #tpu.memory_space<vmem>>, %arg2: memref<1x192xf32, #tpu.memory_space<vmem>>, %arg3: memref<192x128xf32, #tpu.memory_space<vmem>>, %arg4: memref<192x128xf32, #tpu.memory_space<vmem>>, %arg5: memref<128x8xf32, #tpu.memory_space<vmem>>, %arg6: memref<128x8xf32, #tpu.memory_space<vmem>>, %arg7: memref<1000x64xf32, #tpu.memory_space<vmem>>, %arg8: memref<1000x64xf32, #tpu.memory_space<vmem>>, %arg9: memref<1000x8xf32, #tpu.memory_space<vmem>>, %arg10: memref<1000x8xf32, #tpu.memory_space<vmem>>) attributes {dimension_semantics = [#tpu.dimension_semantics<arbitrary>], iteration_bounds = array<i64: 10>, scalar_prefetch = 0 : i64, scratch_operands = 0 : i64, tpu.core_type = #tpu.core_type<tc>, window_params = [{transform_indices = @transform_0, window_bounds = array<i64: 2, 1000, 104>}, {pipeline_mode = #tpu.pipeline_mode<synchronous>, transform_indices = @transform_1, window_bounds = array<i64: 1, 192>}, {pipeline_mode = #tpu.pipeline_mode<synchronous>, transform_indices = @transform_2, window_bounds = array<i64: 192, 128>}, {pipeline_mode = #tpu.pipeline_mode<synchronous>, transform_indices = @transform_3, window_bounds = array<i64: 192, 128>}, {pipeline_mode = #tpu.pipeline_mode<synchronous>, transform_indices = @transform_4, window_bounds = array<i64: 128, 8>}, {pipeline_mode = #tpu.pipeline_mode<synchronous>, transform_indices = @transform_5, window_bounds = array<i64: 128, 8>}, {transform_indices = @transform_6, window_bounds = array<i64: 1000, 64>}, {transform_indices = @transform_7, window_bounds = array<i64: 1000, 64>}, {transform_indices = @transform_8, window_bounds = array<i64: 1000, 8>}, {transform_indices = @transform_9, window_bounds = array<i64: 1000, 8>}]} {
    %get3A = arith.constant 0 : index
    %get3A_0 = arith.constant 0 : index
    %get3A_1 = arith.constant 0 : index
    %get3A_2 = vector.load %arg1[%get3A, %get3A_0, %get3A_1] : memref<2x1000x104xf32, #tpu.memory_space<vmem>>, vector<2x1000x104xf32>
    %get3A_3 = arith.constant 0 : index
    %get3A_4 = arith.constant 0 : index
    %get3A_5 = vector.load %arg2[%get3A_3, %get3A_4] : memref<1x192xf32, #tpu.memory_space<vmem>>, vector<1x192xf32>
    %slice3A = vector.extract_strided_slice %get3A_2 {offsets = [0, 0, 0], sizes = [1, 1000, 104], strides = [1, 1, 1]} : vector<2x1000x104xf32> to vector<1x1000x104xf32>
    %squeeze3A = vector.shape_cast %slice3A : vector<1x1000x104xf32> to vector<1000x104xf32>
    %slice3A_6 = vector.extract_strided_slice %squeeze3A {offsets = [0, 0], sizes = [1000, 96], strides = [1, 1]} : vector<1000x104xf32> to vector<1000x96xf32>
    %slice3A_7 = vector.extract_strided_slice %get3A_2 {offsets = [1, 0, 0], sizes = [1, 1000, 104], strides = [1, 1, 1]} : vector<2x1000x104xf32> to vector<1x1000x104xf32>
    %squeeze3A_8 = vector.shape_cast %slice3A_7 : vector<1x1000x104xf32> to vector<1000x104xf32>
    %slice3A_9 = vector.extract_strided_slice %squeeze3A_8 {offsets = [0, 0], sizes = [1000, 96], strides = [1, 1]} : vector<1000x104xf32> to vector<1000x96xf32>
    %concatenate3A = tpu.concatenate %slice3A_6, %slice3A_9 in 1 : vector<1000x96xf32>, vector<1000x96xf32> -> vector<1000x192xf32>
    %slice3A_10 = vector.extract_strided_slice %get3A_2 {offsets = [0, 0, 0], sizes = [1, 1000, 104], strides = [1, 1, 1]} : vector<2x1000x104xf32> to vector<1x1000x104xf32>
    %squeeze3A_11 = vector.shape_cast %slice3A_10 : vector<1x1000x104xf32> to vector<1000x104xf32>
    %slice3A_12 = vector.extract_strided_slice %squeeze3A_11 {offsets = [0, 96], sizes = [1000, 1], strides = [1, 1]} : vector<1000x104xf32> to vector<1000x1xf32>
    %broadcast_in_dim3A = vector.shape_cast %slice3A_12 : vector<1000x1xf32> to vector<1000x1xf32>
    %broadcast_in_dim3A_13 = vector.broadcast %broadcast_in_dim3A : vector<1000x1xf32> to vector<1000x64xf32>
    %slice3A_14 = vector.extract_strided_slice %get3A_2 {offsets = [0, 0, 0], sizes = [1, 1000, 104], strides = [1, 1, 1]} : vector<2x1000x104xf32> to vector<1x1000x104xf32>
    %squeeze3A_15 = vector.shape_cast %slice3A_14 : vector<1x1000x104xf32> to vector<1000x104xf32>
    %slice3A_16 = vector.extract_strided_slice %squeeze3A_15 {offsets = [0, 97], sizes = [1000, 1], strides = [1, 1]} : vector<1000x104xf32> to vector<1000x1xf32>
    %broadcast_in_dim3A_17 = vector.shape_cast %slice3A_16 : vector<1000x1xf32> to vector<1000x1xf32>
    %broadcast_in_dim3A_18 = vector.broadcast %broadcast_in_dim3A_17 : vector<1000x1xf32> to vector<1000x64xf32>
    %slice3A_19 = vector.extract_strided_slice %get3A_2 {offsets = [0, 0, 0], sizes = [1, 1000, 104], strides = [1, 1, 1]} : vector<2x1000x104xf32> to vector<1x1000x104xf32>
    %squeeze3A_20 = vector.shape_cast %slice3A_19 : vector<1x1000x104xf32> to vector<1000x104xf32>
    %slice3A_21 = vector.extract_strided_slice %squeeze3A_20 {offsets = [0, 98], sizes = [1000, 1], strides = [1, 1]} : vector<1000x104xf32> to vector<1000x1xf32>
    %broadcast_in_dim3A_22 = vector.shape_cast %slice3A_21 : vector<1000x1xf32> to vector<1000x1xf32>
    %broadcast_in_dim3A_23 = vector.broadcast %broadcast_in_dim3A_22 : vector<1000x1xf32> to vector<1000x64xf32>
    %concatenate3A_24 = tpu.concatenate %broadcast_in_dim3A_13, %broadcast_in_dim3A_18, %broadcast_in_dim3A_23 in 1 : vector<1000x64xf32>, vector<1000x64xf32>, vector<1000x64xf32> -> vector<1000x192xf32>
    %add3A = arith.constant 1.000000e-16 : f32
    %add3A_25 = vector.broadcast %add3A : f32 to vector<1000x192xf32>
    %add3A_26 = arith.addf %concatenate3A_24, %add3A_25 : vector<1000x192xf32>
    %div3A = arith.divf %concatenate3A, %add3A_26 : vector<1000x192xf32>
    %add3A_27 = vector.broadcast %get3A_5 : vector<1x192xf32> to vector<1000x192xf32>
    %add3A_28 = arith.addf %div3A, %add3A_27 : vector<1000x192xf32>
    %max3A = arith.constant 0.000000e+00 : f32
    %max3A_29 = vector.broadcast %max3A : f32 to vector<1000x192xf32>
    %max3A_30 = arith.maximumf %add3A_28, %max3A_29 : vector<1000x192xf32>
    %get3A_31 = arith.constant 0 : index
    %get3A_32 = arith.constant 0 : index
    %get3A_33 = vector.load %arg3[%get3A_31, %get3A_32] : memref<192x128xf32, #tpu.memory_space<vmem>>, vector<192x128xf32>
    %dot_general3A = arith.constant dense<0.000000e+00> : vector<1000x128xf32>
    %dot_general3A_34 = tpu.matmul %max3A_30, %get3A_33, %dot_general3A {dimension_numbers = #tpu.dot_dimension_numbers<[1], [0], [0], [1], [0, 0, 1, 1], [], []>, precision = #tpu.contract_precision<fp32>, transpose_lhs_hint = false} : vector<1000x192xf32>, vector<192x128xf32>, vector<1000x128xf32> -> vector<1000x128xf32>
    %slice3A_35 = vector.extract_strided_slice %dot_general3A_34 {offsets = [0, 0], sizes = [1000, 64], strides = [1, 1]} : vector<1000x128xf32> to vector<1000x64xf32>
    %swap3A = arith.constant 0 : index
    %swap3A_36 = arith.constant 0 : index
    %swap3A_37 = vector.load %arg7[%swap3A, %swap3A_36] : memref<1000x64xf32, #tpu.memory_space<vmem>>, vector<1000x64xf32>
    tpu.vector_store %arg7[%swap3A, %swap3A_36], %slice3A_35 {strides = array<i32>} : memref<1000x64xf32, #tpu.memory_space<vmem>>, vector<1000x64xf32>,
    %slice3A_38 = vector.extract_strided_slice %dot_general3A_34 {offsets = [0, 64], sizes = [1000, 64], strides = [1, 1]} : vector<1000x128xf32> to vector<1000x64xf32>
    %swap3A_39 = arith.constant 0 : index
    %swap3A_40 = arith.constant 0 : index
    %swap3A_41 = vector.load %arg8[%swap3A_39, %swap3A_40] : memref<1000x64xf32, #tpu.memory_space<vmem>>, vector<1000x64xf32>
    tpu.vector_store %arg8[%swap3A_39, %swap3A_40], %slice3A_38 {strides = array<i32>} : memref<1000x64xf32, #tpu.memory_space<vmem>>, vector<1000x64xf32>,
    %get3A_42 = arith.constant 0 : index
    %get3A_43 = arith.constant 0 : index
    %get3A_44 = vector.load %arg5[%get3A_42, %get3A_43] : memref<128x8xf32, #tpu.memory_space<vmem>>, vector<128x8xf32>
    %dot_general3A_45 = arith.constant dense<0.000000e+00> : vector<1000x8xf32>
    %dot_general3A_46 = tpu.matmul %dot_general3A_34, %get3A_44, %dot_general3A_45 {dimension_numbers = #tpu.dot_dimension_numbers<[1], [0], [0], [1], [0, 0, 1, 1], [], []>, precision = #tpu.contract_precision<fp32>, transpose_lhs_hint = false} : vector<1000x128xf32>, vector<128x8xf32>, vector<1000x8xf32> -> vector<1000x8xf32>
    %swap3A_47 = arith.constant 0 : index
    %swap3A_48 = arith.constant 0 : index
    %swap3A_49 = vector.load %arg9[%swap3A_47, %swap3A_48] : memref<1000x8xf32, #tpu.memory_space<vmem>>, vector<1000x8xf32>
    tpu.vector_store %arg9[%swap3A_47, %swap3A_48], %dot_general3A_46 {strides = array<i32>} : memref<1000x8xf32, #tpu.memory_space<vmem>>, vector<1000x8xf32>,
    %get3A_50 = arith.constant 0 : index
    %get3A_51 = arith.constant 0 : index
    %get3A_52 = vector.load %arg4[%get3A_50, %get3A_51] : memref<192x128xf32, #tpu.memory_space<vmem>>, vector<192x128xf32>
    %dot_general3A_53 = arith.constant dense<0.000000e+00> : vector<1000x128xf32>
    %dot_general3A_54 = tpu.matmul %max3A_30, %get3A_52, %dot_general3A_53 {dimension_numbers = #tpu.dot_dimension_numbers<[1], [0], [0], [1], [0, 0, 1, 1], [], []>, precision = #tpu.contract_precision<fp32>, transpose_lhs_hint = false} : vector<1000x192xf32>, vector<192x128xf32>, vector<1000x128xf32> -> vector<1000x128xf32>
    %get3A_55 = arith.constant 0 : index
    %get3A_56 = arith.constant 0 : index
    %get3A_57 = vector.load %arg6[%get3A_55, %get3A_56] : memref<128x8xf32, #tpu.memory_space<vmem>>, vector<128x8xf32>
    %dot_general3A_58 = arith.constant dense<0.000000e+00> : vector<1000x8xf32>
    %dot_general3A_59 = tpu.matmul %dot_general3A_54, %get3A_57, %dot_general3A_58 {dimension_numbers = #tpu.dot_dimension_numbers<[1], [0], [0], [1], [0, 0, 1, 1], [], []>, precision = #tpu.contract_precision<fp32>, transpose_lhs_hint = false} : vector<1000x128xf32>, vector<128x8xf32>, vector<1000x8xf32> -> vector<1000x8xf32>
    %swap3A_60 = arith.constant 0 : index
    %swap3A_61 = arith.constant 0 : index
    %swap3A_62 = vector.load %arg10[%swap3A_60, %swap3A_61] : memref<1000x8xf32, #tpu.memory_space<vmem>>, vector<1000x8xf32>
    tpu.vector_store %arg10[%swap3A_60, %swap3A_61], %dot_general3A_59 {strides = array<i32>} : memref<1000x8xf32, #tpu.memory_space<vmem>>, vector<1000x8xf32>,
    return
  }
  func.func @transform_0(%arg0: i32) -> (i32, i32, i32) {
    %c0_i32 = arith.constant 0 : i32
    %c0_i32_0 = arith.constant 0 : i32
    %c0_i32_1 = arith.constant 0 : i32
    return %c0_i32, %arg0, %c0_i32_0 : i32, i32, i32
  }
  func.func @transform_1(%arg0: i32) -> (i32, i32) {
    %c0_i32 = arith.constant 0 : i32
    %c0_i32_0 = arith.constant 0 : i32
    %c0_i32_1 = arith.constant 0 : i32
    return %c0_i32, %c0_i32_0 : i32, i32
  }
  func.func @transform_2(%arg0: i32) -> (i32, i32) {
    %c0_i32 = arith.constant 0 : i32
    %c0_i32_0 = arith.constant 0 : i32
    %c0_i32_1 = arith.constant 0 : i32
    return %c0_i32, %c0_i32_0 : i32, i32
  }
  func.func @transform_3(%arg0: i32) -> (i32, i32) {
    %c0_i32 = arith.constant 0 : i32
    %c0_i32_0 = arith.constant 0 : i32
    %c0_i32_1 = arith.constant 0 : i32
    return %c0_i32, %c0_i32_0 : i32, i32
  }
  func.func @transform_4(%arg0: i32) -> (i32, i32) {
    %c0_i32 = arith.constant 0 : i32
    %c0_i32_0 = arith.constant 0 : i32
    %c0_i32_1 = arith.constant 0 : i32
    return %c0_i32, %c0_i32_0 : i32, i32
  }
  func.func @transform_5(%arg0: i32) -> (i32, i32) {
    %c0_i32 = arith.constant 0 : i32
    %c0_i32_0 = arith.constant 0 : i32
    %c0_i32_1 = arith.constant 0 : i32
    return %c0_i32, %c0_i32_0 : i32, i32
  }
  func.func @transform_6(%arg0: i32) -> (i32, i32) {
    %c0_i32 = arith.constant 0 : i32
    %c0_i32_0 = arith.constant 0 : i32
    return %arg0, %c0_i32 : i32, i32
  }
  func.func @transform_7(%arg0: i32) -> (i32, i32) {
    %c0_i32 = arith.constant 0 : i32
    %c0_i32_0 = arith.constant 0 : i32
    return %arg0, %c0_i32 : i32, i32
  }
  func.func @transform_8(%arg0: i32) -> (i32, i32) {
    %c0_i32 = arith.constant 0 : i32
    %c0_i32_0 = arith.constant 0 : i32
    return %arg0, %c0_i32 : i32, i32
  }
  func.func @transform_9(%arg0: i32) -> (i32, i32) {
    %c0_i32 = arith.constant 0 : i32
    %c0_i32_0 = arith.constant 0 : i32
    return %arg0, %c0_i32 : i32, i32
  }
}

module attributes {stable_mosaic.version = 14 : i64} {
  func.func @body(%arg0: i32, %arg1: memref<2x1000x72xf32, #tpu.memory_space<vmem>>, %arg2: memref<1x128xf32, #tpu.memory_space<vmem>>, %arg3: memref<1000x128xf32, #tpu.memory_space<vmem>>) attributes {dimension_semantics = [#tpu.dimension_semantics<arbitrary>], iteration_bounds = array<i64: 10>, scalar_prefetch = 0 : i64, scratch_operands = 0 : i64, tpu.core_type = #tpu.core_type<tc>, window_params = [{transform_indices = @transform_0, window_bounds = array<i64: 2, 1000, 72>}, {pipeline_mode = #tpu.pipeline_mode<synchronous>, transform_indices = @transform_1, window_bounds = array<i64: 1, 128>}, {transform_indices = @transform_2, window_bounds = array<i64: 1000, 128>}]} {
    %get3A = arith.constant 0 : index
    %get3A_0 = arith.constant 0 : index
    %get3A_1 = arith.constant 0 : index
    %get3A_2 = vector.load %arg1[%get3A, %get3A_0, %get3A_1] : memref<2x1000x72xf32, #tpu.memory_space<vmem>>, vector<2x1000x72xf32>
    %get3A_3 = arith.constant 0 : index
    %get3A_4 = arith.constant 0 : index
    %get3A_5 = vector.load %arg2[%get3A_3, %get3A_4] : memref<1x128xf32, #tpu.memory_space<vmem>>, vector<1x128xf32>
    %slice3A = vector.extract_strided_slice %get3A_2 {offsets = [0, 0, 0], sizes = [1, 1000, 72], strides = [1, 1, 1]} : vector<2x1000x72xf32> to vector<1x1000x72xf32>
    %squeeze3A = vector.shape_cast %slice3A : vector<1x1000x72xf32> to vector<1000x72xf32>
    %slice3A_6 = vector.extract_strided_slice %squeeze3A {offsets = [0, 0], sizes = [1000, 64], strides = [1, 1]} : vector<1000x72xf32> to vector<1000x64xf32>
    %slice3A_7 = vector.extract_strided_slice %get3A_2 {offsets = [1, 0, 0], sizes = [1, 1000, 72], strides = [1, 1, 1]} : vector<2x1000x72xf32> to vector<1x1000x72xf32>
    %squeeze3A_8 = vector.shape_cast %slice3A_7 : vector<1x1000x72xf32> to vector<1000x72xf32>
    %slice3A_9 = vector.extract_strided_slice %squeeze3A_8 {offsets = [0, 0], sizes = [1000, 64], strides = [1, 1]} : vector<1000x72xf32> to vector<1000x64xf32>
    %concatenate3A = tpu.concatenate %slice3A_6, %slice3A_9 in 1 : vector<1000x64xf32>, vector<1000x64xf32> -> vector<1000x128xf32>
    %slice3A_10 = vector.extract_strided_slice %get3A_2 {offsets = [0, 0, 0], sizes = [1, 1000, 72], strides = [1, 1, 1]} : vector<2x1000x72xf32> to vector<1x1000x72xf32>
    %squeeze3A_11 = vector.shape_cast %slice3A_10 : vector<1x1000x72xf32> to vector<1000x72xf32>
    %slice3A_12 = vector.extract_strided_slice %squeeze3A_11 {offsets = [0, 64], sizes = [1000, 1], strides = [1, 1]} : vector<1000x72xf32> to vector<1000x1xf32>
    %broadcast_in_dim3A = vector.shape_cast %slice3A_12 : vector<1000x1xf32> to vector<1000x1xf32>
    %broadcast_in_dim3A_13 = vector.broadcast %broadcast_in_dim3A : vector<1000x1xf32> to vector<1000x128xf32>
    %add3A = arith.constant 1.000000e-16 : f32
    %add3A_14 = vector.broadcast %add3A : f32 to vector<1000x128xf32>
    %add3A_15 = arith.addf %broadcast_in_dim3A_13, %add3A_14 : vector<1000x128xf32>
    %div3A = arith.divf %concatenate3A, %add3A_15 : vector<1000x128xf32>
    %add3A_16 = vector.broadcast %get3A_5 : vector<1x128xf32> to vector<1000x128xf32>
    %add3A_17 = arith.addf %div3A, %add3A_16 : vector<1000x128xf32>
    %swap3A = arith.constant 0 : index
    %swap3A_18 = arith.constant 0 : index
    %swap3A_19 = vector.load %arg3[%swap3A, %swap3A_18] : memref<1000x128xf32, #tpu.memory_space<vmem>>, vector<1000x128xf32>
    tpu.vector_store %arg3[%swap3A, %swap3A_18], %add3A_17 {strides = array<i32>} : memref<1000x128xf32, #tpu.memory_space<vmem>>, vector<1000x128xf32>,
    return
  }
  func.func @transform_0(%arg0: i32) -> (i32, i32, i32) {
    %c0_i32 = arith.constant 0 : i32
    %c0_i32_0 = arith.constant 0 : i32
    %c0_i32_1 = arith.constant 0 : i32
    return %c0_i32, %arg0, %c0_i32_0 : i32, i32, i32
  }
  func.func @transform_1(%arg0: i32) -> (i32, i32) {
    %c0_i32 = arith.constant 0 : i32
    %c0_i32_0 = arith.constant 0 : i32
    %c0_i32_1 = arith.constant 0 : i32
    return %c0_i32, %c0_i32_0 : i32, i32
  }
  func.func @transform_2(%arg0: i32) -> (i32, i32) {
    %c0_i32 = arith.constant 0 : i32
    %c0_i32_0 = arith.constant 0 : i32
    return %arg0, %c0_i32 : i32, i32
  }
}

</mosaic_0001>

<sc_bundles>
// kernel: kernel.12.cloned.1.call-start
scs
__scs_entry_jumppad:
0x0: {  	(pc) =	sbr.rel $0x88, $3  }
0x1: {  	(tag) =	ssettag $0x0;
	lr =	simm.s32 $0x1  }
0x2: {  	[smem:$0x3F89] =	sst lr;
	_ =	strace $0xD0000000  }
0x3: {  	_ = 	snop  }
0x4: {  	_ = 	snop  }
0x5: {  	_ = 	snop  }
0x6: {  	_ = 	snop  }
0x7: {  	_ = 	snop  }
__scs_overlays_trampoline_lowered:
0x8: {  	[smem:$0x3F98] =	sst s0  }
0x9: {  	[smem:$0x3F99] =	sst s1  }
0xa: {  	[smem:$0x3F9A] =	sst s2  }
0xb: {  	[smem:$0x3F9B] =	sst s3  }
0xc: {  	[smem:$0x3F9C] =	sst s4  }
0xd: {  	[smem:$0x3F9D] =	sst s5  }
0xe: {  	[smem:$0x3F9E] =	sst s6  }
0xf: {  	[smem:$0x3F9F] =	sst s7  }
0x10: {  	[smem:$0x3FA0] =	sst s8  }
0x11: {  	[smem:$0x3FA1] =	sst s9;
	s0 =	simm.s32 @!p0 $0x0  }
0x12: {  	s1 =	sld [smem:$0x3F87];
	s0 =	simm.s32 @p0 $0x1  }
0x13: {  	[smem:$0x3FA2] =	sst s0;
	s0 =	simm.s32 @!p1 $0x0  }
0x14: {  	s2 =	sld [smem:$0x3F86];
	s0 =	simm.s32 @p1 $0x1  }
0x15: {  	[smem:$0x3FA3] =	sst s0;
	s0 =	simm.s32 @!p2 $0x0  }
0x16: {  	s3 =	sld [smem:$0x3FDB];
	s0 =	simm.s32 @p2 $0x1  }
0x17: {  	s4 =	simm.s32 $0x1BF5;
	[smem:$0x3FA5] =	sst s0  }
0x18: {  	s0 =	sld [smem:$0x3F88];
	_ =	swait.ge [sflag:s4], $0x0  }
0x19: {  	s7 =	sld [smem:$0x3F89]  }
0x1a: {  	s8 =	sadd.s32 $0xFFFFE003, lr  }
0x1b: {  	s9 =	sadd.s32 $0xFFFFFEF7, lr;
	s5 =	simm.s32 $0xFFFFFFFF;
	p2 =	slt.u32 s8, $0xFFFFF086  }
0x1c: {  	p1 =	slt.u32 s9, $0xF7A;
	s5 =	simm.s32 @!p2 $0x0  }
0x1d: {  	s5 =	simm.s32 @p1 $0x1;
	p0 =	seq.s32 s7, s2  }
0x1e: {  	s7 =	smul.u32 @!p0 $0xF7A, s2;
	p2 =	seq.s32 @!p0 s5, $0x0  }
0x1f: {  	s9 =	smul.u32 $0xF7A, s1;
	s8 =	simm.s32 @!p0 $0x1BF5;
	p2 =	por !p2, p0  }
0x20: {  	[sflag:s8] =	ssyncset.s32 @!p0 $0xFFFFF086;
	s6 =	sadd.s32 @!p0 s3, s7;
	s7 =	simm.s32 @!p0 $0x108  }
0x21: {  	s3 =	sadd.s32 s3, s9;
	s6 =	sadd.s32 @!p0 $0x88, s6;
	s7 =	simm.s32 @p2 $0x1082  }
0x22: {  	[simem:s7], [sflag:s8] =	dma.local @!p0 [hbm:s6], $0xF7A  }
0x23: {  	s9 =	sor.u32 $0xD0000000, s2;
	s6 =	simm.s32 $0x108;
	_ =	swait.ge @!p0 [sflag:s8], $0x0  }
0x24: {  	s3 =	sadd.s32 $0x88, s3;
	s6 =	simm.s32 @!p1 $0x1082;
	[sflag:s4] =	ssyncset.s32 $0xFFFFF086  }
0x25: {  	[simem:s6], [sflag:s4] =	dma.local [hbm:s3], $0xF7A  }
0x26: {  	[smem:$0x3F89] =	sst s1;
	(tag) =	ssettag s2;
	_ =	strace s9  }
0x27: {  	s1 =	sld [smem:$0x3F99]  }
0x28: {  	s2 =	sld [smem:$0x3F9A]  }
0x29: {  	s4 =	sld [smem:$0x3F9C]  }
0x2a: {  	p0 =	seq.s32 s5, $0x0;
	s5 =	sld [smem:$0x3F9D]  }
0x2b: {  	s6 =	sld [smem:$0x3F9E]  }
0x2c: {  	s7 =	sld [smem:$0x3F9F]  }
0x2d: {  	s3 =	simm.s32 $0x108;
	s8 =	sld [smem:$0x3FA0]  }
0x2e: {  	s3 =	simm.s32 @!p0 $0x1082;
	s9 =	sld [smem:$0x3FA1]  }
0x2f: {  	lr =	sadd.s32 s0, s3;
	s0 =	sld [smem:$0x3F98]  }
0x30: {  	s3 =	sld [smem:$0x3F9B]  }
0x31: {  	[smem:$0x3FA4] =	sst s10  }
0x32: {  	s10 =	sld [smem:$0x3FA2];
	_ =	sdelay $0x3  }
0x33: {  	p0 =	seq.s32 s10, $0x1;
	s10 =	sld [smem:$0x3FA4];
	_ =	sdelay $0x3  }
0x34: {  	[smem:$0x3FA4] =	sst s10  }
0x35: {  	s10 =	sld [smem:$0x3FA3];
	_ =	sdelay $0x3  }
0x36: {  	p1 =	seq.s32 s10, $0x1;
	s10 =	sld [smem:$0x3FA4];
	_ =	sdelay $0x3  }
0x37: {  	[smem:$0x3FA4] =	sst s10  }
0x38: {  	s10 =	sld [smem:$0x3FA5]  }
0x39: {  	_ = 	snop;
	(pc) =	sbr.ind lr, $3  }
0x3a: {  	_ = 	snop  }
0x3b: {  	_ = 	snop  }
0x3c: {  	p2 =	seq.s32 s10, $0x1;
	s10 =	sld [smem:$0x3FA4]  }
0x3d: {  	_ =	shalt  }
0x3e: {  	_ =	shalt  }
0x3f: {  	_ =	shalt  }
0x40: {  	_ =	shalt  }
0x41: {  	_ =	shalt  }
0x42: {  	_ =	shalt  }
0x43: {  	_ =	shalt  }
0x44: {  	_ =	shalt  }
0x45: {  	_ =	shalt  }
0x46: {  	_ =	shalt  }
0x47: {  	_ =	shalt  }
0x48: {  	_ =	shalt  }
0x49: {  	_ =	shalt  }
0x4a: {  	_ =	shalt  }
0x4b: {  	_ =	shalt  }
0x4c: {  	_ =	shalt  }
0x4d: {  	_ =	shalt  }
0x4e: {  	_ =	shalt  }
0x4f: {  	_ =	shalt  }
0x50: {  	_ =	shalt  }
0x51: {  	_ =	shalt  }
0x52: {  	_ =	shalt  }
0x53: {  	_ =	shalt  }
0x54: {  	_ =	shalt  }
0x55: {  	_ =	shalt  }
0x56: {  	_ =	shalt  }
0x57: {  	_ =	shalt  }
0x58: {  	_ =	shalt  }
0x59: {  	_ =	shalt  }
0x5a: {  	_ =	shalt  }
0x5b: {  	_ =	shalt  }
0x5c: {  	_ =	shalt  }
0x5d: {  	_ =	shalt  }
0x5e: {  	_ =	shalt  }
0x5f: {  	_ =	shalt  }
0x60: {  	_ =	shalt  }
0x61: {  	_ =	shalt  }
0x62: {  	_ =	shalt  }
0x63: {  	_ =	shalt  }
0x64: {  	_ =	shalt  }
0x65: {  	_ =	shalt  }
0x66: {  	_ =	shalt  }
0x67: {  	_ =	shalt  }
0x68: {  	_ =	shalt  }
0x69: {  	_ =	shalt  }
0x6a: {  	_ =	shalt  }
0x6b: {  	_ =	shalt  }
0x6c: {  	_ =	shalt  }
0x6d: {  	_ =	shalt  }
0x6e: {  	_ =	shalt  }
0x6f: {  	_ =	shalt  }
0x70: {  	_ =	shalt  }
0x71: {  	_ =	shalt  }
0x72: {  	_ =	shalt  }
0x73: {  	_ =	shalt  }
0x74: {  	_ =	shalt  }
0x75: {  	_ =	shalt  }
0x76: {  	_ =	shalt  }
0x77: {  	_ =	shalt  }
0x78: {  	_ =	shalt  }
0x79: {  	_ =	shalt  }
0x7a: {  	_ =	shalt  }
0x7b: {  	_ =	shalt  }
0x7c: {  	_ =	shalt  }
0x7d: {  	_ =	shalt  }
0x7e: {  	_ =	shalt  }
0x7f: {  	_ =	shalt  }
0x80: {  	_ =	shalt  }
0x81: {  	_ =	shalt  }
0x82: {  	_ =	shalt  }
0x83: {  	_ =	shalt  }
0x84: {  	_ =	shalt  }
0x85: {  	_ =	shalt  }
0x86: {  	_ =	shalt  }
0x87: {  	_ =	shalt  }
.Lfunc_end0:
.L_simem_size_0:
called_computation.1_lowered:
.L_overlay_start_0:
0x88: {  	s2 =	sld [smem:$0x3FD9]  }
0x89: {  	s3 =	sld [smem:$0x3FFE];
	_ =	sdelay $0x1  }
0x8a: {  	s1 =	srdreg.scid  }
0x8b: {  	s0 =	sand.u32 $0x1, s1  }
0x8c: {  	s17 =	sshll.u32 s0, $0xA;
	s2 =	sadd.s32 s3, s2  }
0x8d: {  	s2 =	sadd.s32 s2, s17  }
0x8e: {  	[smem:$0x3FB0] =	sst s2  }
0x8f: {  	_ = 	snop  }
0x90: {  	s2 =	sld [smem:$0x3FD0];
	(tm) =	ssettm $0x1  }
0x91: {  	s18 =	sld [smem:$0x3FFB];
	_ =	sdelay $0x3  }
0x92: {  	_ =	strace s18  }
0x93: {  	s3 =	sld [smem:$0x3FFC];
	_ =	sdelay $0x3  }
0x94: {  	_ =	strace s3  }
0x95: {  	s3 =	sld [smem:$0x3FFD];
	_ =	sdelay $0x3  }
0x96: {  	_ =	strace s3  }
0x97: {  	_ =	strace $0x8FFFFFFF  }
0x98: {  	s19 =	sld [smem:$0x3FDB];
	_ =	sdelay $0x1  }
0x99: {  	s4 =	simm.s32 $_scs_section_size  }
0x9a: {  	s5 =	simm.s32 $_size__tile_overlayer_lowered;
	s6 =	simm.s32 $_tile_overlayer_lowered  }
0x9b: {  	s22 =	simm.s32 $0x1BFF;
	s21 =	sshll.u32 s6, $0x1;
	s3 =	sadd.s32 s4, s19  }
0x9c: {  	s7 =	simm.s32 $0x0;
	s20 =	sshll.u32 s5, $0x1;
	s5 =	sadd.s32 s21, s3  }
0x9d: {  	[timem:s7], [sflag:s22] =	dma.local [hbm:s5], s20  }
0x9e: {  	_ =	swait.ge [sflag:s22], s20  }
0x9f: {  	s4 =	ssub.s32 $0x0, s20;
	[sflag:s22] =	ssyncset.done $0x0  }
0xa0: {  	[sflag:s22] =	ssyncadd.s32 s4;
	_ =	sdelay $0x1  }
0xa1: {  	s23 =	simm.s32 $0x1B8B  }
0xa2: {  	_ =	swait.ge [sflag:s23], $0x1  }
0xa3: {  	[sflag:s23] =	ssyncset.done $0x0  }
0xa4: {  	s25 =	simm.s32 $0x1B8E;
	s24 =	sld [smem:$0x3FFE];
	[sflag:s23] =	ssyncadd.s32 $0xFFFFFFFF  }
0xa5: {  	s26 =	simm.s32 $execute0_lowered;
	[smem:$0x3FD2] =	sst s25  }
0xa6: {  	s5 =	sshll.u32 s26, $0x1;
	_ =	strace $0x80000049;
	[dreg:$0x1] =	wrdreg $0xFFFFFFFF  }
0xa7: {  	s28 =	simm.s32 $_size_execute0_lowered;
	s3 =	sadd.s32 s3, s5;
	[dreg:$0x0] =	wrdreg $0x0  }
0xa8: {  	s5 =	sshll.u32 s28, $0x1;
	[dreg:$0x2] =	wrdreg s3  }
0xa9: {  	[dreg:$0x3] =	wrdreg s5  }
0xaa: {  	[dreg:$0x4] =	wrdreg $0xC0  }
0xab: {  	_ =	task [dreg:s7], $0x5FFFF  }
0xac: {  	[dreg:$0x1] =	wrdreg $0xFFFFFFFF  }
0xad: {  	[dreg:$0x0] =	wrdreg $0x60  }
0xae: {  	[dreg:$0x2] =	wrdreg s24  }
0xaf: {  	[dreg:$0x3] =	wrdreg s2  }
0xb0: {  	[dreg:$0x4] =	wrdreg $0x27100  }
0xb1: {  	[dreg:$0x5] =	wrdreg $0x0  }
0xb2: {  	[dreg:$0x6] =	wrdreg $0x13880  }
0xb3: {  	[dreg:$0x7] =	wrdreg $0x9  }
0xb4: {  	_ =	task.clear_ibuf [dreg:s7], $0x8FFFF;
	_ =	strace $0x90000049  }
0xb5: {  	s29 =	simm.s32 $0x9;
	_ =	strace $0x8000004B  }
0xb6: {  	_ =	swait.ge [sflag:s29], $0x1  }
0xb7: {  	[sflag:s29] =	ssyncadd.s32 $0xFFFFFFFF  }
0xb8: {  	_ =	strace $0x9000004B  }
0xb9: {  	_ =	sfence  }
0xba: {  	s30 =	sld [smem:$0x0];
	_ =	sdelay $0x2  }
0xbb: {  	s31 =	sshll.u32 s1, $0xD;
	s1 =	sshrl.u32 s1, $0x2  }
0xbc: {  	s3 =	sand.u32 $0x4000, s31;
	s1 =	sadd.s32 s1, s30  }
0xbd: {  	s0 =	sor.u32 s3, s0;
	s1 =	sshll.u32 s1, $0x11  }
0xbe: {  	s0 =	sor.u32 s1, s0  }
0xbf: {  	s0 =	sadd.s32 $0x8F2B, s0  }
0xc0: {  	[sflag:s0] =	ssyncadd.remote.s32 $0x1  }
0xc1: {  	_ =	sfence.sel $0xFFFF  }
0xc2: {  	[dreg:$0x0] =	wrdreg $0xFFFFFFFF;
	(pc) =	sbr.abs _section_cstart, $3  }
0xc3: {  	[dreg:$0x1] =	wrdreg $0xFFFFFFFF  }
0xc4: {  	_ =	task.clear_ibuf [dreg:s7], $0x2FFFF;
	_ =	strace $0x9FFFFFFF  }
0xc5: {  	(tm) =	ssettm $0x7FFFFFFF  }
tec
execute0_lowered:
.L_overlay_start_1:
0x0: {  	(tag) =	ssettag $0x1  }
0x1: {  	s0 =	rddreg [dreg:$0x0]  }
0x2: {  	s2 =	rddreg [dreg:$0x2]  }
0x3: {  	s3 =	rddreg [dreg:$0x3]  }
0x4: {  	s4 =	rddreg [dreg:$0x4]  }
0x5: {  	s5 =	simm.s32 $0x0;
	s1 =	srdreg.scid;
	s18 =	stileid.u32  }
0x6: {  	s17 =	simm.s32 $0x3;
	s28 =	simm.s32 $0x50;
	s29 =	simm.s32 $0x12578  }
0x7: {  	s30 =	simm.s32 $0x12B68;
	s31 =	simm.s32 $0x12668;
	s16 =	simm.s32 $0x0  }
0x8: {  	[smem:$0x7FF] =	sst s5;
	s6 =	sadd.s32 $0xC00, s0;
	s1 =	sand.u32 $0x1, s1  }
0x9: {  	s7 =	sadd.s32 $0x3B600, s0;
	s8 =	sadd.s32 $0x47C00, s0;
	s9 =	sadd.s32 $0x3DE00, s0  }
0xa: {  	v1 =	vlaneseq.u32;
	s11 =	smul.u32 $0xFDE8, s18;
	s22 =	sadd.s32 $0x5B800, s0;
	s24 =	sadd.s32 $0x5BC00, s0  }
0xb: {  	v33 =	vmul.u32 $0x68, v1;
	p0 =	sne.s32 s18, $0x0;
	s26 =	sshll.u32 s18, $0x6;
	s10 =	smul.u32 $0x60, s1  }
0xc: {  	_ =	strace $0x8000004A;
	[dreg:$0x6] =	wrdreg s7;
	s12 =	smul.u32 $0xFDE80, s1  }
0xd: {  	s15 =	smul.u32 $0x2710, s1;
	s1 =	ssub.s32 $0x2, s1;
	[dreg:$0x7] =	wrdreg s22;
	v5 =	vadd.s32 $0x60, v33;
	v7 =	vadd.s32 $0x61, v33;
	v9 =	vadd.s32 $0x62, v33  }
0xe: {  	[dreg:$0x8] =	wrdreg s24;
	s24 =	simm.s32 $0x125C8;
	s23 =	sshrl.u32 s1, $0x1;
	v11 =	vadd.s32 $0x6E0, v33;
	v13 =	vadd.s32 $0x6E1, v33;
	v15 =	vadd.s32 $0x6E2, v33  }
0xf: {  	v17 =	vadd.s32 $0xD60, v33;
	v19 =	vadd.s32 $0xD61, v33;
	v21 =	vadd.s32 $0xD62, v33;
	s13 =	sshrl.u32 s10, $0x6;
	s14 =	sadd.s32 $0x20, s10;
	s20 =	sadd.s32 $0x40, s10  }
0x10: {  	v23 =	vadd.s32 $0x13E0, v33;
	v25 =	vadd.s32 $0x13E1, v33;
	v27 =	vadd.s32 $0x13E2, v33;
	s10 =	sadd.s32 $0x51A00, s0;
	s12 =	sadd.s32 s11, s12;
	s1 =	ssub.s32 s1, s23  }
0x11: {  	v29 =	vadd.s32 $0x1A60, v33;
	v31 =	vadd.s32 $0x1A61, v33;
	s11 =	sadd.s32 s11, s2;
	s23 =	simm.s32 $0x12528;
	v0 =	vmov s13;
	s19 =	sshrl.u32 s14, $0x6  }
0x12: {  	v33 =	vadd.s32 $0x1A62, v33;
	s14 =	sshrl.u32 s20, $0x6;
	s12 =	sshrl.u32 s12, $0x3;
	v2 =	vor.u32 $0x60, v0;
	s13 =	sor.u32 $0x60, s19;
	v0 =	vmul.u32 $0x8, v1  }
0x13: {  	s25 =	smax.u32 s1, $0x1;
	s20 =	simm.s32 $0x14968;
	v1 =	vmov s15;
	s21 =	sor.u32 $0x60, s14;
	v2 =	vbroadcast v2, $0x0;
	v3 =	vmov s13  }
0x14: {  	s1 =	simm.s32 $0x1;
	s0 =	sadd.s32 s12, s0;
	[dreg:$0xa] =	wrdreg s25;
	v4 =	vmov s21;
	v6 =	vor.u32 $0x1, v0;
	v8 =	vor.u32 $0x2, v0  }
0x15: {  	s19 =	sshrl.u32 s11, $0x3;
	s25 =	simm.s32 $0x12618;
	s0 =	sadd.s32 $0x5DC00, s0;
	v10 =	vor.u32 $0x80, v0;
	v12 =	vor.u32 $0x81, v0;
	v14 =	vor.u32 $0x82, v0  }
0x16: {  	s13 =	smul.u32 $0x4E20, s18;
	[dreg:$0x9] =	wrdreg s0;
	v16 =	vor.u32 $0x100, v0;
	v18 =	vor.u32 $0x101, v0;
	s0 =	sshrl.u32 @!p0 s3, $0x3;
	v20 =	vor.u32 $0x102, v0  }
0x17: {  	s18 =	sor.u32 $0x1C03, s26;
	v22 =	vor.u32 $0x180, v0;
	v24 =	vor.u32 $0x181, v0;
	v26 =	vor.u32 $0x182, v0;
	[dreg:$0xb] =	wrdreg s0;
	s0 =	sshrl.u32 @!p0 s4, $0x3  }
0x18: {  	s26 =	simm.s32 $0x2;
	v28 =	vor.u32 $0x200, v0;
	v30 =	vor.u32 $0x201, v0;
	v32 =	vor.u32 $0x202, v0;
	[dreg:$0xc] =	wrdreg s0;
	s0 =	simm.s32 $0x128E8  }
.LBB2_1:
0x19: {  	s7 =	rddreg [dreg:$0x7];
	s11 =	simm.s32 $0x124F8  }
0x1a: {  	[tilespmem:s11], [sflag:$0x3] =	stream.linear.gather [hbm4b:s7+s5], $0x30, $0x38;
	[tilespmem:$0x169E8] =	vst v63  }
0x1b: {  	_ =	swait.ge [sflag:s17], $0x30  }
0x1c: {  	[sflag:s17] =	ssyncset.done $0x0  }
0x1d: {  	s22 =	rddreg [dreg:$0x8];
	[sflag:s17] =	ssyncadd.s32 $0xFFFFFFD0  }
0x1e: {  	[spmem:s19], [sflag:s18] =	dma.local [hbm:s22], $0x1FBD  }
0x1f: {  	_ =	swait.ge [sflag:s17], $0x1FBD  }
0x20: {  	[sflag:s17] =	ssyncset.done $0x0  }
0x21: {  	[sflag:s17] =	ssyncadd.s32 $0xFFFFE043  }
0x22: {  	[tilespmem:s20], [sflag:$0x3] =	stream.linear.gather [hbm4b:s22+s5], $0x2080, $0x38;
	[tilespmem:$0x169E8] =	vst v63  }
0x23: {  	_ =	swait.ge [sflag:s17], $0x2080  }
0x24: {  	[sflag:s17] =	ssyncset.done $0x0  }
0x25: {  	s11 =	rddreg [dreg:$0xb];
	[sflag:s17] =	ssyncadd.s32 $0xFFFFDF80  }
0x26: {  	s7 =	rddreg [dreg:$0x1]  }
0x27: {  	[spmem:s11], [sflag:s18] =	dma.local @!p0 [hbm:s7], $0x2710  }
0x28: {  	s7 =	simm.s32 @!p0 $0x3  }
0x29: {  	_ =	swait.ge @!p0 [sflag:s7], $0x2710  }
0x2a: {  	[sflag:s7] =	ssyncset.done @!p0 $0x0;
	s11 =	rddreg [dreg:$0x6]  }
0x2b: {  	s12 =	rddreg [dreg:$0xc];
	[sflag:s7] =	ssyncadd.s32 @!p0 $0xFFFFD8F0  }
0x2c: {  	[spmem:s12], [sflag:s18] =	dma.local @!p0 [hbm:s11], $0x2710  }
0x2d: {  	_ =	swait.ge @!p0 [sflag:s7], $0x2710  }
0x2e: {  	[sflag:s7] =	ssyncset.done @!p0 $0x0  }
0x2f: {  	[sflag:s7] =	ssyncadd.s32 @!p0 $0xFFFFD8F0  }
0x30: {  	s7 =	simm.s32 $0x0;
	[bflag:$0x0] =	sbarrier.arrive $0xFFFF  }
.LBB2_2:
0x31: {  	s11 =	smul.u32 $0x50, s7;
	_ =	sdelay $0x1  }
0x32: {  	s11 =	sadd.s32 s13, s11  }
0x33: {  	s11 =	sshrl.u32 s11, $0x3  }
0x34: {  	s12 =	sadd.s32 s8, s11  }
0x35: {  	[tilespmem:s23], [sflag:$0x2] =	stream.linear.gather [hbm4b:s12+s5], $0x50, $0x38;
	[tilespmem:$0x169E8] =	vst v63  }
0x36: {  	s15 =	sadd.s32 s9, s11  }
0x37: {  	[tilespmem:s24], [sflag:$0x2] =	stream.linear.gather [hbm4b:s15+s5], $0x50, $0x38;
	[tilespmem:$0x169E8] =	vst v63  }
0x38: {  	s11 =	sadd.s32 s10, s11  }
0x39: {  	[tilespmem:s25], [sflag:$0x2] =	stream.linear.gather [hbm4b:s11+s5], $0x50, $0x38;
	[tilespmem:$0x169E8] =	vst v63  }
0x3a: {  	_ =	swait.ge [sflag:s26], $0x50  }
0x3b: {  	[sflag:s26] =	ssyncset.done $0x0  }
0x3c: {  	[sflag:s26] =	ssyncadd.s32 $0xFFFFFFB0  }
0x3d: {  	_ =	swait.ge [sflag:s26], $0x50  }
0x3e: {  	[sflag:s26] =	ssyncset.done $0x0  }
0x3f: {  	[sflag:s26] =	ssyncadd.s32 $0xFFFFFFB0  }
0x40: {  	_ =	swait.ge [sflag:s26], $0x50  }
0x41: {  	[sflag:s26] =	ssyncset.done $0x0  }
0x42: {  	[sflag:s26] =	ssyncadd.s32 $0xFFFFFFB0  }
0x43: {  	v34 =	vld [tilespmem:$0x12528]  }
0x44: {  	v35 =	vld [tilespmem:$0x12538]  }
0x45: {  	v36 =	vld [tilespmem:$0x12548]  }
0x46: {  	v37 =	vld [tilespmem:$0x12558]  }
0x47: {  	v38 =	vld [tilespmem:$0x12568]  }
0x48: {  	v34 =	vadd.s32 v1, v34  }
0x49: {  	v46 =	vadd.s32 v1, v35;
	[tilespmem:$0x12578] =	vst v34  }
0x4a: {  	v47 =	vadd.s32 v1, v36;
	[tilespmem:$0x12588] =	vst v46  }
0x4b: {  	v48 =	vadd.s32 v1, v37;
	[tilespmem:$0x12598] =	vst v47  }
0x4c: {  	v49 =	vadd.s32 v1, v38;
	[tilespmem:$0x125A8] =	vst v48  }
0x4d: {  	[tilespmem:$0x125B8] =	vst v49  }
0x4e: {  	[tilespmem:s30], [sflag:$0x1] =	stream.indirect.gather [hbm4b:s6+s28], $0x60, s29, s28, $0xb8;
	[tilespmem:$0x169E8] =	vst v63  }
0x4f: {  	_ = 	snop  }
0x50: {  	[tilespmem:s31], [sflag:$0x2] =	stream.indirect.gather [spmem:s3], $0x8, s23, s28, $0xb8;
	[tilespmem:$0x169E8] =	vst v63  }
0x51: {  	_ = 	snop  }
0x52: {  	[tilespmem:s0], [sflag:$0x2] =	stream.indirect.gather [spmem:s4], $0x8, s24, s28, $0xb8;
	[tilespmem:$0x169E8] =	vst v63  }
0x53: {  	_ =	swait.ge [sflag:s26], $0x280  }
0x54: {  	[sflag:s26] =	ssyncset.done $0x0  }
0x55: {  	[sflag:s26] =	ssyncadd.s32 $0xFFFFFD80  }
0x56: {  	_ =	swait.ge [sflag:s26], $0x280  }
0x57: {  	[sflag:s26] =	ssyncset.done $0x0  }
0x58: {  	[sflag:s26] =	ssyncadd.s32 $0xFFFFFD80  }
0x59: {  	v50 =	vld [tilespmem:$0x12618]  }
0x5a: {  	v51 =	vld.idx.msk [tilespmem:v0+s31+$0x0], $0xffff  }
0x5b: {  	v52 =	vld.idx.msk [tilespmem:v0+s0+$0x0], $0xffff  }
0x5c: {  	v53 =	vld [tilespmem:$0x124F8];
	_ =	sdelay $0x4  }
0x5d: {  	v35 =	vadd.f32 v52, v51;
	v54 =	vmul.f32 v53, v50;
	_ =	sdelay $0x1  }
0x5e: {  	v35 =	vadd.f32 v54, v35;
	_ =	sdelay $0x1  }
0x5f: {  	v36 =	vmul.f32 $2.000000030e-01, v35;
	_ =	sdelay $0x1  }
0x60: {  	v35 =	vmax.f32 v35, v36  }
0x61: {  	v35 =	vmul.f32 $1.442695020e+00, v35;
	_ =	sdelay $0x1  }
0x62: {  	(erf) = vpow2.f32 v35;
	_ =	sdelay $0x8  }
0x63: {  	v35 =	vpop (erf)  }
0x64: {  	[tilespmem:v5+s20+$0x0] =	vst.idx.msk $0xffff, v35  }
0x65: {  	v35 =	vld.idx.msk [tilespmem:v6+s31+$0x0], $0xffff  }
0x66: {  	v55 =	vld.idx.msk [tilespmem:v6+s0+$0x0], $0xffff  }
0x67: {  	v56 =	vld [tilespmem:$0x12508];
	_ =	sdelay $0x4  }
0x68: {  	v35 =	vadd.f32 v55, v35;
	v57 =	vmul.f32 v56, v50;
	_ =	sdelay $0x1  }
0x69: {  	v35 =	vadd.f32 v57, v35;
	_ =	sdelay $0x1  }
0x6a: {  	v36 =	vmul.f32 $2.000000030e-01, v35;
	_ =	sdelay $0x1  }
0x6b: {  	v35 =	vmax.f32 v35, v36  }
0x6c: {  	v35 =	vmul.f32 $1.442695020e+00, v35;
	_ =	sdelay $0x1  }
0x6d: {  	(erf) = vpow2.f32 v35;
	_ =	sdelay $0x8  }
0x6e: {  	v35 =	vpop (erf)  }
0x6f: {  	[tilespmem:v7+s20+$0x0] =	vst.idx.msk $0xffff, v35  }
0x70: {  	v35 =	vld.idx.msk [tilespmem:v8+s31+$0x0], $0xffff  }
0x71: {  	v58 =	vld.idx.msk [tilespmem:v8+s0+$0x0], $0xffff  }
0x72: {  	v59 =	vld [tilespmem:$0x12518];
	_ =	sdelay $0x4  }
0x73: {  	v35 =	vadd.f32 v58, v35;
	v34 =	vmul.f32 v59, v50;
	_ =	sdelay $0x1  }
0x74: {  	v34 =	vadd.f32 v34, v35;
	_ =	sdelay $0x1  }
0x75: {  	v35 =	vmul.f32 $2.000000030e-01, v34;
	_ =	sdelay $0x1  }
0x76: {  	v34 =	vmax.f32 v34, v35  }
0x77: {  	v34 =	vmul.f32 $1.442695020e+00, v34;
	_ =	sdelay $0x1  }
0x78: {  	(erf) = vpow2.f32 v34;
	_ =	sdelay $0x8  }
0x79: {  	v34 =	vpop (erf)  }
0x7a: {  	[tilespmem:v9+s20+$0x0] =	vst.idx.msk $0xffff, v34  }
0x7b: {  	v34 =	vld [tilespmem:$0x12628]  }
0x7c: {  	v60 =	vld.idx.msk [tilespmem:v10+s31+$0x0], $0xffff  }
0x7d: {  	v61 =	vld.idx.msk [tilespmem:v10+s0+$0x0], $0xffff  }
0x7e: {  	v62 =	vld [tilespmem:$0x124F8];
	_ =	sdelay $0x4  }
0x7f: {  	v35 =	vadd.f32 v61, v60;
	v63 =	vmul.f32 v62, v34;
	_ =	sdelay $0x1  }
0x80: {  	v35 =	vadd.f32 v63, v35;
	_ =	sdelay $0x1  }
0x81: {  	v36 =	vmul.f32 $2.000000030e-01, v35;
	_ =	sdelay $0x1  }
0x82: {  	v35 =	vmax.f32 v35, v36  }
0x83: {  	v35 =	vmul.f32 $1.442695020e+00, v35;
	_ =	sdelay $0x1  }
0x84: {  	(erf) = vpow2.f32 v35;
	_ =	sdelay $0x8  }
0x85: {  	v35 =	vpop (erf)  }
0x86: {  	[tilespmem:v11+s20+$0x0] =	vst.idx.msk $0xffff, v35  }
0x87: {  	v35 =	vld.idx.msk [tilespmem:v12+s31+$0x0], $0xffff  }
0x88: {  	v40 =	vld.idx.msk [tilespmem:v12+s0+$0x0], $0xffff  }
0x89: {  	v41 =	vld [tilespmem:$0x12508];
	_ =	sdelay $0x4  }
0x8a: {  	v35 =	vadd.f32 v40, v35;
	v42 =	vmul.f32 v41, v34;
	_ =	sdelay $0x1  }
0x8b: {  	v35 =	vadd.f32 v42, v35;
	_ =	sdelay $0x1  }
0x8c: {  	v36 =	vmul.f32 $2.000000030e-01, v35;
	_ =	sdelay $0x1  }
0x8d: {  	v35 =	vmax.f32 v35, v36  }
0x8e: {  	v35 =	vmul.f32 $1.442695020e+00, v35;
	_ =	sdelay $0x1  }
0x8f: {  	(erf) = vpow2.f32 v35;
	_ =	sdelay $0x8  }
0x90: {  	v35 =	vpop (erf)  }
0x91: {  	[tilespmem:v13+s20+$0x0] =	vst.idx.msk $0xffff, v35  }
0x92: {  	v35 =	vld.idx.msk [tilespmem:v14+s31+$0x0], $0xffff  }
0x93: {  	v43 =	vld.idx.msk [tilespmem:v14+s0+$0x0], $0xffff  }
0x94: {  	v44 =	vld [tilespmem:$0x12518];
	_ =	sdelay $0x4  }
0x95: {  	v35 =	vadd.f32 v43, v35;
	v34 =	vmul.f32 v44, v34;
	_ =	sdelay $0x1  }
0x96: {  	v34 =	vadd.f32 v34, v35;
	_ =	sdelay $0x1  }
0x97: {  	v35 =	vmul.f32 $2.000000030e-01, v34;
	_ =	sdelay $0x1  }
0x98: {  	v34 =	vmax.f32 v34, v35  }
0x99: {  	v34 =	vmul.f32 $1.442695020e+00, v34;
	_ =	sdelay $0x1  }
0x9a: {  	(erf) = vpow2.f32 v34;
	_ =	sdelay $0x8  }
0x9b: {  	v34 =	vpop (erf)  }
0x9c: {  	[tilespmem:v15+s20+$0x0] =	vst.idx.msk $0xffff, v34  }
0x9d: {  	v34 =	vld [tilespmem:$0x12638]  }
0x9e: {  	v45 =	vld.idx.msk [tilespmem:v16+s31+$0x0], $0xffff  }
0x9f: {  	v46 =	vld.idx.msk [tilespmem:v16+s0+$0x0], $0xffff  }
0xa0: {  	v47 =	vld [tilespmem:$0x124F8];
	_ =	sdelay $0x4  }
0xa1: {  	v35 =	vadd.f32 v46, v45;
	v48 =	vmul.f32 v47, v34;
	_ =	sdelay $0x1  }
0xa2: {  	v35 =	vadd.f32 v48, v35;
	_ =	sdelay $0x1  }
0xa3: {  	v36 =	vmul.f32 $2.000000030e-01, v35;
	_ =	sdelay $0x1  }
0xa4: {  	v35 =	vmax.f32 v35, v36  }
0xa5: {  	v35 =	vmul.f32 $1.442695020e+00, v35;
	_ =	sdelay $0x1  }
0xa6: {  	(erf) = vpow2.f32 v35;
	_ =	sdelay $0x8  }
0xa7: {  	v35 =	vpop (erf)  }
0xa8: {  	[tilespmem:v17+s20+$0x0] =	vst.idx.msk $0xffff, v35  }
0xa9: {  	v35 =	vld.idx.msk [tilespmem:v18+s31+$0x0], $0xffff  }
0xaa: {  	v49 =	vld.idx.msk [tilespmem:v18+s0+$0x0], $0xffff  }
0xab: {  	v50 =	vld [tilespmem:$0x12508];
	_ =	sdelay $0x4  }
0xac: {  	v35 =	vadd.f32 v49, v35;
	v51 =	vmul.f32 v50, v34;
	_ =	sdelay $0x1  }
0xad: {  	v35 =	vadd.f32 v51, v35;
	_ =	sdelay $0x1  }
0xae: {  	v36 =	vmul.f32 $2.000000030e-01, v35;
	_ =	sdelay $0x1  }
0xaf: {  	v35 =	vmax.f32 v35, v36  }
0xb0: {  	v35 =	vmul.f32 $1.442695020e+00, v35;
	_ =	sdelay $0x1  }
0xb1: {  	(erf) = vpow2.f32 v35;
	_ =	sdelay $0x8  }
0xb2: {  	v35 =	vpop (erf)  }
0xb3: {  	[tilespmem:v19+s20+$0x0] =	vst.idx.msk $0xffff, v35  }
0xb4: {  	v35 =	vld.idx.msk [tilespmem:v20+s31+$0x0], $0xffff  }
0xb5: {  	v52 =	vld.idx.msk [tilespmem:v20+s0+$0x0], $0xffff  }
0xb6: {  	v53 =	vld [tilespmem:$0x12518];
	_ =	sdelay $0x4  }
0xb7: {  	v35 =	vadd.f32 v52, v35;
	v34 =	vmul.f32 v53, v34;
	_ =	sdelay $0x1  }
0xb8: {  	v34 =	vadd.f32 v34, v35;
	_ =	sdelay $0x1  }
0xb9: {  	v35 =	vmul.f32 $2.000000030e-01, v34;
	_ =	sdelay $0x1  }
0xba: {  	v34 =	vmax.f32 v34, v35  }
0xbb: {  	v34 =	vmul.f32 $1.442695020e+00, v34;
	_ =	sdelay $0x1  }
0xbc: {  	(erf) = vpow2.f32 v34;
	_ =	sdelay $0x8  }
0xbd: {  	v34 =	vpop (erf)  }
0xbe: {  	[tilespmem:v21+s20+$0x0] =	vst.idx.msk $0xffff, v34  }
0xbf: {  	v34 =	vld [tilespmem:$0x12648]  }
0xc0: {  	v54 =	vld.idx.msk [tilespmem:v22+s31+$0x0], $0xffff  }
0xc1: {  	v55 =	vld.idx.msk [tilespmem:v22+s0+$0x0], $0xffff  }
0xc2: {  	v56 =	vld [tilespmem:$0x124F8];
	_ =	sdelay $0x4  }
0xc3: {  	v35 =	vadd.f32 v55, v54;
	v57 =	vmul.f32 v56, v34;
	_ =	sdelay $0x1  }
0xc4: {  	v35 =	vadd.f32 v57, v35;
	_ =	sdelay $0x1  }
0xc5: {  	v36 =	vmul.f32 $2.000000030e-01, v35;
	_ =	sdelay $0x1  }
0xc6: {  	v35 =	vmax.f32 v35, v36  }
0xc7: {  	v35 =	vmul.f32 $1.442695020e+00, v35;
	_ =	sdelay $0x1  }
0xc8: {  	(erf) = vpow2.f32 v35;
	_ =	sdelay $0x8  }
0xc9: {  	v35 =	vpop (erf)  }
0xca: {  	[tilespmem:v23+s20+$0x0] =	vst.idx.msk $0xffff, v35  }
0xcb: {  	v35 =	vld.idx.msk [tilespmem:v24+s31+$0x0], $0xffff  }
0xcc: {  	v58 =	vld.idx.msk [tilespmem:v24+s0+$0x0], $0xffff  }
0xcd: {  	v59 =	vld [tilespmem:$0x12508];
	_ =	sdelay $0x4  }
0xce: {  	v35 =	vadd.f32 v58, v35;
	v60 =	vmul.f32 v59, v34;
	_ =	sdelay $0x1  }
0xcf: {  	v35 =	vadd.f32 v60, v35;
	_ =	sdelay $0x1  }
0xd0: {  	v36 =	vmul.f32 $2.000000030e-01, v35;
	_ =	sdelay $0x1  }
0xd1: {  	v35 =	vmax.f32 v35, v36  }
0xd2: {  	v35 =	vmul.f32 $1.442695020e+00, v35;
	_ =	sdelay $0x1  }
0xd3: {  	(erf) = vpow2.f32 v35;
	_ =	sdelay $0x8  }
0xd4: {  	v35 =	vpop (erf)  }
0xd5: {  	[tilespmem:v25+s20+$0x0] =	vst.idx.msk $0xffff, v35  }
0xd6: {  	v35 =	vld.idx.msk [tilespmem:v26+s31+$0x0], $0xffff  }
0xd7: {  	v61 =	vld.idx.msk [tilespmem:v26+s0+$0x0], $0xffff  }
0xd8: {  	v62 =	vld [tilespmem:$0x12518];
	_ =	sdelay $0x4  }
0xd9: {  	v35 =	vadd.f32 v61, v35;
	v34 =	vmul.f32 v62, v34;
	_ =	sdelay $0x1  }
0xda: {  	v34 =	vadd.f32 v34, v35;
	_ =	sdelay $0x1  }
0xdb: {  	v35 =	vmul.f32 $2.000000030e-01, v34;
	_ =	sdelay $0x1  }
0xdc: {  	v34 =	vmax.f32 v34, v35  }
0xdd: {  	v34 =	vmul.f32 $1.442695020e+00, v34;
	_ =	sdelay $0x1  }
0xde: {  	(erf) = vpow2.f32 v34;
	_ =	sdelay $0x8  }
0xdf: {  	v34 =	vpop (erf)  }
0xe0: {  	[tilespmem:v27+s20+$0x0] =	vst.idx.msk $0xffff, v34  }
0xe1: {  	v34 =	vld [tilespmem:$0x12658]  }
0xe2: {  	v63 =	vld.idx.msk [tilespmem:v28+s31+$0x0], $0xffff  }
0xe3: {  	v40 =	vld.idx.msk [tilespmem:v28+s0+$0x0], $0xffff  }
0xe4: {  	v41 =	vld [tilespmem:$0x124F8];
	_ =	sdelay $0x4  }
0xe5: {  	v35 =	vadd.f32 v40, v63;
	v42 =	vmul.f32 v41, v34;
	_ =	sdelay $0x1  }
0xe6: {  	v35 =	vadd.f32 v42, v35;
	_ =	sdelay $0x1  }
0xe7: {  	v36 =	vmul.f32 $2.000000030e-01, v35;
	_ =	sdelay $0x1  }
0xe8: {  	v35 =	vmax.f32 v35, v36  }
0xe9: {  	v35 =	vmul.f32 $1.442695020e+00, v35;
	_ =	sdelay $0x1  }
0xea: {  	(erf) = vpow2.f32 v35;
	_ =	sdelay $0x8  }
0xeb: {  	v35 =	vpop (erf)  }
0xec: {  	[tilespmem:v29+s20+$0x0] =	vst.idx.msk $0xffff, v35  }
0xed: {  	v35 =	vld.idx.msk [tilespmem:v30+s31+$0x0], $0xffff  }
0xee: {  	v43 =	vld.idx.msk [tilespmem:v30+s0+$0x0], $0xffff  }
0xef: {  	v44 =	vld [tilespmem:$0x12508];
	_ =	sdelay $0x4  }
0xf0: {  	v35 =	vadd.f32 v43, v35;
	v45 =	vmul.f32 v44, v34;
	_ =	sdelay $0x1  }
0xf1: {  	v35 =	vadd.f32 v45, v35;
	_ =	sdelay $0x1  }
0xf2: {  	v36 =	vmul.f32 $2.000000030e-01, v35;
	_ =	sdelay $0x1  }
0xf3: {  	v35 =	vmax.f32 v35, v36  }
0xf4: {  	v35 =	vmul.f32 $1.442695020e+00, v35;
	_ =	sdelay $0x1  }
0xf5: {  	(erf) = vpow2.f32 v35;
	_ =	sdelay $0x8  }
0xf6: {  	v35 =	vpop (erf)  }
0xf7: {  	[tilespmem:v31+s20+$0x0] =	vst.idx.msk $0xffff, v35  }
0xf8: {  	v35 =	vld.idx.msk [tilespmem:v32+s31+$0x0], $0xffff  }
0xf9: {  	v46 =	vld.idx.msk [tilespmem:v32+s0+$0x0], $0xffff  }
0xfa: {  	v47 =	vld [tilespmem:$0x12518];
	_ =	sdelay $0x4  }
0xfb: {  	v35 =	vadd.f32 v46, v35;
	v34 =	vmul.f32 v47, v34;
	_ =	sdelay $0x1  }
0xfc: {  	v34 =	vadd.f32 v34, v35;
	_ =	sdelay $0x1  }
0xfd: {  	v35 =	vmul.f32 $2.000000030e-01, v34;
	_ =	sdelay $0x1  }
0xfe: {  	v34 =	vmax.f32 v34, v35  }
0xff: {  	v34 =	vmul.f32 $1.442695020e+00, v34;
	_ =	sdelay $0x1  }
0x100: {  	(erf) = vpow2.f32 v34;
	_ =	sdelay $0x2  }
0x101: {  	s21 =	simm.s32 $0x0  }
0x102: {  	v48 =	vmov s21  }
0x103: {  	v34 =	vmul.u32 $0x68, v48;
	_ =	sdelay $0x1  }
0x104: {  	v34 =	vbroadcast v34, $0x0;
	_ =	sdelay $0x1  }
0x105: {  	v50 =	vadd.s32 v2, v34;
	v49 =	vpop (erf)  }
0x106: {  	[tilespmem:v33+s20+$0x0] =	vst.idx.msk $0xffff, v49  }
0x107: {  	_ =	swait.ge [sflag:s1], $0x1E00  }
0x108: {  	[sflag:s1] =	ssyncset.done $0x0  }
0x109: {  	[sflag:s1] =	ssyncadd.s32 $0xFFFFE200  }
0x10a: {  	s14 =	simm.s32 $0x12C28;
	v51 =	vld.idx.msk [tilespmem:v50+s20+$0x0], $0xffff  }
0x10b: {  	v52 =	vld [tilespmem:s14+$0xFFFFFF40];
	_ =	sdelay $0x4  }
0x10c: {  	v35 =	vmul.f32 v52, v51  }
0x10d: {  	s11 =	simm.s32 $0x14A38  }
0x10e: {  	[tilespmem:s11+$0xFFFFFF30] =	vst v35  }
0x10f: {  	v35 =	vld.idx.msk [tilespmem:v50+s20+$0x0], $0xffff  }
0x110: {  	v53 =	vld [tilespmem:s14+$0xFFFFFF50];
	_ =	sdelay $0x2  }
0x111: {  	v54 =	vadd.s32 v3, v34;
	_ =	sdelay $0x1  }
0x112: {  	v35 =	vmul.f32 v53, v35;
	_ =	sdelay $0x1  }
0x113: {  	[tilespmem:s11+$0xFFFFFF40] =	vst v35  }
0x114: {  	v35 =	vld.idx.msk [tilespmem:v54+s20+$0x0], $0xffff  }
0x115: {  	v55 =	vld [tilespmem:s14+$0xFFFFFF60];
	_ =	sdelay $0x4  }
0x116: {  	v35 =	vmul.f32 v55, v35;
	_ =	sdelay $0x1  }
0x117: {  	[tilespmem:s11+$0xFFFFFF50] =	vst v35  }
0x118: {  	v35 =	vld.idx.msk [tilespmem:v54+s20+$0x0], $0xffff  }
0x119: {  	v56 =	vld [tilespmem:s14+$0xFFFFFF70];
	_ =	sdelay $0x2  }
0x11a: {  	v34 =	vadd.s32 v4, v34;
	_ =	sdelay $0x1  }
0x11b: {  	v35 =	vmul.f32 v56, v35;
	_ =	sdelay $0x1  }
0x11c: {  	[tilespmem:s11+$0xFFFFFF60] =	vst v35  }
0x11d: {  	v35 =	vld.idx.msk [tilespmem:v34+s20+$0x0], $0xffff  }
0x11e: {  	v57 =	vld [tilespmem:s14+$0xFFFFFF80];
	_ =	sdelay $0x4  }
0x11f: {  	v35 =	vmul.f32 v57, v35  }
0x120: {  	s22 =	simm.s32 $0x1  }
0x121: {  	v58 =	vmov s22;
	[tilespmem:s11+$0xFFFFFF70] =	vst v35  }
0x122: {  	v35 =	vmul.u32 $0x68, v58;
	v34 =	vld.idx.msk [tilespmem:v34+s20+$0x0], $0xffff  }
0x123: {  	v59 =	vld [tilespmem:s14+$0xFFFFFF90]  }
0x124: {  	v35 =	vbroadcast v35, $0x0;
	_ =	sdelay $0x1  }
0x125: {  	v60 =	vadd.s32 v2, v35;
	_ =	sdelay $0x1  }
0x126: {  	v34 =	vmul.f32 v59, v34;
	_ =	sdelay $0x1  }
0x127: {  	[tilespmem:s11+$0xFFFFFF80] =	vst v34  }
0x128: {  	v34 =	vld.idx.msk [tilespmem:v60+s20+$0x0], $0xffff  }
0x129: {  	v61 =	vld [tilespmem:s14+$0xFFFFFFA0];
	_ =	sdelay $0x4  }
0x12a: {  	v34 =	vmul.f32 v61, v34;
	_ =	sdelay $0x1  }
0x12b: {  	[tilespmem:s11+$0xFFFFFF98] =	vst v34  }
0x12c: {  	v34 =	vld.idx.msk [tilespmem:v60+s20+$0x0], $0xffff  }
0x12d: {  	v62 =	vld [tilespmem:s14+$0xFFFFFFB0];
	_ =	sdelay $0x2  }
0x12e: {  	v63 =	vadd.s32 v3, v35;
	_ =	sdelay $0x1  }
0x12f: {  	v34 =	vmul.f32 v62, v34;
	_ =	sdelay $0x1  }
0x130: {  	[tilespmem:s11+$0xFFFFFFA8] =	vst v34  }
0x131: {  	v34 =	vld.idx.msk [tilespmem:v63+s20+$0x0], $0xffff  }
0x132: {  	v40 =	vld [tilespmem:s14+$0xFFFFFFC0];
	_ =	sdelay $0x4  }
0x133: {  	v34 =	vmul.f32 v40, v34;
	_ =	sdelay $0x1  }
0x134: {  	[tilespmem:s11+$0xFFFFFFB8] =	vst v34  }
0x135: {  	v34 =	vld.idx.msk [tilespmem:v63+s20+$0x0], $0xffff  }
0x136: {  	v41 =	vld [tilespmem:s14+$0xFFFFFFD0];
	_ =	sdelay $0x2  }
0x137: {  	v35 =	vadd.s32 v4, v35;
	_ =	sdelay $0x1  }
0x138: {  	v34 =	vmul.f32 v41, v34;
	_ =	sdelay $0x1  }
0x139: {  	[tilespmem:s11+$0xFFFFFFC8] =	vst v34  }
0x13a: {  	v34 =	vld.idx.msk [tilespmem:v35+s20+$0x0], $0xffff  }
0x13b: {  	v42 =	vld [tilespmem:s14+$0xFFFFFFE0];
	_ =	sdelay $0x4  }
0x13c: {  	v34 =	vmul.f32 v42, v34  }
0x13d: {  	s15 =	simm.s32 $0x2  }
0x13e: {  	v43 =	vmov s15;
	[tilespmem:s11+$0xFFFFFFD8] =	vst v34  }
0x13f: {  	v34 =	vmul.u32 $0x68, v43;
	v35 =	vld.idx.msk [tilespmem:v35+s20+$0x0], $0xffff  }
0x140: {  	v44 =	vld [tilespmem:s14+$0xFFFFFFF0]  }
0x141: {  	v34 =	vbroadcast v34, $0x0;
	_ =	sdelay $0x1  }
0x142: {  	v45 =	vadd.s32 v2, v34;
	_ =	sdelay $0x1  }
0x143: {  	v35 =	vmul.f32 v44, v35;
	_ =	sdelay $0x1  }
0x144: {  	[tilespmem:s11+$0xFFFFFFE8] =	vst v35  }
0x145: {  	v35 =	vld.idx.msk [tilespmem:v45+s20+$0x0], $0xffff  }
0x146: {  	v46 =	vld [tilespmem:s14+$0x0];
	_ =	sdelay $0x4  }
0x147: {  	v35 =	vmul.f32 v46, v35;
	_ =	sdelay $0x1  }
0x148: {  	[tilespmem:s11+$0x0] =	vst v35  }
0x149: {  	v35 =	vld.idx.msk [tilespmem:v45+s20+$0x0], $0xffff  }
0x14a: {  	v47 =	vld [tilespmem:s14+$0x10];
	_ =	sdelay $0x2  }
0x14b: {  	v48 =	vadd.s32 v3, v34;
	_ =	sdelay $0x1  }
0x14c: {  	v35 =	vmul.f32 v47, v35;
	_ =	sdelay $0x1  }
0x14d: {  	[tilespmem:s11+$0x10] =	vst v35  }
0x14e: {  	v35 =	vld.idx.msk [tilespmem:v48+s20+$0x0], $0xffff  }
0x14f: {  	v49 =	vld [tilespmem:s14+$0x20];
	_ =	sdelay $0x4  }
0x150: {  	v35 =	vmul.f32 v49, v35;
	_ =	sdelay $0x1  }
0x151: {  	[tilespmem:s11+$0x20] =	vst v35  }
0x152: {  	v35 =	vld.idx.msk [tilespmem:v48+s20+$0x0], $0xffff  }
0x153: {  	v50 =	vld [tilespmem:s14+$0x30];
	_ =	sdelay $0x2  }
0x154: {  	v34 =	vadd.s32 v4, v34;
	_ =	sdelay $0x1  }
0x155: {  	v35 =	vmul.f32 v50, v35;
	_ =	sdelay $0x1  }
0x156: {  	[tilespmem:s11+$0x30] =	vst v35  }
0x157: {  	v35 =	vld.idx.msk [tilespmem:v34+s20+$0x0], $0xffff  }
0x158: {  	v51 =	vld [tilespmem:s14+$0x40];
	_ =	sdelay $0x4  }
0x159: {  	v35 =	vmul.f32 v51, v35  }
0x15a: {  	s21 =	simm.s32 $0x3  }
0x15b: {  	v52 =	vmov s21;
	[tilespmem:s11+$0x40] =	vst v35  }
0x15c: {  	v35 =	vmul.u32 $0x68, v52;
	v34 =	vld.idx.msk [tilespmem:v34+s20+$0x0], $0xffff  }
0x15d: {  	v53 =	vld [tilespmem:s14+$0x50]  }
0x15e: {  	v35 =	vbroadcast v35, $0x0;
	_ =	sdelay $0x1  }
0x15f: {  	v54 =	vadd.s32 v2, v35;
	_ =	sdelay $0x1  }
0x160: {  	v34 =	vmul.f32 v53, v34;
	_ =	sdelay $0x1  }
0x161: {  	[tilespmem:s11+$0x50] =	vst v34  }
0x162: {  	v34 =	vld.idx.msk [tilespmem:v54+s20+$0x0], $0xffff  }
0x163: {  	v55 =	vld [tilespmem:s14+$0x60];
	_ =	sdelay $0x4  }
0x164: {  	v34 =	vmul.f32 v55, v34;
	_ =	sdelay $0x1  }
0x165: {  	[tilespmem:s11+$0x68] =	vst v34  }
0x166: {  	v34 =	vld.idx.msk [tilespmem:v54+s20+$0x0], $0xffff  }
0x167: {  	v56 =	vld [tilespmem:s14+$0x70];
	_ =	sdelay $0x2  }
0x168: {  	v57 =	vadd.s32 v3, v35;
	_ =	sdelay $0x1  }
0x169: {  	v34 =	vmul.f32 v56, v34;
	_ =	sdelay $0x1  }
0x16a: {  	[tilespmem:s11+$0x78] =	vst v34  }
0x16b: {  	v34 =	vld.idx.msk [tilespmem:v57+s20+$0x0], $0xffff  }
0x16c: {  	v58 =	vld [tilespmem:s14+$0x80];
	_ =	sdelay $0x4  }
0x16d: {  	v34 =	vmul.f32 v58, v34;
	_ =	sdelay $0x1  }
0x16e: {  	[tilespmem:s11+$0x88] =	vst v34  }
0x16f: {  	v34 =	vld.idx.msk [tilespmem:v57+s20+$0x0], $0xffff  }
0x170: {  	v59 =	vld [tilespmem:s14+$0x90];
	_ =	sdelay $0x2  }
0x171: {  	v35 =	vadd.s32 v4, v35;
	_ =	sdelay $0x1  }
0x172: {  	v34 =	vmul.f32 v59, v34;
	_ =	sdelay $0x1  }
0x173: {  	[tilespmem:s11+$0x98] =	vst v34  }
0x174: {  	v34 =	vld.idx.msk [tilespmem:v35+s20+$0x0], $0xffff  }
0x175: {  	v60 =	vld [tilespmem:s14+$0xA0];
	_ =	sdelay $0x4  }
0x176: {  	v34 =	vmul.f32 v60, v34  }
0x177: {  	s22 =	simm.s32 $0x4  }
0x178: {  	v62 =	vmov s22;
	[tilespmem:s11+$0xA8] =	vst v34  }
0x179: {  	v34 =	vmul.u32 $0x68, v62;
	v61 =	vld.idx.msk [tilespmem:v35+s20+$0x0], $0xffff  }
0x17a: {  	v63 =	vld [tilespmem:s14+$0xB0]  }
0x17b: {  	v34 =	vbroadcast v34, $0x0;
	_ =	sdelay $0x1  }
0x17c: {  	v35 =	vadd.s32 v2, v34;
	_ =	sdelay $0x1  }
0x17d: {  	s15 =	simm.s32 $0x7;
	s21 =	simm.s32 $0xB;
	v36 =	vmul.f32 v63, v61  }
.LBB2_3:
0x17e: {  	s14 =	sadd.s32 $0x180, s14  }
0x17f: {  	s22 =	smov.u32 s21;
	s12 =	sadd.s32 $0x4, s21;
	[tilespmem:s11+$0xB8] =	vst v36;
	s11 =	sadd.s32 $0x1A0, s11  }
0x180: {  	p1 =	sne.s32 s21, $0x4F;
	v36 =	vld.idx.msk [tilespmem:v35+s20+$0x0], $0xffff  }
0x181: {  	v37 =	vld [tilespmem:s14+$0xFFFFFF40];
	_ =	sdelay $0x4  }
0x182: {  	v36 =	vmul.f32 v37, v36;
	_ =	sdelay $0x1  }
0x183: {  	[tilespmem:s11+$0xFFFFFF30] =	vst v36  }
0x184: {  	v35 =	vld.idx.msk [tilespmem:v35+s20+$0x0], $0xffff  }
0x185: {  	v36 =	vld [tilespmem:s14+$0xFFFFFF50];
	_ =	sdelay $0x2  }
0x186: {  	v37 =	vadd.s32 v3, v34;
	_ =	sdelay $0x1  }
0x187: {  	v35 =	vmul.f32 v36, v35;
	_ =	sdelay $0x1  }
0x188: {  	[tilespmem:s11+$0xFFFFFF40] =	vst v35  }
0x189: {  	v35 =	vld.idx.msk [tilespmem:v37+s20+$0x0], $0xffff  }
0x18a: {  	v36 =	vld [tilespmem:s14+$0xFFFFFF60];
	_ =	sdelay $0x4  }
0x18b: {  	v35 =	vmul.f32 v36, v35;
	_ =	sdelay $0x1  }
0x18c: {  	[tilespmem:s11+$0xFFFFFF50] =	vst v35  }
0x18d: {  	v35 =	vld.idx.msk [tilespmem:v37+s20+$0x0], $0xffff  }
0x18e: {  	v36 =	vld [tilespmem:s14+$0xFFFFFF70];
	_ =	sdelay $0x2  }
0x18f: {  	v34 =	vadd.s32 v4, v34;
	_ =	sdelay $0x1  }
0x190: {  	v35 =	vmul.f32 v36, v35;
	_ =	sdelay $0x1  }
0x191: {  	[tilespmem:s11+$0xFFFFFF60] =	vst v35  }
0x192: {  	v35 =	vld.idx.msk [tilespmem:v34+s20+$0x0], $0xffff  }
0x193: {  	v36 =	vld [tilespmem:s14+$0xFFFFFF80];
	_ =	sdelay $0x4  }
0x194: {  	v35 =	vmul.f32 v36, v35  }
0x195: {  	s21 =	sadd.s32 $0xFFFFFFFE, s15  }
0x196: {  	[tilespmem:s11+$0xFFFFFF70] =	vst v35;
	v35 =	vmov s21  }
0x197: {  	v34 =	vld.idx.msk [tilespmem:v34+s20+$0x0], $0xffff;
	v35 =	vmul.u32 $0x68, v35  }
0x198: {  	v36 =	vld [tilespmem:s14+$0xFFFFFF90]  }
0x199: {  	v35 =	vbroadcast v35, $0x0;
	_ =	sdelay $0x1  }
0x19a: {  	v37 =	vadd.s32 v2, v35;
	_ =	sdelay $0x1  }
0x19b: {  	v34 =	vmul.f32 v36, v34;
	_ =	sdelay $0x1  }
0x19c: {  	[tilespmem:s11+$0xFFFFFF80] =	vst v34  }
0x19d: {  	v34 =	vld.idx.msk [tilespmem:v37+s20+$0x0], $0xffff  }
0x19e: {  	v36 =	vld [tilespmem:s14+$0xFFFFFFA0];
	_ =	sdelay $0x4  }
0x19f: {  	v34 =	vmul.f32 v36, v34;
	_ =	sdelay $0x1  }
0x1a0: {  	[tilespmem:s11+$0xFFFFFF98] =	vst v34  }
0x1a1: {  	v34 =	vld.idx.msk [tilespmem:v37+s20+$0x0], $0xffff  }
0x1a2: {  	v36 =	vld [tilespmem:s14+$0xFFFFFFB0];
	_ =	sdelay $0x2  }
0x1a3: {  	v37 =	vadd.s32 v3, v35;
	_ =	sdelay $0x1  }
0x1a4: {  	v34 =	vmul.f32 v36, v34;
	_ =	sdelay $0x1  }
0x1a5: {  	[tilespmem:s11+$0xFFFFFFA8] =	vst v34  }
0x1a6: {  	v34 =	vld.idx.msk [tilespmem:v37+s20+$0x0], $0xffff  }
0x1a7: {  	v36 =	vld [tilespmem:s14+$0xFFFFFFC0];
	_ =	sdelay $0x4  }
0x1a8: {  	v34 =	vmul.f32 v36, v34;
	_ =	sdelay $0x1  }
0x1a9: {  	[tilespmem:s11+$0xFFFFFFB8] =	vst v34  }
0x1aa: {  	v34 =	vld.idx.msk [tilespmem:v37+s20+$0x0], $0xffff  }
0x1ab: {  	v36 =	vld [tilespmem:s14+$0xFFFFFFD0];
	_ =	sdelay $0x2  }
0x1ac: {  	v35 =	vadd.s32 v4, v35;
	_ =	sdelay $0x1  }
0x1ad: {  	v34 =	vmul.f32 v36, v34;
	_ =	sdelay $0x1  }
0x1ae: {  	[tilespmem:s11+$0xFFFFFFC8] =	vst v34  }
0x1af: {  	v34 =	vld.idx.msk [tilespmem:v35+s20+$0x0], $0xffff  }
0x1b0: {  	v36 =	vld [tilespmem:s14+$0xFFFFFFE0];
	_ =	sdelay $0x4  }
0x1b1: {  	v34 =	vmul.f32 v36, v34  }
0x1b2: {  	s21 =	sadd.s32 $0xFFFFFFFF, s15  }
0x1b3: {  	[tilespmem:s11+$0xFFFFFFD8] =	vst v34;
	v34 =	vmov s21  }
0x1b4: {  	v35 =	vld.idx.msk [tilespmem:v35+s20+$0x0], $0xffff;
	v34 =	vmul.u32 $0x68, v34  }
0x1b5: {  	v36 =	vld [tilespmem:s14+$0xFFFFFFF0]  }
0x1b6: {  	v34 =	vbroadcast v34, $0x0;
	_ =	sdelay $0x1  }
0x1b7: {  	v37 =	vadd.s32 v2, v34;
	_ =	sdelay $0x1  }
0x1b8: {  	v35 =	vmul.f32 v36, v35;
	_ =	sdelay $0x1  }
0x1b9: {  	[tilespmem:s11+$0xFFFFFFE8] =	vst v35  }
0x1ba: {  	v35 =	vld.idx.msk [tilespmem:v37+s20+$0x0], $0xffff  }
0x1bb: {  	v36 =	vld [tilespmem:s14+$0x0];
	_ =	sdelay $0x4  }
0x1bc: {  	v35 =	vmul.f32 v36, v35;
	_ =	sdelay $0x1  }
0x1bd: {  	[tilespmem:s11+$0x0] =	vst v35  }
0x1be: {  	v35 =	vld.idx.msk [tilespmem:v37+s20+$0x0], $0xffff  }
0x1bf: {  	v36 =	vld [tilespmem:s14+$0x10];
	_ =	sdelay $0x2  }
0x1c0: {  	v37 =	vadd.s32 v3, v34;
	_ =	sdelay $0x1  }
0x1c1: {  	v35 =	vmul.f32 v36, v35;
	_ =	sdelay $0x1  }
0x1c2: {  	[tilespmem:s11+$0x10] =	vst v35  }
0x1c3: {  	v35 =	vld.idx.msk [tilespmem:v37+s20+$0x0], $0xffff  }
0x1c4: {  	v36 =	vld [tilespmem:s14+$0x20];
	_ =	sdelay $0x4  }
0x1c5: {  	v35 =	vmul.f32 v36, v35;
	_ =	sdelay $0x1  }
0x1c6: {  	[tilespmem:s11+$0x20] =	vst v35  }
0x1c7: {  	v35 =	vld.idx.msk [tilespmem:v37+s20+$0x0], $0xffff  }
0x1c8: {  	v36 =	vld [tilespmem:s14+$0x30];
	_ =	sdelay $0x2  }
0x1c9: {  	v34 =	vadd.s32 v4, v34;
	_ =	sdelay $0x1  }
0x1ca: {  	v35 =	vmul.f32 v36, v35;
	_ =	sdelay $0x1  }
0x1cb: {  	[tilespmem:s11+$0x30] =	vst v35  }
0x1cc: {  	v35 =	vld.idx.msk [tilespmem:v34+s20+$0x0], $0xffff  }
0x1cd: {  	v36 =	vld [tilespmem:s14+$0x40];
	_ =	sdelay $0x4  }
0x1ce: {  	v35 =	vmul.f32 v36, v35;
	_ =	sdelay $0x1  }
0x1cf: {  	[tilespmem:s11+$0x40] =	vst v35;
	v35 =	vmov s15;
	s15 =	smov.u32 s22  }
0x1d0: {  	v34 =	vld.idx.msk [tilespmem:v34+s20+$0x0], $0xffff;
	v35 =	vmul.u32 $0x68, v35  }
0x1d1: {  	v36 =	vld [tilespmem:s14+$0x50]  }
0x1d2: {  	v35 =	vbroadcast v35, $0x0;
	_ =	sdelay $0x1  }
0x1d3: {  	v37 =	vadd.s32 v2, v35;
	_ =	sdelay $0x1  }
0x1d4: {  	v34 =	vmul.f32 v36, v34;
	_ =	sdelay $0x1  }
0x1d5: {  	[tilespmem:s11+$0x50] =	vst v34  }
0x1d6: {  	v34 =	vld.idx.msk [tilespmem:v37+s20+$0x0], $0xffff  }
0x1d7: {  	v36 =	vld [tilespmem:s14+$0x60];
	_ =	sdelay $0x4  }
0x1d8: {  	v34 =	vmul.f32 v36, v34;
	_ =	sdelay $0x1  }
0x1d9: {  	[tilespmem:s11+$0x68] =	vst v34  }
0x1da: {  	v34 =	vld.idx.msk [tilespmem:v37+s20+$0x0], $0xffff  }
0x1db: {  	v36 =	vld [tilespmem:s14+$0x70];
	_ =	sdelay $0x2  }
0x1dc: {  	v37 =	vadd.s32 v3, v35;
	_ =	sdelay $0x1  }
0x1dd: {  	v34 =	vmul.f32 v36, v34;
	_ =	sdelay $0x1  }
0x1de: {  	[tilespmem:s11+$0x78] =	vst v34  }
0x1df: {  	v34 =	vld.idx.msk [tilespmem:v37+s20+$0x0], $0xffff  }
0x1e0: {  	v36 =	vld [tilespmem:s14+$0x80];
	_ =	sdelay $0x4  }
0x1e1: {  	v34 =	vmul.f32 v36, v34;
	_ =	sdelay $0x1  }
0x1e2: {  	[tilespmem:s11+$0x88] =	vst v34  }
0x1e3: {  	v34 =	vld.idx.msk [tilespmem:v37+s20+$0x0], $0xffff  }
0x1e4: {  	v36 =	vld [tilespmem:s14+$0x90];
	_ =	sdelay $0x2  }
0x1e5: {  	v35 =	vadd.s32 v4, v35;
	_ =	sdelay $0x1  }
0x1e6: {  	v34 =	vmul.f32 v36, v34;
	_ =	sdelay $0x1  }
0x1e7: {  	[tilespmem:s11+$0x98] =	vst v34  }
0x1e8: {  	v34 =	vld.idx.msk [tilespmem:v35+s20+$0x0], $0xffff  }
0x1e9: {  	v36 =	vld [tilespmem:s14+$0xA0];
	_ =	sdelay $0x4  }
0x1ea: {  	v34 =	vmul.f32 v36, v34  }
0x1eb: {  	s21 =	sadd.s32 $0xFFFFFFFD, s15  }
0x1ec: {  	v36 =	vmov s21;
	[tilespmem:s11+$0xA8] =	vst v34  }
0x1ed: {  	v34 =	vmul.u32 $0x68, v36;
	v36 =	vld.idx.msk [tilespmem:v35+s20+$0x0], $0xffff  }
0x1ee: {  	v37 =	vld [tilespmem:s14+$0xB0]  }
.Ltmp0:
0x1ef: {  	v34 =	vbroadcast v34, $0x0;
	(pc) =	sbr.rel @p1 .LBB2_3-.Ltmp0, $3  }
0x1f0: {  	_ = 	snop  }
0x1f1: {  	v35 =	vadd.s32 v2, v34;
	_ =	sdelay $0x1  }
0x1f2: {  	s21 =	smov.u32 s12;
	v36 =	vmul.f32 v37, v36  }
0x1f3: {  	_ =	sdelay $0x2  }
0x1f4: {  	[tilespmem:s11+$0xB8] =	vst v36  }
0x1f5: {  	s14 =	sadd.s32 $0x180, s14;
	v36 =	vld.idx.msk [tilespmem:v35+s20+$0x0], $0xffff  }
0x1f6: {  	v37 =	vld [tilespmem:s14+$0xFFFFFF40];
	_ =	sdelay $0x4  }
0x1f7: {  	v36 =	vmul.f32 v37, v36  }
0x1f8: {  	s21 =	sadd.s32 $0x1A0, s11  }
0x1f9: {  	[tilespmem:s21+$0xFFFFFF30] =	vst v36  }
0x1fa: {  	v54 =	vld.idx.msk [tilespmem:v35+s20+$0x0], $0xffff  }
0x1fb: {  	v36 =	vld [tilespmem:s14+$0xFFFFFF50];
	_ =	sdelay $0x2  }
0x1fc: {  	v55 =	vadd.s32 v3, v34;
	_ =	sdelay $0x1  }
0x1fd: {  	v35 =	vmul.f32 v36, v54;
	_ =	sdelay $0x1  }
0x1fe: {  	[tilespmem:s21+$0xFFFFFF40] =	vst v35  }
0x1ff: {  	v35 =	vld.idx.msk [tilespmem:v55+s20+$0x0], $0xffff  }
0x200: {  	v56 =	vld [tilespmem:s14+$0xFFFFFF60];
	_ =	sdelay $0x4  }
0x201: {  	v35 =	vmul.f32 v56, v35;
	_ =	sdelay $0x1  }
0x202: {  	[tilespmem:s21+$0xFFFFFF50] =	vst v35  }
0x203: {  	v35 =	vld.idx.msk [tilespmem:v55+s20+$0x0], $0xffff  }
0x204: {  	v57 =	vld [tilespmem:s14+$0xFFFFFF70];
	_ =	sdelay $0x2  }
0x205: {  	v58 =	vadd.s32 v4, v34;
	_ =	sdelay $0x1  }
0x206: {  	v35 =	vmul.f32 v57, v35;
	_ =	sdelay $0x1  }
0x207: {  	[tilespmem:s21+$0xFFFFFF60] =	vst v35  }
0x208: {  	v35 =	vld.idx.msk [tilespmem:v58+s20+$0x0], $0xffff  }
0x209: {  	v59 =	vld [tilespmem:s14+$0xFFFFFF80];
	_ =	sdelay $0x4  }
0x20a: {  	v35 =	vmul.f32 v59, v35  }
0x20b: {  	s12 =	sadd.s32 $0xFFFFFFFE, s15  }
0x20c: {  	v60 =	vmov s12;
	[tilespmem:s21+$0xFFFFFF70] =	vst v35  }
0x20d: {  	v35 =	vmul.u32 $0x68, v60;
	v34 =	vld.idx.msk [tilespmem:v58+s20+$0x0], $0xffff  }
0x20e: {  	v61 =	vld [tilespmem:s14+$0xFFFFFF90]  }
0x20f: {  	v35 =	vbroadcast v35, $0x0;
	_ =	sdelay $0x1  }
0x210: {  	v62 =	vadd.s32 v2, v35;
	_ =	sdelay $0x1  }
0x211: {  	v34 =	vmul.f32 v61, v34;
	_ =	sdelay $0x1  }
0x212: {  	[tilespmem:s21+$0xFFFFFF80] =	vst v34  }
0x213: {  	v34 =	vld.idx.msk [tilespmem:v62+s20+$0x0], $0xffff  }
0x214: {  	v63 =	vld [tilespmem:s14+$0xFFFFFFA0];
	_ =	sdelay $0x4  }
0x215: {  	v34 =	vmul.f32 v63, v34;
	_ =	sdelay $0x1  }
0x216: {  	[tilespmem:s21+$0xFFFFFF98] =	vst v34  }
0x217: {  	v34 =	vld.idx.msk [tilespmem:v62+s20+$0x0], $0xffff  }
0x218: {  	v40 =	vld [tilespmem:s14+$0xFFFFFFB0];
	_ =	sdelay $0x2  }
0x219: {  	v41 =	vadd.s32 v3, v35;
	_ =	sdelay $0x1  }
0x21a: {  	v34 =	vmul.f32 v40, v34;
	_ =	sdelay $0x1  }
0x21b: {  	[tilespmem:s21+$0xFFFFFFA8] =	vst v34  }
0x21c: {  	v34 =	vld.idx.msk [tilespmem:v41+s20+$0x0], $0xffff  }
0x21d: {  	v42 =	vld [tilespmem:s14+$0xFFFFFFC0];
	_ =	sdelay $0x4  }
0x21e: {  	v34 =	vmul.f32 v42, v34;
	_ =	sdelay $0x1  }
0x21f: {  	[tilespmem:s21+$0xFFFFFFB8] =	vst v34  }
0x220: {  	v34 =	vld.idx.msk [tilespmem:v41+s20+$0x0], $0xffff  }
0x221: {  	v43 =	vld [tilespmem:s14+$0xFFFFFFD0];
	_ =	sdelay $0x2  }
0x222: {  	v35 =	vadd.s32 v4, v35;
	_ =	sdelay $0x1  }
0x223: {  	v34 =	vmul.f32 v43, v34;
	_ =	sdelay $0x1  }
0x224: {  	[tilespmem:s21+$0xFFFFFFC8] =	vst v34  }
0x225: {  	v34 =	vld.idx.msk [tilespmem:v35+s20+$0x0], $0xffff  }
0x226: {  	v44 =	vld [tilespmem:s14+$0xFFFFFFE0];
	_ =	sdelay $0x4  }
0x227: {  	v34 =	vmul.f32 v44, v34  }
0x228: {  	s22 =	sadd.s32 $0xFFFFFFFF, s15  }
0x229: {  	v45 =	vmov s22;
	[tilespmem:s21+$0xFFFFFFD8] =	vst v34  }
0x22a: {  	v34 =	vmul.u32 $0x68, v45;
	v35 =	vld.idx.msk [tilespmem:v35+s20+$0x0], $0xffff  }
0x22b: {  	v46 =	vld [tilespmem:s14+$0xFFFFFFF0]  }
0x22c: {  	v34 =	vbroadcast v34, $0x0;
	_ =	sdelay $0x1  }
0x22d: {  	v47 =	vadd.s32 v2, v34;
	_ =	sdelay $0x1  }
0x22e: {  	v35 =	vmul.f32 v46, v35;
	_ =	sdelay $0x1  }
0x22f: {  	[tilespmem:s21+$0xFFFFFFE8] =	vst v35  }
0x230: {  	v35 =	vld.idx.msk [tilespmem:v47+s20+$0x0], $0xffff  }
0x231: {  	v48 =	vld [tilespmem:s14+$0x0];
	_ =	sdelay $0x4  }
0x232: {  	v35 =	vmul.f32 v48, v35;
	_ =	sdelay $0x1  }
0x233: {  	[tilespmem:s21+$0x0] =	vst v35  }
0x234: {  	v35 =	vld.idx.msk [tilespmem:v47+s20+$0x0], $0xffff  }
0x235: {  	v49 =	vld [tilespmem:s14+$0x10];
	_ =	sdelay $0x2  }
0x236: {  	v50 =	vadd.s32 v3, v34;
	_ =	sdelay $0x1  }
0x237: {  	v35 =	vmul.f32 v49, v35;
	_ =	sdelay $0x1  }
0x238: {  	[tilespmem:s21+$0x10] =	vst v35  }
0x239: {  	v35 =	vld.idx.msk [tilespmem:v50+s20+$0x0], $0xffff  }
0x23a: {  	v51 =	vld [tilespmem:s14+$0x20];
	_ =	sdelay $0x4  }
0x23b: {  	v35 =	vmul.f32 v51, v35;
	_ =	sdelay $0x1  }
0x23c: {  	[tilespmem:s21+$0x20] =	vst v35  }
0x23d: {  	v35 =	vld.idx.msk [tilespmem:v50+s20+$0x0], $0xffff  }
0x23e: {  	v52 =	vld [tilespmem:s14+$0x30];
	_ =	sdelay $0x2  }
0x23f: {  	v34 =	vadd.s32 v4, v34;
	_ =	sdelay $0x1  }
0x240: {  	v35 =	vmul.f32 v52, v35;
	_ =	sdelay $0x1  }
0x241: {  	[tilespmem:s21+$0x30] =	vst v35  }
0x242: {  	v35 =	vld.idx.msk [tilespmem:v34+s20+$0x0], $0xffff  }
0x243: {  	v53 =	vld [tilespmem:s14+$0x40];
	_ =	sdelay $0x4  }
0x244: {  	v35 =	vmul.f32 v53, v35;
	_ =	sdelay $0x1  }
0x245: {  	v54 =	vmov s15;
	[tilespmem:s21+$0x40] =	vst v35  }
0x246: {  	v35 =	vmul.u32 $0x68, v54;
	v34 =	vld.idx.msk [tilespmem:v34+s20+$0x0], $0xffff  }
0x247: {  	v55 =	vld [tilespmem:s14+$0x50]  }
0x248: {  	v35 =	vbroadcast v35, $0x0;
	_ =	sdelay $0x1  }
0x249: {  	v56 =	vadd.s32 v2, v35;
	_ =	sdelay $0x1  }
0x24a: {  	v34 =	vmul.f32 v55, v34;
	_ =	sdelay $0x1  }
0x24b: {  	[tilespmem:s21+$0x50] =	vst v34  }
0x24c: {  	v34 =	vld.idx.msk [tilespmem:v56+s20+$0x0], $0xffff  }
0x24d: {  	v57 =	vld [tilespmem:s14+$0x60];
	_ =	sdelay $0x4  }
0x24e: {  	v34 =	vmul.f32 v57, v34;
	_ =	sdelay $0x1  }
0x24f: {  	[tilespmem:s21+$0x68] =	vst v34  }
0x250: {  	v34 =	vld.idx.msk [tilespmem:v56+s20+$0x0], $0xffff  }
0x251: {  	v58 =	vld [tilespmem:s14+$0x70];
	_ =	sdelay $0x2  }
0x252: {  	v59 =	vadd.s32 v3, v35;
	_ =	sdelay $0x1  }
0x253: {  	v34 =	vmul.f32 v58, v34;
	_ =	sdelay $0x1  }
0x254: {  	[tilespmem:s21+$0x78] =	vst v34  }
0x255: {  	v34 =	vld.idx.msk [tilespmem:v59+s20+$0x0], $0xffff  }
0x256: {  	v60 =	vld [tilespmem:s14+$0x80];
	_ =	sdelay $0x4  }
0x257: {  	v34 =	vmul.f32 v60, v34;
	_ =	sdelay $0x1  }
0x258: {  	[tilespmem:s21+$0x88] =	vst v34  }
0x259: {  	v34 =	vld.idx.msk [tilespmem:v59+s20+$0x0], $0xffff  }
0x25a: {  	v61 =	vld [tilespmem:s14+$0x90];
	_ =	sdelay $0x2  }
0x25b: {  	v35 =	vadd.s32 v4, v35;
	_ =	sdelay $0x1  }
0x25c: {  	v34 =	vmul.f32 v61, v34;
	_ =	sdelay $0x1  }
0x25d: {  	[tilespmem:s21+$0x98] =	vst v34  }
0x25e: {  	v34 =	vld.idx.msk [tilespmem:v35+s20+$0x0], $0xffff  }
0x25f: {  	v62 =	vld [tilespmem:s14+$0xA0];
	_ =	sdelay $0x4  }
0x260: {  	v34 =	vmul.f32 v62, v34;
	_ =	sdelay $0x1  }
0x261: {  	[tilespmem:s21+$0xA8] =	vst v34  }
0x262: {  	v34 =	vld.idx.msk [tilespmem:v35+s20+$0x0], $0xffff  }
0x263: {  	v63 =	vld [tilespmem:s14+$0xB0];
	_ =	sdelay $0x4  }
0x264: {  	s7 =	sadd.s32 $0x1, s7;
	v34 =	vmul.f32 v63, v34  }
0x265: {  	p1 =	sne.s32 s7, $0xFA  }
.Ltmp1:
0x266: {  	[tilespmem:s21+$0xB8] =	vst v34;
	(pc) =	sbr.rel @p1 .LBB2_2-.Ltmp1, $4  }
0x267: {  	[spmem:s2] =	stream.indirect.scatter.add.f32 [tilespmem:s20], [sflag:$0x3], $0x68, s24, s28, $0xb8;
	[tilespmem:$0x169E8] =	vst v63  }
0x268: {  	_ =	swait.ge [sflag:s17], $0x2080  }
0x269: {  	[sflag:s17] =	ssyncset.done $0x0  }
0x26a: {  	[sflag:s17] =	ssyncadd.s32 $0xFFFFDF80  }
0x26b: {  	[bflag:$0x0] =	sbarrier.arrive $0xFFFF  }
0x26c: {  	s7 =	rddreg [dreg:$0x9]  }
0x26d: {  	[hbm:s7], [sflag:s18] =	dma.local [spmem:s19], $0x1FBD  }
0x26e: {  	_ =	swait.ge [sflag:s17], $0x1FBD  }
0x26f: {  	s16 =	sadd.s32 $0x1, s16;
	s22 =	rddreg [dreg:$0xa]  }
0x270: {  	p1 =	sne.s32 s16, s22  }
.Ltmp2:
0x271: {  	_ = 	snop;
	(pc) =	sbr.rel @p1 .LBB2_1-.Ltmp2, $3  }
0x272: {  	_ =	sdelay $0x1  }
0x273: {  	[sflag:s17] =	ssyncset.done $0x0  }
0x274: {  	[sflag:s17] =	ssyncadd.s32 $0xFFFFE043  }
0x275: {  	_ =	sfence.sel $0x180000  }
0x276: {  	[bflag:$0x0] =	sbarrier.arrive $0xFFFF  }
0x277: {  	_ =	strace $0x9000004A  }
0x278: {  	[bflag:$0x2] =	sbarrier.arrive $0xFFFF  }
0x279: {  	s0 =	rddreg [dreg:$0x5]  }
0x27a: {  	s0 =	sadd.s32 @!p0 $0x100000, s0  }
0x27b: {  	[sflag:s0] =	ssyncadd.tile.s32 @!p0 $0x1;
	_ =	shalt  }
.Lfunc_end2:
_tile_overlayer_lowered:
.L_overlay_start_2:
0x27c: {  	(tag) =	ssettag $0x2  }
0x27d: {  	s0 =	rddreg [dreg:$0x0];
	s2 =	stileid.u32  }
0x27e: {  	s1 =	rddreg [dreg:$0x1];
	p0 =	sne.s32 s2, $0x0  }
0x27f: {  	s3 =	rddreg [dreg:$0x2];
	[bflag:$0x3] =	sbarrier.arrive $0xFFFF;
	s2 =	simm.s32 @!p0 $0x1C03  }
0x280: {  	[timem:s3], [sflag:s2] =	dma.local @!p0 [hbm:s0], s1  }
0x281: {  	s0 =	simm.s32 @!p0 $0x3  }
0x282: {  	_ =	swait.ge @!p0 [sflag:s0], s1  }
0x283: {  	s1 =	ssub.s32 @!p0 $0x0, s1;
	[sflag:s0] =	ssyncset.done @!p0 $0x0  }
0x284: {  	[sflag:s0] =	ssyncadd.s32 @!p0 s1  }
0x285: {  	[bflag:$0x3] =	sbarrier.arrive $0xFFFF  }
0x286: {  	_ =	shalt  }

// kernel: kernel.15.cloned.1.call-start
scs
__scs_entry_jumppad:
0x0: {  	(pc) =	sbr.rel $0x88, $3  }
0x1: {  	(tag) =	ssettag $0x0;
	lr =	simm.s32 $0x1  }
0x2: {  	[smem:$0x3F89] =	sst lr;
	_ =	strace $0xD0000000  }
0x3: {  	_ = 	snop  }
0x4: {  	_ = 	snop  }
0x5: {  	_ = 	snop  }
0x6: {  	_ = 	snop  }
0x7: {  	_ = 	snop  }
__scs_overlays_trampoline_lowered:
0x8: {  	[smem:$0x3F98] =	sst s0  }
0x9: {  	[smem:$0x3F99] =	sst s1  }
0xa: {  	[smem:$0x3F9A] =	sst s2  }
0xb: {  	[smem:$0x3F9B] =	sst s3  }
0xc: {  	[smem:$0x3F9C] =	sst s4  }
0xd: {  	[smem:$0x3F9D] =	sst s5  }
0xe: {  	[smem:$0x3F9E] =	sst s6  }
0xf: {  	[smem:$0x3F9F] =	sst s7  }
0x10: {  	[smem:$0x3FA0] =	sst s8  }
0x11: {  	[smem:$0x3FA1] =	sst s9;
	s0 =	simm.s32 @!p0 $0x0  }
0x12: {  	s1 =	sld [smem:$0x3F87];
	s0 =	simm.s32 @p0 $0x1  }
0x13: {  	[smem:$0x3FA2] =	sst s0;
	s0 =	simm.s32 @!p1 $0x0  }
0x14: {  	s2 =	sld [smem:$0x3F86];
	s0 =	simm.s32 @p1 $0x1  }
0x15: {  	[smem:$0x3FA3] =	sst s0;
	s0 =	simm.s32 @!p2 $0x0  }
0x16: {  	s3 =	sld [smem:$0x3FDB];
	s0 =	simm.s32 @p2 $0x1  }
0x17: {  	s4 =	simm.s32 $0x1BF5;
	[smem:$0x3FA5] =	sst s0  }
0x18: {  	s0 =	sld [smem:$0x3F88];
	_ =	swait.ge [sflag:s4], $0x0  }
0x19: {  	s7 =	sld [smem:$0x3F89]  }
0x1a: {  	s8 =	sadd.s32 $0xFFFFE003, lr  }
0x1b: {  	s9 =	sadd.s32 $0xFFFFFEF7, lr;
	s5 =	simm.s32 $0xFFFFFFFF;
	p2 =	slt.u32 s8, $0xFFFFF086  }
0x1c: {  	p1 =	slt.u32 s9, $0xF7A;
	s5 =	simm.s32 @!p2 $0x0  }
0x1d: {  	s5 =	simm.s32 @p1 $0x1;
	p0 =	seq.s32 s7, s2  }
0x1e: {  	s7 =	smul.u32 @!p0 $0xF7A, s2;
	p2 =	seq.s32 @!p0 s5, $0x0  }
0x1f: {  	s9 =	smul.u32 $0xF7A, s1;
	s8 =	simm.s32 @!p0 $0x1BF5;
	p2 =	por !p2, p0  }
0x20: {  	[sflag:s8] =	ssyncset.s32 @!p0 $0xFFFFF086;
	s6 =	sadd.s32 @!p0 s3, s7;
	s7 =	simm.s32 @!p0 $0x108  }
0x21: {  	s3 =	sadd.s32 s3, s9;
	s6 =	sadd.s32 @!p0 $0x88, s6;
	s7 =	simm.s32 @p2 $0x1082  }
0x22: {  	[simem:s7], [sflag:s8] =	dma.local @!p0 [hbm:s6], $0xF7A  }
0x23: {  	s9 =	sor.u32 $0xD0000000, s2;
	s6 =	simm.s32 $0x108;
	_ =	swait.ge @!p0 [sflag:s8], $0x0  }
0x24: {  	s3 =	sadd.s32 $0x88, s3;
	s6 =	simm.s32 @!p1 $0x1082;
	[sflag:s4] =	ssyncset.s32 $0xFFFFF086  }
0x25: {  	[simem:s6], [sflag:s4] =	dma.local [hbm:s3], $0xF7A  }
0x26: {  	[smem:$0x3F89] =	sst s1;
	(tag) =	ssettag s2;
	_ =	strace s9  }
0x27: {  	s1 =	sld [smem:$0x3F99]  }
0x28: {  	s2 =	sld [smem:$0x3F9A]  }
0x29: {  	s4 =	sld [smem:$0x3F9C]  }
0x2a: {  	p0 =	seq.s32 s5, $0x0;
	s5 =	sld [smem:$0x3F9D]  }
0x2b: {  	s6 =	sld [smem:$0x3F9E]  }
0x2c: {  	s7 =	sld [smem:$0x3F9F]  }
0x2d: {  	s3 =	simm.s32 $0x108;
	s8 =	sld [smem:$0x3FA0]  }
0x2e: {  	s3 =	simm.s32 @!p0 $0x1082;
	s9 =	sld [smem:$0x3FA1]  }
0x2f: {  	lr =	sadd.s32 s0, s3;
	s0 =	sld [smem:$0x3F98]  }
0x30: {  	s3 =	sld [smem:$0x3F9B]  }
0x31: {  	[smem:$0x3FA4] =	sst s10  }
0x32: {  	s10 =	sld [smem:$0x3FA2];
	_ =	sdelay $0x3  }
0x33: {  	p0 =	seq.s32 s10, $0x1;
	s10 =	sld [smem:$0x3FA4];
	_ =	sdelay $0x3  }
0x34: {  	[smem:$0x3FA4] =	sst s10  }
0x35: {  	s10 =	sld [smem:$0x3FA3];
	_ =	sdelay $0x3  }
0x36: {  	p1 =	seq.s32 s10, $0x1;
	s10 =	sld [smem:$0x3FA4];
	_ =	sdelay $0x3  }
0x37: {  	[smem:$0x3FA4] =	sst s10  }
0x38: {  	s10 =	sld [smem:$0x3FA5]  }
0x39: {  	_ = 	snop;
	(pc) =	sbr.ind lr, $3  }
0x3a: {  	_ = 	snop  }
0x3b: {  	_ = 	snop  }
0x3c: {  	p2 =	seq.s32 s10, $0x1;
	s10 =	sld [smem:$0x3FA4]  }
0x3d: {  	_ =	shalt  }
0x3e: {  	_ =	shalt  }
0x3f: {  	_ =	shalt  }
0x40: {  	_ =	shalt  }
0x41: {  	_ =	shalt  }
0x42: {  	_ =	shalt  }
0x43: {  	_ =	shalt  }
0x44: {  	_ =	shalt  }
0x45: {  	_ =	shalt  }
0x46: {  	_ =	shalt  }
0x47: {  	_ =	shalt  }
0x48: {  	_ =	shalt  }
0x49: {  	_ =	shalt  }
0x4a: {  	_ =	shalt  }
0x4b: {  	_ =	shalt  }
0x4c: {  	_ =	shalt  }
0x4d: {  	_ =	shalt  }
0x4e: {  	_ =	shalt  }
0x4f: {  	_ =	shalt  }
0x50: {  	_ =	shalt  }
0x51: {  	_ =	shalt  }
0x52: {  	_ =	shalt  }
0x53: {  	_ =	shalt  }
0x54: {  	_ =	shalt  }
0x55: {  	_ =	shalt  }
0x56: {  	_ =	shalt  }
0x57: {  	_ =	shalt  }
0x58: {  	_ =	shalt  }
0x59: {  	_ =	shalt  }
0x5a: {  	_ =	shalt  }
0x5b: {  	_ =	shalt  }
0x5c: {  	_ =	shalt  }
0x5d: {  	_ =	shalt  }
0x5e: {  	_ =	shalt  }
0x5f: {  	_ =	shalt  }
0x60: {  	_ =	shalt  }
0x61: {  	_ =	shalt  }
0x62: {  	_ =	shalt  }
0x63: {  	_ =	shalt  }
0x64: {  	_ =	shalt  }
0x65: {  	_ =	shalt  }
0x66: {  	_ =	shalt  }
0x67: {  	_ =	shalt  }
0x68: {  	_ =	shalt  }
0x69: {  	_ =	shalt  }
0x6a: {  	_ =	shalt  }
0x6b: {  	_ =	shalt  }
0x6c: {  	_ =	shalt  }
0x6d: {  	_ =	shalt  }
0x6e: {  	_ =	shalt  }
0x6f: {  	_ =	shalt  }
0x70: {  	_ =	shalt  }
0x71: {  	_ =	shalt  }
0x72: {  	_ =	shalt  }
0x73: {  	_ =	shalt  }
0x74: {  	_ =	shalt  }
0x75: {  	_ =	shalt  }
0x76: {  	_ =	shalt  }
0x77: {  	_ =	shalt  }
0x78: {  	_ =	shalt  }
0x79: {  	_ =	shalt  }
0x7a: {  	_ =	shalt  }
0x7b: {  	_ =	shalt  }
0x7c: {  	_ =	shalt  }
0x7d: {  	_ =	shalt  }
0x7e: {  	_ =	shalt  }
0x7f: {  	_ =	shalt  }
0x80: {  	_ =	shalt  }
0x81: {  	_ =	shalt  }
0x82: {  	_ =	shalt  }
0x83: {  	_ =	shalt  }
0x84: {  	_ =	shalt  }
0x85: {  	_ =	shalt  }
0x86: {  	_ =	shalt  }
0x87: {  	_ =	shalt  }
.Lfunc_end0:
.L_simem_size_0:
called_computation.2_lowered:
.L_overlay_start_0:
0x88: {  	s2 =	sld [smem:$0x3FD9]  }
0x89: {  	s3 =	sld [smem:$0x3FFE];
	_ =	sdelay $0x1  }
0x8a: {  	s1 =	srdreg.scid  }
0x8b: {  	s0 =	sand.u32 $0x1, s1  }
0x8c: {  	s17 =	sshll.u32 s0, $0xA;
	s2 =	sadd.s32 s3, s2  }
0x8d: {  	s2 =	sadd.s32 s2, s17  }
0x8e: {  	[smem:$0x3FB0] =	sst s2  }
0x8f: {  	_ = 	snop  }
0x90: {  	s2 =	sld [smem:$0x3FD0];
	(tm) =	ssettm $0x1  }
0x91: {  	s18 =	sld [smem:$0x3FFB];
	_ =	sdelay $0x3  }
0x92: {  	_ =	strace s18  }
0x93: {  	s3 =	sld [smem:$0x3FFC];
	_ =	sdelay $0x3  }
0x94: {  	_ =	strace s3  }
0x95: {  	s3 =	sld [smem:$0x3FFD];
	_ =	sdelay $0x3  }
0x96: {  	_ =	strace s3  }
0x97: {  	_ =	strace $0x8FFFFFFF  }
0x98: {  	s19 =	sld [smem:$0x3FDB];
	_ =	sdelay $0x1  }
0x99: {  	s4 =	simm.s32 $_scs_section_size  }
0x9a: {  	s5 =	simm.s32 $_size__tile_overlayer_lowered;
	s6 =	simm.s32 $_tile_overlayer_lowered  }
0x9b: {  	s22 =	simm.s32 $0x1BFF;
	s21 =	sshll.u32 s6, $0x1;
	s3 =	sadd.s32 s4, s19  }
0x9c: {  	s7 =	simm.s32 $0x0;
	s20 =	sshll.u32 s5, $0x1;
	s5 =	sadd.s32 s21, s3  }
0x9d: {  	[timem:s7], [sflag:s22] =	dma.local [hbm:s5], s20  }
0x9e: {  	_ =	swait.ge [sflag:s22], s20  }
0x9f: {  	s4 =	ssub.s32 $0x0, s20;
	[sflag:s22] =	ssyncset.done $0x0  }
0xa0: {  	[sflag:s22] =	ssyncadd.s32 s4;
	_ =	sdelay $0x1  }
0xa1: {  	s23 =	simm.s32 $0x1B8B  }
0xa2: {  	_ =	swait.ge [sflag:s23], $0x1  }
0xa3: {  	[sflag:s23] =	ssyncset.done $0x0  }
0xa4: {  	s25 =	simm.s32 $0x1B8E;
	s24 =	sld [smem:$0x3FFE];
	[sflag:s23] =	ssyncadd.s32 $0xFFFFFFFF  }
0xa5: {  	s26 =	simm.s32 $execute0_lowered;
	[smem:$0x3FD2] =	sst s25  }
0xa6: {  	s5 =	sshll.u32 s26, $0x1;
	_ =	strace $0x8000004C;
	[dreg:$0x1] =	wrdreg $0xFFFFFFFF  }
0xa7: {  	s28 =	simm.s32 $_size_execute0_lowered;
	s3 =	sadd.s32 s3, s5;
	[dreg:$0x0] =	wrdreg $0x0  }
0xa8: {  	s5 =	sshll.u32 s28, $0x1;
	[dreg:$0x2] =	wrdreg s3  }
0xa9: {  	[dreg:$0x3] =	wrdreg s5  }
0xaa: {  	[dreg:$0x4] =	wrdreg $0xC0  }
0xab: {  	_ =	task [dreg:s7], $0x5FFFF  }
0xac: {  	[dreg:$0x1] =	wrdreg $0xFFFFFFFF  }
0xad: {  	[dreg:$0x0] =	wrdreg $0x60  }
0xae: {  	[dreg:$0x2] =	wrdreg s2  }
0xaf: {  	[dreg:$0x3] =	wrdreg s24  }
0xb0: {  	[dreg:$0x4] =	wrdreg $0x27100  }
0xb1: {  	[dreg:$0x5] =	wrdreg $0x0  }
0xb2: {  	[dreg:$0x6] =	wrdreg $0x13880  }
0xb3: {  	[dreg:$0x7] =	wrdreg $0x9  }
0xb4: {  	_ =	task.clear_ibuf [dreg:s7], $0x8FFFF;
	_ =	strace $0x9000004C  }
0xb5: {  	s29 =	simm.s32 $0x9;
	_ =	strace $0x8000004E  }
0xb6: {  	_ =	swait.ge [sflag:s29], $0x1  }
0xb7: {  	[sflag:s29] =	ssyncadd.s32 $0xFFFFFFFF  }
0xb8: {  	_ =	strace $0x9000004E  }
0xb9: {  	_ =	sfence  }
0xba: {  	s30 =	sld [smem:$0x0];
	_ =	sdelay $0x2  }
0xbb: {  	s31 =	sshll.u32 s1, $0xD;
	s1 =	sshrl.u32 s1, $0x2  }
0xbc: {  	s3 =	sand.u32 $0x4000, s31;
	s1 =	sadd.s32 s1, s30  }
0xbd: {  	s0 =	sor.u32 s3, s0;
	s1 =	sshll.u32 s1, $0x11  }
0xbe: {  	s0 =	sor.u32 s1, s0  }
0xbf: {  	s0 =	sadd.s32 $0x8F2B, s0  }
0xc0: {  	[sflag:s0] =	ssyncadd.remote.s32 $0x1  }
0xc1: {  	_ =	sfence.sel $0xFFFF  }
0xc2: {  	[dreg:$0x0] =	wrdreg $0xFFFFFFFF;
	(pc) =	sbr.abs _section_cstart, $3  }
0xc3: {  	[dreg:$0x1] =	wrdreg $0xFFFFFFFF  }
0xc4: {  	_ =	task.clear_ibuf [dreg:s7], $0x2FFFF;
	_ =	strace $0x9FFFFFFF  }
0xc5: {  	(tm) =	ssettm $0x7FFFFFFF  }
tec
execute0_lowered:
.L_overlay_start_1:
0x0: {  	(tag) =	ssettag $0x1  }
0x1: {  	s1 =	rddreg [dreg:$0x0]  }
0x2: {  	s0 =	rddreg [dreg:$0x1]  }
0x3: {  	s2 =	rddreg [dreg:$0x2]  }
0x4: {  	s3 =	rddreg [dreg:$0x3]  }
0x5: {  	s4 =	rddreg [dreg:$0x4];
	s5 =	simm.s32 $0x0;
	s6 =	srdreg.scid  }
0x6: {  	s7 =	stileid.u32;
	s17 =	simm.s32 $0x3;
	s20 =	simm.s32 $0xF128  }
0x7: {  	s28 =	simm.s32 $0x50;
	s29 =	simm.s32 $0xD738;
	s30 =	simm.s32 $0xDD28  }
0x8: {  	s31 =	simm.s32 $0xD828;
	s16 =	simm.s32 $0x1;
	[smem:$0x7FF] =	sst s5  }
0x9: {  	s6 =	sand.u32 $0x1, s6;
	s11 =	smul.u32 $0xAFC8, s7;
	s8 =	sadd.s32 $0x3400, s0  }
0xa: {  	s21 =	sadd.s32 $0xC00, s0;
	s9 =	sadd.s32 $0x3DE00, s0;
	s10 =	sadd.s32 $0x51A00, s0  }
0xb: {  	s13 =	sadd.s32 $0x5B800, s0;
	s14 =	sadd.s32 $0x5C00, s0;
	p0 =	sne.s32 s7, $0x0  }
0xc: {  	s26 =	sshll.u32 s7, $0x6;
	_ =	strace $0x8000004D;
	[dreg:$0x6] =	wrdreg s8  }
0xd: {  	[dreg:$0x7] =	wrdreg s21;
	s12 =	smul.u32 $0xAFC80, s6;
	s8 =	sadd.s32 $0x47C00, s0  }
0xe: {  	[dreg:$0x8] =	wrdreg s13;
	s22 =	ssub.s32 $0x2, s6;
	s13 =	smul.u32 $0x4E20, s7  }
0xf: {  	[dreg:$0x9] =	wrdreg s14;
	s6 =	smul.u32 $0x2710, s6;
	s18 =	sor.u32 $0x1C03, s26  }
0x10: {  	s26 =	simm.s32 $0x2;
	s23 =	sshrl.u32 s22, $0x1;
	s12 =	sadd.s32 s11, s12  }
0x11: {  	v1 =	vlaneseq.u32;
	s24 =	ssub.s32 s22, s23;
	s11 =	sadd.s32 s11, s2;
	s12 =	sshrl.u32 s12, $0x3  }
0x12: {  	v0 =	vmul.u32 $0x8, v1;
	v10 =	vmul.u32 $0x48, v1;
	s23 =	simm.s32 $0xD6E8;
	s25 =	smax.u32 s24, $0x1;
	s0 =	sadd.s32 s12, s0  }
0x13: {  	v1 =	vmov s6;
	s6 =	simm.s32 $0x0;
	[dreg:$0xb] =	wrdreg s25;
	s0 =	sadd.s32 $0x7200, s0  }
0x14: {  	v2 =	vadd.s32 $0x40, v10;
	v3 =	vor.u32 $0x80, v0;
	v4 =	vadd.s32 $0x4C0, v10;
	s19 =	sshrl.u32 s11, $0x3;
	[dreg:$0xa] =	wrdreg s0;
	s0 =	sshrl.u32 @!p0 s3, $0x3  }
0x15: {  	v5 =	vor.u32 $0x100, v0;
	v6 =	vadd.s32 $0x940, v10;
	v7 =	vor.u32 $0x180, v0;
	s24 =	simm.s32 $0xD788;
	[dreg:$0xc] =	wrdreg s0;
	s0 =	sshrl.u32 @!p0 s4, $0x3  }
0x16: {  	v8 =	vadd.s32 $0xDC0, v10;
	v9 =	vor.u32 $0x200, v0;
	v10 =	vadd.s32 $0x1240, v10;
	s25 =	simm.s32 $0xD7D8;
	[dreg:$0xd] =	wrdreg s0;
	s0 =	simm.s32 $0xDAA8  }
.LBB2_1:
0x17: {  	s7 =	rddreg [dreg:$0x8];
	s11 =	simm.s32 $0xD6D8  }
0x18: {  	[tilespmem:s11], [sflag:$0x3] =	stream.linear.gather [hbm4b:s7+s5], $0x10, $0x38;
	[tilespmem:$0x107A8] =	vst v63  }
0x19: {  	_ =	swait.ge [sflag:s17], $0x10  }
0x1a: {  	[sflag:s17] =	ssyncset.done $0x0  }
0x1b: {  	s22 =	rddreg [dreg:$0x9];
	[sflag:s17] =	ssyncadd.s32 $0xFFFFFFF0  }
0x1c: {  	[spmem:s19], [sflag:s18] =	dma.local [hbm:s22], $0x15F9  }
0x1d: {  	_ =	swait.ge [sflag:s17], $0x15F9  }
0x1e: {  	[sflag:s17] =	ssyncset.done $0x0  }
0x1f: {  	[sflag:s17] =	ssyncadd.s32 $0xFFFFEA07  }
0x20: {  	[tilespmem:s20], [sflag:$0x3] =	stream.linear.gather [hbm4b:s22+s5], $0x1680, $0x38;
	[tilespmem:$0x107A8] =	vst v63  }
0x21: {  	_ =	swait.ge [sflag:s17], $0x1680  }
0x22: {  	[sflag:s17] =	ssyncset.done $0x0;
	s7 =	rddreg [dreg:$0x6]  }
0x23: {  	s11 =	rddreg [dreg:$0xc];
	[sflag:s17] =	ssyncadd.s32 $0xFFFFE980  }
0x24: {  	[spmem:s11], [sflag:s18] =	dma.local @!p0 [hbm:s7], $0x2710  }
0x25: {  	s7 =	simm.s32 @!p0 $0x3  }
0x26: {  	_ =	swait.ge @!p0 [sflag:s7], $0x2710  }
0x27: {  	[sflag:s7] =	ssyncset.done @!p0 $0x0;
	s11 =	rddreg [dreg:$0x7]  }
0x28: {  	s12 =	rddreg [dreg:$0xd];
	[sflag:s7] =	ssyncadd.s32 @!p0 $0xFFFFD8F0  }
0x29: {  	[spmem:s12], [sflag:s18] =	dma.local @!p0 [hbm:s11], $0x2710  }
0x2a: {  	_ =	swait.ge @!p0 [sflag:s7], $0x2710  }
0x2b: {  	[sflag:s7] =	ssyncset.done @!p0 $0x0  }
0x2c: {  	[sflag:s7] =	ssyncadd.s32 @!p0 $0xFFFFD8F0  }
0x2d: {  	s7 =	simm.s32 $0x0;
	[bflag:$0x0] =	sbarrier.arrive $0xFFFF  }
.LBB2_2:
0x2e: {  	s11 =	smul.u32 $0x50, s7;
	_ =	sdelay $0x1  }
0x2f: {  	s11 =	sadd.s32 s13, s11  }
0x30: {  	s11 =	sshrl.u32 s11, $0x3  }
0x31: {  	s12 =	sadd.s32 s8, s11  }
0x32: {  	[tilespmem:s23], [sflag:$0x2] =	stream.linear.gather [hbm4b:s12+s5], $0x50, $0x38;
	[tilespmem:$0x107A8] =	vst v63  }
0x33: {  	s15 =	sadd.s32 s9, s11  }
0x34: {  	[tilespmem:s24], [sflag:$0x2] =	stream.linear.gather [hbm4b:s15+s5], $0x50, $0x38;
	[tilespmem:$0x107A8] =	vst v63  }
0x35: {  	s11 =	sadd.s32 s10, s11  }
0x36: {  	[tilespmem:s25], [sflag:$0x2] =	stream.linear.gather [hbm4b:s11+s5], $0x50, $0x38;
	[tilespmem:$0x107A8] =	vst v63  }
0x37: {  	_ =	swait.ge [sflag:s26], $0x50  }
0x38: {  	[sflag:s26] =	ssyncset.done $0x0  }
0x39: {  	[sflag:s26] =	ssyncadd.s32 $0xFFFFFFB0  }
0x3a: {  	_ =	swait.ge [sflag:s26], $0x50  }
0x3b: {  	[sflag:s26] =	ssyncset.done $0x0  }
0x3c: {  	[sflag:s26] =	ssyncadd.s32 $0xFFFFFFB0  }
0x3d: {  	_ =	swait.ge [sflag:s26], $0x50  }
0x3e: {  	[sflag:s26] =	ssyncset.done $0x0  }
0x3f: {  	[sflag:s26] =	ssyncadd.s32 $0xFFFFFFB0  }
0x40: {  	v11 =	vld [tilespmem:$0xD6E8]  }
0x41: {  	v12 =	vld [tilespmem:$0xD6F8]  }
0x42: {  	v13 =	vld [tilespmem:$0xD708]  }
0x43: {  	v14 =	vld [tilespmem:$0xD718]  }
0x44: {  	v15 =	vld [tilespmem:$0xD728]  }
0x45: {  	v11 =	vadd.s32 v1, v11  }
0x46: {  	[tilespmem:$0xD738] =	vst v11;
	v11 =	vadd.s32 v1, v12  }
0x47: {  	[tilespmem:$0xD748] =	vst v11;
	v11 =	vadd.s32 v1, v13  }
0x48: {  	[tilespmem:$0xD758] =	vst v11;
	v11 =	vadd.s32 v1, v14  }
0x49: {  	[tilespmem:$0xD768] =	vst v11;
	v11 =	vadd.s32 v1, v15  }
0x4a: {  	[tilespmem:$0xD778] =	vst v11  }
0x4b: {  	[tilespmem:s30], [sflag:$0x1] =	stream.indirect.gather [hbm4b:s1+s28], $0x40, s29, s28, $0xb8;
	[tilespmem:$0x107A8] =	vst v63  }
0x4c: {  	_ = 	snop  }
0x4d: {  	[tilespmem:s31], [sflag:$0x2] =	stream.indirect.gather [spmem:s3], $0x8, s23, s28, $0xb8;
	[tilespmem:$0x107A8] =	vst v63  }
0x4e: {  	_ = 	snop  }
0x4f: {  	[tilespmem:s0], [sflag:$0x2] =	stream.indirect.gather [spmem:s4], $0x8, s24, s28, $0xb8;
	[tilespmem:$0x107A8] =	vst v63  }
0x50: {  	_ =	swait.ge [sflag:s26], $0x280  }
0x51: {  	[sflag:s26] =	ssyncset.done $0x0  }
0x52: {  	[sflag:s26] =	ssyncadd.s32 $0xFFFFFD80  }
0x53: {  	_ =	swait.ge [sflag:s26], $0x280  }
0x54: {  	[sflag:s26] =	ssyncset.done $0x0  }
0x55: {  	[sflag:s26] =	ssyncadd.s32 $0xFFFFFD80  }
0x56: {  	v11 =	vld [tilespmem:$0xD7D8]  }
0x57: {  	v12 =	vld.idx.msk [tilespmem:v0+s31+$0x0], $0xffff  }
0x58: {  	v13 =	vld.idx.msk [tilespmem:v0+s0+$0x0], $0xffff  }
0x59: {  	v14 =	vld [tilespmem:$0xD6D8];
	_ =	sdelay $0x4  }
0x5a: {  	v12 =	vadd.f32 v13, v12;
	v11 =	vmul.f32 v14, v11;
	_ =	sdelay $0x1  }
0x5b: {  	v11 =	vadd.f32 v11, v12;
	_ =	sdelay $0x1  }
0x5c: {  	v12 =	vmul.f32 $2.000000030e-01, v11;
	_ =	sdelay $0x1  }
0x5d: {  	v11 =	vmax.f32 v11, v12  }
0x5e: {  	v11 =	vmul.f32 $1.442695020e+00, v11;
	_ =	sdelay $0x1  }
0x5f: {  	(erf) = vpow2.f32 v11;
	_ =	sdelay $0x8  }
0x60: {  	v11 =	vpop (erf)  }
0x61: {  	[tilespmem:v2+s20+$0x0] =	vst.idx.msk $0xffff, v11  }
0x62: {  	v11 =	vld [tilespmem:$0xD7E8]  }
0x63: {  	v12 =	vld.idx.msk [tilespmem:v3+s31+$0x0], $0xffff  }
0x64: {  	v13 =	vld.idx.msk [tilespmem:v3+s0+$0x0], $0xffff  }
0x65: {  	v14 =	vld [tilespmem:$0xD6D8];
	_ =	sdelay $0x4  }
0x66: {  	v12 =	vadd.f32 v13, v12;
	v11 =	vmul.f32 v14, v11;
	_ =	sdelay $0x1  }
0x67: {  	v11 =	vadd.f32 v11, v12;
	_ =	sdelay $0x1  }
0x68: {  	v12 =	vmul.f32 $2.000000030e-01, v11;
	_ =	sdelay $0x1  }
0x69: {  	v11 =	vmax.f32 v11, v12  }
0x6a: {  	v11 =	vmul.f32 $1.442695020e+00, v11;
	_ =	sdelay $0x1  }
0x6b: {  	(erf) = vpow2.f32 v11;
	_ =	sdelay $0x8  }
0x6c: {  	v11 =	vpop (erf)  }
0x6d: {  	[tilespmem:v4+s20+$0x0] =	vst.idx.msk $0xffff, v11  }
0x6e: {  	v11 =	vld [tilespmem:$0xD7F8]  }
0x6f: {  	v12 =	vld.idx.msk [tilespmem:v5+s31+$0x0], $0xffff  }
0x70: {  	v13 =	vld.idx.msk [tilespmem:v5+s0+$0x0], $0xffff  }
0x71: {  	v14 =	vld [tilespmem:$0xD6D8];
	_ =	sdelay $0x4  }
0x72: {  	v12 =	vadd.f32 v13, v12;
	v11 =	vmul.f32 v14, v11;
	_ =	sdelay $0x1  }
0x73: {  	v11 =	vadd.f32 v11, v12;
	_ =	sdelay $0x1  }
0x74: {  	v12 =	vmul.f32 $2.000000030e-01, v11;
	_ =	sdelay $0x1  }
0x75: {  	v11 =	vmax.f32 v11, v12  }
0x76: {  	v11 =	vmul.f32 $1.442695020e+00, v11;
	_ =	sdelay $0x1  }
0x77: {  	(erf) = vpow2.f32 v11;
	_ =	sdelay $0x8  }
0x78: {  	v11 =	vpop (erf)  }
0x79: {  	[tilespmem:v6+s20+$0x0] =	vst.idx.msk $0xffff, v11  }
0x7a: {  	v11 =	vld [tilespmem:$0xD808]  }
0x7b: {  	v12 =	vld.idx.msk [tilespmem:v7+s31+$0x0], $0xffff  }
0x7c: {  	v13 =	vld.idx.msk [tilespmem:v7+s0+$0x0], $0xffff  }
0x7d: {  	v14 =	vld [tilespmem:$0xD6D8];
	_ =	sdelay $0x4  }
0x7e: {  	v12 =	vadd.f32 v13, v12;
	v11 =	vmul.f32 v14, v11;
	_ =	sdelay $0x1  }
0x7f: {  	v11 =	vadd.f32 v11, v12;
	_ =	sdelay $0x1  }
0x80: {  	v12 =	vmul.f32 $2.000000030e-01, v11;
	_ =	sdelay $0x1  }
0x81: {  	v11 =	vmax.f32 v11, v12  }
0x82: {  	v11 =	vmul.f32 $1.442695020e+00, v11;
	_ =	sdelay $0x1  }
0x83: {  	(erf) = vpow2.f32 v11;
	_ =	sdelay $0x8  }
0x84: {  	v11 =	vpop (erf)  }
0x85: {  	[tilespmem:v8+s20+$0x0] =	vst.idx.msk $0xffff, v11  }
0x86: {  	v11 =	vld [tilespmem:$0xD818]  }
0x87: {  	v12 =	vld.idx.msk [tilespmem:v9+s31+$0x0], $0xffff  }
0x88: {  	v13 =	vld.idx.msk [tilespmem:v9+s0+$0x0], $0xffff  }
0x89: {  	v14 =	vld [tilespmem:$0xD6D8];
	_ =	sdelay $0x4  }
0x8a: {  	v12 =	vadd.f32 v13, v12;
	v11 =	vmul.f32 v14, v11;
	_ =	sdelay $0x1  }
0x8b: {  	v11 =	vadd.f32 v11, v12;
	_ =	sdelay $0x1  }
0x8c: {  	v12 =	vmul.f32 $2.000000030e-01, v11;
	_ =	sdelay $0x1  }
0x8d: {  	v11 =	vmax.f32 v11, v12  }
0x8e: {  	v11 =	vmul.f32 $1.442695020e+00, v11;
	_ =	sdelay $0x1  }
0x8f: {  	(erf) = vpow2.f32 v11;
	_ =	sdelay $0x2  }
0x90: {  	s21 =	simm.s32 $0x0  }
0x91: {  	v11 =	vmov s21  }
0x92: {  	v11 =	vmul.u32 $0x48, v11;
	_ =	sdelay $0x1  }
0x93: {  	v11 =	vadd.s32 $0x40, v11  }
0x94: {  	v11 =	vbroadcast v11, $0x0  }
0x95: {  	v12 =	vpop (erf)  }
0x96: {  	[tilespmem:v10+s20+$0x0] =	vst.idx.msk $0xffff, v12  }
0x97: {  	_ =	swait.ge [sflag:s16], $0x1400  }
0x98: {  	[sflag:s16] =	ssyncset.done $0x0  }
0x99: {  	[sflag:s16] =	ssyncadd.s32 $0xFFFFEC00  }
0x9a: {  	s14 =	simm.s32 $0xDDA8;
	v12 =	vld.idx.msk [tilespmem:v11+s20+$0x0], $0xffff  }
0x9b: {  	v13 =	vld [tilespmem:s14+$0xFFFFFF80];
	_ =	sdelay $0x4  }
0x9c: {  	v12 =	vmul.f32 v13, v12  }
0x9d: {  	s11 =	simm.s32 $0xF1B8  }
0x9e: {  	[tilespmem:s11+$0xFFFFFF70] =	vst v12  }
0x9f: {  	v12 =	vld.idx.msk [tilespmem:v11+s20+$0x0], $0xffff  }
0xa0: {  	v13 =	vld [tilespmem:s14+$0xFFFFFF90];
	_ =	sdelay $0x4  }
0xa1: {  	v12 =	vmul.f32 v13, v12;
	_ =	sdelay $0x1  }
0xa2: {  	[tilespmem:s11+$0xFFFFFF80] =	vst v12  }
0xa3: {  	v12 =	vld.idx.msk [tilespmem:v11+s20+$0x0], $0xffff  }
0xa4: {  	v13 =	vld [tilespmem:s14+$0xFFFFFFA0];
	_ =	sdelay $0x4  }
0xa5: {  	v12 =	vmul.f32 v13, v12;
	_ =	sdelay $0x1  }
0xa6: {  	s22 =	simm.s32 $0x1;
	[tilespmem:s11+$0xFFFFFF90] =	vst v12  }
0xa7: {  	v12 =	vmov s22;
	v11 =	vld.idx.msk [tilespmem:v11+s20+$0x0], $0xffff  }
0xa8: {  	v12 =	vmul.u32 $0x48, v12;
	v13 =	vld [tilespmem:s14+$0xFFFFFFB0];
	_ =	sdelay $0x1  }
0xa9: {  	v12 =	vadd.s32 $0x40, v12  }
0xaa: {  	v12 =	vbroadcast v12, $0x0;
	_ =	sdelay $0x1  }
0xab: {  	v11 =	vmul.f32 v13, v11;
	_ =	sdelay $0x1  }
0xac: {  	[tilespmem:s11+$0xFFFFFFA0] =	vst v11  }
0xad: {  	v13 =	vld [tilespmem:s14+$0xFFFFFFC0]  }
0xae: {  	v11 =	vld.idx.msk [tilespmem:v12+s20+$0x0], $0xffff;
	_ =	sdelay $0x4  }
0xaf: {  	v11 =	vmul.f32 v13, v11;
	_ =	sdelay $0x1  }
0xb0: {  	[tilespmem:s11+$0xFFFFFFB8] =	vst v11  }
0xb1: {  	v11 =	vld.idx.msk [tilespmem:v12+s20+$0x0], $0xffff  }
0xb2: {  	v13 =	vld [tilespmem:s14+$0xFFFFFFD0];
	_ =	sdelay $0x4  }
0xb3: {  	v11 =	vmul.f32 v13, v11;
	_ =	sdelay $0x1  }
0xb4: {  	[tilespmem:s11+$0xFFFFFFC8] =	vst v11  }
0xb5: {  	v11 =	vld.idx.msk [tilespmem:v12+s20+$0x0], $0xffff  }
0xb6: {  	v13 =	vld [tilespmem:s14+$0xFFFFFFE0];
	_ =	sdelay $0x4  }
0xb7: {  	v11 =	vmul.f32 v13, v11;
	_ =	sdelay $0x1  }
0xb8: {  	s15 =	simm.s32 $0x2;
	[tilespmem:s11+$0xFFFFFFD8] =	vst v11  }
0xb9: {  	v11 =	vmov s15;
	v12 =	vld.idx.msk [tilespmem:v12+s20+$0x0], $0xffff  }
0xba: {  	v11 =	vmul.u32 $0x48, v11;
	v13 =	vld [tilespmem:s14+$0xFFFFFFF0];
	_ =	sdelay $0x1  }
0xbb: {  	v11 =	vadd.s32 $0x40, v11  }
0xbc: {  	v11 =	vbroadcast v11, $0x0;
	_ =	sdelay $0x1  }
0xbd: {  	v12 =	vmul.f32 v13, v12;
	_ =	sdelay $0x1  }
0xbe: {  	[tilespmem:s11+$0xFFFFFFE8] =	vst v12  }
0xbf: {  	v13 =	vld [tilespmem:s14+$0x0]  }
0xc0: {  	v12 =	vld.idx.msk [tilespmem:v11+s20+$0x0], $0xffff;
	_ =	sdelay $0x4  }
0xc1: {  	v12 =	vmul.f32 v13, v12;
	_ =	sdelay $0x1  }
0xc2: {  	[tilespmem:s11+$0x0] =	vst v12  }
0xc3: {  	v12 =	vld.idx.msk [tilespmem:v11+s20+$0x0], $0xffff  }
0xc4: {  	v13 =	vld [tilespmem:s14+$0x10];
	_ =	sdelay $0x4  }
0xc5: {  	v12 =	vmul.f32 v13, v12;
	_ =	sdelay $0x1  }
0xc6: {  	[tilespmem:s11+$0x10] =	vst v12  }
0xc7: {  	v12 =	vld.idx.msk [tilespmem:v11+s20+$0x0], $0xffff  }
0xc8: {  	v13 =	vld [tilespmem:s14+$0x20];
	_ =	sdelay $0x4  }
0xc9: {  	v12 =	vmul.f32 v13, v12;
	_ =	sdelay $0x1  }
0xca: {  	s21 =	simm.s32 $0x3;
	[tilespmem:s11+$0x20] =	vst v12  }
0xcb: {  	v12 =	vmov s21;
	v11 =	vld.idx.msk [tilespmem:v11+s20+$0x0], $0xffff  }
0xcc: {  	v12 =	vmul.u32 $0x48, v12;
	v13 =	vld [tilespmem:s14+$0x30];
	_ =	sdelay $0x1  }
0xcd: {  	v12 =	vadd.s32 $0x40, v12  }
0xce: {  	v12 =	vbroadcast v12, $0x0;
	_ =	sdelay $0x1  }
0xcf: {  	v11 =	vmul.f32 v13, v11;
	_ =	sdelay $0x1  }
0xd0: {  	[tilespmem:s11+$0x30] =	vst v11  }
0xd1: {  	v13 =	vld [tilespmem:s14+$0x40]  }
0xd2: {  	v11 =	vld.idx.msk [tilespmem:v12+s20+$0x0], $0xffff;
	_ =	sdelay $0x4  }
0xd3: {  	v11 =	vmul.f32 v13, v11;
	_ =	sdelay $0x1  }
0xd4: {  	[tilespmem:s11+$0x48] =	vst v11  }
0xd5: {  	v11 =	vld.idx.msk [tilespmem:v12+s20+$0x0], $0xffff  }
0xd6: {  	v13 =	vld [tilespmem:s14+$0x50];
	_ =	sdelay $0x4  }
0xd7: {  	v11 =	vmul.f32 v13, v11;
	_ =	sdelay $0x1  }
0xd8: {  	[tilespmem:s11+$0x58] =	vst v11  }
0xd9: {  	v11 =	vld.idx.msk [tilespmem:v12+s20+$0x0], $0xffff  }
0xda: {  	v13 =	vld [tilespmem:s14+$0x60];
	_ =	sdelay $0x4  }
0xdb: {  	v11 =	vmul.f32 v13, v11  }
0xdc: {  	s22 =	simm.s32 $0x4  }
0xdd: {  	[tilespmem:s11+$0x68] =	vst v11;
	v11 =	vmov s22  }
0xde: {  	v12 =	vld.idx.msk [tilespmem:v12+s20+$0x0], $0xffff;
	v11 =	vmul.u32 $0x48, v11  }
0xdf: {  	v13 =	vld [tilespmem:s14+$0x70]  }
0xe0: {  	v11 =	vadd.s32 $0x40, v11  }
0xe1: {  	v11 =	vbroadcast v11, $0x0;
	_ =	sdelay $0x2  }
0xe2: {  	s15 =	simm.s32 $0x7;
	s21 =	simm.s32 $0xB;
	v12 =	vmul.f32 v13, v12  }
.LBB2_3:
0xe3: {  	s14 =	sadd.s32 $0x100, s14  }
0xe4: {  	s22 =	smov.u32 s21;
	s12 =	sadd.s32 $0x4, s21;
	[tilespmem:s11+$0x78] =	vst v12;
	s11 =	sadd.s32 $0x120, s11  }
0xe5: {  	p1 =	sne.s32 s21, $0x4F;
	v12 =	vld.idx.msk [tilespmem:v11+s20+$0x0], $0xffff  }
0xe6: {  	v13 =	vld [tilespmem:s14+$0xFFFFFF80];
	_ =	sdelay $0x4  }
0xe7: {  	v12 =	vmul.f32 v13, v12;
	_ =	sdelay $0x1  }
0xe8: {  	[tilespmem:s11+$0xFFFFFF70] =	vst v12  }
0xe9: {  	v12 =	vld.idx.msk [tilespmem:v11+s20+$0x0], $0xffff  }
0xea: {  	v13 =	vld [tilespmem:s14+$0xFFFFFF90];
	_ =	sdelay $0x4  }
0xeb: {  	v12 =	vmul.f32 v13, v12;
	_ =	sdelay $0x1  }
0xec: {  	[tilespmem:s11+$0xFFFFFF80] =	vst v12  }
0xed: {  	v12 =	vld.idx.msk [tilespmem:v11+s20+$0x0], $0xffff  }
0xee: {  	v13 =	vld [tilespmem:s14+$0xFFFFFFA0];
	_ =	sdelay $0x4  }
0xef: {  	v12 =	vmul.f32 v13, v12  }
0xf0: {  	s21 =	sadd.s32 $0xFFFFFFFE, s15  }
0xf1: {  	[tilespmem:s11+$0xFFFFFF90] =	vst v12;
	v12 =	vmov s21  }
0xf2: {  	v11 =	vld.idx.msk [tilespmem:v11+s20+$0x0], $0xffff;
	v12 =	vmul.u32 $0x48, v12  }
0xf3: {  	v13 =	vld [tilespmem:s14+$0xFFFFFFB0]  }
0xf4: {  	v12 =	vadd.s32 $0x40, v12  }
0xf5: {  	v12 =	vbroadcast v12, $0x0;
	_ =	sdelay $0x2  }
0xf6: {  	v11 =	vmul.f32 v13, v11;
	_ =	sdelay $0x1  }
0xf7: {  	[tilespmem:s11+$0xFFFFFFA0] =	vst v11  }
0xf8: {  	v11 =	vld.idx.msk [tilespmem:v12+s20+$0x0], $0xffff  }
0xf9: {  	v13 =	vld [tilespmem:s14+$0xFFFFFFC0];
	_ =	sdelay $0x4  }
0xfa: {  	v11 =	vmul.f32 v13, v11;
	_ =	sdelay $0x1  }
0xfb: {  	[tilespmem:s11+$0xFFFFFFB8] =	vst v11  }
0xfc: {  	v11 =	vld.idx.msk [tilespmem:v12+s20+$0x0], $0xffff  }
0xfd: {  	v13 =	vld [tilespmem:s14+$0xFFFFFFD0];
	_ =	sdelay $0x4  }
0xfe: {  	v11 =	vmul.f32 v13, v11;
	_ =	sdelay $0x1  }
0xff: {  	[tilespmem:s11+$0xFFFFFFC8] =	vst v11  }
0x100: {  	v11 =	vld.idx.msk [tilespmem:v12+s20+$0x0], $0xffff  }
0x101: {  	v13 =	vld [tilespmem:s14+$0xFFFFFFE0];
	_ =	sdelay $0x4  }
0x102: {  	v11 =	vmul.f32 v13, v11  }
0x103: {  	s21 =	sadd.s32 $0xFFFFFFFF, s15  }
0x104: {  	[tilespmem:s11+$0xFFFFFFD8] =	vst v11;
	v11 =	vmov s21  }
0x105: {  	v12 =	vld.idx.msk [tilespmem:v12+s20+$0x0], $0xffff;
	v11 =	vmul.u32 $0x48, v11  }
0x106: {  	v13 =	vld [tilespmem:s14+$0xFFFFFFF0]  }
0x107: {  	v11 =	vadd.s32 $0x40, v11  }
0x108: {  	v11 =	vbroadcast v11, $0x0;
	_ =	sdelay $0x2  }
0x109: {  	v12 =	vmul.f32 v13, v12;
	_ =	sdelay $0x1  }
0x10a: {  	[tilespmem:s11+$0xFFFFFFE8] =	vst v12  }
0x10b: {  	v12 =	vld.idx.msk [tilespmem:v11+s20+$0x0], $0xffff  }
0x10c: {  	v13 =	vld [tilespmem:s14+$0x0];
	_ =	sdelay $0x4  }
0x10d: {  	v12 =	vmul.f32 v13, v12;
	_ =	sdelay $0x1  }
0x10e: {  	[tilespmem:s11+$0x0] =	vst v12  }
0x10f: {  	v12 =	vld.idx.msk [tilespmem:v11+s20+$0x0], $0xffff  }
0x110: {  	v13 =	vld [tilespmem:s14+$0x10];
	_ =	sdelay $0x4  }
0x111: {  	v12 =	vmul.f32 v13, v12;
	_ =	sdelay $0x1  }
0x112: {  	[tilespmem:s11+$0x10] =	vst v12  }
0x113: {  	v12 =	vld.idx.msk [tilespmem:v11+s20+$0x0], $0xffff  }
0x114: {  	v13 =	vld [tilespmem:s14+$0x20];
	_ =	sdelay $0x4  }
0x115: {  	v12 =	vmul.f32 v13, v12;
	_ =	sdelay $0x1  }
0x116: {  	[tilespmem:s11+$0x20] =	vst v12;
	v12 =	vmov s15;
	s15 =	smov.u32 s22  }
0x117: {  	v11 =	vld.idx.msk [tilespmem:v11+s20+$0x0], $0xffff;
	v12 =	vmul.u32 $0x48, v12  }
0x118: {  	v13 =	vld [tilespmem:s14+$0x30]  }
0x119: {  	v12 =	vadd.s32 $0x40, v12  }
0x11a: {  	v12 =	vbroadcast v12, $0x0;
	_ =	sdelay $0x2  }
0x11b: {  	v11 =	vmul.f32 v13, v11;
	_ =	sdelay $0x1  }
0x11c: {  	[tilespmem:s11+$0x30] =	vst v11  }
0x11d: {  	v11 =	vld.idx.msk [tilespmem:v12+s20+$0x0], $0xffff  }
0x11e: {  	v13 =	vld [tilespmem:s14+$0x40];
	_ =	sdelay $0x4  }
0x11f: {  	v11 =	vmul.f32 v13, v11;
	_ =	sdelay $0x1  }
0x120: {  	[tilespmem:s11+$0x48] =	vst v11  }
0x121: {  	v11 =	vld.idx.msk [tilespmem:v12+s20+$0x0], $0xffff  }
0x122: {  	v13 =	vld [tilespmem:s14+$0x50];
	_ =	sdelay $0x4  }
0x123: {  	v11 =	vmul.f32 v13, v11;
	_ =	sdelay $0x1  }
0x124: {  	[tilespmem:s11+$0x58] =	vst v11  }
0x125: {  	v11 =	vld.idx.msk [tilespmem:v12+s20+$0x0], $0xffff  }
0x126: {  	v13 =	vld [tilespmem:s14+$0x60];
	_ =	sdelay $0x4  }
0x127: {  	v11 =	vmul.f32 v13, v11  }
0x128: {  	s21 =	sadd.s32 $0xFFFFFFFD, s15  }
0x129: {  	v13 =	vmov s21;
	[tilespmem:s11+$0x68] =	vst v11  }
0x12a: {  	v11 =	vmul.u32 $0x48, v13;
	v12 =	vld.idx.msk [tilespmem:v12+s20+$0x0], $0xffff  }
0x12b: {  	v13 =	vld [tilespmem:s14+$0x70]  }
.Ltmp0:
0x12c: {  	v11 =	vadd.s32 $0x40, v11;
	(pc) =	sbr.rel @p1 .LBB2_3-.Ltmp0, $2  }
0x12d: {  	v11 =	vbroadcast v11, $0x0;
	_ =	sdelay $0x2  }
0x12e: {  	s21 =	smov.u32 s12;
	v12 =	vmul.f32 v13, v12  }
0x12f: {  	_ =	sdelay $0x2  }
0x130: {  	[tilespmem:s11+$0x78] =	vst v12  }
0x131: {  	s14 =	sadd.s32 $0x100, s14;
	v12 =	vld.idx.msk [tilespmem:v11+s20+$0x0], $0xffff  }
0x132: {  	v13 =	vld [tilespmem:s14+$0xFFFFFF80];
	_ =	sdelay $0x4  }
0x133: {  	v12 =	vmul.f32 v13, v12  }
0x134: {  	s21 =	sadd.s32 $0x120, s11  }
0x135: {  	[tilespmem:s21+$0xFFFFFF70] =	vst v12  }
0x136: {  	v12 =	vld.idx.msk [tilespmem:v11+s20+$0x0], $0xffff  }
0x137: {  	v47 =	vld [tilespmem:s14+$0xFFFFFF90];
	_ =	sdelay $0x4  }
0x138: {  	v12 =	vmul.f32 v47, v12;
	_ =	sdelay $0x1  }
0x139: {  	[tilespmem:s21+$0xFFFFFF80] =	vst v12  }
0x13a: {  	v12 =	vld.idx.msk [tilespmem:v11+s20+$0x0], $0xffff  }
0x13b: {  	v48 =	vld [tilespmem:s14+$0xFFFFFFA0];
	_ =	sdelay $0x4  }
0x13c: {  	v12 =	vmul.f32 v48, v12  }
0x13d: {  	s12 =	sadd.s32 $0xFFFFFFFE, s15  }
0x13e: {  	v49 =	vmov s12;
	[tilespmem:s21+$0xFFFFFF90] =	vst v12  }
0x13f: {  	v12 =	vmul.u32 $0x48, v49;
	v11 =	vld.idx.msk [tilespmem:v11+s20+$0x0], $0xffff  }
0x140: {  	v50 =	vld [tilespmem:s14+$0xFFFFFFB0]  }
0x141: {  	v12 =	vadd.s32 $0x40, v12  }
0x142: {  	v12 =	vbroadcast v12, $0x0;
	_ =	sdelay $0x2  }
0x143: {  	v11 =	vmul.f32 v50, v11;
	_ =	sdelay $0x1  }
0x144: {  	[tilespmem:s21+$0xFFFFFFA0] =	vst v11  }
0x145: {  	v11 =	vld.idx.msk [tilespmem:v12+s20+$0x0], $0xffff  }
0x146: {  	v51 =	vld [tilespmem:s14+$0xFFFFFFC0];
	_ =	sdelay $0x4  }
0x147: {  	v11 =	vmul.f32 v51, v11;
	_ =	sdelay $0x1  }
0x148: {  	[tilespmem:s21+$0xFFFFFFB8] =	vst v11  }
0x149: {  	v11 =	vld.idx.msk [tilespmem:v12+s20+$0x0], $0xffff  }
0x14a: {  	v52 =	vld [tilespmem:s14+$0xFFFFFFD0];
	_ =	sdelay $0x4  }
0x14b: {  	v11 =	vmul.f32 v52, v11;
	_ =	sdelay $0x1  }
0x14c: {  	[tilespmem:s21+$0xFFFFFFC8] =	vst v11  }
0x14d: {  	v11 =	vld.idx.msk [tilespmem:v12+s20+$0x0], $0xffff  }
0x14e: {  	v53 =	vld [tilespmem:s14+$0xFFFFFFE0];
	_ =	sdelay $0x4  }
0x14f: {  	v11 =	vmul.f32 v53, v11;
	_ =	sdelay $0x1  }
0x150: {  	s22 =	sadd.s32 $0xFFFFFFFF, s15;
	[tilespmem:s21+$0xFFFFFFD8] =	vst v11  }
0x151: {  	v11 =	vmov s22;
	v12 =	vld.idx.msk [tilespmem:v12+s20+$0x0], $0xffff  }
0x152: {  	v11 =	vmul.u32 $0x48, v11;
	v54 =	vld [tilespmem:s14+$0xFFFFFFF0];
	_ =	sdelay $0x1  }
0x153: {  	v11 =	vadd.s32 $0x40, v11  }
0x154: {  	v11 =	vbroadcast v11, $0x0;
	_ =	sdelay $0x1  }
0x155: {  	v12 =	vmul.f32 v54, v12;
	_ =	sdelay $0x1  }
0x156: {  	[tilespmem:s21+$0xFFFFFFE8] =	vst v12  }
0x157: {  	v55 =	vld [tilespmem:s14+$0x0]  }
0x158: {  	v12 =	vld.idx.msk [tilespmem:v11+s20+$0x0], $0xffff;
	_ =	sdelay $0x4  }
0x159: {  	v12 =	vmul.f32 v55, v12;
	_ =	sdelay $0x1  }
0x15a: {  	[tilespmem:s21+$0x0] =	vst v12  }
0x15b: {  	v12 =	vld.idx.msk [tilespmem:v11+s20+$0x0], $0xffff  }
0x15c: {  	v56 =	vld [tilespmem:s14+$0x10];
	_ =	sdelay $0x4  }
0x15d: {  	v12 =	vmul.f32 v56, v12;
	_ =	sdelay $0x1  }
0x15e: {  	[tilespmem:s21+$0x10] =	vst v12  }
0x15f: {  	v12 =	vld.idx.msk [tilespmem:v11+s20+$0x0], $0xffff  }
0x160: {  	v57 =	vld [tilespmem:s14+$0x20];
	_ =	sdelay $0x4  }
0x161: {  	v12 =	vmul.f32 v57, v12;
	_ =	sdelay $0x1  }
0x162: {  	v58 =	vmov s15;
	[tilespmem:s21+$0x20] =	vst v12  }
0x163: {  	v12 =	vmul.u32 $0x48, v58;
	v11 =	vld.idx.msk [tilespmem:v11+s20+$0x0], $0xffff  }
0x164: {  	v59 =	vld [tilespmem:s14+$0x30]  }
0x165: {  	v12 =	vadd.s32 $0x40, v12  }
0x166: {  	v12 =	vbroadcast v12, $0x0;
	_ =	sdelay $0x2  }
0x167: {  	v11 =	vmul.f32 v59, v11;
	_ =	sdelay $0x1  }
0x168: {  	[tilespmem:s21+$0x30] =	vst v11  }
0x169: {  	v11 =	vld.idx.msk [tilespmem:v12+s20+$0x0], $0xffff  }
0x16a: {  	v60 =	vld [tilespmem:s14+$0x40];
	_ =	sdelay $0x4  }
0x16b: {  	v11 =	vmul.f32 v60, v11;
	_ =	sdelay $0x1  }
0x16c: {  	[tilespmem:s21+$0x48] =	vst v11  }
0x16d: {  	v11 =	vld.idx.msk [tilespmem:v12+s20+$0x0], $0xffff  }
0x16e: {  	v61 =	vld [tilespmem:s14+$0x50];
	_ =	sdelay $0x4  }
0x16f: {  	v11 =	vmul.f32 v61, v11;
	_ =	sdelay $0x1  }
0x170: {  	[tilespmem:s21+$0x58] =	vst v11  }
0x171: {  	v11 =	vld.idx.msk [tilespmem:v12+s20+$0x0], $0xffff  }
0x172: {  	v62 =	vld [tilespmem:s14+$0x60];
	_ =	sdelay $0x4  }
0x173: {  	v11 =	vmul.f32 v62, v11;
	_ =	sdelay $0x1  }
0x174: {  	[tilespmem:s21+$0x68] =	vst v11  }
0x175: {  	v11 =	vld.idx.msk [tilespmem:v12+s20+$0x0], $0xffff  }
0x176: {  	v63 =	vld [tilespmem:s14+$0x70];
	_ =	sdelay $0x4  }
0x177: {  	s7 =	sadd.s32 $0x1, s7;
	v11 =	vmul.f32 v63, v11  }
0x178: {  	p1 =	sne.s32 s7, $0xFA  }
.Ltmp1:
0x179: {  	[tilespmem:s21+$0x78] =	vst v11;
	(pc) =	sbr.rel @p1 .LBB2_2-.Ltmp1, $4  }
0x17a: {  	[spmem:s2] =	stream.indirect.scatter.add.f32 [tilespmem:s20], [sflag:$0x3], $0x48, s24, s28, $0xb8;
	[tilespmem:$0x107A8] =	vst v63  }
0x17b: {  	_ =	swait.ge [sflag:s17], $0x1680  }
0x17c: {  	[sflag:s17] =	ssyncset.done $0x0  }
0x17d: {  	[sflag:s17] =	ssyncadd.s32 $0xFFFFE980  }
0x17e: {  	[bflag:$0x0] =	sbarrier.arrive $0xFFFF  }
0x17f: {  	s7 =	rddreg [dreg:$0xa]  }
0x180: {  	[hbm:s7], [sflag:s18] =	dma.local [spmem:s19], $0x15F9  }
0x181: {  	_ =	swait.ge [sflag:s17], $0x15F9  }
0x182: {  	s6 =	sadd.s32 $0x1, s6;
	s22 =	rddreg [dreg:$0xb]  }
0x183: {  	p1 =	sne.s32 s6, s22  }
.Ltmp2:
0x184: {  	_ = 	snop;
	(pc) =	sbr.rel @p1 .LBB2_1-.Ltmp2, $3  }
0x185: {  	_ =	sdelay $0x1  }
0x186: {  	[sflag:s17] =	ssyncset.done $0x0  }
0x187: {  	[sflag:s17] =	ssyncadd.s32 $0xFFFFEA07  }
0x188: {  	_ =	sfence.sel $0x180000  }
0x189: {  	[bflag:$0x0] =	sbarrier.arrive $0xFFFF  }
0x18a: {  	_ =	strace $0x9000004D  }
0x18b: {  	[bflag:$0x2] =	sbarrier.arrive $0xFFFF  }
0x18c: {  	s0 =	rddreg [dreg:$0x5]  }
0x18d: {  	s0 =	sadd.s32 @!p0 $0x100000, s0  }
0x18e: {  	[sflag:s0] =	ssyncadd.tile.s32 @!p0 $0x1;
	_ =	shalt  }
.Lfunc_end2:
_tile_overlayer_lowered:
.L_overlay_start_2:
0x18f: {  	(tag) =	ssettag $0x2  }
0x190: {  	s0 =	rddreg [dreg:$0x0];
	s2 =	stileid.u32  }
0x191: {  	s1 =	rddreg [dreg:$0x1];
	p0 =	sne.s32 s2, $0x0  }
0x192: {  	s3 =	rddreg [dreg:$0x2];
	[bflag:$0x3] =	sbarrier.arrive $0xFFFF;
	s2 =	simm.s32 @!p0 $0x1C03  }
0x193: {  	[timem:s3], [sflag:s2] =	dma.local @!p0 [hbm:s0], s1  }
0x194: {  	s0 =	simm.s32 @!p0 $0x3  }
0x195: {  	_ =	swait.ge @!p0 [sflag:s0], s1  }
0x196: {  	s1 =	ssub.s32 @!p0 $0x0, s1;
	[sflag:s0] =	ssyncset.done @!p0 $0x0  }
0x197: {  	[sflag:s0] =	ssyncadd.s32 @!p0 s1  }
0x198: {  	[bflag:$0x3] =	sbarrier.arrive $0xFFFF  }
0x199: {  	_ =	shalt  }

// kernel: kernel.9.cloned.1.call-start
scs
__scs_entry_jumppad:
0x0: {  	(pc) =	sbr.rel $0x88, $3  }
0x1: {  	(tag) =	ssettag $0x0;
	lr =	simm.s32 $0x1  }
0x2: {  	[smem:$0x3F89] =	sst lr;
	_ =	strace $0xD0000000  }
0x3: {  	_ = 	snop  }
0x4: {  	_ = 	snop  }
0x5: {  	_ = 	snop  }
0x6: {  	_ = 	snop  }
0x7: {  	_ = 	snop  }
__scs_overlays_trampoline_lowered:
0x8: {  	[smem:$0x3F98] =	sst s0  }
0x9: {  	[smem:$0x3F99] =	sst s1  }
0xa: {  	[smem:$0x3F9A] =	sst s2  }
0xb: {  	[smem:$0x3F9B] =	sst s3  }
0xc: {  	[smem:$0x3F9C] =	sst s4  }
0xd: {  	[smem:$0x3F9D] =	sst s5  }
0xe: {  	[smem:$0x3F9E] =	sst s6  }
0xf: {  	[smem:$0x3F9F] =	sst s7  }
0x10: {  	[smem:$0x3FA0] =	sst s8  }
0x11: {  	[smem:$0x3FA1] =	sst s9;
	s0 =	simm.s32 @!p0 $0x0  }
0x12: {  	s1 =	sld [smem:$0x3F87];
	s0 =	simm.s32 @p0 $0x1  }
0x13: {  	[smem:$0x3FA2] =	sst s0;
	s0 =	simm.s32 @!p1 $0x0  }
0x14: {  	s2 =	sld [smem:$0x3F86];
	s0 =	simm.s32 @p1 $0x1  }
0x15: {  	[smem:$0x3FA3] =	sst s0;
	s0 =	simm.s32 @!p2 $0x0  }
0x16: {  	s3 =	sld [smem:$0x3FDB];
	s0 =	simm.s32 @p2 $0x1  }
0x17: {  	s4 =	simm.s32 $0x1BF5;
	[smem:$0x3FA5] =	sst s0  }
0x18: {  	s0 =	sld [smem:$0x3F88];
	_ =	swait.ge [sflag:s4], $0x0  }
0x19: {  	s7 =	sld [smem:$0x3F89]  }
0x1a: {  	s8 =	sadd.s32 $0xFFFFE003, lr  }
0x1b: {  	s9 =	sadd.s32 $0xFFFFFEF7, lr;
	s5 =	simm.s32 $0xFFFFFFFF;
	p2 =	slt.u32 s8, $0xFFFFF086  }
0x1c: {  	p1 =	slt.u32 s9, $0xF7A;
	s5 =	simm.s32 @!p2 $0x0  }
0x1d: {  	s5 =	simm.s32 @p1 $0x1;
	p0 =	seq.s32 s7, s2  }
0x1e: {  	s7 =	smul.u32 @!p0 $0xF7A, s2;
	p2 =	seq.s32 @!p0 s5, $0x0  }
0x1f: {  	s9 =	smul.u32 $0xF7A, s1;
	s8 =	simm.s32 @!p0 $0x1BF5;
	p2 =	por !p2, p0  }
0x20: {  	[sflag:s8] =	ssyncset.s32 @!p0 $0xFFFFF086;
	s6 =	sadd.s32 @!p0 s3, s7;
	s7 =	simm.s32 @!p0 $0x108  }
0x21: {  	s3 =	sadd.s32 s3, s9;
	s6 =	sadd.s32 @!p0 $0x88, s6;
	s7 =	simm.s32 @p2 $0x1082  }
0x22: {  	[simem:s7], [sflag:s8] =	dma.local @!p0 [hbm:s6], $0xF7A  }
0x23: {  	s9 =	sor.u32 $0xD0000000, s2;
	s6 =	simm.s32 $0x108;
	_ =	swait.ge @!p0 [sflag:s8], $0x0  }
0x24: {  	s3 =	sadd.s32 $0x88, s3;
	s6 =	simm.s32 @!p1 $0x1082;
	[sflag:s4] =	ssyncset.s32 $0xFFFFF086  }
0x25: {  	[simem:s6], [sflag:s4] =	dma.local [hbm:s3], $0xF7A  }
0x26: {  	[smem:$0x3F89] =	sst s1;
	(tag) =	ssettag s2;
	_ =	strace s9  }
0x27: {  	s1 =	sld [smem:$0x3F99]  }
0x28: {  	s2 =	sld [smem:$0x3F9A]  }
0x29: {  	s4 =	sld [smem:$0x3F9C]  }
0x2a: {  	p0 =	seq.s32 s5, $0x0;
	s5 =	sld [smem:$0x3F9D]  }
0x2b: {  	s6 =	sld [smem:$0x3F9E]  }
0x2c: {  	s7 =	sld [smem:$0x3F9F]  }
0x2d: {  	s3 =	simm.s32 $0x108;
	s8 =	sld [smem:$0x3FA0]  }
0x2e: {  	s3 =	simm.s32 @!p0 $0x1082;
	s9 =	sld [smem:$0x3FA1]  }
0x2f: {  	lr =	sadd.s32 s0, s3;
	s0 =	sld [smem:$0x3F98]  }
0x30: {  	s3 =	sld [smem:$0x3F9B]  }
0x31: {  	[smem:$0x3FA4] =	sst s10  }
0x32: {  	s10 =	sld [smem:$0x3FA2];
	_ =	sdelay $0x3  }
0x33: {  	p0 =	seq.s32 s10, $0x1;
	s10 =	sld [smem:$0x3FA4];
	_ =	sdelay $0x3  }
0x34: {  	[smem:$0x3FA4] =	sst s10  }
0x35: {  	s10 =	sld [smem:$0x3FA3];
	_ =	sdelay $0x3  }
0x36: {  	p1 =	seq.s32 s10, $0x1;
	s10 =	sld [smem:$0x3FA4];
	_ =	sdelay $0x3  }
0x37: {  	[smem:$0x3FA4] =	sst s10  }
0x38: {  	s10 =	sld [smem:$0x3FA5]  }
0x39: {  	_ = 	snop;
	(pc) =	sbr.ind lr, $3  }
0x3a: {  	_ = 	snop  }
0x3b: {  	_ = 	snop  }
0x3c: {  	p2 =	seq.s32 s10, $0x1;
	s10 =	sld [smem:$0x3FA4]  }
0x3d: {  	_ =	shalt  }
0x3e: {  	_ =	shalt  }
0x3f: {  	_ =	shalt  }
0x40: {  	_ =	shalt  }
0x41: {  	_ =	shalt  }
0x42: {  	_ =	shalt  }
0x43: {  	_ =	shalt  }
0x44: {  	_ =	shalt  }
0x45: {  	_ =	shalt  }
0x46: {  	_ =	shalt  }
0x47: {  	_ =	shalt  }
0x48: {  	_ =	shalt  }
0x49: {  	_ =	shalt  }
0x4a: {  	_ =	shalt  }
0x4b: {  	_ =	shalt  }
0x4c: {  	_ =	shalt  }
0x4d: {  	_ =	shalt  }
0x4e: {  	_ =	shalt  }
0x4f: {  	_ =	shalt  }
0x50: {  	_ =	shalt  }
0x51: {  	_ =	shalt  }
0x52: {  	_ =	shalt  }
0x53: {  	_ =	shalt  }
0x54: {  	_ =	shalt  }
0x55: {  	_ =	shalt  }
0x56: {  	_ =	shalt  }
0x57: {  	_ =	shalt  }
0x58: {  	_ =	shalt  }
0x59: {  	_ =	shalt  }
0x5a: {  	_ =	shalt  }
0x5b: {  	_ =	shalt  }
0x5c: {  	_ =	shalt  }
0x5d: {  	_ =	shalt  }
0x5e: {  	_ =	shalt  }
0x5f: {  	_ =	shalt  }
0x60: {  	_ =	shalt  }
0x61: {  	_ =	shalt  }
0x62: {  	_ =	shalt  }
0x63: {  	_ =	shalt  }
0x64: {  	_ =	shalt  }
0x65: {  	_ =	shalt  }
0x66: {  	_ =	shalt  }
0x67: {  	_ =	shalt  }
0x68: {  	_ =	shalt  }
0x69: {  	_ =	shalt  }
0x6a: {  	_ =	shalt  }
0x6b: {  	_ =	shalt  }
0x6c: {  	_ =	shalt  }
0x6d: {  	_ =	shalt  }
0x6e: {  	_ =	shalt  }
0x6f: {  	_ =	shalt  }
0x70: {  	_ =	shalt  }
0x71: {  	_ =	shalt  }
0x72: {  	_ =	shalt  }
0x73: {  	_ =	shalt  }
0x74: {  	_ =	shalt  }
0x75: {  	_ =	shalt  }
0x76: {  	_ =	shalt  }
0x77: {  	_ =	shalt  }
0x78: {  	_ =	shalt  }
0x79: {  	_ =	shalt  }
0x7a: {  	_ =	shalt  }
0x7b: {  	_ =	shalt  }
0x7c: {  	_ =	shalt  }
0x7d: {  	_ =	shalt  }
0x7e: {  	_ =	shalt  }
0x7f: {  	_ =	shalt  }
0x80: {  	_ =	shalt  }
0x81: {  	_ =	shalt  }
0x82: {  	_ =	shalt  }
0x83: {  	_ =	shalt  }
0x84: {  	_ =	shalt  }
0x85: {  	_ =	shalt  }
0x86: {  	_ =	shalt  }
0x87: {  	_ =	shalt  }
.Lfunc_end0:
.L_simem_size_0:
called_computation_lowered:
.L_overlay_start_0:
0x88: {  	s2 =	sld [smem:$0x3FD9]  }
0x89: {  	s3 =	sld [smem:$0x3FFE];
	_ =	sdelay $0x1  }
0x8a: {  	s1 =	srdreg.scid  }
0x8b: {  	s0 =	sand.u32 $0x1, s1  }
0x8c: {  	s17 =	sshll.u32 s0, $0xA;
	s2 =	sadd.s32 s3, s2  }
0x8d: {  	s2 =	sadd.s32 s2, s17  }
0x8e: {  	[smem:$0x3FB0] =	sst s2  }
0x8f: {  	_ = 	snop  }
0x90: {  	s2 =	sld [smem:$0x3FD0];
	(tm) =	ssettm $0x1  }
0x91: {  	s18 =	sld [smem:$0x3FFB];
	_ =	sdelay $0x3  }
0x92: {  	_ =	strace s18  }
0x93: {  	s3 =	sld [smem:$0x3FFC];
	_ =	sdelay $0x3  }
0x94: {  	_ =	strace s3  }
0x95: {  	s3 =	sld [smem:$0x3FFD];
	_ =	sdelay $0x3  }
0x96: {  	_ =	strace s3  }
0x97: {  	_ =	strace $0x8FFFFFFF  }
0x98: {  	s19 =	sld [smem:$0x3FDB];
	_ =	sdelay $0x1  }
0x99: {  	s4 =	simm.s32 $_scs_section_size  }
0x9a: {  	s5 =	simm.s32 $_size__tile_overlayer_lowered;
	s6 =	simm.s32 $_tile_overlayer_lowered  }
0x9b: {  	s22 =	simm.s32 $0x1BFF;
	s21 =	sshll.u32 s6, $0x1;
	s3 =	sadd.s32 s4, s19  }
0x9c: {  	s7 =	simm.s32 $0x0;
	s20 =	sshll.u32 s5, $0x1;
	s5 =	sadd.s32 s21, s3  }
0x9d: {  	[timem:s7], [sflag:s22] =	dma.local [hbm:s5], s20  }
0x9e: {  	_ =	swait.ge [sflag:s22], s20  }
0x9f: {  	s4 =	ssub.s32 $0x0, s20;
	[sflag:s22] =	ssyncset.done $0x0  }
0xa0: {  	[sflag:s22] =	ssyncadd.s32 s4;
	_ =	sdelay $0x1  }
0xa1: {  	s23 =	simm.s32 $0x1B8B  }
0xa2: {  	_ =	swait.ge [sflag:s23], $0x1  }
0xa3: {  	[sflag:s23] =	ssyncset.done $0x0  }
0xa4: {  	s25 =	simm.s32 $0x1B8E;
	s24 =	sld [smem:$0x3FFE];
	[sflag:s23] =	ssyncadd.s32 $0xFFFFFFFF  }
0xa5: {  	s26 =	simm.s32 $execute0_lowered;
	[smem:$0x3FD2] =	sst s25  }
0xa6: {  	s5 =	sshll.u32 s26, $0x1;
	_ =	strace $0x80000046;
	[dreg:$0x1] =	wrdreg $0xFFFFFFFF  }
0xa7: {  	s28 =	simm.s32 $_size_execute0_lowered;
	s3 =	sadd.s32 s3, s5;
	[dreg:$0x0] =	wrdreg $0x0  }
0xa8: {  	s5 =	sshll.u32 s28, $0x1;
	[dreg:$0x2] =	wrdreg s3  }
0xa9: {  	[dreg:$0x3] =	wrdreg s5  }
0xaa: {  	[dreg:$0x4] =	wrdreg $0xC0  }
0xab: {  	_ =	task [dreg:s7], $0x5FFFF  }
0xac: {  	[dreg:$0x1] =	wrdreg $0xFFFFFFFF  }
0xad: {  	[dreg:$0x0] =	wrdreg $0x60  }
0xae: {  	[dreg:$0x2] =	wrdreg s24  }
0xaf: {  	[dreg:$0x3] =	wrdreg s2  }
0xb0: {  	[dreg:$0x4] =	wrdreg $0x27100  }
0xb1: {  	[dreg:$0x5] =	wrdreg $0x0  }
0xb2: {  	[dreg:$0x6] =	wrdreg $0x13880  }
0xb3: {  	[dreg:$0x7] =	wrdreg $0x9  }
0xb4: {  	_ =	task.clear_ibuf [dreg:s7], $0x8FFFF;
	_ =	strace $0x90000046  }
0xb5: {  	s29 =	simm.s32 $0x9;
	_ =	strace $0x80000048  }
0xb6: {  	_ =	swait.ge [sflag:s29], $0x1  }
0xb7: {  	[sflag:s29] =	ssyncadd.s32 $0xFFFFFFFF  }
0xb8: {  	_ =	strace $0x90000048  }
0xb9: {  	_ =	sfence  }
0xba: {  	s30 =	sld [smem:$0x0];
	_ =	sdelay $0x2  }
0xbb: {  	s31 =	sshll.u32 s1, $0xD;
	s1 =	sshrl.u32 s1, $0x2  }
0xbc: {  	s3 =	sand.u32 $0x4000, s31;
	s1 =	sadd.s32 s1, s30  }
0xbd: {  	s0 =	sor.u32 s3, s0;
	s1 =	sshll.u32 s1, $0x11  }
0xbe: {  	s0 =	sor.u32 s1, s0  }
0xbf: {  	s0 =	sadd.s32 $0x8F2B, s0  }
0xc0: {  	[sflag:s0] =	ssyncadd.remote.s32 $0x1  }
0xc1: {  	_ =	sfence.sel $0xFFFF  }
0xc2: {  	[dreg:$0x0] =	wrdreg $0xFFFFFFFF;
	(pc) =	sbr.abs _section_cstart, $3  }
0xc3: {  	[dreg:$0x1] =	wrdreg $0xFFFFFFFF  }
0xc4: {  	_ =	task.clear_ibuf [dreg:s7], $0x2FFFF;
	_ =	strace $0x9FFFFFFF  }
0xc5: {  	(tm) =	ssettm $0x7FFFFFFF  }
tec
execute0_lowered:
.L_overlay_start_1:
0x0: {  	(tag) =	ssettag $0x1  }
0x1: {  	s0 =	rddreg [dreg:$0x0]  }
0x2: {  	s2 =	rddreg [dreg:$0x2]  }
0x3: {  	s3 =	rddreg [dreg:$0x3]  }
0x4: {  	s4 =	rddreg [dreg:$0x4]  }
0x5: {  	s5 =	simm.s32 $0x0;
	s1 =	srdreg.scid;
	s18 =	stileid.u32  }
0x6: {  	s17 =	simm.s32 $0x3;
	s28 =	simm.s32 $0x50;
	s29 =	simm.s32 $0x12578  }
0x7: {  	s30 =	simm.s32 $0x12B68;
	s31 =	simm.s32 $0x12668;
	s16 =	simm.s32 $0x0  }
0x8: {  	[smem:$0x7FF] =	sst s5;
	s6 =	sadd.s32 $0xC00, s0;
	s1 =	sand.u32 $0x1, s1  }
0x9: {  	s7 =	sadd.s32 $0x3B600, s0;
	s8 =	sadd.s32 $0x47C00, s0;
	s9 =	sadd.s32 $0x3DE00, s0  }
0xa: {  	v1 =	vlaneseq.u32;
	s11 =	smul.u32 $0xFDE8, s18;
	s22 =	sadd.s32 $0x5BA00, s0;
	s24 =	sadd.s32 $0x5BC00, s0  }
0xb: {  	v33 =	vmul.u32 $0x68, v1;
	p0 =	sne.s32 s18, $0x0;
	s26 =	sshll.u32 s18, $0x6;
	s10 =	smul.u32 $0x60, s1  }
0xc: {  	_ =	strace $0x80000047;
	[dreg:$0x6] =	wrdreg s7;
	s12 =	smul.u32 $0xFDE80, s1  }
0xd: {  	s15 =	smul.u32 $0x2710, s1;
	s1 =	ssub.s32 $0x2, s1;
	[dreg:$0x7] =	wrdreg s22;
	v5 =	vadd.s32 $0x60, v33;
	v7 =	vadd.s32 $0x61, v33;
	v9 =	vadd.s32 $0x62, v33  }
0xe: {  	[dreg:$0x8] =	wrdreg s24;
	s24 =	simm.s32 $0x125C8;
	s23 =	sshrl.u32 s1, $0x1;
	v11 =	vadd.s32 $0x6E0, v33;
	v13 =	vadd.s32 $0x6E1, v33;
	v15 =	vadd.s32 $0x6E2, v33  }
0xf: {  	v17 =	vadd.s32 $0xD60, v33;
	v19 =	vadd.s32 $0xD61, v33;
	v21 =	vadd.s32 $0xD62, v33;
	s13 =	sshrl.u32 s10, $0x6;
	s14 =	sadd.s32 $0x20, s10;
	s20 =	sadd.s32 $0x40, s10  }
0x10: {  	v23 =	vadd.s32 $0x13E0, v33;
	v25 =	vadd.s32 $0x13E1, v33;
	v27 =	vadd.s32 $0x13E2, v33;
	s10 =	sadd.s32 $0x51A00, s0;
	s12 =	sadd.s32 s11, s12;
	s1 =	ssub.s32 s1, s23  }
0x11: {  	v29 =	vadd.s32 $0x1A60, v33;
	v31 =	vadd.s32 $0x1A61, v33;
	s11 =	sadd.s32 s11, s2;
	s23 =	simm.s32 $0x12528;
	v0 =	vmov s13;
	s19 =	sshrl.u32 s14, $0x6  }
0x12: {  	v33 =	vadd.s32 $0x1A62, v33;
	s14 =	sshrl.u32 s20, $0x6;
	s12 =	sshrl.u32 s12, $0x3;
	v2 =	vor.u32 $0x60, v0;
	s13 =	sor.u32 $0x60, s19;
	v0 =	vmul.u32 $0x8, v1  }
0x13: {  	s25 =	smax.u32 s1, $0x1;
	s20 =	simm.s32 $0x14968;
	v1 =	vmov s15;
	s21 =	sor.u32 $0x60, s14;
	v2 =	vbroadcast v2, $0x0;
	v3 =	vmov s13  }
0x14: {  	s1 =	simm.s32 $0x1;
	s0 =	sadd.s32 s12, s0;
	[dreg:$0xa] =	wrdreg s25;
	v4 =	vmov s21;
	v6 =	vor.u32 $0x1, v0;
	v8 =	vor.u32 $0x2, v0  }
0x15: {  	s19 =	sshrl.u32 s11, $0x3;
	s25 =	simm.s32 $0x12618;
	s0 =	sadd.s32 $0x5DC00, s0;
	v10 =	vor.u32 $0x80, v0;
	v12 =	vor.u32 $0x81, v0;
	v14 =	vor.u32 $0x82, v0  }
0x16: {  	s13 =	smul.u32 $0x4E20, s18;
	[dreg:$0x9] =	wrdreg s0;
	v16 =	vor.u32 $0x100, v0;
	v18 =	vor.u32 $0x101, v0;
	s0 =	sshrl.u32 @!p0 s3, $0x3;
	v20 =	vor.u32 $0x102, v0  }
0x17: {  	s18 =	sor.u32 $0x1C03, s26;
	v22 =	vor.u32 $0x180, v0;
	v24 =	vor.u32 $0x181, v0;
	v26 =	vor.u32 $0x182, v0;
	[dreg:$0xb] =	wrdreg s0;
	s0 =	sshrl.u32 @!p0 s4, $0x3  }
0x18: {  	s26 =	simm.s32 $0x2;
	v28 =	vor.u32 $0x200, v0;
	v30 =	vor.u32 $0x201, v0;
	v32 =	vor.u32 $0x202, v0;
	[dreg:$0xc] =	wrdreg s0;
	s0 =	simm.s32 $0x128E8  }
.LBB2_1:
0x19: {  	s7 =	rddreg [dreg:$0x7];
	s11 =	simm.s32 $0x124F8  }
0x1a: {  	[tilespmem:s11], [sflag:$0x3] =	stream.linear.gather [hbm4b:s7+s5], $0x30, $0x38;
	[tilespmem:$0x169E8] =	vst v63  }
0x1b: {  	_ =	swait.ge [sflag:s17], $0x30  }
0x1c: {  	[sflag:s17] =	ssyncset.done $0x0  }
0x1d: {  	s22 =	rddreg [dreg:$0x8];
	[sflag:s17] =	ssyncadd.s32 $0xFFFFFFD0  }
0x1e: {  	[spmem:s19], [sflag:s18] =	dma.local [hbm:s22], $0x1FBD  }
0x1f: {  	_ =	swait.ge [sflag:s17], $0x1FBD  }
0x20: {  	[sflag:s17] =	ssyncset.done $0x0  }
0x21: {  	[sflag:s17] =	ssyncadd.s32 $0xFFFFE043  }
0x22: {  	[tilespmem:s20], [sflag:$0x3] =	stream.linear.gather [hbm4b:s22+s5], $0x2080, $0x38;
	[tilespmem:$0x169E8] =	vst v63  }
0x23: {  	_ =	swait.ge [sflag:s17], $0x2080  }
0x24: {  	[sflag:s17] =	ssyncset.done $0x0  }
0x25: {  	s11 =	rddreg [dreg:$0xb];
	[sflag:s17] =	ssyncadd.s32 $0xFFFFDF80  }
0x26: {  	s7 =	rddreg [dreg:$0x1]  }
0x27: {  	[spmem:s11], [sflag:s18] =	dma.local @!p0 [hbm:s7], $0x2710  }
0x28: {  	s7 =	simm.s32 @!p0 $0x3  }
0x29: {  	_ =	swait.ge @!p0 [sflag:s7], $0x2710  }
0x2a: {  	[sflag:s7] =	ssyncset.done @!p0 $0x0;
	s11 =	rddreg [dreg:$0x6]  }
0x2b: {  	s12 =	rddreg [dreg:$0xc];
	[sflag:s7] =	ssyncadd.s32 @!p0 $0xFFFFD8F0  }
0x2c: {  	[spmem:s12], [sflag:s18] =	dma.local @!p0 [hbm:s11], $0x2710  }
0x2d: {  	_ =	swait.ge @!p0 [sflag:s7], $0x2710  }
0x2e: {  	[sflag:s7] =	ssyncset.done @!p0 $0x0  }
0x2f: {  	[sflag:s7] =	ssyncadd.s32 @!p0 $0xFFFFD8F0  }
0x30: {  	s7 =	simm.s32 $0x0;
	[bflag:$0x0] =	sbarrier.arrive $0xFFFF  }
.LBB2_2:
0x31: {  	s11 =	smul.u32 $0x50, s7;
	_ =	sdelay $0x1  }
0x32: {  	s11 =	sadd.s32 s13, s11  }
0x33: {  	s11 =	sshrl.u32 s11, $0x3  }
0x34: {  	s12 =	sadd.s32 s8, s11  }
0x35: {  	[tilespmem:s23], [sflag:$0x2] =	stream.linear.gather [hbm4b:s12+s5], $0x50, $0x38;
	[tilespmem:$0x169E8] =	vst v63  }
0x36: {  	s15 =	sadd.s32 s9, s11  }
0x37: {  	[tilespmem:s24], [sflag:$0x2] =	stream.linear.gather [hbm4b:s15+s5], $0x50, $0x38;
	[tilespmem:$0x169E8] =	vst v63  }
0x38: {  	s11 =	sadd.s32 s10, s11  }
0x39: {  	[tilespmem:s25], [sflag:$0x2] =	stream.linear.gather [hbm4b:s11+s5], $0x50, $0x38;
	[tilespmem:$0x169E8] =	vst v63  }
0x3a: {  	_ =	swait.ge [sflag:s26], $0x50  }
0x3b: {  	[sflag:s26] =	ssyncset.done $0x0  }
0x3c: {  	[sflag:s26] =	ssyncadd.s32 $0xFFFFFFB0  }
0x3d: {  	_ =	swait.ge [sflag:s26], $0x50  }
0x3e: {  	[sflag:s26] =	ssyncset.done $0x0  }
0x3f: {  	[sflag:s26] =	ssyncadd.s32 $0xFFFFFFB0  }
0x40: {  	_ =	swait.ge [sflag:s26], $0x50  }
0x41: {  	[sflag:s26] =	ssyncset.done $0x0  }
0x42: {  	[sflag:s26] =	ssyncadd.s32 $0xFFFFFFB0  }
0x43: {  	v34 =	vld [tilespmem:$0x12528]  }
0x44: {  	v35 =	vld [tilespmem:$0x12538]  }
0x45: {  	v36 =	vld [tilespmem:$0x12548]  }
0x46: {  	v37 =	vld [tilespmem:$0x12558]  }
0x47: {  	v38 =	vld [tilespmem:$0x12568]  }
0x48: {  	v34 =	vadd.s32 v1, v34  }
0x49: {  	v46 =	vadd.s32 v1, v35;
	[tilespmem:$0x12578] =	vst v34  }
0x4a: {  	v47 =	vadd.s32 v1, v36;
	[tilespmem:$0x12588] =	vst v46  }
0x4b: {  	v48 =	vadd.s32 v1, v37;
	[tilespmem:$0x12598] =	vst v47  }
0x4c: {  	v49 =	vadd.s32 v1, v38;
	[tilespmem:$0x125A8] =	vst v48  }
0x4d: {  	[tilespmem:$0x125B8] =	vst v49  }
0x4e: {  	[tilespmem:s30], [sflag:$0x1] =	stream.indirect.gather [hbm4b:s6+s28], $0x60, s29, s28, $0xb8;
	[tilespmem:$0x169E8] =	vst v63  }
0x4f: {  	_ = 	snop  }
0x50: {  	[tilespmem:s31], [sflag:$0x2] =	stream.indirect.gather [spmem:s3], $0x8, s23, s28, $0xb8;
	[tilespmem:$0x169E8] =	vst v63  }
0x51: {  	_ = 	snop  }
0x52: {  	[tilespmem:s0], [sflag:$0x2] =	stream.indirect.gather [spmem:s4], $0x8, s24, s28, $0xb8;
	[tilespmem:$0x169E8] =	vst v63  }
0x53: {  	_ =	swait.ge [sflag:s26], $0x280  }
0x54: {  	[sflag:s26] =	ssyncset.done $0x0  }
0x55: {  	[sflag:s26] =	ssyncadd.s32 $0xFFFFFD80  }
0x56: {  	_ =	swait.ge [sflag:s26], $0x280  }
0x57: {  	[sflag:s26] =	ssyncset.done $0x0  }
0x58: {  	[sflag:s26] =	ssyncadd.s32 $0xFFFFFD80  }
0x59: {  	v50 =	vld [tilespmem:$0x12618]  }
0x5a: {  	v51 =	vld.idx.msk [tilespmem:v0+s31+$0x0], $0xffff  }
0x5b: {  	v52 =	vld.idx.msk [tilespmem:v0+s0+$0x0], $0xffff  }
0x5c: {  	v53 =	vld [tilespmem:$0x124F8];
	_ =	sdelay $0x4  }
0x5d: {  	v35 =	vadd.f32 v52, v51;
	v54 =	vmul.f32 v53, v50;
	_ =	sdelay $0x1  }
0x5e: {  	v35 =	vadd.f32 v54, v35;
	_ =	sdelay $0x1  }
0x5f: {  	v36 =	vmul.f32 $2.000000030e-01, v35;
	_ =	sdelay $0x1  }
0x60: {  	v35 =	vmax.f32 v35, v36  }
0x61: {  	v35 =	vmul.f32 $1.442695020e+00, v35;
	_ =	sdelay $0x1  }
0x62: {  	(erf) = vpow2.f32 v35;
	_ =	sdelay $0x8  }
0x63: {  	v35 =	vpop (erf)  }
0x64: {  	[tilespmem:v5+s20+$0x0] =	vst.idx.msk $0xffff, v35  }
0x65: {  	v35 =	vld.idx.msk [tilespmem:v6+s31+$0x0], $0xffff  }
0x66: {  	v55 =	vld.idx.msk [tilespmem:v6+s0+$0x0], $0xffff  }
0x67: {  	v56 =	vld [tilespmem:$0x12508];
	_ =	sdelay $0x4  }
0x68: {  	v35 =	vadd.f32 v55, v35;
	v57 =	vmul.f32 v56, v50;
	_ =	sdelay $0x1  }
0x69: {  	v35 =	vadd.f32 v57, v35;
	_ =	sdelay $0x1  }
0x6a: {  	v36 =	vmul.f32 $2.000000030e-01, v35;
	_ =	sdelay $0x1  }
0x6b: {  	v35 =	vmax.f32 v35, v36  }
0x6c: {  	v35 =	vmul.f32 $1.442695020e+00, v35;
	_ =	sdelay $0x1  }
0x6d: {  	(erf) = vpow2.f32 v35;
	_ =	sdelay $0x8  }
0x6e: {  	v35 =	vpop (erf)  }
0x6f: {  	[tilespmem:v7+s20+$0x0] =	vst.idx.msk $0xffff, v35  }
0x70: {  	v35 =	vld.idx.msk [tilespmem:v8+s31+$0x0], $0xffff  }
0x71: {  	v58 =	vld.idx.msk [tilespmem:v8+s0+$0x0], $0xffff  }
0x72: {  	v59 =	vld [tilespmem:$0x12518];
	_ =	sdelay $0x4  }
0x73: {  	v35 =	vadd.f32 v58, v35;
	v34 =	vmul.f32 v59, v50;
	_ =	sdelay $0x1  }
0x74: {  	v34 =	vadd.f32 v34, v35;
	_ =	sdelay $0x1  }
0x75: {  	v35 =	vmul.f32 $2.000000030e-01, v34;
	_ =	sdelay $0x1  }
0x76: {  	v34 =	vmax.f32 v34, v35  }
0x77: {  	v34 =	vmul.f32 $1.442695020e+00, v34;
	_ =	sdelay $0x1  }
0x78: {  	(erf) = vpow2.f32 v34;
	_ =	sdelay $0x8  }
0x79: {  	v34 =	vpop (erf)  }
0x7a: {  	[tilespmem:v9+s20+$0x0] =	vst.idx.msk $0xffff, v34  }
0x7b: {  	v34 =	vld [tilespmem:$0x12628]  }
0x7c: {  	v60 =	vld.idx.msk [tilespmem:v10+s31+$0x0], $0xffff  }
0x7d: {  	v61 =	vld.idx.msk [tilespmem:v10+s0+$0x0], $0xffff  }
0x7e: {  	v62 =	vld [tilespmem:$0x124F8];
	_ =	sdelay $0x4  }
0x7f: {  	v35 =	vadd.f32 v61, v60;
	v63 =	vmul.f32 v62, v34;
	_ =	sdelay $0x1  }
0x80: {  	v35 =	vadd.f32 v63, v35;
	_ =	sdelay $0x1  }
0x81: {  	v36 =	vmul.f32 $2.000000030e-01, v35;
	_ =	sdelay $0x1  }
0x82: {  	v35 =	vmax.f32 v35, v36  }
0x83: {  	v35 =	vmul.f32 $1.442695020e+00, v35;
	_ =	sdelay $0x1  }
0x84: {  	(erf) = vpow2.f32 v35;
	_ =	sdelay $0x8  }
0x85: {  	v35 =	vpop (erf)  }
0x86: {  	[tilespmem:v11+s20+$0x0] =	vst.idx.msk $0xffff, v35  }
0x87: {  	v35 =	vld.idx.msk [tilespmem:v12+s31+$0x0], $0xffff  }
0x88: {  	v40 =	vld.idx.msk [tilespmem:v12+s0+$0x0], $0xffff  }
0x89: {  	v41 =	vld [tilespmem:$0x12508];
	_ =	sdelay $0x4  }
0x8a: {  	v35 =	vadd.f32 v40, v35;
	v42 =	vmul.f32 v41, v34;
	_ =	sdelay $0x1  }
0x8b: {  	v35 =	vadd.f32 v42, v35;
	_ =	sdelay $0x1  }
0x8c: {  	v36 =	vmul.f32 $2.000000030e-01, v35;
	_ =	sdelay $0x1  }
0x8d: {  	v35 =	vmax.f32 v35, v36  }
0x8e: {  	v35 =	vmul.f32 $1.442695020e+00, v35;
	_ =	sdelay $0x1  }
0x8f: {  	(erf) = vpow2.f32 v35;
	_ =	sdelay $0x8  }
0x90: {  	v35 =	vpop (erf)  }
0x91: {  	[tilespmem:v13+s20+$0x0] =	vst.idx.msk $0xffff, v35  }
0x92: {  	v35 =	vld.idx.msk [tilespmem:v14+s31+$0x0], $0xffff  }
0x93: {  	v43 =	vld.idx.msk [tilespmem:v14+s0+$0x0], $0xffff  }
0x94: {  	v44 =	vld [tilespmem:$0x12518];
	_ =	sdelay $0x4  }
0x95: {  	v35 =	vadd.f32 v43, v35;
	v34 =	vmul.f32 v44, v34;
	_ =	sdelay $0x1  }
0x96: {  	v34 =	vadd.f32 v34, v35;
	_ =	sdelay $0x1  }
0x97: {  	v35 =	vmul.f32 $2.000000030e-01, v34;
	_ =	sdelay $0x1  }
0x98: {  	v34 =	vmax.f32 v34, v35  }
0x99: {  	v34 =	vmul.f32 $1.442695020e+00, v34;
	_ =	sdelay $0x1  }
0x9a: {  	(erf) = vpow2.f32 v34;
	_ =	sdelay $0x8  }
0x9b: {  	v34 =	vpop (erf)  }
0x9c: {  	[tilespmem:v15+s20+$0x0] =	vst.idx.msk $0xffff, v34  }
0x9d: {  	v34 =	vld [tilespmem:$0x12638]  }
0x9e: {  	v45 =	vld.idx.msk [tilespmem:v16+s31+$0x0], $0xffff  }
0x9f: {  	v46 =	vld.idx.msk [tilespmem:v16+s0+$0x0], $0xffff  }
0xa0: {  	v47 =	vld [tilespmem:$0x124F8];
	_ =	sdelay $0x4  }
0xa1: {  	v35 =	vadd.f32 v46, v45;
	v48 =	vmul.f32 v47, v34;
	_ =	sdelay $0x1  }
0xa2: {  	v35 =	vadd.f32 v48, v35;
	_ =	sdelay $0x1  }
0xa3: {  	v36 =	vmul.f32 $2.000000030e-01, v35;
	_ =	sdelay $0x1  }
0xa4: {  	v35 =	vmax.f32 v35, v36  }
0xa5: {  	v35 =	vmul.f32 $1.442695020e+00, v35;
	_ =	sdelay $0x1  }
0xa6: {  	(erf) = vpow2.f32 v35;
	_ =	sdelay $0x8  }
0xa7: {  	v35 =	vpop (erf)  }
0xa8: {  	[tilespmem:v17+s20+$0x0] =	vst.idx.msk $0xffff, v35  }
0xa9: {  	v35 =	vld.idx.msk [tilespmem:v18+s31+$0x0], $0xffff  }
0xaa: {  	v49 =	vld.idx.msk [tilespmem:v18+s0+$0x0], $0xffff  }
0xab: {  	v50 =	vld [tilespmem:$0x12508];
	_ =	sdelay $0x4  }
0xac: {  	v35 =	vadd.f32 v49, v35;
	v51 =	vmul.f32 v50, v34;
	_ =	sdelay $0x1  }
0xad: {  	v35 =	vadd.f32 v51, v35;
	_ =	sdelay $0x1  }
0xae: {  	v36 =	vmul.f32 $2.000000030e-01, v35;
	_ =	sdelay $0x1  }
0xaf: {  	v35 =	vmax.f32 v35, v36  }
0xb0: {  	v35 =	vmul.f32 $1.442695020e+00, v35;
	_ =	sdelay $0x1  }
0xb1: {  	(erf) = vpow2.f32 v35;
	_ =	sdelay $0x8  }
0xb2: {  	v35 =	vpop (erf)  }
0xb3: {  	[tilespmem:v19+s20+$0x0] =	vst.idx.msk $0xffff, v35  }
0xb4: {  	v35 =	vld.idx.msk [tilespmem:v20+s31+$0x0], $0xffff  }
0xb5: {  	v52 =	vld.idx.msk [tilespmem:v20+s0+$0x0], $0xffff  }
0xb6: {  	v53 =	vld [tilespmem:$0x12518];
	_ =	sdelay $0x4  }
0xb7: {  	v35 =	vadd.f32 v52, v35;
	v34 =	vmul.f32 v53, v34;
	_ =	sdelay $0x1  }
0xb8: {  	v34 =	vadd.f32 v34, v35;
	_ =	sdelay $0x1  }
0xb9: {  	v35 =	vmul.f32 $2.000000030e-01, v34;
	_ =	sdelay $0x1  }
0xba: {  	v34 =	vmax.f32 v34, v35  }
0xbb: {  	v34 =	vmul.f32 $1.442695020e+00, v34;
	_ =	sdelay $0x1  }
0xbc: {  	(erf) = vpow2.f32 v34;
	_ =	sdelay $0x8  }
0xbd: {  	v34 =	vpop (erf)  }
0xbe: {  	[tilespmem:v21+s20+$0x0] =	vst.idx.msk $0xffff, v34  }
0xbf: {  	v34 =	vld [tilespmem:$0x12648]  }
0xc0: {  	v54 =	vld.idx.msk [tilespmem:v22+s31+$0x0], $0xffff  }
0xc1: {  	v55 =	vld.idx.msk [tilespmem:v22+s0+$0x0], $0xffff  }
0xc2: {  	v56 =	vld [tilespmem:$0x124F8];
	_ =	sdelay $0x4  }
0xc3: {  	v35 =	vadd.f32 v55, v54;
	v57 =	vmul.f32 v56, v34;
	_ =	sdelay $0x1  }
0xc4: {  	v35 =	vadd.f32 v57, v35;
	_ =	sdelay $0x1  }
0xc5: {  	v36 =	vmul.f32 $2.000000030e-01, v35;
	_ =	sdelay $0x1  }
0xc6: {  	v35 =	vmax.f32 v35, v36  }
0xc7: {  	v35 =	vmul.f32 $1.442695020e+00, v35;
	_ =	sdelay $0x1  }
0xc8: {  	(erf) = vpow2.f32 v35;
	_ =	sdelay $0x8  }
0xc9: {  	v35 =	vpop (erf)  }
0xca: {  	[tilespmem:v23+s20+$0x0] =	vst.idx.msk $0xffff, v35  }
0xcb: {  	v35 =	vld.idx.msk [tilespmem:v24+s31+$0x0], $0xffff  }
0xcc: {  	v58 =	vld.idx.msk [tilespmem:v24+s0+$0x0], $0xffff  }
0xcd: {  	v59 =	vld [tilespmem:$0x12508];
	_ =	sdelay $0x4  }
0xce: {  	v35 =	vadd.f32 v58, v35;
	v60 =	vmul.f32 v59, v34;
	_ =	sdelay $0x1  }
0xcf: {  	v35 =	vadd.f32 v60, v35;
	_ =	sdelay $0x1  }
0xd0: {  	v36 =	vmul.f32 $2.000000030e-01, v35;
	_ =	sdelay $0x1  }
0xd1: {  	v35 =	vmax.f32 v35, v36  }
0xd2: {  	v35 =	vmul.f32 $1.442695020e+00, v35;
	_ =	sdelay $0x1  }
0xd3: {  	(erf) = vpow2.f32 v35;
	_ =	sdelay $0x8  }
0xd4: {  	v35 =	vpop (erf)  }
0xd5: {  	[tilespmem:v25+s20+$0x0] =	vst.idx.msk $0xffff, v35  }
0xd6: {  	v35 =	vld.idx.msk [tilespmem:v26+s31+$0x0], $0xffff  }
0xd7: {  	v61 =	vld.idx.msk [tilespmem:v26+s0+$0x0], $0xffff  }
0xd8: {  	v62 =	vld [tilespmem:$0x12518];
	_ =	sdelay $0x4  }
0xd9: {  	v35 =	vadd.f32 v61, v35;
	v34 =	vmul.f32 v62, v34;
	_ =	sdelay $0x1  }
0xda: {  	v34 =	vadd.f32 v34, v35;
	_ =	sdelay $0x1  }
0xdb: {  	v35 =	vmul.f32 $2.000000030e-01, v34;
	_ =	sdelay $0x1  }
0xdc: {  	v34 =	vmax.f32 v34, v35  }
0xdd: {  	v34 =	vmul.f32 $1.442695020e+00, v34;
	_ =	sdelay $0x1  }
0xde: {  	(erf) = vpow2.f32 v34;
	_ =	sdelay $0x8  }
0xdf: {  	v34 =	vpop (erf)  }
0xe0: {  	[tilespmem:v27+s20+$0x0] =	vst.idx.msk $0xffff, v34  }
0xe1: {  	v34 =	vld [tilespmem:$0x12658]  }
0xe2: {  	v63 =	vld.idx.msk [tilespmem:v28+s31+$0x0], $0xffff  }
0xe3: {  	v40 =	vld.idx.msk [tilespmem:v28+s0+$0x0], $0xffff  }
0xe4: {  	v41 =	vld [tilespmem:$0x124F8];
	_ =	sdelay $0x4  }
0xe5: {  	v35 =	vadd.f32 v40, v63;
	v42 =	vmul.f32 v41, v34;
	_ =	sdelay $0x1  }
0xe6: {  	v35 =	vadd.f32 v42, v35;
	_ =	sdelay $0x1  }
0xe7: {  	v36 =	vmul.f32 $2.000000030e-01, v35;
	_ =	sdelay $0x1  }
0xe8: {  	v35 =	vmax.f32 v35, v36  }
0xe9: {  	v35 =	vmul.f32 $1.442695020e+00, v35;
	_ =	sdelay $0x1  }
0xea: {  	(erf) = vpow2.f32 v35;
	_ =	sdelay $0x8  }
0xeb: {  	v35 =	vpop (erf)  }
0xec: {  	[tilespmem:v29+s20+$0x0] =	vst.idx.msk $0xffff, v35  }
0xed: {  	v35 =	vld.idx.msk [tilespmem:v30+s31+$0x0], $0xffff  }
0xee: {  	v43 =	vld.idx.msk [tilespmem:v30+s0+$0x0], $0xffff  }
0xef: {  	v44 =	vld [tilespmem:$0x12508];
	_ =	sdelay $0x4  }
0xf0: {  	v35 =	vadd.f32 v43, v35;
	v45 =	vmul.f32 v44, v34;
	_ =	sdelay $0x1  }
0xf1: {  	v35 =	vadd.f32 v45, v35;
	_ =	sdelay $0x1  }
0xf2: {  	v36 =	vmul.f32 $2.000000030e-01, v35;
	_ =	sdelay $0x1  }
0xf3: {  	v35 =	vmax.f32 v35, v36  }
0xf4: {  	v35 =	vmul.f32 $1.442695020e+00, v35;
	_ =	sdelay $0x1  }
0xf5: {  	(erf) = vpow2.f32 v35;
	_ =	sdelay $0x8  }
0xf6: {  	v35 =	vpop (erf)  }
0xf7: {  	[tilespmem:v31+s20+$0x0] =	vst.idx.msk $0xffff, v35  }
0xf8: {  	v35 =	vld.idx.msk [tilespmem:v32+s31+$0x0], $0xffff  }
0xf9: {  	v46 =	vld.idx.msk [tilespmem:v32+s0+$0x0], $0xffff  }
0xfa: {  	v47 =	vld [tilespmem:$0x12518];
	_ =	sdelay $0x4  }
0xfb: {  	v35 =	vadd.f32 v46, v35;
	v34 =	vmul.f32 v47, v34;
	_ =	sdelay $0x1  }
0xfc: {  	v34 =	vadd.f32 v34, v35;
	_ =	sdelay $0x1  }
0xfd: {  	v35 =	vmul.f32 $2.000000030e-01, v34;
	_ =	sdelay $0x1  }
0xfe: {  	v34 =	vmax.f32 v34, v35  }
0xff: {  	v34 =	vmul.f32 $1.442695020e+00, v34;
	_ =	sdelay $0x1  }
0x100: {  	(erf) = vpow2.f32 v34;
	_ =	sdelay $0x2  }
0x101: {  	s21 =	simm.s32 $0x0  }
0x102: {  	v48 =	vmov s21  }
0x103: {  	v34 =	vmul.u32 $0x68, v48;
	_ =	sdelay $0x1  }
0x104: {  	v34 =	vbroadcast v34, $0x0;
	_ =	sdelay $0x1  }
0x105: {  	v50 =	vadd.s32 v2, v34;
	v49 =	vpop (erf)  }
0x106: {  	[tilespmem:v33+s20+$0x0] =	vst.idx.msk $0xffff, v49  }
0x107: {  	_ =	swait.ge [sflag:s1], $0x1E00  }
0x108: {  	[sflag:s1] =	ssyncset.done $0x0  }
0x109: {  	[sflag:s1] =	ssyncadd.s32 $0xFFFFE200  }
0x10a: {  	s14 =	simm.s32 $0x12C28;
	v51 =	vld.idx.msk [tilespmem:v50+s20+$0x0], $0xffff  }
0x10b: {  	v52 =	vld [tilespmem:s14+$0xFFFFFF40];
	_ =	sdelay $0x4  }
0x10c: {  	v35 =	vmul.f32 v52, v51  }
0x10d: {  	s11 =	simm.s32 $0x14A38  }
0x10e: {  	[tilespmem:s11+$0xFFFFFF30] =	vst v35  }
0x10f: {  	v35 =	vld.idx.msk [tilespmem:v50+s20+$0x0], $0xffff  }
0x110: {  	v53 =	vld [tilespmem:s14+$0xFFFFFF50];
	_ =	sdelay $0x2  }
0x111: {  	v54 =	vadd.s32 v3, v34;
	_ =	sdelay $0x1  }
0x112: {  	v35 =	vmul.f32 v53, v35;
	_ =	sdelay $0x1  }
0x113: {  	[tilespmem:s11+$0xFFFFFF40] =	vst v35  }
0x114: {  	v35 =	vld.idx.msk [tilespmem:v54+s20+$0x0], $0xffff  }
0x115: {  	v55 =	vld [tilespmem:s14+$0xFFFFFF60];
	_ =	sdelay $0x4  }
0x116: {  	v35 =	vmul.f32 v55, v35;
	_ =	sdelay $0x1  }
0x117: {  	[tilespmem:s11+$0xFFFFFF50] =	vst v35  }
0x118: {  	v35 =	vld.idx.msk [tilespmem:v54+s20+$0x0], $0xffff  }
0x119: {  	v56 =	vld [tilespmem:s14+$0xFFFFFF70];
	_ =	sdelay $0x2  }
0x11a: {  	v34 =	vadd.s32 v4, v34;
	_ =	sdelay $0x1  }
0x11b: {  	v35 =	vmul.f32 v56, v35;
	_ =	sdelay $0x1  }
0x11c: {  	[tilespmem:s11+$0xFFFFFF60] =	vst v35  }
0x11d: {  	v35 =	vld.idx.msk [tilespmem:v34+s20+$0x0], $0xffff  }
0x11e: {  	v57 =	vld [tilespmem:s14+$0xFFFFFF80];
	_ =	sdelay $0x4  }
0x11f: {  	v35 =	vmul.f32 v57, v35  }
0x120: {  	s22 =	simm.s32 $0x1  }
0x121: {  	v58 =	vmov s22;
	[tilespmem:s11+$0xFFFFFF70] =	vst v35  }
0x122: {  	v35 =	vmul.u32 $0x68, v58;
	v34 =	vld.idx.msk [tilespmem:v34+s20+$0x0], $0xffff  }
0x123: {  	v59 =	vld [tilespmem:s14+$0xFFFFFF90]  }
0x124: {  	v35 =	vbroadcast v35, $0x0;
	_ =	sdelay $0x1  }
0x125: {  	v60 =	vadd.s32 v2, v35;
	_ =	sdelay $0x1  }
0x126: {  	v34 =	vmul.f32 v59, v34;
	_ =	sdelay $0x1  }
0x127: {  	[tilespmem:s11+$0xFFFFFF80] =	vst v34  }
0x128: {  	v34 =	vld.idx.msk [tilespmem:v60+s20+$0x0], $0xffff  }
0x129: {  	v61 =	vld [tilespmem:s14+$0xFFFFFFA0];
	_ =	sdelay $0x4  }
0x12a: {  	v34 =	vmul.f32 v61, v34;
	_ =	sdelay $0x1  }
0x12b: {  	[tilespmem:s11+$0xFFFFFF98] =	vst v34  }
0x12c: {  	v34 =	vld.idx.msk [tilespmem:v60+s20+$0x0], $0xffff  }
0x12d: {  	v62 =	vld [tilespmem:s14+$0xFFFFFFB0];
	_ =	sdelay $0x2  }
0x12e: {  	v63 =	vadd.s32 v3, v35;
	_ =	sdelay $0x1  }
0x12f: {  	v34 =	vmul.f32 v62, v34;
	_ =	sdelay $0x1  }
0x130: {  	[tilespmem:s11+$0xFFFFFFA8] =	vst v34  }
0x131: {  	v34 =	vld.idx.msk [tilespmem:v63+s20+$0x0], $0xffff  }
0x132: {  	v40 =	vld [tilespmem:s14+$0xFFFFFFC0];
	_ =	sdelay $0x4  }
0x133: {  	v34 =	vmul.f32 v40, v34;
	_ =	sdelay $0x1  }
0x134: {  	[tilespmem:s11+$0xFFFFFFB8] =	vst v34  }
0x135: {  	v34 =	vld.idx.msk [tilespmem:v63+s20+$0x0], $0xffff  }
0x136: {  	v41 =	vld [tilespmem:s14+$0xFFFFFFD0];
	_ =	sdelay $0x2  }
0x137: {  	v35 =	vadd.s32 v4, v35;
	_ =	sdelay $0x1  }
0x138: {  	v34 =	vmul.f32 v41, v34;
	_ =	sdelay $0x1  }
0x139: {  	[tilespmem:s11+$0xFFFFFFC8] =	vst v34  }
0x13a: {  	v34 =	vld.idx.msk [tilespmem:v35+s20+$0x0], $0xffff  }
0x13b: {  	v42 =	vld [tilespmem:s14+$0xFFFFFFE0];
	_ =	sdelay $0x4  }
0x13c: {  	v34 =	vmul.f32 v42, v34  }
0x13d: {  	s15 =	simm.s32 $0x2  }
0x13e: {  	v43 =	vmov s15;
	[tilespmem:s11+$0xFFFFFFD8] =	vst v34  }
0x13f: {  	v34 =	vmul.u32 $0x68, v43;
	v35 =	vld.idx.msk [tilespmem:v35+s20+$0x0], $0xffff  }
0x140: {  	v44 =	vld [tilespmem:s14+$0xFFFFFFF0]  }
0x141: {  	v34 =	vbroadcast v34, $0x0;
	_ =	sdelay $0x1  }
0x142: {  	v45 =	vadd.s32 v2, v34;
	_ =	sdelay $0x1  }
0x143: {  	v35 =	vmul.f32 v44, v35;
	_ =	sdelay $0x1  }
0x144: {  	[tilespmem:s11+$0xFFFFFFE8] =	vst v35  }
0x145: {  	v35 =	vld.idx.msk [tilespmem:v45+s20+$0x0], $0xffff  }
0x146: {  	v46 =	vld [tilespmem:s14+$0x0];
	_ =	sdelay $0x4  }
0x147: {  	v35 =	vmul.f32 v46, v35;
	_ =	sdelay $0x1  }
0x148: {  	[tilespmem:s11+$0x0] =	vst v35  }
0x149: {  	v35 =	vld.idx.msk [tilespmem:v45+s20+$0x0], $0xffff  }
0x14a: {  	v47 =	vld [tilespmem:s14+$0x10];
	_ =	sdelay $0x2  }
0x14b: {  	v48 =	vadd.s32 v3, v34;
	_ =	sdelay $0x1  }
0x14c: {  	v35 =	vmul.f32 v47, v35;
	_ =	sdelay $0x1  }
0x14d: {  	[tilespmem:s11+$0x10] =	vst v35  }
0x14e: {  	v35 =	vld.idx.msk [tilespmem:v48+s20+$0x0], $0xffff  }
0x14f: {  	v49 =	vld [tilespmem:s14+$0x20];
	_ =	sdelay $0x4  }
0x150: {  	v35 =	vmul.f32 v49, v35;
	_ =	sdelay $0x1  }
0x151: {  	[tilespmem:s11+$0x20] =	vst v35  }
0x152: {  	v35 =	vld.idx.msk [tilespmem:v48+s20+$0x0], $0xffff  }
0x153: {  	v50 =	vld [tilespmem:s14+$0x30];
	_ =	sdelay $0x2  }
0x154: {  	v34 =	vadd.s32 v4, v34;
	_ =	sdelay $0x1  }
0x155: {  	v35 =	vmul.f32 v50, v35;
	_ =	sdelay $0x1  }
0x156: {  	[tilespmem:s11+$0x30] =	vst v35  }
0x157: {  	v35 =	vld.idx.msk [tilespmem:v34+s20+$0x0], $0xffff  }
0x158: {  	v51 =	vld [tilespmem:s14+$0x40];
	_ =	sdelay $0x4  }
0x159: {  	v35 =	vmul.f32 v51, v35  }
0x15a: {  	s21 =	simm.s32 $0x3  }
0x15b: {  	v52 =	vmov s21;
	[tilespmem:s11+$0x40] =	vst v35  }
0x15c: {  	v35 =	vmul.u32 $0x68, v52;
	v34 =	vld.idx.msk [tilespmem:v34+s20+$0x0], $0xffff  }
0x15d: {  	v53 =	vld [tilespmem:s14+$0x50]  }
0x15e: {  	v35 =	vbroadcast v35, $0x0;
	_ =	sdelay $0x1  }
0x15f: {  	v54 =	vadd.s32 v2, v35;
	_ =	sdelay $0x1  }
0x160: {  	v34 =	vmul.f32 v53, v34;
	_ =	sdelay $0x1  }
0x161: {  	[tilespmem:s11+$0x50] =	vst v34  }
0x162: {  	v34 =	vld.idx.msk [tilespmem:v54+s20+$0x0], $0xffff  }
0x163: {  	v55 =	vld [tilespmem:s14+$0x60];
	_ =	sdelay $0x4  }
0x164: {  	v34 =	vmul.f32 v55, v34;
	_ =	sdelay $0x1  }
0x165: {  	[tilespmem:s11+$0x68] =	vst v34  }
0x166: {  	v34 =	vld.idx.msk [tilespmem:v54+s20+$0x0], $0xffff  }
0x167: {  	v56 =	vld [tilespmem:s14+$0x70];
	_ =	sdelay $0x2  }
0x168: {  	v57 =	vadd.s32 v3, v35;
	_ =	sdelay $0x1  }
0x169: {  	v34 =	vmul.f32 v56, v34;
	_ =	sdelay $0x1  }
0x16a: {  	[tilespmem:s11+$0x78] =	vst v34  }
0x16b: {  	v34 =	vld.idx.msk [tilespmem:v57+s20+$0x0], $0xffff  }
0x16c: {  	v58 =	vld [tilespmem:s14+$0x80];
	_ =	sdelay $0x4  }
0x16d: {  	v34 =	vmul.f32 v58, v34;
	_ =	sdelay $0x1  }
0x16e: {  	[tilespmem:s11+$0x88] =	vst v34  }
0x16f: {  	v34 =	vld.idx.msk [tilespmem:v57+s20+$0x0], $0xffff  }
0x170: {  	v59 =	vld [tilespmem:s14+$0x90];
	_ =	sdelay $0x2  }
0x171: {  	v35 =	vadd.s32 v4, v35;
	_ =	sdelay $0x1  }
0x172: {  	v34 =	vmul.f32 v59, v34;
	_ =	sdelay $0x1  }
0x173: {  	[tilespmem:s11+$0x98] =	vst v34  }
0x174: {  	v34 =	vld.idx.msk [tilespmem:v35+s20+$0x0], $0xffff  }
0x175: {  	v60 =	vld [tilespmem:s14+$0xA0];
	_ =	sdelay $0x4  }
0x176: {  	v34 =	vmul.f32 v60, v34  }
0x177: {  	s22 =	simm.s32 $0x4  }
0x178: {  	v62 =	vmov s22;
	[tilespmem:s11+$0xA8] =	vst v34  }
0x179: {  	v34 =	vmul.u32 $0x68, v62;
	v61 =	vld.idx.msk [tilespmem:v35+s20+$0x0], $0xffff  }
0x17a: {  	v63 =	vld [tilespmem:s14+$0xB0]  }
0x17b: {  	v34 =	vbroadcast v34, $0x0;
	_ =	sdelay $0x1  }
0x17c: {  	v35 =	vadd.s32 v2, v34;
	_ =	sdelay $0x1  }
0x17d: {  	s15 =	simm.s32 $0x7;
	s21 =	simm.s32 $0xB;
	v36 =	vmul.f32 v63, v61  }
.LBB2_3:
0x17e: {  	s14 =	sadd.s32 $0x180, s14  }
0x17f: {  	s22 =	smov.u32 s21;
	s12 =	sadd.s32 $0x4, s21;
	[tilespmem:s11+$0xB8] =	vst v36;
	s11 =	sadd.s32 $0x1A0, s11  }
0x180: {  	p1 =	sne.s32 s21, $0x4F;
	v36 =	vld.idx.msk [tilespmem:v35+s20+$0x0], $0xffff  }
0x181: {  	v37 =	vld [tilespmem:s14+$0xFFFFFF40];
	_ =	sdelay $0x4  }
0x182: {  	v36 =	vmul.f32 v37, v36;
	_ =	sdelay $0x1  }
0x183: {  	[tilespmem:s11+$0xFFFFFF30] =	vst v36  }
0x184: {  	v35 =	vld.idx.msk [tilespmem:v35+s20+$0x0], $0xffff  }
0x185: {  	v36 =	vld [tilespmem:s14+$0xFFFFFF50];
	_ =	sdelay $0x2  }
0x186: {  	v37 =	vadd.s32 v3, v34;
	_ =	sdelay $0x1  }
0x187: {  	v35 =	vmul.f32 v36, v35;
	_ =	sdelay $0x1  }
0x188: {  	[tilespmem:s11+$0xFFFFFF40] =	vst v35  }
0x189: {  	v35 =	vld.idx.msk [tilespmem:v37+s20+$0x0], $0xffff  }
0x18a: {  	v36 =	vld [tilespmem:s14+$0xFFFFFF60];
	_ =	sdelay $0x4  }
0x18b: {  	v35 =	vmul.f32 v36, v35;
	_ =	sdelay $0x1  }
0x18c: {  	[tilespmem:s11+$0xFFFFFF50] =	vst v35  }
0x18d: {  	v35 =	vld.idx.msk [tilespmem:v37+s20+$0x0], $0xffff  }
0x18e: {  	v36 =	vld [tilespmem:s14+$0xFFFFFF70];
	_ =	sdelay $0x2  }
0x18f: {  	v34 =	vadd.s32 v4, v34;
	_ =	sdelay $0x1  }
0x190: {  	v35 =	vmul.f32 v36, v35;
	_ =	sdelay $0x1  }
0x191: {  	[tilespmem:s11+$0xFFFFFF60] =	vst v35  }
0x192: {  	v35 =	vld.idx.msk [tilespmem:v34+s20+$0x0], $0xffff  }
0x193: {  	v36 =	vld [tilespmem:s14+$0xFFFFFF80];
	_ =	sdelay $0x4  }
0x194: {  	v35 =	vmul.f32 v36, v35  }
0x195: {  	s21 =	sadd.s32 $0xFFFFFFFE, s15  }
0x196: {  	[tilespmem:s11+$0xFFFFFF70] =	vst v35;
	v35 =	vmov s21  }
0x197: {  	v34 =	vld.idx.msk [tilespmem:v34+s20+$0x0], $0xffff;
	v35 =	vmul.u32 $0x68, v35  }
0x198: {  	v36 =	vld [tilespmem:s14+$0xFFFFFF90]  }
0x199: {  	v35 =	vbroadcast v35, $0x0;
	_ =	sdelay $0x1  }
0x19a: {  	v37 =	vadd.s32 v2, v35;
	_ =	sdelay $0x1  }
0x19b: {  	v34 =	vmul.f32 v36, v34;
	_ =	sdelay $0x1  }
0x19c: {  	[tilespmem:s11+$0xFFFFFF80] =	vst v34  }
0x19d: {  	v34 =	vld.idx.msk [tilespmem:v37+s20+$0x0], $0xffff  }
0x19e: {  	v36 =	vld [tilespmem:s14+$0xFFFFFFA0];
	_ =	sdelay $0x4  }
0x19f: {  	v34 =	vmul.f32 v36, v34;
	_ =	sdelay $0x1  }
0x1a0: {  	[tilespmem:s11+$0xFFFFFF98] =	vst v34  }
0x1a1: {  	v34 =	vld.idx.msk [tilespmem:v37+s20+$0x0], $0xffff  }
0x1a2: {  	v36 =	vld [tilespmem:s14+$0xFFFFFFB0];
	_ =	sdelay $0x2  }
0x1a3: {  	v37 =	vadd.s32 v3, v35;
	_ =	sdelay $0x1  }
0x1a4: {  	v34 =	vmul.f32 v36, v34;
	_ =	sdelay $0x1  }
0x1a5: {  	[tilespmem:s11+$0xFFFFFFA8] =	vst v34  }
0x1a6: {  	v34 =	vld.idx.msk [tilespmem:v37+s20+$0x0], $0xffff  }
0x1a7: {  	v36 =	vld [tilespmem:s14+$0xFFFFFFC0];
	_ =	sdelay $0x4  }
0x1a8: {  	v34 =	vmul.f32 v36, v34;
	_ =	sdelay $0x1  }
0x1a9: {  	[tilespmem:s11+$0xFFFFFFB8] =	vst v34  }
0x1aa: {  	v34 =	vld.idx.msk [tilespmem:v37+s20+$0x0], $0xffff  }
0x1ab: {  	v36 =	vld [tilespmem:s14+$0xFFFFFFD0];
	_ =	sdelay $0x2  }
0x1ac: {  	v35 =	vadd.s32 v4, v35;
	_ =	sdelay $0x1  }
0x1ad: {  	v34 =	vmul.f32 v36, v34;
	_ =	sdelay $0x1  }
0x1ae: {  	[tilespmem:s11+$0xFFFFFFC8] =	vst v34  }
0x1af: {  	v34 =	vld.idx.msk [tilespmem:v35+s20+$0x0], $0xffff  }
0x1b0: {  	v36 =	vld [tilespmem:s14+$0xFFFFFFE0];
	_ =	sdelay $0x4  }
0x1b1: {  	v34 =	vmul.f32 v36, v34  }
0x1b2: {  	s21 =	sadd.s32 $0xFFFFFFFF, s15  }
0x1b3: {  	[tilespmem:s11+$0xFFFFFFD8] =	vst v34;
	v34 =	vmov s21  }
0x1b4: {  	v35 =	vld.idx.msk [tilespmem:v35+s20+$0x0], $0xffff;
	v34 =	vmul.u32 $0x68, v34  }
0x1b5: {  	v36 =	vld [tilespmem:s14+$0xFFFFFFF0]  }
0x1b6: {  	v34 =	vbroadcast v34, $0x0;
	_ =	sdelay $0x1  }
0x1b7: {  	v37 =	vadd.s32 v2, v34;
	_ =	sdelay $0x1  }
0x1b8: {  	v35 =	vmul.f32 v36, v35;
	_ =	sdelay $0x1  }
0x1b9: {  	[tilespmem:s11+$0xFFFFFFE8] =	vst v35  }
0x1ba: {  	v35 =	vld.idx.msk [tilespmem:v37+s20+$0x0], $0xffff  }
0x1bb: {  	v36 =	vld [tilespmem:s14+$0x0];
	_ =	sdelay $0x4  }
0x1bc: {  	v35 =	vmul.f32 v36, v35;
	_ =	sdelay $0x1  }
0x1bd: {  	[tilespmem:s11+$0x0] =	vst v35  }
0x1be: {  	v35 =	vld.idx.msk [tilespmem:v37+s20+$0x0], $0xffff  }
0x1bf: {  	v36 =	vld [tilespmem:s14+$0x10];
	_ =	sdelay $0x2  }
0x1c0: {  	v37 =	vadd.s32 v3, v34;
	_ =	sdelay $0x1  }
0x1c1: {  	v35 =	vmul.f32 v36, v35;
	_ =	sdelay $0x1  }
0x1c2: {  	[tilespmem:s11+$0x10] =	vst v35  }
0x1c3: {  	v35 =	vld.idx.msk [tilespmem:v37+s20+$0x0], $0xffff  }
0x1c4: {  	v36 =	vld [tilespmem:s14+$0x20];
	_ =	sdelay $0x4  }
0x1c5: {  	v35 =	vmul.f32 v36, v35;
	_ =	sdelay $0x1  }
0x1c6: {  	[tilespmem:s11+$0x20] =	vst v35  }
0x1c7: {  	v35 =	vld.idx.msk [tilespmem:v37+s20+$0x0], $0xffff  }
0x1c8: {  	v36 =	vld [tilespmem:s14+$0x30];
	_ =	sdelay $0x2  }
0x1c9: {  	v34 =	vadd.s32 v4, v34;
	_ =	sdelay $0x1  }
0x1ca: {  	v35 =	vmul.f32 v36, v35;
	_ =	sdelay $0x1  }
0x1cb: {  	[tilespmem:s11+$0x30] =	vst v35  }
0x1cc: {  	v35 =	vld.idx.msk [tilespmem:v34+s20+$0x0], $0xffff  }
0x1cd: {  	v36 =	vld [tilespmem:s14+$0x40];
	_ =	sdelay $0x4  }
0x1ce: {  	v35 =	vmul.f32 v36, v35;
	_ =	sdelay $0x1  }
0x1cf: {  	[tilespmem:s11+$0x40] =	vst v35;
	v35 =	vmov s15;
	s15 =	smov.u32 s22  }
0x1d0: {  	v34 =	vld.idx.msk [tilespmem:v34+s20+$0x0], $0xffff;
	v35 =	vmul.u32 $0x68, v35  }
0x1d1: {  	v36 =	vld [tilespmem:s14+$0x50]  }
0x1d2: {  	v35 =	vbroadcast v35, $0x0;
	_ =	sdelay $0x1  }
0x1d3: {  	v37 =	vadd.s32 v2, v35;
	_ =	sdelay $0x1  }
0x1d4: {  	v34 =	vmul.f32 v36, v34;
	_ =	sdelay $0x1  }
0x1d5: {  	[tilespmem:s11+$0x50] =	vst v34  }
0x1d6: {  	v34 =	vld.idx.msk [tilespmem:v37+s20+$0x0], $0xffff  }
0x1d7: {  	v36 =	vld [tilespmem:s14+$0x60];
	_ =	sdelay $0x4  }
0x1d8: {  	v34 =	vmul.f32 v36, v34;
	_ =	sdelay $0x1  }
0x1d9: {  	[tilespmem:s11+$0x68] =	vst v34  }
0x1da: {  	v34 =	vld.idx.msk [tilespmem:v37+s20+$0x0], $0xffff  }
0x1db: {  	v36 =	vld [tilespmem:s14+$0x70];
	_ =	sdelay $0x2  }
0x1dc: {  	v37 =	vadd.s32 v3, v35;
	_ =	sdelay $0x1  }
0x1dd: {  	v34 =	vmul.f32 v36, v34;
	_ =	sdelay $0x1  }
0x1de: {  	[tilespmem:s11+$0x78] =	vst v34  }
0x1df: {  	v34 =	vld.idx.msk [tilespmem:v37+s20+$0x0], $0xffff  }
0x1e0: {  	v36 =	vld [tilespmem:s14+$0x80];
	_ =	sdelay $0x4  }
0x1e1: {  	v34 =	vmul.f32 v36, v34;
	_ =	sdelay $0x1  }
0x1e2: {  	[tilespmem:s11+$0x88] =	vst v34  }
0x1e3: {  	v34 =	vld.idx.msk [tilespmem:v37+s20+$0x0], $0xffff  }
0x1e4: {  	v36 =	vld [tilespmem:s14+$0x90];
	_ =	sdelay $0x2  }
0x1e5: {  	v35 =	vadd.s32 v4, v35;
	_ =	sdelay $0x1  }
0x1e6: {  	v34 =	vmul.f32 v36, v34;
	_ =	sdelay $0x1  }
0x1e7: {  	[tilespmem:s11+$0x98] =	vst v34  }
0x1e8: {  	v34 =	vld.idx.msk [tilespmem:v35+s20+$0x0], $0xffff  }
0x1e9: {  	v36 =	vld [tilespmem:s14+$0xA0];
	_ =	sdelay $0x4  }
0x1ea: {  	v34 =	vmul.f32 v36, v34  }
0x1eb: {  	s21 =	sadd.s32 $0xFFFFFFFD, s15  }
0x1ec: {  	v36 =	vmov s21;
	[tilespmem:s11+$0xA8] =	vst v34  }
0x1ed: {  	v34 =	vmul.u32 $0x68, v36;
	v36 =	vld.idx.msk [tilespmem:v35+s20+$0x0], $0xffff  }
0x1ee: {  	v37 =	vld [tilespmem:s14+$0xB0]  }
.Ltmp0:
0x1ef: {  	v34 =	vbroadcast v34, $0x0;
	(pc) =	sbr.rel @p1 .LBB2_3-.Ltmp0, $3  }
0x1f0: {  	_ = 	snop  }
0x1f1: {  	v35 =	vadd.s32 v2, v34;
	_ =	sdelay $0x1  }
0x1f2: {  	s21 =	smov.u32 s12;
	v36 =	vmul.f32 v37, v36  }
0x1f3: {  	_ =	sdelay $0x2  }
0x1f4: {  	[tilespmem:s11+$0xB8] =	vst v36  }
0x1f5: {  	s14 =	sadd.s32 $0x180, s14;
	v36 =	vld.idx.msk [tilespmem:v35+s20+$0x0], $0xffff  }
0x1f6: {  	v37 =	vld [tilespmem:s14+$0xFFFFFF40];
	_ =	sdelay $0x4  }
0x1f7: {  	v36 =	vmul.f32 v37, v36  }
0x1f8: {  	s21 =	sadd.s32 $0x1A0, s11  }
0x1f9: {  	[tilespmem:s21+$0xFFFFFF30] =	vst v36  }
0x1fa: {  	v54 =	vld.idx.msk [tilespmem:v35+s20+$0x0], $0xffff  }
0x1fb: {  	v36 =	vld [tilespmem:s14+$0xFFFFFF50];
	_ =	sdelay $0x2  }
0x1fc: {  	v55 =	vadd.s32 v3, v34;
	_ =	sdelay $0x1  }
0x1fd: {  	v35 =	vmul.f32 v36, v54;
	_ =	sdelay $0x1  }
0x1fe: {  	[tilespmem:s21+$0xFFFFFF40] =	vst v35  }
0x1ff: {  	v35 =	vld.idx.msk [tilespmem:v55+s20+$0x0], $0xffff  }
0x200: {  	v56 =	vld [tilespmem:s14+$0xFFFFFF60];
	_ =	sdelay $0x4  }
0x201: {  	v35 =	vmul.f32 v56, v35;
	_ =	sdelay $0x1  }
0x202: {  	[tilespmem:s21+$0xFFFFFF50] =	vst v35  }
0x203: {  	v35 =	vld.idx.msk [tilespmem:v55+s20+$0x0], $0xffff  }
0x204: {  	v57 =	vld [tilespmem:s14+$0xFFFFFF70];
	_ =	sdelay $0x2  }
0x205: {  	v58 =	vadd.s32 v4, v34;
	_ =	sdelay $0x1  }
0x206: {  	v35 =	vmul.f32 v57, v35;
	_ =	sdelay $0x1  }
0x207: {  	[tilespmem:s21+$0xFFFFFF60] =	vst v35  }
0x208: {  	v35 =	vld.idx.msk [tilespmem:v58+s20+$0x0], $0xffff  }
0x209: {  	v59 =	vld [tilespmem:s14+$0xFFFFFF80];
	_ =	sdelay $0x4  }
0x20a: {  	v35 =	vmul.f32 v59, v35  }
0x20b: {  	s12 =	sadd.s32 $0xFFFFFFFE, s15  }
0x20c: {  	v60 =	vmov s12;
	[tilespmem:s21+$0xFFFFFF70] =	vst v35  }
0x20d: {  	v35 =	vmul.u32 $0x68, v60;
	v34 =	vld.idx.msk [tilespmem:v58+s20+$0x0], $0xffff  }
0x20e: {  	v61 =	vld [tilespmem:s14+$0xFFFFFF90]  }
0x20f: {  	v35 =	vbroadcast v35, $0x0;
	_ =	sdelay $0x1  }
0x210: {  	v62 =	vadd.s32 v2, v35;
	_ =	sdelay $0x1  }
0x211: {  	v34 =	vmul.f32 v61, v34;
	_ =	sdelay $0x1  }
0x212: {  	[tilespmem:s21+$0xFFFFFF80] =	vst v34  }
0x213: {  	v34 =	vld.idx.msk [tilespmem:v62+s20+$0x0], $0xffff  }
0x214: {  	v63 =	vld [tilespmem:s14+$0xFFFFFFA0];
	_ =	sdelay $0x4  }
0x215: {  	v34 =	vmul.f32 v63, v34;
	_ =	sdelay $0x1  }
0x216: {  	[tilespmem:s21+$0xFFFFFF98] =	vst v34  }
0x217: {  	v34 =	vld.idx.msk [tilespmem:v62+s20+$0x0], $0xffff  }
0x218: {  	v40 =	vld [tilespmem:s14+$0xFFFFFFB0];
	_ =	sdelay $0x2  }
0x219: {  	v41 =	vadd.s32 v3, v35;
	_ =	sdelay $0x1  }
0x21a: {  	v34 =	vmul.f32 v40, v34;
	_ =	sdelay $0x1  }
0x21b: {  	[tilespmem:s21+$0xFFFFFFA8] =	vst v34  }
0x21c: {  	v34 =	vld.idx.msk [tilespmem:v41+s20+$0x0], $0xffff  }
0x21d: {  	v42 =	vld [tilespmem:s14+$0xFFFFFFC0];
	_ =	sdelay $0x4  }
0x21e: {  	v34 =	vmul.f32 v42, v34;
	_ =	sdelay $0x1  }
0x21f: {  	[tilespmem:s21+$0xFFFFFFB8] =	vst v34  }
0x220: {  	v34 =	vld.idx.msk [tilespmem:v41+s20+$0x0], $0xffff  }
0x221: {  	v43 =	vld [tilespmem:s14+$0xFFFFFFD0];
	_ =	sdelay $0x2  }
0x222: {  	v35 =	vadd.s32 v4, v35;
	_ =	sdelay $0x1  }
0x223: {  	v34 =	vmul.f32 v43, v34;
	_ =	sdelay $0x1  }
0x224: {  	[tilespmem:s21+$0xFFFFFFC8] =	vst v34  }
0x225: {  	v34 =	vld.idx.msk [tilespmem:v35+s20+$0x0], $0xffff  }
0x226: {  	v44 =	vld [tilespmem:s14+$0xFFFFFFE0];
	_ =	sdelay $0x4  }
0x227: {  	v34 =	vmul.f32 v44, v34  }
0x228: {  	s22 =	sadd.s32 $0xFFFFFFFF, s15  }
0x229: {  	v45 =	vmov s22;
	[tilespmem:s21+$0xFFFFFFD8] =	vst v34  }
0x22a: {  	v34 =	vmul.u32 $0x68, v45;
	v35 =	vld.idx.msk [tilespmem:v35+s20+$0x0], $0xffff  }
0x22b: {  	v46 =	vld [tilespmem:s14+$0xFFFFFFF0]  }
0x22c: {  	v34 =	vbroadcast v34, $0x0;
	_ =	sdelay $0x1  }
0x22d: {  	v47 =	vadd.s32 v2, v34;
	_ =	sdelay $0x1  }
0x22e: {  	v35 =	vmul.f32 v46, v35;
	_ =	sdelay $0x1  }
0x22f: {  	[tilespmem:s21+$0xFFFFFFE8] =	vst v35  }
0x230: {  	v35 =	vld.idx.msk [tilespmem:v47+s20+$0x0], $0xffff  }
0x231: {  	v48 =	vld [tilespmem:s14+$0x0];
	_ =	sdelay $0x4  }
0x232: {  	v35 =	vmul.f32 v48, v35;
	_ =	sdelay $0x1  }
0x233: {  	[tilespmem:s21+$0x0] =	vst v35  }
0x234: {  	v35 =	vld.idx.msk [tilespmem:v47+s20+$0x0], $0xffff  }
0x235: {  	v49 =	vld [tilespmem:s14+$0x10];
	_ =	sdelay $0x2  }
0x236: {  	v50 =	vadd.s32 v3, v34;
	_ =	sdelay $0x1  }
0x237: {  	v35 =	vmul.f32 v49, v35;
	_ =	sdelay $0x1  }
0x238: {  	[tilespmem:s21+$0x10] =	vst v35  }
0x239: {  	v35 =	vld.idx.msk [tilespmem:v50+s20+$0x0], $0xffff  }
0x23a: {  	v51 =	vld [tilespmem:s14+$0x20];
	_ =	sdelay $0x4  }
0x23b: {  	v35 =	vmul.f32 v51, v35;
	_ =	sdelay $0x1  }
0x23c: {  	[tilespmem:s21+$0x20] =	vst v35  }
0x23d: {  	v35 =	vld.idx.msk [tilespmem:v50+s20+$0x0], $0xffff  }
0x23e: {  	v52 =	vld [tilespmem:s14+$0x30];
	_ =	sdelay $0x2  }
0x23f: {  	v34 =	vadd.s32 v4, v34;
	_ =	sdelay $0x1  }
0x240: {  	v35 =	vmul.f32 v52, v35;
	_ =	sdelay $0x1  }
0x241: {  	[tilespmem:s21+$0x30] =	vst v35  }
0x242: {  	v35 =	vld.idx.msk [tilespmem:v34+s20+$0x0], $0xffff  }
0x243: {  	v53 =	vld [tilespmem:s14+$0x40];
	_ =	sdelay $0x4  }
0x244: {  	v35 =	vmul.f32 v53, v35;
	_ =	sdelay $0x1  }
0x245: {  	v54 =	vmov s15;
	[tilespmem:s21+$0x40] =	vst v35  }
0x246: {  	v35 =	vmul.u32 $0x68, v54;
	v34 =	vld.idx.msk [tilespmem:v34+s20+$0x0], $0xffff  }
0x247: {  	v55 =	vld [tilespmem:s14+$0x50]  }
0x248: {  	v35 =	vbroadcast v35, $0x0;
	_ =	sdelay $0x1  }
0x249: {  	v56 =	vadd.s32 v2, v35;
	_ =	sdelay $0x1  }
0x24a: {  	v34 =	vmul.f32 v55, v34;
	_ =	sdelay $0x1  }
0x24b: {  	[tilespmem:s21+$0x50] =	vst v34  }
0x24c: {  	v34 =	vld.idx.msk [tilespmem:v56+s20+$0x0], $0xffff  }
0x24d: {  	v57 =	vld [tilespmem:s14+$0x60];
	_ =	sdelay $0x4  }
0x24e: {  	v34 =	vmul.f32 v57, v34;
	_ =	sdelay $0x1  }
0x24f: {  	[tilespmem:s21+$0x68] =	vst v34  }
0x250: {  	v34 =	vld.idx.msk [tilespmem:v56+s20+$0x0], $0xffff  }
0x251: {  	v58 =	vld [tilespmem:s14+$0x70];
	_ =	sdelay $0x2  }
0x252: {  	v59 =	vadd.s32 v3, v35;
	_ =	sdelay $0x1  }
0x253: {  	v34 =	vmul.f32 v58, v34;
	_ =	sdelay $0x1  }
0x254: {  	[tilespmem:s21+$0x78] =	vst v34  }
0x255: {  	v34 =	vld.idx.msk [tilespmem:v59+s20+$0x0], $0xffff  }
0x256: {  	v60 =	vld [tilespmem:s14+$0x80];
	_ =	sdelay $0x4  }
0x257: {  	v34 =	vmul.f32 v60, v34;
	_ =	sdelay $0x1  }
0x258: {  	[tilespmem:s21+$0x88] =	vst v34  }
0x259: {  	v34 =	vld.idx.msk [tilespmem:v59+s20+$0x0], $0xffff  }
0x25a: {  	v61 =	vld [tilespmem:s14+$0x90];
	_ =	sdelay $0x2  }
0x25b: {  	v35 =	vadd.s32 v4, v35;
	_ =	sdelay $0x1  }
0x25c: {  	v34 =	vmul.f32 v61, v34;
	_ =	sdelay $0x1  }
0x25d: {  	[tilespmem:s21+$0x98] =	vst v34  }
0x25e: {  	v34 =	vld.idx.msk [tilespmem:v35+s20+$0x0], $0xffff  }
0x25f: {  	v62 =	vld [tilespmem:s14+$0xA0];
	_ =	sdelay $0x4  }
0x260: {  	v34 =	vmul.f32 v62, v34;
	_ =	sdelay $0x1  }
0x261: {  	[tilespmem:s21+$0xA8] =	vst v34  }
0x262: {  	v34 =	vld.idx.msk [tilespmem:v35+s20+$0x0], $0xffff  }
0x263: {  	v63 =	vld [tilespmem:s14+$0xB0];
	_ =	sdelay $0x4  }
0x264: {  	s7 =	sadd.s32 $0x1, s7;
	v34 =	vmul.f32 v63, v34  }
0x265: {  	p1 =	sne.s32 s7, $0xFA  }
.Ltmp1:
0x266: {  	[tilespmem:s21+$0xB8] =	vst v34;
	(pc) =	sbr.rel @p1 .LBB2_2-.Ltmp1, $4  }
0x267: {  	[spmem:s2] =	stream.indirect.scatter.add.f32 [tilespmem:s20], [sflag:$0x3], $0x68, s24, s28, $0xb8;
	[tilespmem:$0x169E8] =	vst v63  }
0x268: {  	_ =	swait.ge [sflag:s17], $0x2080  }
0x269: {  	[sflag:s17] =	ssyncset.done $0x0  }
0x26a: {  	[sflag:s17] =	ssyncadd.s32 $0xFFFFDF80  }
0x26b: {  	[bflag:$0x0] =	sbarrier.arrive $0xFFFF  }
0x26c: {  	s7 =	rddreg [dreg:$0x9]  }
0x26d: {  	[hbm:s7], [sflag:s18] =	dma.local [spmem:s19], $0x1FBD  }
0x26e: {  	_ =	swait.ge [sflag:s17], $0x1FBD  }
0x26f: {  	s16 =	sadd.s32 $0x1, s16;
	s22 =	rddreg [dreg:$0xa]  }
0x270: {  	p1 =	sne.s32 s16, s22  }
.Ltmp2:
0x271: {  	_ = 	snop;
	(pc) =	sbr.rel @p1 .LBB2_1-.Ltmp2, $3  }
0x272: {  	_ =	sdelay $0x1  }
0x273: {  	[sflag:s17] =	ssyncset.done $0x0  }
0x274: {  	[sflag:s17] =	ssyncadd.s32 $0xFFFFE043  }
0x275: {  	_ =	sfence.sel $0x180000  }
0x276: {  	[bflag:$0x0] =	sbarrier.arrive $0xFFFF  }
0x277: {  	_ =	strace $0x90000047  }
0x278: {  	[bflag:$0x2] =	sbarrier.arrive $0xFFFF  }
0x279: {  	s0 =	rddreg [dreg:$0x5]  }
0x27a: {  	s0 =	sadd.s32 @!p0 $0x100000, s0  }
0x27b: {  	[sflag:s0] =	ssyncadd.tile.s32 @!p0 $0x1;
	_ =	shalt  }
.Lfunc_end2:
_tile_overlayer_lowered:
.L_overlay_start_2:
0x27c: {  	(tag) =	ssettag $0x2  }
0x27d: {  	s0 =	rddreg [dreg:$0x0];
	s2 =	stileid.u32  }
0x27e: {  	s1 =	rddreg [dreg:$0x1];
	p0 =	sne.s32 s2, $0x0  }
0x27f: {  	s3 =	rddreg [dreg:$0x2];
	[bflag:$0x3] =	sbarrier.arrive $0xFFFF;
	s2 =	simm.s32 @!p0 $0x1C03  }
0x280: {  	[timem:s3], [sflag:s2] =	dma.local @!p0 [hbm:s0], s1  }
0x281: {  	s0 =	simm.s32 @!p0 $0x3  }
0x282: {  	_ =	swait.ge @!p0 [sflag:s0], s1  }
0x283: {  	s1 =	ssub.s32 @!p0 $0x0, s1;
	[sflag:s0] =	ssyncset.done @!p0 $0x0  }
0x284: {  	[sflag:s0] =	ssyncadd.s32 @!p0 s1  }
0x285: {  	[bflag:$0x3] =	sbarrier.arrive $0xFFFF  }
0x286: {  	_ =	shalt  }

</sc_bundles>
